<compile_context>
chip_gen: v7x
topology: tpu7x:2x2x1
jax: 0.10.2.dev20260603
libtpu: 0.0.44.dev20260713+nightly
codegen_flags: <defaults>
</compile_context>

<pallas_src>
import functools

import numpy as np
import jax
import jax.numpy as jnp
from jax import lax
from jax.experimental import pallas as pl
from jax.experimental.pallas import tpu as pltpu
from jax.experimental.pallas import tpu_sc as plsc

_B, _C, _H, _W = 8, 96, 224, 224
_GS = 8
_NG = 27
_P = _NG * _NG
_NEG = 256
_PIX = _H * _W
_ROWW = 128
_PPAD = 768
_GROUPS = _B * _P
_GTILE = _GROUPS // _NG
_NPAIR = _GROUPS * _NEG
_NW = 32
_SB = 8
_GPAD = 5840
_CHUNK = 128
_TP = 3584
_RGBC = float(0.2 / np.sqrt(3.0))
_EPS = 1e-8


@functools.lru_cache(maxsize=1)
def _host_constants():
    rng = np.random.RandomState(0)
    starts = []
    qidx = np.empty((_B, _P, _NEG), np.int32)
    eucw = np.empty((_B, _P, _NEG), np.float32)
    max_euc = np.sqrt(float((_H - 1) ** 2 + (_W - 1) ** 2))
    base = np.arange(0, _H - _GS, _GS)
    for b in range(_B):
        si = int(rng.choice(_GS, 1)[0])
        sj = int(rng.choice(_GS, 1)[0])
        starts.append((si, sj))
        ic, jc = np.meshgrid(base, base, indexing="ij")
        ic = ic + si
        jc = jc + sj
        neg_i = rng.randint(0, _H, size=(_P, _NEG))
        neg_j = rng.randint(0, _W, size=(_P, _NEG))
        qidx[b] = (b * _PIX + neg_i * _W + neg_j).astype(np.int32)
        coords = np.stack([ic.reshape(_P), jc.reshape(_P)], 0).astype(np.float32)
        negs = np.stack([neg_i, neg_j], 0).astype(np.float32)
        euc = np.linalg.norm(coords[:, :, None] - negs, axis=0) / max_euc
        eucw[b] = (euc * 0.8).astype(np.float32)
    qidx = qidx.reshape(_GROUPS * 2, _CHUNK)
    qidx = np.concatenate(
        [qidx, np.zeros(((_GPAD - _GROUPS) * 2, _CHUNK), np.int32)], 0)
    eucw2 = np.zeros((_GPAD * _NEG,), np.float32)
    eucw2[:_GROUPS * _NEG] = eucw.reshape(-1)
    sel = np.zeros((7, 128, 128), np.float32)
    for gblk in range(8):
        s = 16 * gblk
        sel[0, s:s + 16, s:s + 16] = 1.0
        sel[1, s + 0, s:s + 16] = 1.0
        sel[2, s + 4, s:s + 16] = 1.0
        sel[3, s + 5, s:s + 16] = 1.0
        sel[4, s + 1, s:s + 16] = 1.0
        sel[4, s + 6, s:s + 16] = -1.0
        sel[5, s + 2, s:s + 16] = 1.0
        sel[5, s + 7, s:s + 16] = -1.0
        sel[6, s + 3, s:s + 16] = 1.0
        sel[6, s + 8, s:s + 16] = -1.0
    return starts, qidx, eucw2, sel



def _prep_table_body(v2_ref, img_ref, out_ref):
    x = v2_ref[0]
    out_ref[0, :, 0:_C] = x.T
    nrm = jnp.sqrt(jnp.sum(x * x, axis=0))
    out_ref[0, :, _C:_C + 1] = nrm[:, None]
    out_ref[0, :, _C + 1:_C + 4] = img_ref[...].T
    out_ref[0, :, _C + 4:_ROWW] = jnp.zeros((_TP, _ROWW - _C - 4), jnp.float32)


def _prep_table(v2, img0):
    out = pl.pallas_call(
        _prep_table_body,
        grid=(_B, _PIX // _TP),
        in_specs=[
            pl.BlockSpec((1, _C, _TP), lambda b, t: (b, 0, t)),
            pl.BlockSpec((3, _TP), lambda b, t: (0, t)),
        ],
        out_specs=pl.BlockSpec((1, _TP, _ROWW), lambda b, t: (b, t, 0)),
        out_shape=jax.ShapeDtypeStruct((_B, _PIX, _ROWW), jnp.float32),
    )(v2, img0)
    return out.reshape(_B * _PIX, _ROWW)


def _prep_z1_body(z_ref, rgb_ref, out_ref, nsq_ref):
    for b in range(_B):
        x = z_ref[b]
        out_ref[b, :, 0:_C] = x.T
        nsq = jnp.sum(x * x, axis=0)
        out_ref[b, :, _C:_C + 1] = jnp.sqrt(nsq)[:, None]
        out_ref[b, :, _C + 1:_C + 4] = rgb_ref[b].T
        out_ref[b, :, _C + 4:_ROWW] = jnp.zeros((_PPAD, _ROWW - _C - 4), jnp.float32)
        nsq_ref[b:b + 1, :] = nsq[None, :]


def _prep_z1(z1g, rgbg):
    return pl.pallas_call(
        _prep_z1_body,
        out_shape=(
            jax.ShapeDtypeStruct((_B, _PPAD, _ROWW), jnp.float32),
            jax.ShapeDtypeStruct((_B, _PPAD), jnp.float32),
        ),
    )(z1g, rgbg)



def _sc_main(table, z1flat, qidx, eucw):
    sbtot = _GROUPS // _SB
    sbbase = sbtot // _NW
    sbrem = sbtot % _NW
    mesh = plsc.VectorSubcoreMesh(core_axis_name="c", subcore_axis_name="s")

    @functools.partial(
        pl.kernel,
        mesh=mesh,
        out_type=(
            jax.ShapeDtypeStruct((_NPAIR * 16,), jnp.float32),
            jax.ShapeDtypeStruct((_NPAIR * 16,), jnp.float32),
        ),
        scratch_types=[
            pltpu.VMEM((2 * _SB, _CHUNK), jnp.int32),
            pltpu.VMEM((_CHUNK, _ROWW), jnp.float32),
            pltpu.VMEM((_CHUNK, _ROWW), jnp.float32),
            pltpu.VMEM((_SB * _ROWW,), jnp.float32),
            pltpu.VMEM((_SB * _NEG,), jnp.float32),
            pltpu.VMEM((_CHUNK * 16,), jnp.float32),
            pltpu.VMEM((_CHUNK * 16,), jnp.float32),
            pltpu.VMEM((_CHUNK * 16,), jnp.float32),
            pltpu.VMEM((_CHUNK * 16,), jnp.float32),
            pltpu.SemaphoreType.DMA,
            pltpu.SemaphoreType.DMA,
            pltpu.SemaphoreType.DMA,
            pltpu.SemaphoreType.DMA,
        ],
    )
    def k(table_hbm, z1_hbm, qidx_hbm, eucw_hbm, psum_hbm, head_hbm,
          idx_v, rows0_v, rows1_v, z1_v, ew_v, ps0_v, ps1_v, hd0_v, hd1_v,
          sem0, sem1, osem0, osem1):
        wid = lax.axis_index("s") * 2 + lax.axis_index("c")
        sb0 = wid * sbbase + jnp.minimum(wid, sbrem)
        nsb = sbbase + jnp.where(wid < sbrem, 1, 0)
        lane = lax.iota(jnp.int32, 16)

        def compute_chunk(rows_v, ps_v, hd_v, osem, first, pbase, zc, zpart,
                          ewbase):
            dst_p = psum_hbm.at[pl.ds(pbase * 16, _CHUNK * 16)]
            dst_h = head_hbm.at[pl.ds(pbase * 16, _CHUNK * 16)]

            @pl.when(jnp.logical_not(first))
            def _():
                pltpu.make_async_copy(ps_v, dst_p, osem).wait()
                pltpu.make_async_copy(hd_v, dst_h, osem).wait()

            def pair_body(blk, carry2):
                evec = ew_v[pl.ds(ewbase + blk * 16, 16)]
                for u in range(16):
                    j = blk * 16 + u
                    m = [rows_v[j, pl.ds(cc * 16, 16)] * zc[cc]
                         for cc in range(_C // 16)]
                    acc = ((m[0] + m[1]) + (m[2] + m[3])) + (m[4] + m[5])
                    ps_v[pl.ds(j * 16, 16)] = acc
                    head = rows_v[j, pl.ds(_C, 16)]
                    hd_v[pl.ds(j * 16, 16)] = (
                        head + zpart + jnp.where(lane == 4, evec[u], 0.0))
                return carry2

            lax.fori_loop(0, _CHUNK // 16, pair_body, 0)
            pltpu.async_copy(ps_v, dst_p, osem)
            pltpu.async_copy(hd_v, dst_h, osem)

        def sb_body(sb, carry):
            gbase = (sb0 + sb) * _SB
            pltpu.sync_copy(qidx_hbm.at[pl.ds(gbase * 2, 2 * _SB)], idx_v)
            pltpu.sync_copy(z1_hbm.at[pl.ds(gbase * _ROWW, _SB * _ROWW)], z1_v)
            pltpu.sync_copy(eucw_hbm.at[pl.ds(gbase * _NEG, _SB * _NEG)], ew_v)
            pltpu.async_copy(table_hbm.at[idx_v.at[0]], rows0_v, sem0)

            def g_body(s, carry2):
                g = gbase + s
                first = jnp.logical_and(sb == 0, s == 0)
                zoff = s * _ROWW
                zc = [z1_v[pl.ds(zoff + cc * 16, 16)] for cc in range(_C // 16)]
                zhead = z1_v[pl.ds(zoff + _C, 16)]
                zpart = jnp.zeros((16,), jnp.float32)
                for kk in range(4):
                    bc = jnp.take(zhead, jnp.full((16,), kk, jnp.int32))
                    zpart = zpart + jnp.where(lane == 5 + kk, bc, 0.0)
                pltpu.async_copy(table_hbm.at[idx_v.at[2 * s + 1]], rows1_v, sem1)
                pltpu.make_async_copy(
                    table_hbm.at[idx_v.at[0]], rows0_v, sem0).wait()
                compute_chunk(rows0_v, ps0_v, hd0_v, osem0, first,
                              g * _NEG, zc, zpart, s * _NEG)

                @pl.when(s + 1 < _SB)
                def _():
                    pltpu.async_copy(
                        table_hbm.at[idx_v.at[2 * s + 2]], rows0_v, sem0)

                pltpu.make_async_copy(
                    table_hbm.at[idx_v.at[0]], rows1_v, sem1).wait()
                compute_chunk(rows1_v, ps1_v, hd1_v, osem1, first,
                              g * _NEG + _CHUNK, zc, zpart, s * _NEG + _CHUNK)
                return carry2

            lax.fori_loop(0, _SB, g_body, 0)
            return carry

        lax.fori_loop(0, nsb, sb_body, 0)
        pltpu.make_async_copy(ps0_v, psum_hbm.at[pl.ds(0, _CHUNK * 16)], osem0).wait()
        pltpu.make_async_copy(hd0_v, head_hbm.at[pl.ds(0, _CHUNK * 16)], osem0).wait()
        pltpu.make_async_copy(ps1_v, psum_hbm.at[pl.ds(0, _CHUNK * 16)], osem1).wait()
        pltpu.make_async_copy(hd1_v, head_hbm.at[pl.ds(0, _CHUNK * 16)], osem1).wait()

    return k(table, z1flat, qidx, eucw)



_ROWS2 = _NG * _NEG * 16 // 128


def _stage2_body(ps_ref, hd_ref, sel_ref, out_ref):
    b = pl.program_id(0)
    t = pl.program_id(1)
    dn = (((1,), (0,)), ((), ()))
    X = ps_ref[0]
    H = hd_ref[0]

    def mm(A, k):
        return lax.dot_general(A, sel_ref[k], dn,
                               preferred_element_type=jnp.float32)

    dot = mm(X, 0)
    n2 = mm(H, 1)
    ew = mm(H, 2)
    n1 = mm(H, 3)
    dr = mm(H, 4)
    dg = mm(H, 5)
    db = mm(H, 6)
    rgbsq = dr * dr + dg * dg + db * db
    w = ew + _RGBC * jnp.sqrt(rgbsq)
    denom = jnp.maximum(n1 * n2, _EPS)
    val = jnp.minimum(jnp.abs(dot * w / denom), 1.0)
    part = jnp.sum(val.reshape(_NG, _ROWS2 // _NG, 128), axis=0)

    @pl.when(jnp.logical_and(b == 0, t == 0))
    def _():
        out_ref[...] = jnp.zeros_like(out_ref)

    out_ref[pl.ds(b, 1)] += part[None]


def _stage2(psums, heads, sel):
    return pl.pallas_call(
        _stage2_body,
        grid=(_B, _NG),
        in_specs=[
            pl.BlockSpec((1, _ROWS2, 128), lambda b, t: (b * _NG + t, 0, 0)),
            pl.BlockSpec((1, _ROWS2, 128), lambda b, t: (b * _NG + t, 0, 0)),
            pl.BlockSpec((7, 128, 128), lambda b, t: (0, 0, 0)),
        ],
        out_specs=pl.BlockSpec((_B, _ROWS2 // _NG, 128), lambda b, t: (0, 0, 0)),
        out_shape=jax.ShapeDtypeStruct((_B, _ROWS2 // _NG, 128), jnp.float32),
    )(psums, heads, sel)



def _final_body(s_ref, nsq_ref, out_ref):
    s4 = s_ref[...].reshape(_B, 32, 8, 16)
    lane0 = (lax.broadcasted_iota(jnp.int32, (16,), 0) == 0).astype(jnp.float32)
    S = lax.dot_general(s4, lane0, (((3,), (0,)), ((), ()))).reshape(_B, _NEG)
    sneg = S * (1.0 / (_P * 2.0))
    nsq = nsq_ref[...]
    s0 = jnp.minimum(jnp.abs(nsq / jnp.maximum(nsq, _EPS)), 1.0)
    sim0 = jnp.sum(s0, axis=1) * (1.0 / _P)
    logp = jnp.clip(jnp.log(sim0), -100.0, None)
    log1m = jnp.clip(jnp.log(1.0 - sneg), -100.0, None)
    loss_b = -(logp + jnp.sum(log1m, axis=1)) * (1.0 / (_NEG + 1))
    loss = jnp.mean(loss_b)
    out2 = jnp.mean(sim0)
    out3 = jnp.sum(sneg) * (2.0 / (_NEG * _B))
    lane = lax.broadcasted_iota(jnp.int32, (1, 128), 1)
    out_ref[...] = (jnp.where(lane == 0, loss, 0.0)
                    + jnp.where(lane == 1, out2, 0.0)
                    + jnp.where(lane == 2, out3, 0.0))


def _final(S, nsq):
    return pl.pallas_call(
        _final_body,
        out_shape=jax.ShapeDtypeStruct((1, 128), jnp.float32),
    )(S, nsq)



def kernel(views_1, views_2, img):
    starts, qidx_np, eucw_np, sel_np = _host_constants()
    qidx = jnp.asarray(qidx_np)
    eucw = jnp.asarray(eucw_np)
    sel = jnp.asarray(sel_np)

    v2 = views_2.reshape(_B, _C, _PIX)
    img0 = img[0].reshape(3, _PIX)
    table = _prep_table(v2, img0)

    z1list, rgblist = [], []
    for b, (si, sj) in enumerate(starts):
        z1list.append(
            lax.slice(views_1, (b, 0, si, sj), (b + 1, _C, si + 209, sj + 209),
                      (1, 1, _GS, _GS)).reshape(_C, _P))
        rgblist.append(
            lax.slice(img, (0, 0, si, sj), (1, 3, si + 209, sj + 209),
                      (1, 1, _GS, _GS)).reshape(3, _P))
    z1g = jnp.pad(jnp.stack(z1list), ((0, 0), (0, 0), (0, _PPAD - _P)))
    rgbg = jnp.pad(jnp.stack(rgblist), ((0, 0), (0, 0), (0, _PPAD - _P)))
    z1tab, nsq = _prep_z1(z1g, rgbg)

    z1c = z1tab[:, :_P, :].reshape(_GROUPS, _ROWW)
    z1c = jnp.pad(z1c, ((0, _GPAD - _GROUPS), (0, 0)))
    psums, heads = _sc_main(table, z1c.reshape(-1), qidx, eucw)

    S = _stage2(psums.reshape(_GTILE, _ROWS2, 128),
                heads.reshape(_GTILE, _ROWS2, 128), sel)
    out = _final(S, nsq)
    return out[0, 0], out[0, 1], out[0, 2]

# --- scband reference (transcript-rebuilt; emitter-appended) ---
"""Pipeline reference for scband-contrastive-loss-52321291600468 (READ-ONLY COPY).

The authoritative reference and input builder live on the scoring server;
editing this copy changes nothing except your own understanding.
"""

import jax, jax.numpy as jnp
import numpy as np


def setup_inputs(seed: int = 0) -> dict:
    key = jax.random.key(seed)
    k1, k2, k3 = jax.random.split(key, 3)
    views_1 = jax.random.normal(k1, (8, 96, 224, 224), dtype=jnp.float32)
    views_2 = jax.random.normal(k2, (8, 96, 224, 224), dtype=jnp.float32)
    img = jax.random.uniform(k3, (8, 3, 224, 224), dtype=jnp.float32)
    return {"views_1": views_1, "views_2": views_2, "img": img}


def _bce(pred, target):
    # torch.nn.BCELoss with mean reduction; torch clamps log terms at -100
    logp = jnp.clip(jnp.log(pred), -100.0, None)
    log1mp = jnp.clip(jnp.log(1.0 - pred), -100.0, None)
    return -jnp.mean(target * logp + (1.0 - target) * log1mp)


def reference(views_1, views_2, img):
    temperature = 2.0
    factor = 0.8
    neg_examples = 256
    grid_size = 25
    eps = 1e-8
    rng = np.random.RandomState(0)
    B, c, h, w = views_1.shape
    max_euc_dist = np.sqrt(float((h - 1) ** 2 + (w - 1) ** 2))
    max_rgb_dist = np.sqrt(3.0)
    gridstep = int(h / grid_size)
    loss = 0.0
    sim_all = jnp.zeros(neg_examples + 1, dtype=jnp.float32)
    for i in range(B):
        start_i = int(rng.choice(gridstep, 1)[0])
        start_j = int(rng.choice(gridstep, 1)[0])
        ic, jc = np.meshgrid(np.arange(0, h - gridstep, gridstep), np.arange(0, w - gridstep, gridstep), indexing='ij')
        ic = ic + start_i
        jc = jc + start_j
        hm, wm = ic.shape
        P = hm * wm
        # anchor patches from view1
        z1_mini = views_1[i][:, ic, jc]              # [c, hm, wm]
        z1_vec = z1_mini.reshape(c, P)[:, :, None]   # [c, P, 1]
        # random negative coordinates
        neg_i = rng.randint(0, h, size=(P, neg_examples))
        neg_j = rng.randint(0, w, size=(P, neg_examples))
        patch_neg = views_2[i][:, neg_i, neg_j]      # [c, P, neg]
        # spatial distance weight
        coords = np.stack([ic.reshape(P), jc.reshape(P)], axis=0).astype(np.float32)   # [2, P]
        negs = np.stack([neg_i, neg_j], axis=0).astype(np.float32)                     # [2, P, neg]
        euc_dist = jnp.asarray(np.linalg.norm(coords[:, :, None] - negs, axis=0) / max_euc_dist)
        # rgb distance weight (uses img[0] as in original code)
        pos_rgb = img[0][:, ic.reshape(P), jc.reshape(P)][:, :, None]                  # [3, P, 1]
        neg_rgb = img[0][:, neg_i, neg_j]                                              # [3, P, neg]
        rgb_dist = jnp.linalg.norm(pos_rgb - neg_rgb, axis=0) / max_rgb_dist
        weight = euc_dist * factor + rgb_dist * (1.0 - factor)                         # [P, neg]
        # cosine similarity along channel dim between anchor and [anchor | negatives]
        patch_stack = jnp.broadcast_to(z1_vec, (c, P, neg_examples + 1))
        neg_patch_stack = jnp.concatenate([z1_vec, patch_neg], axis=2)                 # [c, P, neg+1]
        dot = jnp.sum(patch_stack * neg_patch_stack, axis=0)
        n1 = jnp.linalg.norm(patch_stack, axis=0)
        n2 = jnp.linalg.norm(neg_patch_stack, axis=0)
        sim = dot / jnp.maximum(n1 * n2, eps)                                          # [P, neg+1]
        sim = sim.at[:, 1:].multiply(weight)
        sim = jnp.abs(sim)
        sim = jnp.where(sim >= 1.0, 1.0, sim)
        sim = jnp.sum(sim, axis=0) / P                                                 # [neg+1]
        sim = sim.at[1:].divide(temperature)
        sim_all = sim_all + sim
        target = jnp.zeros_like(sim).at[0].set(1.0)
        loss = loss + _bce(sim, target)
    return (loss / B, sim_all[0] / B, jnp.sum(sim_all[1:]) / neg_examples * temperature / B)

if __name__ == "__main__":
    import jax
    _d = setup_inputs()
    print(jax.jit(kernel)(*tuple(_d.values())))

</pallas_src>

<mosaic_0001>
#map = affine_map<(d0, d1) -> (0, 0)>
#map1 = affine_map<(d0, d1) -> (0)>
module attributes {stable_mosaic.version = 14 : i64} {
  func.func @k(%arg0: i32, %arg1: i32, %arg2: memref<401408x128xf32, #tpu.memory_space<hbm>>, %arg3: memref<747520xf32, #tpu.memory_space<hbm>>, %arg4: memref<11680x128xi32, #tpu.memory_space<hbm>>, %arg5: memref<1495040xf32, #tpu.memory_space<hbm>>, %arg6: memref<23887872xf32, #tpu.memory_space<hbm>>, %arg7: memref<23887872xf32, #tpu.memory_space<hbm>>, %arg8: memref<16x128xi32, #tpu.memory_space<vmem>>, %arg9: memref<128x128xf32, #tpu.memory_space<vmem>>, %arg10: memref<128x128xf32, #tpu.memory_space<vmem>>, %arg11: memref<1024xf32, #tpu.memory_space<vmem>>, %arg12: memref<2048xf32, #tpu.memory_space<vmem>>, %arg13: memref<2048xf32, #tpu.memory_space<vmem>>, %arg14: memref<2048xf32, #tpu.memory_space<vmem>>, %arg15: memref<2048xf32, #tpu.memory_space<vmem>>, %arg16: memref<2048xf32, #tpu.memory_space<vmem>>, %arg17: memref<!tpu.dma_semaphore, #tpu.memory_space<semaphore_mem>>, %arg18: memref<!tpu.dma_semaphore, #tpu.memory_space<semaphore_mem>>, %arg19: memref<!tpu.dma_semaphore, #tpu.memory_space<semaphore_mem>>, %arg20: memref<!tpu.dma_semaphore, #tpu.memory_space<semaphore_mem>>) attributes {dimension_semantics = [#tpu.dimension_semantics<core_parallel>, #tpu.dimension_semantics<subcore_parallel>], iteration_bounds = array<i64: 2, 16>, scalar_prefetch = 0 : i64, scratch_operands = 13 : i64, tpu.core_type = #tpu.core_type<sc_vector_subcore>, window_params = [{transform_indices = #map}, {transform_indices = #map1}, {transform_indices = #map}, {transform_indices = #map1}, {transform_indices = #map1}, {transform_indices = #map1}]} {
    %mul3A = arith.constant 2 : i32
    %mul3A_0 = arith.muli %arg1, %mul3A : i32
    %add3A = arith.addi %mul3A_0, %arg0 : i32
    %mul3A_1 = arith.constant 22 : i32
    %mul3A_2 = arith.muli %add3A, %mul3A_1 : i32
    %min3A = arith.constant 25 : i32
    %min3A_3 = arith.minsi %add3A, %min3A : i32
    %add3A_4 = arith.addi %mul3A_2, %min3A_3 : i32
    %lt3A = arith.constant 25 : i32
    %lt3A_5 = arith.cmpi slt, %add3A, %lt3A : i32
    %jit3A = arith.constant 1 : i32
    %jit3A_6 = arith.constant 0 : i32
    %select_n3A = arith.select %lt3A_5, %jit3A, %jit3A_6 : i32
    %add3A_7 = arith.constant 22 : i32
    %add3A_8 = arith.addi %add3A_7, %select_n3A : i32
    %iota3A = tpu.iota {dimensions = array<i32: 0>} : vector<16xi32>
    %while3A = arith.constant 0 : i32
    %while3A_9 = arith.constant 0 : i32
    %while3A_10 = arith.subi %add3A_8, %while3A_9 : i32
    %while3A_11 = arith.addi %while3A_9, %while3A_10 : i32
    %while3A_12 = arith.constant 1 : i32
    %while3A_13 = arith.divsi %while3A_10, %while3A_12 : i32
    %while3A_14 = arith.muli %while3A_13, %while3A_12 : i32
    %while3A_15 = arith.addi %while3A_9, %while3A_14 : i32
    %while3A_16 = arith.constant 1 : i32
    scf.for %while3A_33 = %while3A_9 to %while3A_15 step %while3A_16  : i32 {
      %add3A_34 = arith.addi %add3A_4, %while3A_33 : i32
      %mul3A_35 = arith.constant 8 : i32
      %mul3A_36 = arith.muli %add3A_34, %mul3A_35 : i32
      %mul3A_37 = arith.constant 2 : i32
      %mul3A_38 = arith.muli %mul3A_36, %mul3A_37 : i32
      "tpu.region"() ({
        %run_scoped3A = tpu.sem_alloc : memref<!tpu.dma_semaphore, #tpu.memory_space<semaphore_mem>>
        %dma_start3A_54 = arith.constant 0 : i32
        %dma_start3A_55 = tpu.memref_slice %arg4[%mul3A_38, %dma_start3A_54] : memref<11680x128xi32, #tpu.memory_space<hbm>> -> memref<16x128xi32, #tpu.memory_space<hbm>>
        %dma_start3A_56 = arith.constant 0 : i32
        %dma_start3A_57 = tpu.memref_slice %arg4[%mul3A_38, %dma_start3A_56] : memref<11680x128xi32, #tpu.memory_space<hbm>> -> memref<16x128xi32, #tpu.memory_space<hbm>>
        tpu.enqueue_dma source(%dma_start3A_57 : memref<16x128xi32, #tpu.memory_space<hbm>>) target(%arg8 : memref<16x128xi32, #tpu.memory_space<vmem>>) target_semaphore(%run_scoped3A : memref<!tpu.dma_semaphore, #tpu.memory_space<semaphore_mem>>)
        %dma_wait3A_58 = arith.constant 0 : i32
        %dma_wait3A_59 = tpu.memref_slice %arg4[%mul3A_38, %dma_wait3A_58] : memref<11680x128xi32, #tpu.memory_space<hbm>> -> memref<16x128xi32, #tpu.memory_space<hbm>>
        %dma_wait3A_60 = arith.constant 0 : i32
        %dma_wait3A_61 = tpu.memref_slice %arg4[%mul3A_38, %dma_wait3A_60] : memref<11680x128xi32, #tpu.memory_space<hbm>> -> memref<16x128xi32, #tpu.memory_space<hbm>>
        tpu.wait_dma2 semaphore(%run_scoped3A : memref<!tpu.dma_semaphore, #tpu.memory_space<semaphore_mem>>) src(%dma_wait3A_61 : memref<16x128xi32, #tpu.memory_space<hbm>>) dst(%arg8 : memref<16x128xi32, #tpu.memory_space<vmem>>)
        tpu.yield
      }) : () -> ()
      %mul3A_39 = arith.constant 128 : i32
      %mul3A_40 = arith.muli %mul3A_36, %mul3A_39 : i32
      "tpu.region"() ({
        %run_scoped3A = tpu.sem_alloc : memref<!tpu.dma_semaphore, #tpu.memory_space<semaphore_mem>>
        %dma_start3A_54 = tpu.memref_slice %arg3[%mul3A_40] : memref<747520xf32, #tpu.memory_space<hbm>> -> memref<1024xf32, #tpu.memory_space<hbm>>
        %dma_start3A_55 = tpu.memref_slice %arg3[%mul3A_40] : memref<747520xf32, #tpu.memory_space<hbm>> -> memref<1024xf32, #tpu.memory_space<hbm>>
        tpu.enqueue_dma source(%dma_start3A_55 : memref<1024xf32, #tpu.memory_space<hbm>>) target(%arg11 : memref<1024xf32, #tpu.memory_space<vmem>>) target_semaphore(%run_scoped3A : memref<!tpu.dma_semaphore, #tpu.memory_space<semaphore_mem>>)
        %dma_wait3A_56 = tpu.memref_slice %arg3[%mul3A_40] : memref<747520xf32, #tpu.memory_space<hbm>> -> memref<1024xf32, #tpu.memory_space<hbm>>
        %dma_wait3A_57 = tpu.memref_slice %arg3[%mul3A_40] : memref<747520xf32, #tpu.memory_space<hbm>> -> memref<1024xf32, #tpu.memory_space<hbm>>
        tpu.wait_dma2 semaphore(%run_scoped3A : memref<!tpu.dma_semaphore, #tpu.memory_space<semaphore_mem>>) src(%dma_wait3A_57 : memref<1024xf32, #tpu.memory_space<hbm>>) dst(%arg11 : memref<1024xf32, #tpu.memory_space<vmem>>)
        tpu.yield
      }) : () -> ()
      %mul3A_41 = arith.constant 256 : i32
      %mul3A_42 = arith.muli %mul3A_36, %mul3A_41 : i32
      "tpu.region"() ({
        %run_scoped3A = tpu.sem_alloc : memref<!tpu.dma_semaphore, #tpu.memory_space<semaphore_mem>>
        %dma_start3A_54 = tpu.memref_slice %arg5[%mul3A_42] : memref<1495040xf32, #tpu.memory_space<hbm>> -> memref<2048xf32, #tpu.memory_space<hbm>>
        %dma_start3A_55 = tpu.memref_slice %arg5[%mul3A_42] : memref<1495040xf32, #tpu.memory_space<hbm>> -> memref<2048xf32, #tpu.memory_space<hbm>>
        tpu.enqueue_dma source(%dma_start3A_55 : memref<2048xf32, #tpu.memory_space<hbm>>) target(%arg12 : memref<2048xf32, #tpu.memory_space<vmem>>) target_semaphore(%run_scoped3A : memref<!tpu.dma_semaphore, #tpu.memory_space<semaphore_mem>>)
        %dma_wait3A_56 = tpu.memref_slice %arg5[%mul3A_42] : memref<1495040xf32, #tpu.memory_space<hbm>> -> memref<2048xf32, #tpu.memory_space<hbm>>
        %dma_wait3A_57 = tpu.memref_slice %arg5[%mul3A_42] : memref<1495040xf32, #tpu.memory_space<hbm>> -> memref<2048xf32, #tpu.memory_space<hbm>>
        tpu.wait_dma2 semaphore(%run_scoped3A : memref<!tpu.dma_semaphore, #tpu.memory_space<semaphore_mem>>) src(%dma_wait3A_57 : memref<2048xf32, #tpu.memory_space<hbm>>) dst(%arg12 : memref<2048xf32, #tpu.memory_space<vmem>>)
        tpu.yield
      }) : () -> ()
      %dma_start3A = arith.constant 0 : i32
      %dma_start3A_43 = arith.constant 0 : i32
      %dma_start3A_44 = tpu.memref_slice %arg8[%dma_start3A, %dma_start3A_43] : memref<16x128xi32, #tpu.memory_space<vmem>> -> memref<1x128xi32, #tpu.memory_space<vmem>>
      %dma_start3A_45 = tpu.memref_squeeze %dma_start3A_44 : memref<1x128xi32, #tpu.memory_space<vmem>> -> memref<128xi32, #tpu.memory_space<vmem>>
      %dma_start3A_46 = arith.constant 0 : i32
      %dma_start3A_47 = arith.constant 0 : i32
      %dma_start3A_48 = tpu.memref_slice %arg2[%dma_start3A_46, %dma_start3A_47] : memref<401408x128xf32, #tpu.memory_space<hbm>> -> memref<401408x128xf32, #tpu.memory_space<hbm>>
      tpu.enqueue_indirect_dma source(%dma_start3A_48 : memref<401408x128xf32, #tpu.memory_space<hbm>>) target(%arg9 : memref<128x128xf32, #tpu.memory_space<vmem>>) offsets(%dma_start3A_45 : memref<128xi32, #tpu.memory_space<vmem>>) semaphore(%arg17 : memref<!tpu.dma_semaphore, #tpu.memory_space<semaphore_mem>>)
      %scan3A = arith.constant 0 : i32
      %scan3A_49 = arith.constant 0 : i32
      %scan3A_50 = arith.constant 8 : i32
      %scan3A_51 = arith.addi %scan3A_49, %scan3A_50 : i32
      %scan3A_52 = arith.constant 1 : i32
      scf.for %scan3A_54 = %scan3A_49 to %scan3A_51 step %scan3A_52  : i32 {
        %add3A_55 = arith.addi %mul3A_36, %scan3A_54 : i32
        %eq3A = arith.constant 0 : i32
        %eq3A_56 = arith.cmpi eq, %while3A_33, %eq3A : i32
        %eq3A_57 = arith.constant 0 : i32
        %eq3A_58 = arith.cmpi eq, %scan3A_54, %eq3A_57 : i32
        %and3A = arith.andi %eq3A_56, %eq3A_58 : i1
        %mul3A_59 = arith.constant 128 : i32
        %mul3A_60 = arith.muli %scan3A_54, %mul3A_59 : i32
        %add3A_61 = arith.constant 0 : i32
        %add3A_62 = arith.addi %mul3A_60, %add3A_61 : i32
        %get3A = arith.index_cast %add3A_62 : i32 to index
        %get3A_63 = tpu.vector_load %arg11[%get3A] {strides = array<i32>} : memref<1024xf32, #tpu.memory_space<vmem>>, vector<16xf32>,
        %get3A_64 = vector.shape_cast %get3A_63 : vector<16xf32> to vector<16xf32>
        %add3A_65 = arith.constant 16 : i32
        %add3A_66 = arith.addi %mul3A_60, %add3A_65 : i32
        %get3A_67 = arith.index_cast %add3A_66 : i32 to index
        %get3A_68 = tpu.vector_load %arg11[%get3A_67] {strides = array<i32>} : memref<1024xf32, #tpu.memory_space<vmem>>, vector<16xf32>,
        %get3A_69 = vector.shape_cast %get3A_68 : vector<16xf32> to vector<16xf32>
        %add3A_70 = arith.constant 32 : i32
        %add3A_71 = arith.addi %mul3A_60, %add3A_70 : i32
        %get3A_72 = arith.index_cast %add3A_71 : i32 to index
        %get3A_73 = tpu.vector_load %arg11[%get3A_72] {strides = array<i32>} : memref<1024xf32, #tpu.memory_space<vmem>>, vector<16xf32>,
        %get3A_74 = vector.shape_cast %get3A_73 : vector<16xf32> to vector<16xf32>
        %add3A_75 = arith.constant 48 : i32
        %add3A_76 = arith.addi %mul3A_60, %add3A_75 : i32
        %get3A_77 = arith.index_cast %add3A_76 : i32 to index
        %get3A_78 = tpu.vector_load %arg11[%get3A_77] {strides = array<i32>} : memref<1024xf32, #tpu.memory_space<vmem>>, vector<16xf32>,
        %get3A_79 = vector.shape_cast %get3A_78 : vector<16xf32> to vector<16xf32>
        %add3A_80 = arith.constant 64 : i32
        %add3A_81 = arith.addi %mul3A_60, %add3A_80 : i32
        %get3A_82 = arith.index_cast %add3A_81 : i32 to index
        %get3A_83 = tpu.vector_load %arg11[%get3A_82] {strides = array<i32>} : memref<1024xf32, #tpu.memory_space<vmem>>, vector<16xf32>,
        %get3A_84 = vector.shape_cast %get3A_83 : vector<16xf32> to vector<16xf32>
        %add3A_85 = arith.constant 80 : i32
        %add3A_86 = arith.addi %mul3A_60, %add3A_85 : i32
        %get3A_87 = arith.index_cast %add3A_86 : i32 to index
        %get3A_88 = tpu.vector_load %arg11[%get3A_87] {strides = array<i32>} : memref<1024xf32, #tpu.memory_space<vmem>>, vector<16xf32>,
        %get3A_89 = vector.shape_cast %get3A_88 : vector<16xf32> to vector<16xf32>
        %add3A_90 = arith.constant 96 : i32
        %add3A_91 = arith.addi %mul3A_60, %add3A_90 : i32
        %get3A_92 = arith.index_cast %add3A_91 : i32 to index
        %get3A_93 = tpu.vector_load %arg11[%get3A_92] {strides = array<i32>} : memref<1024xf32, #tpu.memory_space<vmem>>, vector<16xf32>,
        %get3A_94 = vector.shape_cast %get3A_93 : vector<16xf32> to vector<16xf32>
        %broadcast_in_dim3A = arith.constant 0.000000e+00 : f32
        %broadcast_in_dim3A_95 = vector.broadcast %broadcast_in_dim3A : f32 to vector<16xf32>
        %broadcast_in_dim3A_96 = arith.constant 0 : i32
        %broadcast_in_dim3A_97 = vector.broadcast %broadcast_in_dim3A_96 : i32 to vector<16xi32>
        %lt3A_98 = arith.constant 0 : i32
        %lt3A_99 = vector.broadcast %lt3A_98 : i32 to vector<16xi32>
        %lt3A_100 = arith.cmpi slt, %broadcast_in_dim3A_97, %lt3A_99 : vector<16xi32>
        %add3A_101 = arith.constant 16 : i32
        %add3A_102 = vector.broadcast %add3A_101 : i32 to vector<16xi32>
        %add3A_103 = arith.addi %broadcast_in_dim3A_97, %add3A_102 : vector<16xi32>
        %select_n3A_104 = arith.select %lt3A_100, %add3A_103, %broadcast_in_dim3A_97 : vector<16xi1>, vector<16xi32>
        %broadcast_in_dim3A_105 = vector.shape_cast %select_n3A_104 : vector<16xi32> to vector<16x1xi32>
        %gather3A = vector.shape_cast %broadcast_in_dim3A_105 : vector<16x1xi32> to vector<16xi32>
        %gather3A_106 = tpu.dynamic_gather %get3A_94[%gather3A] in [0] : vector<16xf32>, vector<16xi32> -> vector<16xf32>
        %eq3A_107 = arith.constant 5 : i32
        %eq3A_108 = vector.broadcast %eq3A_107 : i32 to vector<16xi32>
        %eq3A_109 = arith.cmpi eq, %iota3A, %eq3A_108 : vector<16xi32>
        %jit3A_110 = arith.constant 0.000000e+00 : f32
        %broadcast_in_dim3A_111 = vector.broadcast %jit3A_110 : f32 to vector<16xf32>
        %select_n3A_112 = arith.select %eq3A_109, %gather3A_106, %broadcast_in_dim3A_111 : vector<16xi1>, vector<16xf32>
        %add3A_113 = arith.addf %broadcast_in_dim3A_95, %select_n3A_112 : vector<16xf32>
        %broadcast_in_dim3A_114 = arith.constant 1 : i32
        %broadcast_in_dim3A_115 = vector.broadcast %broadcast_in_dim3A_114 : i32 to vector<16xi32>
        %lt3A_116 = arith.constant 0 : i32
        %lt3A_117 = vector.broadcast %lt3A_116 : i32 to vector<16xi32>
        %lt3A_118 = arith.cmpi slt, %broadcast_in_dim3A_115, %lt3A_117 : vector<16xi32>
        %add3A_119 = arith.constant 16 : i32
        %add3A_120 = vector.broadcast %add3A_119 : i32 to vector<16xi32>
        %add3A_121 = arith.addi %broadcast_in_dim3A_115, %add3A_120 : vector<16xi32>
        %select_n3A_122 = arith.select %lt3A_118, %add3A_121, %broadcast_in_dim3A_115 : vector<16xi1>, vector<16xi32>
        %broadcast_in_dim3A_123 = vector.shape_cast %select_n3A_122 : vector<16xi32> to vector<16x1xi32>
        %gather3A_124 = vector.shape_cast %broadcast_in_dim3A_123 : vector<16x1xi32> to vector<16xi32>
        %gather3A_125 = tpu.dynamic_gather %get3A_94[%gather3A_124] in [0] : vector<16xf32>, vector<16xi32> -> vector<16xf32>
        %eq3A_126 = arith.constant 6 : i32
        %eq3A_127 = vector.broadcast %eq3A_126 : i32 to vector<16xi32>
        %eq3A_128 = arith.cmpi eq, %iota3A, %eq3A_127 : vector<16xi32>
        %jit3A_129 = arith.constant 0.000000e+00 : f32
        %broadcast_in_dim3A_130 = vector.broadcast %jit3A_129 : f32 to vector<16xf32>
        %select_n3A_131 = arith.select %eq3A_128, %gather3A_125, %broadcast_in_dim3A_130 : vector<16xi1>, vector<16xf32>
        %add3A_132 = arith.addf %add3A_113, %select_n3A_131 : vector<16xf32>
        %broadcast_in_dim3A_133 = arith.constant 2 : i32
        %broadcast_in_dim3A_134 = vector.broadcast %broadcast_in_dim3A_133 : i32 to vector<16xi32>
        %lt3A_135 = arith.constant 0 : i32
        %lt3A_136 = vector.broadcast %lt3A_135 : i32 to vector<16xi32>
        %lt3A_137 = arith.cmpi slt, %broadcast_in_dim3A_134, %lt3A_136 : vector<16xi32>
        %add3A_138 = arith.constant 16 : i32
        %add3A_139 = vector.broadcast %add3A_138 : i32 to vector<16xi32>
        %add3A_140 = arith.addi %broadcast_in_dim3A_134, %add3A_139 : vector<16xi32>
        %select_n3A_141 = arith.select %lt3A_137, %add3A_140, %broadcast_in_dim3A_134 : vector<16xi1>, vector<16xi32>
        %broadcast_in_dim3A_142 = vector.shape_cast %select_n3A_141 : vector<16xi32> to vector<16x1xi32>
        %gather3A_143 = vector.shape_cast %broadcast_in_dim3A_142 : vector<16x1xi32> to vector<16xi32>
        %gather3A_144 = tpu.dynamic_gather %get3A_94[%gather3A_143] in [0] : vector<16xf32>, vector<16xi32> -> vector<16xf32>
        %eq3A_145 = arith.constant 7 : i32
        %eq3A_146 = vector.broadcast %eq3A_145 : i32 to vector<16xi32>
        %eq3A_147 = arith.cmpi eq, %iota3A, %eq3A_146 : vector<16xi32>
        %jit3A_148 = arith.constant 0.000000e+00 : f32
        %broadcast_in_dim3A_149 = vector.broadcast %jit3A_148 : f32 to vector<16xf32>
        %select_n3A_150 = arith.select %eq3A_147, %gather3A_144, %broadcast_in_dim3A_149 : vector<16xi1>, vector<16xf32>
        %add3A_151 = arith.addf %add3A_132, %select_n3A_150 : vector<16xf32>
        %broadcast_in_dim3A_152 = arith.constant 3 : i32
        %broadcast_in_dim3A_153 = vector.broadcast %broadcast_in_dim3A_152 : i32 to vector<16xi32>
        %lt3A_154 = arith.constant 0 : i32
        %lt3A_155 = vector.broadcast %lt3A_154 : i32 to vector<16xi32>
        %lt3A_156 = arith.cmpi slt, %broadcast_in_dim3A_153, %lt3A_155 : vector<16xi32>
        %add3A_157 = arith.constant 16 : i32
        %add3A_158 = vector.broadcast %add3A_157 : i32 to vector<16xi32>
        %add3A_159 = arith.addi %broadcast_in_dim3A_153, %add3A_158 : vector<16xi32>
        %select_n3A_160 = arith.select %lt3A_156, %add3A_159, %broadcast_in_dim3A_153 : vector<16xi1>, vector<16xi32>
        %broadcast_in_dim3A_161 = vector.shape_cast %select_n3A_160 : vector<16xi32> to vector<16x1xi32>
        %gather3A_162 = vector.shape_cast %broadcast_in_dim3A_161 : vector<16x1xi32> to vector<16xi32>
        %gather3A_163 = tpu.dynamic_gather %get3A_94[%gather3A_162] in [0] : vector<16xf32>, vector<16xi32> -> vector<16xf32>
        %eq3A_164 = arith.constant 8 : i32
        %eq3A_165 = vector.broadcast %eq3A_164 : i32 to vector<16xi32>
        %eq3A_166 = arith.cmpi eq, %iota3A, %eq3A_165 : vector<16xi32>
        %jit3A_167 = arith.constant 0.000000e+00 : f32
        %broadcast_in_dim3A_168 = vector.broadcast %jit3A_167 : f32 to vector<16xf32>
        %select_n3A_169 = arith.select %eq3A_166, %gather3A_163, %broadcast_in_dim3A_168 : vector<16xi1>, vector<16xf32>
        %add3A_170 = arith.addf %add3A_151, %select_n3A_169 : vector<16xf32>
        %mul3A_171 = arith.constant 2 : i32
        %mul3A_172 = arith.muli %mul3A_171, %scan3A_54 : i32
        %add3A_173 = arith.constant 1 : i32
        %add3A_174 = arith.addi %mul3A_172, %add3A_173 : i32
        %dma_start3A_175 = arith.constant 0 : i32
        %dma_start3A_176 = tpu.memref_slice %arg8[%add3A_174, %dma_start3A_175] : memref<16x128xi32, #tpu.memory_space<vmem>> -> memref<1x128xi32, #tpu.memory_space<vmem>>
        %dma_start3A_177 = tpu.memref_squeeze %dma_start3A_176 : memref<1x128xi32, #tpu.memory_space<vmem>> -> memref<128xi32, #tpu.memory_space<vmem>>
        %dma_start3A_178 = arith.constant 0 : i32
        %dma_start3A_179 = arith.constant 0 : i32
        %dma_start3A_180 = tpu.memref_slice %arg2[%dma_start3A_178, %dma_start3A_179] : memref<401408x128xf32, #tpu.memory_space<hbm>> -> memref<401408x128xf32, #tpu.memory_space<hbm>>
        tpu.enqueue_indirect_dma source(%dma_start3A_180 : memref<401408x128xf32, #tpu.memory_space<hbm>>) target(%arg10 : memref<128x128xf32, #tpu.memory_space<vmem>>) offsets(%dma_start3A_177 : memref<128xi32, #tpu.memory_space<vmem>>) semaphore(%arg18 : memref<!tpu.dma_semaphore, #tpu.memory_space<semaphore_mem>>)
        %dma_wait3A_181 = arith.constant 0 : i32
        %dma_wait3A_182 = arith.constant 0 : i32
        %dma_wait3A_183 = tpu.memref_slice %arg8[%dma_wait3A_181, %dma_wait3A_182] : memref<16x128xi32, #tpu.memory_space<vmem>> -> memref<1x128xi32, #tpu.memory_space<vmem>>
        %dma_wait3A_184 = tpu.memref_squeeze %dma_wait3A_183 : memref<1x128xi32, #tpu.memory_space<vmem>> -> memref<128xi32, #tpu.memory_space<vmem>>
        %dma_wait3A_185 = arith.constant 0 : i32
        %dma_wait3A_186 = arith.constant 0 : i32
        %dma_wait3A_187 = tpu.memref_slice %arg2[%dma_wait3A_185, %dma_wait3A_186] : memref<401408x128xf32, #tpu.memory_space<hbm>> -> memref<401408x128xf32, #tpu.memory_space<hbm>>
        tpu.wait_indirect_dma semaphore(%arg17 : memref<!tpu.dma_semaphore, #tpu.memory_space<semaphore_mem>>) src(%dma_wait3A_187 : memref<401408x128xf32, #tpu.memory_space<hbm>>) dst(%arg9 : memref<128x128xf32, #tpu.memory_space<vmem>>)
        %mul3A_188 = arith.constant 256 : i32
        %mul3A_189 = arith.muli %add3A_55, %mul3A_188 : i32
        %mul3A_190 = arith.constant 256 : i32
        %mul3A_191 = arith.muli %scan3A_54, %mul3A_190 : i32
        %mul3A_192 = arith.constant 16 : i32
        %mul3A_193 = arith.muli %mul3A_189, %mul3A_192 : i32
        %mul3A_194 = arith.constant 16 : i32
        %mul3A_195 = arith.muli %mul3A_189, %mul3A_194 : i32
        %not3A = arith.constant true
        %not3A_196 = arith.xori %and3A, %not3A : i1
        %convert_element_type3A = arith.extui %not3A_196 : i1 to i32
        %cond3A = arith.constant 0 : i32
        %cond3A_197 = arith.cmpi ne, %convert_element_type3A, %cond3A : i32
        scf.if %cond3A_197 {
          %dma_wait3A_249 = tpu.memref_slice %arg6[%mul3A_193] : memref<23887872xf32, #tpu.memory_space<hbm>> -> memref<2048xf32, #tpu.memory_space<hbm>>
          %dma_wait3A_250 = tpu.memref_slice %arg6[%mul3A_193] : memref<23887872xf32, #tpu.memory_space<hbm>> -> memref<2048xf32, #tpu.memory_space<hbm>>
          tpu.wait_dma2 semaphore(%arg19 : memref<!tpu.dma_semaphore, #tpu.memory_space<semaphore_mem>>) src(%arg13 : memref<2048xf32, #tpu.memory_space<vmem>>) dst(%dma_wait3A_250 : memref<2048xf32, #tpu.memory_space<hbm>>)
          %dma_wait3A_251 = tpu.memref_slice %arg7[%mul3A_195] : memref<23887872xf32, #tpu.memory_space<hbm>> -> memref<2048xf32, #tpu.memory_space<hbm>>
          %dma_wait3A_252 = tpu.memref_slice %arg7[%mul3A_195] : memref<23887872xf32, #tpu.memory_space<hbm>> -> memref<2048xf32, #tpu.memory_space<hbm>>
          tpu.wait_dma2 semaphore(%arg19 : memref<!tpu.dma_semaphore, #tpu.memory_space<semaphore_mem>>) src(%arg15 : memref<2048xf32, #tpu.memory_space<vmem>>) dst(%dma_wait3A_252 : memref<2048xf32, #tpu.memory_space<hbm>>)
        } else {
        }
        %scan3A_198 = arith.constant 0 : i32
        %scan3A_199 = arith.constant 0 : i32
        %scan3A_200 = arith.constant 8 : i32
        %scan3A_201 = arith.addi %scan3A_199, %scan3A_200 : i32
        %scan3A_202 = arith.constant 1 : i32
        scf.for %scan3A_249 = %scan3A_199 to %scan3A_201 step %scan3A_202  : i32 {
          %mul3A_250 = arith.constant 16 : i32
          %mul3A_251 = arith.muli %scan3A_249, %mul3A_250 : i32
          %add3A_252 = arith.addi %mul3A_191, %mul3A_251 : i32
          %get3A_253 = arith.index_cast %add3A_252 : i32 to index
          %get3A_254 = tpu.vector_load %arg12[%get3A_253] {strides = array<i32>} : memref<2048xf32, #tpu.memory_space<vmem>>, vector<16xf32>,
          %get3A_255 = vector.shape_cast %get3A_254 : vector<16xf32> to vector<16xf32>
          %mul3A_256 = arith.constant 16 : i32
          %mul3A_257 = arith.muli %scan3A_249, %mul3A_256 : i32
          %add3A_258 = arith.constant 0 : i32
          %add3A_259 = arith.addi %mul3A_257, %add3A_258 : i32
          %get3A_260 = arith.index_cast %add3A_259 : i32 to index
          %get3A_261 = arith.constant 0 : index
          %get3A_262 = tpu.vector_load %arg9[%get3A_260, %get3A_261] {strides = array<i32>} : memref<128x128xf32, #tpu.memory_space<vmem>>, vector<1x16xf32>,
          %get3A_263 = vector.shape_cast %get3A_262 : vector<1x16xf32> to vector<16xf32>
          %mul3A_264 = arith.mulf %get3A_263, %get3A_64 : vector<16xf32>
          %get3A_265 = arith.index_cast %add3A_259 : i32 to index
          %get3A_266 = arith.constant 16 : index
          %get3A_267 = tpu.vector_load %arg9[%get3A_265, %get3A_266] {strides = array<i32>} : memref<128x128xf32, #tpu.memory_space<vmem>>, vector<1x16xf32>,
          %get3A_268 = vector.shape_cast %get3A_267 : vector<1x16xf32> to vector<16xf32>
          %mul3A_269 = arith.mulf %get3A_268, %get3A_69 : vector<16xf32>
          %get3A_270 = arith.index_cast %add3A_259 : i32 to index
          %get3A_271 = arith.constant 32 : index
          %get3A_272 = tpu.vector_load %arg9[%get3A_270, %get3A_271] {strides = array<i32>} : memref<128x128xf32, #tpu.memory_space<vmem>>, vector<1x16xf32>,
          %get3A_273 = vector.shape_cast %get3A_272 : vector<1x16xf32> to vector<16xf32>
          %mul3A_274 = arith.mulf %get3A_273, %get3A_74 : vector<16xf32>
          %get3A_275 = arith.index_cast %add3A_259 : i32 to index
          %get3A_276 = arith.constant 48 : index
          %get3A_277 = tpu.vector_load %arg9[%get3A_275, %get3A_276] {strides = array<i32>} : memref<128x128xf32, #tpu.memory_space<vmem>>, vector<1x16xf32>,
          %get3A_278 = vector.shape_cast %get3A_277 : vector<1x16xf32> to vector<16xf32>
          %mul3A_279 = arith.mulf %get3A_278, %get3A_79 : vector<16xf32>
          %get3A_280 = arith.index_cast %add3A_259 : i32 to index
          %get3A_281 = arith.constant 64 : index
          %get3A_282 = tpu.vector_load %arg9[%get3A_280, %get3A_281] {strides = array<i32>} : memref<128x128xf32, #tpu.memory_space<vmem>>, vector<1x16xf32>,
          %get3A_283 = vector.shape_cast %get3A_282 : vector<1x16xf32> to vector<16xf32>
          %mul3A_284 = arith.mulf %get3A_283, %get3A_84 : vector<16xf32>
          %get3A_285 = arith.index_cast %add3A_259 : i32 to index
          %get3A_286 = arith.constant 80 : index
          %get3A_287 = tpu.vector_load %arg9[%get3A_285, %get3A_286] {strides = array<i32>} : memref<128x128xf32, #tpu.memory_space<vmem>>, vector<1x16xf32>,
          %get3A_288 = vector.shape_cast %get3A_287 : vector<1x16xf32> to vector<16xf32>
          %mul3A_289 = arith.mulf %get3A_288, %get3A_89 : vector<16xf32>
          %add3A_290 = arith.addf %mul3A_264, %mul3A_269 : vector<16xf32>
          %add3A_291 = arith.addf %mul3A_274, %mul3A_279 : vector<16xf32>
          %add3A_292 = arith.addf %add3A_290, %add3A_291 : vector<16xf32>
          %add3A_293 = arith.addf %mul3A_284, %mul3A_289 : vector<16xf32>
          %add3A_294 = arith.addf %add3A_292, %add3A_293 : vector<16xf32>
          %mul3A_295 = arith.constant 16 : i32
          %mul3A_296 = arith.muli %add3A_259, %mul3A_295 : i32
          %swap3A = arith.index_cast %mul3A_296 : i32 to index
          %swap3A_297 = tpu.vector_load %arg13[%swap3A] {strides = array<i32>} : memref<2048xf32, #tpu.memory_space<vmem>>, vector<16xf32>,
          %swap3A_298 = vector.shape_cast %swap3A_297 : vector<16xf32> to vector<16xf32>
          %swap3A_299 = vector.shape_cast %add3A_294 : vector<16xf32> to vector<16xf32>
          tpu.vector_store %arg13[%swap3A], %swap3A_299 {strides = array<i32>} : memref<2048xf32, #tpu.memory_space<vmem>>, vector<16xf32>,
          %get3A_300 = arith.index_cast %add3A_259 : i32 to index
          %get3A_301 = arith.constant 96 : index
          %get3A_302 = tpu.vector_load %arg9[%get3A_300, %get3A_301] {strides = array<i32>} : memref<128x128xf32, #tpu.memory_space<vmem>>, vector<1x16xf32>,
          %get3A_303 = vector.shape_cast %get3A_302 : vector<1x16xf32> to vector<16xf32>
          %add3A_304 = arith.addf %get3A_303, %add3A_170 : vector<16xf32>
          %eq3A_305 = arith.constant 4 : i32
          %eq3A_306 = vector.broadcast %eq3A_305 : i32 to vector<16xi32>
          %eq3A_307 = arith.cmpi eq, %iota3A, %eq3A_306 : vector<16xi32>
          %slice3A = vector.extract_strided_slice %get3A_255 {offsets = [0], sizes = [1], strides = [1]} : vector<16xf32> to vector<1xf32>
          %squeeze3A = vector.extract %slice3A[0] : f32 from vector<1xf32>
          %jit3A_308 = arith.constant 0.000000e+00 : f32
          %broadcast_in_dim3A_309 = vector.broadcast %squeeze3A : f32 to vector<16xf32>
          %broadcast_in_dim3A_310 = vector.broadcast %jit3A_308 : f32 to vector<16xf32>
          %select_n3A_311 = arith.select %eq3A_307, %broadcast_in_dim3A_309, %broadcast_in_dim3A_310 : vector<16xi1>, vector<16xf32>
          %add3A_312 = arith.addf %add3A_304, %select_n3A_311 : vector<16xf32>
          %mul3A_313 = arith.constant 16 : i32
          %mul3A_314 = arith.muli %add3A_259, %mul3A_313 : i32
          %swap3A_315 = arith.index_cast %mul3A_314 : i32 to index
          %swap3A_316 = tpu.vector_load %arg15[%swap3A_315] {strides = array<i32>} : memref<2048xf32, #tpu.memory_space<vmem>>, vector<16xf32>,
          %swap3A_317 = vector.shape_cast %swap3A_316 : vector<16xf32> to vector<16xf32>
          %swap3A_318 = vector.shape_cast %add3A_312 : vector<16xf32> to vector<16xf32>
          tpu.vector_store %arg15[%swap3A_315], %swap3A_318 {strides = array<i32>} : memref<2048xf32, #tpu.memory_space<vmem>>, vector<16xf32>,
          %mul3A_319 = arith.constant 16 : i32
          %mul3A_320 = arith.muli %scan3A_249, %mul3A_319 : i32
          %add3A_321 = arith.constant 1 : i32
          %add3A_322 = arith.addi %mul3A_320, %add3A_321 : i32
          %get3A_323 = arith.index_cast %add3A_322 : i32 to index
          %get3A_324 = arith.constant 0 : index
          %get3A_325 = tpu.vector_load %arg9[%get3A_323, %get3A_324] {strides = array<i32>} : memref<128x128xf32, #tpu.memory_space<vmem>>, vector<1x16xf32>,
          %get3A_326 = vector.shape_cast %get3A_325 : vector<1x16xf32> to vector<16xf32>
          %mul3A_327 = arith.mulf %get3A_326, %get3A_64 : vector<16xf32>
          %get3A_328 = arith.index_cast %add3A_322 : i32 to index
          %get3A_329 = arith.constant 16 : index
          %get3A_330 = tpu.vector_load %arg9[%get3A_328, %get3A_329] {strides = array<i32>} : memref<128x128xf32, #tpu.memory_space<vmem>>, vector<1x16xf32>,
          %get3A_331 = vector.shape_cast %get3A_330 : vector<1x16xf32> to vector<16xf32>
          %mul3A_332 = arith.mulf %get3A_331, %get3A_69 : vector<16xf32>
          %get3A_333 = arith.index_cast %add3A_322 : i32 to index
          %get3A_334 = arith.constant 32 : index
          %get3A_335 = tpu.vector_load %arg9[%get3A_333, %get3A_334] {strides = array<i32>} : memref<128x128xf32, #tpu.memory_space<vmem>>, vector<1x16xf32>,
          %get3A_336 = vector.shape_cast %get3A_335 : vector<1x16xf32> to vector<16xf32>
          %mul3A_337 = arith.mulf %get3A_336, %get3A_74 : vector<16xf32>
          %get3A_338 = arith.index_cast %add3A_322 : i32 to index
          %get3A_339 = arith.constant 48 : index
          %get3A_340 = tpu.vector_load %arg9[%get3A_338, %get3A_339] {strides = array<i32>} : memref<128x128xf32, #tpu.memory_space<vmem>>, vector<1x16xf32>,
          %get3A_341 = vector.shape_cast %get3A_340 : vector<1x16xf32> to vector<16xf32>
          %mul3A_342 = arith.mulf %get3A_341, %get3A_79 : vector<16xf32>
          %get3A_343 = arith.index_cast %add3A_322 : i32 to index
          %get3A_344 = arith.constant 64 : index
          %get3A_345 = tpu.vector_load %arg9[%get3A_343, %get3A_344] {strides = array<i32>} : memref<128x128xf32, #tpu.memory_space<vmem>>, vector<1x16xf32>,
          %get3A_346 = vector.shape_cast %get3A_345 : vector<1x16xf32> to vector<16xf32>
          %mul3A_347 = arith.mulf %get3A_346, %get3A_84 : vector<16xf32>
          %get3A_348 = arith.index_cast %add3A_322 : i32 to index
          %get3A_349 = arith.constant 80 : index
          %get3A_350 = tpu.vector_load %arg9[%get3A_348, %get3A_349] {strides = array<i32>} : memref<128x128xf32, #tpu.memory_space<vmem>>, vector<1x16xf32>,
          %get3A_351 = vector.shape_cast %get3A_350 : vector<1x16xf32> to vector<16xf32>
          %mul3A_352 = arith.mulf %get3A_351, %get3A_89 : vector<16xf32>
          %add3A_353 = arith.addf %mul3A_327, %mul3A_332 : vector<16xf32>
          %add3A_354 = arith.addf %mul3A_337, %mul3A_342 : vector<16xf32>
          %add3A_355 = arith.addf %add3A_353, %add3A_354 : vector<16xf32>
          %add3A_356 = arith.addf %mul3A_347, %mul3A_352 : vector<16xf32>
          %add3A_357 = arith.addf %add3A_355, %add3A_356 : vector<16xf32>
          %mul3A_358 = arith.constant 16 : i32
          %mul3A_359 = arith.muli %add3A_322, %mul3A_358 : i32
          %swap3A_360 = arith.index_cast %mul3A_359 : i32 to index
          %swap3A_361 = tpu.vector_load %arg13[%swap3A_360] {strides = array<i32>} : memref<2048xf32, #tpu.memory_space<vmem>>, vector<16xf32>,
          %swap3A_362 = vector.shape_cast %swap3A_361 : vector<16xf32> to vector<16xf32>
          %swap3A_363 = vector.shape_cast %add3A_357 : vector<16xf32> to vector<16xf32>
          tpu.vector_store %arg13[%swap3A_360], %swap3A_363 {strides = array<i32>} : memref<2048xf32, #tpu.memory_space<vmem>>, vector<16xf32>,
          %get3A_364 = arith.index_cast %add3A_322 : i32 to index
          %get3A_365 = arith.constant 96 : index
          %get3A_366 = tpu.vector_load %arg9[%get3A_364, %get3A_365] {strides = array<i32>} : memref<128x128xf32, #tpu.memory_space<vmem>>, vector<1x16xf32>,
          %get3A_367 = vector.shape_cast %get3A_366 : vector<1x16xf32> to vector<16xf32>
          %add3A_368 = arith.addf %get3A_367, %add3A_170 : vector<16xf32>
          %eq3A_369 = arith.constant 4 : i32
          %eq3A_370 = vector.broadcast %eq3A_369 : i32 to vector<16xi32>
          %eq3A_371 = arith.cmpi eq, %iota3A, %eq3A_370 : vector<16xi32>
          %slice3A_372 = vector.extract_strided_slice %get3A_255 {offsets = [1], sizes = [1], strides = [1]} : vector<16xf32> to vector<1xf32>
          %squeeze3A_373 = vector.extract %slice3A_372[0] : f32 from vector<1xf32>
          %jit3A_374 = arith.constant 0.000000e+00 : f32
          %broadcast_in_dim3A_375 = vector.broadcast %squeeze3A_373 : f32 to vector<16xf32>
          %broadcast_in_dim3A_376 = vector.broadcast %jit3A_374 : f32 to vector<16xf32>
          %select_n3A_377 = arith.select %eq3A_371, %broadcast_in_dim3A_375, %broadcast_in_dim3A_376 : vector<16xi1>, vector<16xf32>
          %add3A_378 = arith.addf %add3A_368, %select_n3A_377 : vector<16xf32>
          %mul3A_379 = arith.constant 16 : i32
          %mul3A_380 = arith.muli %add3A_322, %mul3A_379 : i32
          %swap3A_381 = arith.index_cast %mul3A_380 : i32 to index
          %swap3A_382 = tpu.vector_load %arg15[%swap3A_381] {strides = array<i32>} : memref<2048xf32, #tpu.memory_space<vmem>>, vector<16xf32>,
          %swap3A_383 = vector.shape_cast %swap3A_382 : vector<16xf32> to vector<16xf32>
          %swap3A_384 = vector.shape_cast %add3A_378 : vector<16xf32> to vector<16xf32>
          tpu.vector_store %arg15[%swap3A_381], %swap3A_384 {strides = array<i32>} : memref<2048xf32, #tpu.memory_space<vmem>>, vector<16xf32>,
          %mul3A_385 = arith.constant 16 : i32
          %mul3A_386 = arith.muli %scan3A_249, %mul3A_385 : i32
          %add3A_387 = arith.constant 2 : i32
          %add3A_388 = arith.addi %mul3A_386, %add3A_387 : i32
          %get3A_389 = arith.index_cast %add3A_388 : i32 to index
          %get3A_390 = arith.constant 0 : index
          %get3A_391 = tpu.vector_load %arg9[%get3A_389, %get3A_390] {strides = array<i32>} : memref<128x128xf32, #tpu.memory_space<vmem>>, vector<1x16xf32>,
          %get3A_392 = vector.shape_cast %get3A_391 : vector<1x16xf32> to vector<16xf32>
          %mul3A_393 = arith.mulf %get3A_392, %get3A_64 : vector<16xf32>
          %get3A_394 = arith.index_cast %add3A_388 : i32 to index
          %get3A_395 = arith.constant 16 : index
          %get3A_396 = tpu.vector_load %arg9[%get3A_394, %get3A_395] {strides = array<i32>} : memref<128x128xf32, #tpu.memory_space<vmem>>, vector<1x16xf32>,
          %get3A_397 = vector.shape_cast %get3A_396 : vector<1x16xf32> to vector<16xf32>
          %mul3A_398 = arith.mulf %get3A_397, %get3A_69 : vector<16xf32>
          %get3A_399 = arith.index_cast %add3A_388 : i32 to index
          %get3A_400 = arith.constant 32 : index
          %get3A_401 = tpu.vector_load %arg9[%get3A_399, %get3A_400] {strides = array<i32>} : memref<128x128xf32, #tpu.memory_space<vmem>>, vector<1x16xf32>,
          %get3A_402 = vector.shape_cast %get3A_401 : vector<1x16xf32> to vector<16xf32>
          %mul3A_403 = arith.mulf %get3A_402, %get3A_74 : vector<16xf32>
          %get3A_404 = arith.index_cast %add3A_388 : i32 to index
          %get3A_405 = arith.constant 48 : index
          %get3A_406 = tpu.vector_load %arg9[%get3A_404, %get3A_405] {strides = array<i32>} : memref<128x128xf32, #tpu.memory_space<vmem>>, vector<1x16xf32>,
          %get3A_407 = vector.shape_cast %get3A_406 : vector<1x16xf32> to vector<16xf32>
          %mul3A_408 = arith.mulf %get3A_407, %get3A_79 : vector<16xf32>
          %get3A_409 = arith.index_cast %add3A_388 : i32 to index
          %get3A_410 = arith.constant 64 : index
          %get3A_411 = tpu.vector_load %arg9[%get3A_409, %get3A_410] {strides = array<i32>} : memref<128x128xf32, #tpu.memory_space<vmem>>, vector<1x16xf32>,
          %get3A_412 = vector.shape_cast %get3A_411 : vector<1x16xf32> to vector<16xf32>
          %mul3A_413 = arith.mulf %get3A_412, %get3A_84 : vector<16xf32>
          %get3A_414 = arith.index_cast %add3A_388 : i32 to index
          %get3A_415 = arith.constant 80 : index
          %get3A_416 = tpu.vector_load %arg9[%get3A_414, %get3A_415] {strides = array<i32>} : memref<128x128xf32, #tpu.memory_space<vmem>>, vector<1x16xf32>,
          %get3A_417 = vector.shape_cast %get3A_416 : vector<1x16xf32> to vector<16xf32>
          %mul3A_418 = arith.mulf %get3A_417, %get3A_89 : vector<16xf32>
          %add3A_419 = arith.addf %mul3A_393, %mul3A_398 : vector<16xf32>
          %add3A_420 = arith.addf %mul3A_403, %mul3A_408 : vector<16xf32>
          %add3A_421 = arith.addf %add3A_419, %add3A_420 : vector<16xf32>
          %add3A_422 = arith.addf %mul3A_413, %mul3A_418 : vector<16xf32>
          %add3A_423 = arith.addf %add3A_421, %add3A_422 : vector<16xf32>
          %mul3A_424 = arith.constant 16 : i32
          %mul3A_425 = arith.muli %add3A_388, %mul3A_424 : i32
          %swap3A_426 = arith.index_cast %mul3A_425 : i32 to index
          %swap3A_427 = tpu.vector_load %arg13[%swap3A_426] {strides = array<i32>} : memref<2048xf32, #tpu.memory_space<vmem>>, vector<16xf32>,
          %swap3A_428 = vector.shape_cast %swap3A_427 : vector<16xf32> to vector<16xf32>
          %swap3A_429 = vector.shape_cast %add3A_423 : vector<16xf32> to vector<16xf32>
          tpu.vector_store %arg13[%swap3A_426], %swap3A_429 {strides = array<i32>} : memref<2048xf32, #tpu.memory_space<vmem>>, vector<16xf32>,
          %get3A_430 = arith.index_cast %add3A_388 : i32 to index
          %get3A_431 = arith.constant 96 : index
          %get3A_432 = tpu.vector_load %arg9[%get3A_430, %get3A_431] {strides = array<i32>} : memref<128x128xf32, #tpu.memory_space<vmem>>, vector<1x16xf32>,
          %get3A_433 = vector.shape_cast %get3A_432 : vector<1x16xf32> to vector<16xf32>
          %add3A_434 = arith.addf %get3A_433, %add3A_170 : vector<16xf32>
          %eq3A_435 = arith.constant 4 : i32
          %eq3A_436 = vector.broadcast %eq3A_435 : i32 to vector<16xi32>
          %eq3A_437 = arith.cmpi eq, %iota3A, %eq3A_436 : vector<16xi32>
          %slice3A_438 = vector.extract_strided_slice %get3A_255 {offsets = [2], sizes = [1], strides = [1]} : vector<16xf32> to vector<1xf32>
          %squeeze3A_439 = vector.extract %slice3A_438[0] : f32 from vector<1xf32>
          %jit3A_440 = arith.constant 0.000000e+00 : f32
          %broadcast_in_dim3A_441 = vector.broadcast %squeeze3A_439 : f32 to vector<16xf32>
          %broadcast_in_dim3A_442 = vector.broadcast %jit3A_440 : f32 to vector<16xf32>
          %select_n3A_443 = arith.select %eq3A_437, %broadcast_in_dim3A_441, %broadcast_in_dim3A_442 : vector<16xi1>, vector<16xf32>
          %add3A_444 = arith.addf %add3A_434, %select_n3A_443 : vector<16xf32>
          %mul3A_445 = arith.constant 16 : i32
          %mul3A_446 = arith.muli %add3A_388, %mul3A_445 : i32
          %swap3A_447 = arith.index_cast %mul3A_446 : i32 to index
          %swap3A_448 = tpu.vector_load %arg15[%swap3A_447] {strides = array<i32>} : memref<2048xf32, #tpu.memory_space<vmem>>, vector<16xf32>,
          %swap3A_449 = vector.shape_cast %swap3A_448 : vector<16xf32> to vector<16xf32>
          %swap3A_450 = vector.shape_cast %add3A_444 : vector<16xf32> to vector<16xf32>
          tpu.vector_store %arg15[%swap3A_447], %swap3A_450 {strides = array<i32>} : memref<2048xf32, #tpu.memory_space<vmem>>, vector<16xf32>,
          %mul3A_451 = arith.constant 16 : i32
          %mul3A_452 = arith.muli %scan3A_249, %mul3A_451 : i32
          %add3A_453 = arith.constant 3 : i32
          %add3A_454 = arith.addi %mul3A_452, %add3A_453 : i32
          %get3A_455 = arith.index_cast %add3A_454 : i32 to index
          %get3A_456 = arith.constant 0 : index
          %get3A_457 = tpu.vector_load %arg9[%get3A_455, %get3A_456] {strides = array<i32>} : memref<128x128xf32, #tpu.memory_space<vmem>>, vector<1x16xf32>,
          %get3A_458 = vector.shape_cast %get3A_457 : vector<1x16xf32> to vector<16xf32>
          %mul3A_459 = arith.mulf %get3A_458, %get3A_64 : vector<16xf32>
          %get3A_460 = arith.index_cast %add3A_454 : i32 to index
          %get3A_461 = arith.constant 16 : index
          %get3A_462 = tpu.vector_load %arg9[%get3A_460, %get3A_461] {strides = array<i32>} : memref<128x128xf32, #tpu.memory_space<vmem>>, vector<1x16xf32>,
          %get3A_463 = vector.shape_cast %get3A_462 : vector<1x16xf32> to vector<16xf32>
          %mul3A_464 = arith.mulf %get3A_463, %get3A_69 : vector<16xf32>
          %get3A_465 = arith.index_cast %add3A_454 : i32 to index
          %get3A_466 = arith.constant 32 : index
          %get3A_467 = tpu.vector_load %arg9[%get3A_465, %get3A_466] {strides = array<i32>} : memref<128x128xf32, #tpu.memory_space<vmem>>, vector<1x16xf32>,
          %get3A_468 = vector.shape_cast %get3A_467 : vector<1x16xf32> to vector<16xf32>
          %mul3A_469 = arith.mulf %get3A_468, %get3A_74 : vector<16xf32>
          %get3A_470 = arith.index_cast %add3A_454 : i32 to index
          %get3A_471 = arith.constant 48 : index
          %get3A_472 = tpu.vector_load %arg9[%get3A_470, %get3A_471] {strides = array<i32>} : memref<128x128xf32, #tpu.memory_space<vmem>>, vector<1x16xf32>,
          %get3A_473 = vector.shape_cast %get3A_472 : vector<1x16xf32> to vector<16xf32>
          %mul3A_474 = arith.mulf %get3A_473, %get3A_79 : vector<16xf32>
          %get3A_475 = arith.index_cast %add3A_454 : i32 to index
          %get3A_476 = arith.constant 64 : index
          %get3A_477 = tpu.vector_load %arg9[%get3A_475, %get3A_476] {strides = array<i32>} : memref<128x128xf32, #tpu.memory_space<vmem>>, vector<1x16xf32>,
          %get3A_478 = vector.shape_cast %get3A_477 : vector<1x16xf32> to vector<16xf32>
          %mul3A_479 = arith.mulf %get3A_478, %get3A_84 : vector<16xf32>
          %get3A_480 = arith.index_cast %add3A_454 : i32 to index
          %get3A_481 = arith.constant 80 : index
          %get3A_482 = tpu.vector_load %arg9[%get3A_480, %get3A_481] {strides = array<i32>} : memref<128x128xf32, #tpu.memory_space<vmem>>, vector<1x16xf32>,
          %get3A_483 = vector.shape_cast %get3A_482 : vector<1x16xf32> to vector<16xf32>
          %mul3A_484 = arith.mulf %get3A_483, %get3A_89 : vector<16xf32>
          %add3A_485 = arith.addf %mul3A_459, %mul3A_464 : vector<16xf32>
          %add3A_486 = arith.addf %mul3A_469, %mul3A_474 : vector<16xf32>
          %add3A_487 = arith.addf %add3A_485, %add3A_486 : vector<16xf32>
          %add3A_488 = arith.addf %mul3A_479, %mul3A_484 : vector<16xf32>
          %add3A_489 = arith.addf %add3A_487, %add3A_488 : vector<16xf32>
          %mul3A_490 = arith.constant 16 : i32
          %mul3A_491 = arith.muli %add3A_454, %mul3A_490 : i32
          %swap3A_492 = arith.index_cast %mul3A_491 : i32 to index
          %swap3A_493 = tpu.vector_load %arg13[%swap3A_492] {strides = array<i32>} : memref<2048xf32, #tpu.memory_space<vmem>>, vector<16xf32>,
          %swap3A_494 = vector.shape_cast %swap3A_493 : vector<16xf32> to vector<16xf32>
          %swap3A_495 = vector.shape_cast %add3A_489 : vector<16xf32> to vector<16xf32>
          tpu.vector_store %arg13[%swap3A_492], %swap3A_495 {strides = array<i32>} : memref<2048xf32, #tpu.memory_space<vmem>>, vector<16xf32>,
          %get3A_496 = arith.index_cast %add3A_454 : i32 to index
          %get3A_497 = arith.constant 96 : index
          %get3A_498 = tpu.vector_load %arg9[%get3A_496, %get3A_497] {strides = array<i32>} : memref<128x128xf32, #tpu.memory_space<vmem>>, vector<1x16xf32>,
          %get3A_499 = vector.shape_cast %get3A_498 : vector<1x16xf32> to vector<16xf32>
          %add3A_500 = arith.addf %get3A_499, %add3A_170 : vector<16xf32>
          %eq3A_501 = arith.constant 4 : i32
          %eq3A_502 = vector.broadcast %eq3A_501 : i32 to vector<16xi32>
          %eq3A_503 = arith.cmpi eq, %iota3A, %eq3A_502 : vector<16xi32>
          %slice3A_504 = vector.extract_strided_slice %get3A_255 {offsets = [3], sizes = [1], strides = [1]} : vector<16xf32> to vector<1xf32>
          %squeeze3A_505 = vector.extract %slice3A_504[0] : f32 from vector<1xf32>
          %jit3A_506 = arith.constant 0.000000e+00 : f32
          %broadcast_in_dim3A_507 = vector.broadcast %squeeze3A_505 : f32 to vector<16xf32>
          %broadcast_in_dim3A_508 = vector.broadcast %jit3A_506 : f32 to vector<16xf32>
          %select_n3A_509 = arith.select %eq3A_503, %broadcast_in_dim3A_507, %broadcast_in_dim3A_508 : vector<16xi1>, vector<16xf32>
          %add3A_510 = arith.addf %add3A_500, %select_n3A_509 : vector<16xf32>
          %mul3A_511 = arith.constant 16 : i32
          %mul3A_512 = arith.muli %add3A_454, %mul3A_511 : i32
          %swap3A_513 = arith.index_cast %mul3A_512 : i32 to index
          %swap3A_514 = tpu.vector_load %arg15[%swap3A_513] {strides = array<i32>} : memref<2048xf32, #tpu.memory_space<vmem>>, vector<16xf32>,
          %swap3A_515 = vector.shape_cast %swap3A_514 : vector<16xf32> to vector<16xf32>
          %swap3A_516 = vector.shape_cast %add3A_510 : vector<16xf32> to vector<16xf32>
          tpu.vector_store %arg15[%swap3A_513], %swap3A_516 {strides = array<i32>} : memref<2048xf32, #tpu.memory_space<vmem>>, vector<16xf32>,
          %mul3A_517 = arith.constant 16 : i32
          %mul3A_518 = arith.muli %scan3A_249, %mul3A_517 : i32
          %add3A_519 = arith.constant 4 : i32
          %add3A_520 = arith.addi %mul3A_518, %add3A_519 : i32
          %get3A_521 = arith.index_cast %add3A_520 : i32 to index
          %get3A_522 = arith.constant 0 : index
          %get3A_523 = tpu.vector_load %arg9[%get3A_521, %get3A_522] {strides = array<i32>} : memref<128x128xf32, #tpu.memory_space<vmem>>, vector<1x16xf32>,
          %get3A_524 = vector.shape_cast %get3A_523 : vector<1x16xf32> to vector<16xf32>
          %mul3A_525 = arith.mulf %get3A_524, %get3A_64 : vector<16xf32>
          %get3A_526 = arith.index_cast %add3A_520 : i32 to index
          %get3A_527 = arith.constant 16 : index
          %get3A_528 = tpu.vector_load %arg9[%get3A_526, %get3A_527] {strides = array<i32>} : memref<128x128xf32, #tpu.memory_space<vmem>>, vector<1x16xf32>,
          %get3A_529 = vector.shape_cast %get3A_528 : vector<1x16xf32> to vector<16xf32>
          %mul3A_530 = arith.mulf %get3A_529, %get3A_69 : vector<16xf32>
          %get3A_531 = arith.index_cast %add3A_520 : i32 to index
          %get3A_532 = arith.constant 32 : index
          %get3A_533 = tpu.vector_load %arg9[%get3A_531, %get3A_532] {strides = array<i32>} : memref<128x128xf32, #tpu.memory_space<vmem>>, vector<1x16xf32>,
          %get3A_534 = vector.shape_cast %get3A_533 : vector<1x16xf32> to vector<16xf32>
          %mul3A_535 = arith.mulf %get3A_534, %get3A_74 : vector<16xf32>
          %get3A_536 = arith.index_cast %add3A_520 : i32 to index
          %get3A_537 = arith.constant 48 : index
          %get3A_538 = tpu.vector_load %arg9[%get3A_536, %get3A_537] {strides = array<i32>} : memref<128x128xf32, #tpu.memory_space<vmem>>, vector<1x16xf32>,
          %get3A_539 = vector.shape_cast %get3A_538 : vector<1x16xf32> to vector<16xf32>
          %mul3A_540 = arith.mulf %get3A_539, %get3A_79 : vector<16xf32>
          %get3A_541 = arith.index_cast %add3A_520 : i32 to index
          %get3A_542 = arith.constant 64 : index
          %get3A_543 = tpu.vector_load %arg9[%get3A_541, %get3A_542] {strides = array<i32>} : memref<128x128xf32, #tpu.memory_space<vmem>>, vector<1x16xf32>,
          %get3A_544 = vector.shape_cast %get3A_543 : vector<1x16xf32> to vector<16xf32>
          %mul3A_545 = arith.mulf %get3A_544, %get3A_84 : vector<16xf32>
          %get3A_546 = arith.index_cast %add3A_520 : i32 to index
          %get3A_547 = arith.constant 80 : index
          %get3A_548 = tpu.vector_load %arg9[%get3A_546, %get3A_547] {strides = array<i32>} : memref<128x128xf32, #tpu.memory_space<vmem>>, vector<1x16xf32>,
          %get3A_549 = vector.shape_cast %get3A_548 : vector<1x16xf32> to vector<16xf32>
          %mul3A_550 = arith.mulf %get3A_549, %get3A_89 : vector<16xf32>
          %add3A_551 = arith.addf %mul3A_525, %mul3A_530 : vector<16xf32>
          %add3A_552 = arith.addf %mul3A_535, %mul3A_540 : vector<16xf32>
          %add3A_553 = arith.addf %add3A_551, %add3A_552 : vector<16xf32>
          %add3A_554 = arith.addf %mul3A_545, %mul3A_550 : vector<16xf32>
          %add3A_555 = arith.addf %add3A_553, %add3A_554 : vector<16xf32>
          %mul3A_556 = arith.constant 16 : i32
          %mul3A_557 = arith.muli %add3A_520, %mul3A_556 : i32
          %swap3A_558 = arith.index_cast %mul3A_557 : i32 to index
          %swap3A_559 = tpu.vector_load %arg13[%swap3A_558] {strides = array<i32>} : memref<2048xf32, #tpu.memory_space<vmem>>, vector<16xf32>,
          %swap3A_560 = vector.shape_cast %swap3A_559 : vector<16xf32> to vector<16xf32>
          %swap3A_561 = vector.shape_cast %add3A_555 : vector<16xf32> to vector<16xf32>
          tpu.vector_store %arg13[%swap3A_558], %swap3A_561 {strides = array<i32>} : memref<2048xf32, #tpu.memory_space<vmem>>, vector<16xf32>,
          %get3A_562 = arith.index_cast %add3A_520 : i32 to index
          %get3A_563 = arith.constant 96 : index
          %get3A_564 = tpu.vector_load %arg9[%get3A_562, %get3A_563] {strides = array<i32>} : memref<128x128xf32, #tpu.memory_space<vmem>>, vector<1x16xf32>,
          %get3A_565 = vector.shape_cast %get3A_564 : vector<1x16xf32> to vector<16xf32>
          %add3A_566 = arith.addf %get3A_565, %add3A_170 : vector<16xf32>
          %eq3A_567 = arith.constant 4 : i32
          %eq3A_568 = vector.broadcast %eq3A_567 : i32 to vector<16xi32>
          %eq3A_569 = arith.cmpi eq, %iota3A, %eq3A_568 : vector<16xi32>
          %slice3A_570 = vector.extract_strided_slice %get3A_255 {offsets = [4], sizes = [1], strides = [1]} : vector<16xf32> to vector<1xf32>
          %squeeze3A_571 = vector.extract %slice3A_570[0] : f32 from vector<1xf32>
          %jit3A_572 = arith.constant 0.000000e+00 : f32
          %broadcast_in_dim3A_573 = vector.broadcast %squeeze3A_571 : f32 to vector<16xf32>
          %broadcast_in_dim3A_574 = vector.broadcast %jit3A_572 : f32 to vector<16xf32>
          %select_n3A_575 = arith.select %eq3A_569, %broadcast_in_dim3A_573, %broadcast_in_dim3A_574 : vector<16xi1>, vector<16xf32>
          %add3A_576 = arith.addf %add3A_566, %select_n3A_575 : vector<16xf32>
          %mul3A_577 = arith.constant 16 : i32
          %mul3A_578 = arith.muli %add3A_520, %mul3A_577 : i32
          %swap3A_579 = arith.index_cast %mul3A_578 : i32 to index
          %swap3A_580 = tpu.vector_load %arg15[%swap3A_579] {strides = array<i32>} : memref<2048xf32, #tpu.memory_space<vmem>>, vector<16xf32>,
          %swap3A_581 = vector.shape_cast %swap3A_580 : vector<16xf32> to vector<16xf32>
          %swap3A_582 = vector.shape_cast %add3A_576 : vector<16xf32> to vector<16xf32>
          tpu.vector_store %arg15[%swap3A_579], %swap3A_582 {strides = array<i32>} : memref<2048xf32, #tpu.memory_space<vmem>>, vector<16xf32>,
          %mul3A_583 = arith.constant 16 : i32
          %mul3A_584 = arith.muli %scan3A_249, %mul3A_583 : i32
          %add3A_585 = arith.constant 5 : i32
          %add3A_586 = arith.addi %mul3A_584, %add3A_585 : i32
          %get3A_587 = arith.index_cast %add3A_586 : i32 to index
          %get3A_588 = arith.constant 0 : index
          %get3A_589 = tpu.vector_load %arg9[%get3A_587, %get3A_588] {strides = array<i32>} : memref<128x128xf32, #tpu.memory_space<vmem>>, vector<1x16xf32>,
          %get3A_590 = vector.shape_cast %get3A_589 : vector<1x16xf32> to vector<16xf32>
          %mul3A_591 = arith.mulf %get3A_590, %get3A_64 : vector<16xf32>
          %get3A_592 = arith.index_cast %add3A_586 : i32 to index
          %get3A_593 = arith.constant 16 : index
          %get3A_594 = tpu.vector_load %arg9[%get3A_592, %get3A_593] {strides = array<i32>} : memref<128x128xf32, #tpu.memory_space<vmem>>, vector<1x16xf32>,
          %get3A_595 = vector.shape_cast %get3A_594 : vector<1x16xf32> to vector<16xf32>
          %mul3A_596 = arith.mulf %get3A_595, %get3A_69 : vector<16xf32>
          %get3A_597 = arith.index_cast %add3A_586 : i32 to index
          %get3A_598 = arith.constant 32 : index
          %get3A_599 = tpu.vector_load %arg9[%get3A_597, %get3A_598] {strides = array<i32>} : memref<128x128xf32, #tpu.memory_space<vmem>>, vector<1x16xf32>,
          %get3A_600 = vector.shape_cast %get3A_599 : vector<1x16xf32> to vector<16xf32>
          %mul3A_601 = arith.mulf %get3A_600, %get3A_74 : vector<16xf32>
          %get3A_602 = arith.index_cast %add3A_586 : i32 to index
          %get3A_603 = arith.constant 48 : index
          %get3A_604 = tpu.vector_load %arg9[%get3A_602, %get3A_603] {strides = array<i32>} : memref<128x128xf32, #tpu.memory_space<vmem>>, vector<1x16xf32>,
          %get3A_605 = vector.shape_cast %get3A_604 : vector<1x16xf32> to vector<16xf32>
          %mul3A_606 = arith.mulf %get3A_605, %get3A_79 : vector<16xf32>
          %get3A_607 = arith.index_cast %add3A_586 : i32 to index
          %get3A_608 = arith.constant 64 : index
          %get3A_609 = tpu.vector_load %arg9[%get3A_607, %get3A_608] {strides = array<i32>} : memref<128x128xf32, #tpu.memory_space<vmem>>, vector<1x16xf32>,
          %get3A_610 = vector.shape_cast %get3A_609 : vector<1x16xf32> to vector<16xf32>
          %mul3A_611 = arith.mulf %get3A_610, %get3A_84 : vector<16xf32>
          %get3A_612 = arith.index_cast %add3A_586 : i32 to index
          %get3A_613 = arith.constant 80 : index
          %get3A_614 = tpu.vector_load %arg9[%get3A_612, %get3A_613] {strides = array<i32>} : memref<128x128xf32, #tpu.memory_space<vmem>>, vector<1x16xf32>,
          %get3A_615 = vector.shape_cast %get3A_614 : vector<1x16xf32> to vector<16xf32>
          %mul3A_616 = arith.mulf %get3A_615, %get3A_89 : vector<16xf32>
          %add3A_617 = arith.addf %mul3A_591, %mul3A_596 : vector<16xf32>
          %add3A_618 = arith.addf %mul3A_601, %mul3A_606 : vector<16xf32>
          %add3A_619 = arith.addf %add3A_617, %add3A_618 : vector<16xf32>
          %add3A_620 = arith.addf %mul3A_611, %mul3A_616 : vector<16xf32>
          %add3A_621 = arith.addf %add3A_619, %add3A_620 : vector<16xf32>
          %mul3A_622 = arith.constant 16 : i32
          %mul3A_623 = arith.muli %add3A_586, %mul3A_622 : i32
          %swap3A_624 = arith.index_cast %mul3A_623 : i32 to index
          %swap3A_625 = tpu.vector_load %arg13[%swap3A_624] {strides = array<i32>} : memref<2048xf32, #tpu.memory_space<vmem>>, vector<16xf32>,
          %swap3A_626 = vector.shape_cast %swap3A_625 : vector<16xf32> to vector<16xf32>
          %swap3A_627 = vector.shape_cast %add3A_621 : vector<16xf32> to vector<16xf32>
          tpu.vector_store %arg13[%swap3A_624], %swap3A_627 {strides = array<i32>} : memref<2048xf32, #tpu.memory_space<vmem>>, vector<16xf32>,
          %get3A_628 = arith.index_cast %add3A_586 : i32 to index
          %get3A_629 = arith.constant 96 : index
          %get3A_630 = tpu.vector_load %arg9[%get3A_628, %get3A_629] {strides = array<i32>} : memref<128x128xf32, #tpu.memory_space<vmem>>, vector<1x16xf32>,
          %get3A_631 = vector.shape_cast %get3A_630 : vector<1x16xf32> to vector<16xf32>
          %add3A_632 = arith.addf %get3A_631, %add3A_170 : vector<16xf32>
          %eq3A_633 = arith.constant 4 : i32
          %eq3A_634 = vector.broadcast %eq3A_633 : i32 to vector<16xi32>
          %eq3A_635 = arith.cmpi eq, %iota3A, %eq3A_634 : vector<16xi32>
          %slice3A_636 = vector.extract_strided_slice %get3A_255 {offsets = [5], sizes = [1], strides = [1]} : vector<16xf32> to vector<1xf32>
          %squeeze3A_637 = vector.extract %slice3A_636[0] : f32 from vector<1xf32>
          %jit3A_638 = arith.constant 0.000000e+00 : f32
          %broadcast_in_dim3A_639 = vector.broadcast %squeeze3A_637 : f32 to vector<16xf32>
          %broadcast_in_dim3A_640 = vector.broadcast %jit3A_638 : f32 to vector<16xf32>
          %select_n3A_641 = arith.select %eq3A_635, %broadcast_in_dim3A_639, %broadcast_in_dim3A_640 : vector<16xi1>, vector<16xf32>
          %add3A_642 = arith.addf %add3A_632, %select_n3A_641 : vector<16xf32>
          %mul3A_643 = arith.constant 16 : i32
          %mul3A_644 = arith.muli %add3A_586, %mul3A_643 : i32
          %swap3A_645 = arith.index_cast %mul3A_644 : i32 to index
          %swap3A_646 = tpu.vector_load %arg15[%swap3A_645] {strides = array<i32>} : memref<2048xf32, #tpu.memory_space<vmem>>, vector<16xf32>,
          %swap3A_647 = vector.shape_cast %swap3A_646 : vector<16xf32> to vector<16xf32>
          %swap3A_648 = vector.shape_cast %add3A_642 : vector<16xf32> to vector<16xf32>
          tpu.vector_store %arg15[%swap3A_645], %swap3A_648 {strides = array<i32>} : memref<2048xf32, #tpu.memory_space<vmem>>, vector<16xf32>,
          %mul3A_649 = arith.constant 16 : i32
          %mul3A_650 = arith.muli %scan3A_249, %mul3A_649 : i32
          %add3A_651 = arith.constant 6 : i32
          %add3A_652 = arith.addi %mul3A_650, %add3A_651 : i32
          %get3A_653 = arith.index_cast %add3A_652 : i32 to index
          %get3A_654 = arith.constant 0 : index
          %get3A_655 = tpu.vector_load %arg9[%get3A_653, %get3A_654] {strides = array<i32>} : memref<128x128xf32, #tpu.memory_space<vmem>>, vector<1x16xf32>,
          %get3A_656 = vector.shape_cast %get3A_655 : vector<1x16xf32> to vector<16xf32>
          %mul3A_657 = arith.mulf %get3A_656, %get3A_64 : vector<16xf32>
          %get3A_658 = arith.index_cast %add3A_652 : i32 to index
          %get3A_659 = arith.constant 16 : index
          %get3A_660 = tpu.vector_load %arg9[%get3A_658, %get3A_659] {strides = array<i32>} : memref<128x128xf32, #tpu.memory_space<vmem>>, vector<1x16xf32>,
          %get3A_661 = vector.shape_cast %get3A_660 : vector<1x16xf32> to vector<16xf32>
          %mul3A_662 = arith.mulf %get3A_661, %get3A_69 : vector<16xf32>
          %get3A_663 = arith.index_cast %add3A_652 : i32 to index
          %get3A_664 = arith.constant 32 : index
          %get3A_665 = tpu.vector_load %arg9[%get3A_663, %get3A_664] {strides = array<i32>} : memref<128x128xf32, #tpu.memory_space<vmem>>, vector<1x16xf32>,
          %get3A_666 = vector.shape_cast %get3A_665 : vector<1x16xf32> to vector<16xf32>
          %mul3A_667 = arith.mulf %get3A_666, %get3A_74 : vector<16xf32>
          %get3A_668 = arith.index_cast %add3A_652 : i32 to index
          %get3A_669 = arith.constant 48 : index
          %get3A_670 = tpu.vector_load %arg9[%get3A_668, %get3A_669] {strides = array<i32>} : memref<128x128xf32, #tpu.memory_space<vmem>>, vector<1x16xf32>,
          %get3A_671 = vector.shape_cast %get3A_670 : vector<1x16xf32> to vector<16xf32>
          %mul3A_672 = arith.mulf %get3A_671, %get3A_79 : vector<16xf32>
          %get3A_673 = arith.index_cast %add3A_652 : i32 to index
          %get3A_674 = arith.constant 64 : index
          %get3A_675 = tpu.vector_load %arg9[%get3A_673, %get3A_674] {strides = array<i32>} : memref<128x128xf32, #tpu.memory_space<vmem>>, vector<1x16xf32>,
          %get3A_676 = vector.shape_cast %get3A_675 : vector<1x16xf32> to vector<16xf32>
          %mul3A_677 = arith.mulf %get3A_676, %get3A_84 : vector<16xf32>
          %get3A_678 = arith.index_cast %add3A_652 : i32 to index
          %get3A_679 = arith.constant 80 : index
          %get3A_680 = tpu.vector_load %arg9[%get3A_678, %get3A_679] {strides = array<i32>} : memref<128x128xf32, #tpu.memory_space<vmem>>, vector<1x16xf32>,
          %get3A_681 = vector.shape_cast %get3A_680 : vector<1x16xf32> to vector<16xf32>
          %mul3A_682 = arith.mulf %get3A_681, %get3A_89 : vector<16xf32>
          %add3A_683 = arith.addf %mul3A_657, %mul3A_662 : vector<16xf32>
          %add3A_684 = arith.addf %mul3A_667, %mul3A_672 : vector<16xf32>
          %add3A_685 = arith.addf %add3A_683, %add3A_684 : vector<16xf32>
          %add3A_686 = arith.addf %mul3A_677, %mul3A_682 : vector<16xf32>
          %add3A_687 = arith.addf %add3A_685, %add3A_686 : vector<16xf32>
          %mul3A_688 = arith.constant 16 : i32
          %mul3A_689 = arith.muli %add3A_652, %mul3A_688 : i32
          %swap3A_690 = arith.index_cast %mul3A_689 : i32 to index
          %swap3A_691 = tpu.vector_load %arg13[%swap3A_690] {strides = array<i32>} : memref<2048xf32, #tpu.memory_space<vmem>>, vector<16xf32>,
          %swap3A_692 = vector.shape_cast %swap3A_691 : vector<16xf32> to vector<16xf32>
          %swap3A_693 = vector.shape_cast %add3A_687 : vector<16xf32> to vector<16xf32>
          tpu.vector_store %arg13[%swap3A_690], %swap3A_693 {strides = array<i32>} : memref<2048xf32, #tpu.memory_space<vmem>>, vector<16xf32>,
          %get3A_694 = arith.index_cast %add3A_652 : i32 to index
          %get3A_695 = arith.constant 96 : index
          %get3A_696 = tpu.vector_load %arg9[%get3A_694, %get3A_695] {strides = array<i32>} : memref<128x128xf32, #tpu.memory_space<vmem>>, vector<1x16xf32>,
          %get3A_697 = vector.shape_cast %get3A_696 : vector<1x16xf32> to vector<16xf32>
          %add3A_698 = arith.addf %get3A_697, %add3A_170 : vector<16xf32>
          %eq3A_699 = arith.constant 4 : i32
          %eq3A_700 = vector.broadcast %eq3A_699 : i32 to vector<16xi32>
          %eq3A_701 = arith.cmpi eq, %iota3A, %eq3A_700 : vector<16xi32>
          %slice3A_702 = vector.extract_strided_slice %get3A_255 {offsets = [6], sizes = [1], strides = [1]} : vector<16xf32> to vector<1xf32>
          %squeeze3A_703 = vector.extract %slice3A_702[0] : f32 from vector<1xf32>
          %jit3A_704 = arith.constant 0.000000e+00 : f32
          %broadcast_in_dim3A_705 = vector.broadcast %squeeze3A_703 : f32 to vector<16xf32>
          %broadcast_in_dim3A_706 = vector.broadcast %jit3A_704 : f32 to vector<16xf32>
          %select_n3A_707 = arith.select %eq3A_701, %broadcast_in_dim3A_705, %broadcast_in_dim3A_706 : vector<16xi1>, vector<16xf32>
          %add3A_708 = arith.addf %add3A_698, %select_n3A_707 : vector<16xf32>
          %mul3A_709 = arith.constant 16 : i32
          %mul3A_710 = arith.muli %add3A_652, %mul3A_709 : i32
          %swap3A_711 = arith.index_cast %mul3A_710 : i32 to index
          %swap3A_712 = tpu.vector_load %arg15[%swap3A_711] {strides = array<i32>} : memref<2048xf32, #tpu.memory_space<vmem>>, vector<16xf32>,
          %swap3A_713 = vector.shape_cast %swap3A_712 : vector<16xf32> to vector<16xf32>
          %swap3A_714 = vector.shape_cast %add3A_708 : vector<16xf32> to vector<16xf32>
          tpu.vector_store %arg15[%swap3A_711], %swap3A_714 {strides = array<i32>} : memref<2048xf32, #tpu.memory_space<vmem>>, vector<16xf32>,
          %mul3A_715 = arith.constant 16 : i32
          %mul3A_716 = arith.muli %scan3A_249, %mul3A_715 : i32
          %add3A_717 = arith.constant 7 : i32
          %add3A_718 = arith.addi %mul3A_716, %add3A_717 : i32
          %get3A_719 = arith.index_cast %add3A_718 : i32 to index
          %get3A_720 = arith.constant 0 : index
          %get3A_721 = tpu.vector_load %arg9[%get3A_719, %get3A_720] {strides = array<i32>} : memref<128x128xf32, #tpu.memory_space<vmem>>, vector<1x16xf32>,
          %get3A_722 = vector.shape_cast %get3A_721 : vector<1x16xf32> to vector<16xf32>
          %mul3A_723 = arith.mulf %get3A_722, %get3A_64 : vector<16xf32>
          %get3A_724 = arith.index_cast %add3A_718 : i32 to index
          %get3A_725 = arith.constant 16 : index
          %get3A_726 = tpu.vector_load %arg9[%get3A_724, %get3A_725] {strides = array<i32>} : memref<128x128xf32, #tpu.memory_space<vmem>>, vector<1x16xf32>,
          %get3A_727 = vector.shape_cast %get3A_726 : vector<1x16xf32> to vector<16xf32>
          %mul3A_728 = arith.mulf %get3A_727, %get3A_69 : vector<16xf32>
          %get3A_729 = arith.index_cast %add3A_718 : i32 to index
          %get3A_730 = arith.constant 32 : index
          %get3A_731 = tpu.vector_load %arg9[%get3A_729, %get3A_730] {strides = array<i32>} : memref<128x128xf32, #tpu.memory_space<vmem>>, vector<1x16xf32>,
          %get3A_732 = vector.shape_cast %get3A_731 : vector<1x16xf32> to vector<16xf32>
          %mul3A_733 = arith.mulf %get3A_732, %get3A_74 : vector<16xf32>
          %get3A_734 = arith.index_cast %add3A_718 : i32 to index
          %get3A_735 = arith.constant 48 : index
          %get3A_736 = tpu.vector_load %arg9[%get3A_734, %get3A_735] {strides = array<i32>} : memref<128x128xf32, #tpu.memory_space<vmem>>, vector<1x16xf32>,
          %get3A_737 = vector.shape_cast %get3A_736 : vector<1x16xf32> to vector<16xf32>
          %mul3A_738 = arith.mulf %get3A_737, %get3A_79 : vector<16xf32>
          %get3A_739 = arith.index_cast %add3A_718 : i32 to index
          %get3A_740 = arith.constant 64 : index
          %get3A_741 = tpu.vector_load %arg9[%get3A_739, %get3A_740] {strides = array<i32>} : memref<128x128xf32, #tpu.memory_space<vmem>>, vector<1x16xf32>,
          %get3A_742 = vector.shape_cast %get3A_741 : vector<1x16xf32> to vector<16xf32>
          %mul3A_743 = arith.mulf %get3A_742, %get3A_84 : vector<16xf32>
          %get3A_744 = arith.index_cast %add3A_718 : i32 to index
          %get3A_745 = arith.constant 80 : index
          %get3A_746 = tpu.vector_load %arg9[%get3A_744, %get3A_745] {strides = array<i32>} : memref<128x128xf32, #tpu.memory_space<vmem>>, vector<1x16xf32>,
          %get3A_747 = vector.shape_cast %get3A_746 : vector<1x16xf32> to vector<16xf32>
          %mul3A_748 = arith.mulf %get3A_747, %get3A_89 : vector<16xf32>
          %add3A_749 = arith.addf %mul3A_723, %mul3A_728 : vector<16xf32>
          %add3A_750 = arith.addf %mul3A_733, %mul3A_738 : vector<16xf32>
          %add3A_751 = arith.addf %add3A_749, %add3A_750 : vector<16xf32>
          %add3A_752 = arith.addf %mul3A_743, %mul3A_748 : vector<16xf32>
          %add3A_753 = arith.addf %add3A_751, %add3A_752 : vector<16xf32>
          %mul3A_754 = arith.constant 16 : i32
          %mul3A_755 = arith.muli %add3A_718, %mul3A_754 : i32
          %swap3A_756 = arith.index_cast %mul3A_755 : i32 to index
          %swap3A_757 = tpu.vector_load %arg13[%swap3A_756] {strides = array<i32>} : memref<2048xf32, #tpu.memory_space<vmem>>, vector<16xf32>,
          %swap3A_758 = vector.shape_cast %swap3A_757 : vector<16xf32> to vector<16xf32>
          %swap3A_759 = vector.shape_cast %add3A_753 : vector<16xf32> to vector<16xf32>
          tpu.vector_store %arg13[%swap3A_756], %swap3A_759 {strides = array<i32>} : memref<2048xf32, #tpu.memory_space<vmem>>, vector<16xf32>,
          %get3A_760 = arith.index_cast %add3A_718 : i32 to index
          %get3A_761 = arith.constant 96 : index
          %get3A_762 = tpu.vector_load %arg9[%get3A_760, %get3A_761] {strides = array<i32>} : memref<128x128xf32, #tpu.memory_space<vmem>>, vector<1x16xf32>,
          %get3A_763 = vector.shape_cast %get3A_762 : vector<1x16xf32> to vector<16xf32>
          %add3A_764 = arith.addf %get3A_763, %add3A_170 : vector<16xf32>
          %eq3A_765 = arith.constant 4 : i32
          %eq3A_766 = vector.broadcast %eq3A_765 : i32 to vector<16xi32>
          %eq3A_767 = arith.cmpi eq, %iota3A, %eq3A_766 : vector<16xi32>
          %slice3A_768 = vector.extract_strided_slice %get3A_255 {offsets = [7], sizes = [1], strides = [1]} : vector<16xf32> to vector<1xf32>
          %squeeze3A_769 = vector.extract %slice3A_768[0] : f32 from vector<1xf32>
          %jit3A_770 = arith.constant 0.000000e+00 : f32
          %broadcast_in_dim3A_771 = vector.broadcast %squeeze3A_769 : f32 to vector<16xf32>
          %broadcast_in_dim3A_772 = vector.broadcast %jit3A_770 : f32 to vector<16xf32>
          %select_n3A_773 = arith.select %eq3A_767, %broadcast_in_dim3A_771, %broadcast_in_dim3A_772 : vector<16xi1>, vector<16xf32>
          %add3A_774 = arith.addf %add3A_764, %select_n3A_773 : vector<16xf32>
          %mul3A_775 = arith.constant 16 : i32
          %mul3A_776 = arith.muli %add3A_718, %mul3A_775 : i32
          %swap3A_777 = arith.index_cast %mul3A_776 : i32 to index
          %swap3A_778 = tpu.vector_load %arg15[%swap3A_777] {strides = array<i32>} : memref<2048xf32, #tpu.memory_space<vmem>>, vector<16xf32>,
          %swap3A_779 = vector.shape_cast %swap3A_778 : vector<16xf32> to vector<16xf32>
          %swap3A_780 = vector.shape_cast %add3A_774 : vector<16xf32> to vector<16xf32>
          tpu.vector_store %arg15[%swap3A_777], %swap3A_780 {strides = array<i32>} : memref<2048xf32, #tpu.memory_space<vmem>>, vector<16xf32>,
          %mul3A_781 = arith.constant 16 : i32
          %mul3A_782 = arith.muli %scan3A_249, %mul3A_781 : i32
          %add3A_783 = arith.constant 8 : i32
          %add3A_784 = arith.addi %mul3A_782, %add3A_783 : i32
          %get3A_785 = arith.index_cast %add3A_784 : i32 to index
          %get3A_786 = arith.constant 0 : index
          %get3A_787 = tpu.vector_load %arg9[%get3A_785, %get3A_786] {strides = array<i32>} : memref<128x128xf32, #tpu.memory_space<vmem>>, vector<1x16xf32>,
          %get3A_788 = vector.shape_cast %get3A_787 : vector<1x16xf32> to vector<16xf32>
          %mul3A_789 = arith.mulf %get3A_788, %get3A_64 : vector<16xf32>
          %get3A_790 = arith.index_cast %add3A_784 : i32 to index
          %get3A_791 = arith.constant 16 : index
          %get3A_792 = tpu.vector_load %arg9[%get3A_790, %get3A_791] {strides = array<i32>} : memref<128x128xf32, #tpu.memory_space<vmem>>, vector<1x16xf32>,
          %get3A_793 = vector.shape_cast %get3A_792 : vector<1x16xf32> to vector<16xf32>
          %mul3A_794 = arith.mulf %get3A_793, %get3A_69 : vector<16xf32>
          %get3A_795 = arith.index_cast %add3A_784 : i32 to index
          %get3A_796 = arith.constant 32 : index
          %get3A_797 = tpu.vector_load %arg9[%get3A_795, %get3A_796] {strides = array<i32>} : memref<128x128xf32, #tpu.memory_space<vmem>>, vector<1x16xf32>,
          %get3A_798 = vector.shape_cast %get3A_797 : vector<1x16xf32> to vector<16xf32>
          %mul3A_799 = arith.mulf %get3A_798, %get3A_74 : vector<16xf32>
          %get3A_800 = arith.index_cast %add3A_784 : i32 to index
          %get3A_801 = arith.constant 48 : index
          %get3A_802 = tpu.vector_load %arg9[%get3A_800, %get3A_801] {strides = array<i32>} : memref<128x128xf32, #tpu.memory_space<vmem>>, vector<1x16xf32>,
          %get3A_803 = vector.shape_cast %get3A_802 : vector<1x16xf32> to vector<16xf32>
          %mul3A_804 = arith.mulf %get3A_803, %get3A_79 : vector<16xf32>
          %get3A_805 = arith.index_cast %add3A_784 : i32 to index
          %get3A_806 = arith.constant 64 : index
          %get3A_807 = tpu.vector_load %arg9[%get3A_805, %get3A_806] {strides = array<i32>} : memref<128x128xf32, #tpu.memory_space<vmem>>, vector<1x16xf32>,
          %get3A_808 = vector.shape_cast %get3A_807 : vector<1x16xf32> to vector<16xf32>
          %mul3A_809 = arith.mulf %get3A_808, %get3A_84 : vector<16xf32>
          %get3A_810 = arith.index_cast %add3A_784 : i32 to index
          %get3A_811 = arith.constant 80 : index
          %get3A_812 = tpu.vector_load %arg9[%get3A_810, %get3A_811] {strides = array<i32>} : memref<128x128xf32, #tpu.memory_space<vmem>>, vector<1x16xf32>,
          %get3A_813 = vector.shape_cast %get3A_812 : vector<1x16xf32> to vector<16xf32>
          %mul3A_814 = arith.mulf %get3A_813, %get3A_89 : vector<16xf32>
          %add3A_815 = arith.addf %mul3A_789, %mul3A_794 : vector<16xf32>
          %add3A_816 = arith.addf %mul3A_799, %mul3A_804 : vector<16xf32>
          %add3A_817 = arith.addf %add3A_815, %add3A_816 : vector<16xf32>
          %add3A_818 = arith.addf %mul3A_809, %mul3A_814 : vector<16xf32>
          %add3A_819 = arith.addf %add3A_817, %add3A_818 : vector<16xf32>
          %mul3A_820 = arith.constant 16 : i32
          %mul3A_821 = arith.muli %add3A_784, %mul3A_820 : i32
          %swap3A_822 = arith.index_cast %mul3A_821 : i32 to index
          %swap3A_823 = tpu.vector_load %arg13[%swap3A_822] {strides = array<i32>} : memref<2048xf32, #tpu.memory_space<vmem>>, vector<16xf32>,
          %swap3A_824 = vector.shape_cast %swap3A_823 : vector<16xf32> to vector<16xf32>
          %swap3A_825 = vector.shape_cast %add3A_819 : vector<16xf32> to vector<16xf32>
          tpu.vector_store %arg13[%swap3A_822], %swap3A_825 {strides = array<i32>} : memref<2048xf32, #tpu.memory_space<vmem>>, vector<16xf32>,
          %get3A_826 = arith.index_cast %add3A_784 : i32 to index
          %get3A_827 = arith.constant 96 : index
          %get3A_828 = tpu.vector_load %arg9[%get3A_826, %get3A_827] {strides = array<i32>} : memref<128x128xf32, #tpu.memory_space<vmem>>, vector<1x16xf32>,
          %get3A_829 = vector.shape_cast %get3A_828 : vector<1x16xf32> to vector<16xf32>
          %add3A_830 = arith.addf %get3A_829, %add3A_170 : vector<16xf32>
          %eq3A_831 = arith.constant 4 : i32
          %eq3A_832 = vector.broadcast %eq3A_831 : i32 to vector<16xi32>
          %eq3A_833 = arith.cmpi eq, %iota3A, %eq3A_832 : vector<16xi32>
          %slice3A_834 = vector.extract_strided_slice %get3A_255 {offsets = [8], sizes = [1], strides = [1]} : vector<16xf32> to vector<1xf32>
          %squeeze3A_835 = vector.extract %slice3A_834[0] : f32 from vector<1xf32>
          %jit3A_836 = arith.constant 0.000000e+00 : f32
          %broadcast_in_dim3A_837 = vector.broadcast %squeeze3A_835 : f32 to vector<16xf32>
          %broadcast_in_dim3A_838 = vector.broadcast %jit3A_836 : f32 to vector<16xf32>
          %select_n3A_839 = arith.select %eq3A_833, %broadcast_in_dim3A_837, %broadcast_in_dim3A_838 : vector<16xi1>, vector<16xf32>
          %add3A_840 = arith.addf %add3A_830, %select_n3A_839 : vector<16xf32>
          %mul3A_841 = arith.constant 16 : i32
          %mul3A_842 = arith.muli %add3A_784, %mul3A_841 : i32
          %swap3A_843 = arith.index_cast %mul3A_842 : i32 to index
          %swap3A_844 = tpu.vector_load %arg15[%swap3A_843] {strides = array<i32>} : memref<2048xf32, #tpu.memory_space<vmem>>, vector<16xf32>,
          %swap3A_845 = vector.shape_cast %swap3A_844 : vector<16xf32> to vector<16xf32>
          %swap3A_846 = vector.shape_cast %add3A_840 : vector<16xf32> to vector<16xf32>
          tpu.vector_store %arg15[%swap3A_843], %swap3A_846 {strides = array<i32>} : memref<2048xf32, #tpu.memory_space<vmem>>, vector<16xf32>,
          %mul3A_847 = arith.constant 16 : i32
          %mul3A_848 = arith.muli %scan3A_249, %mul3A_847 : i32
          %add3A_849 = arith.constant 9 : i32
          %add3A_850 = arith.addi %mul3A_848, %add3A_849 : i32
          %get3A_851 = arith.index_cast %add3A_850 : i32 to index
          %get3A_852 = arith.constant 0 : index
          %get3A_853 = tpu.vector_load %arg9[%get3A_851, %get3A_852] {strides = array<i32>} : memref<128x128xf32, #tpu.memory_space<vmem>>, vector<1x16xf32>,
          %get3A_854 = vector.shape_cast %get3A_853 : vector<1x16xf32> to vector<16xf32>
          %mul3A_855 = arith.mulf %get3A_854, %get3A_64 : vector<16xf32>
          %get3A_856 = arith.index_cast %add3A_850 : i32 to index
          %get3A_857 = arith.constant 16 : index
          %get3A_858 = tpu.vector_load %arg9[%get3A_856, %get3A_857] {strides = array<i32>} : memref<128x128xf32, #tpu.memory_space<vmem>>, vector<1x16xf32>,
          %get3A_859 = vector.shape_cast %get3A_858 : vector<1x16xf32> to vector<16xf32>
          %mul3A_860 = arith.mulf %get3A_859, %get3A_69 : vector<16xf32>
          %get3A_861 = arith.index_cast %add3A_850 : i32 to index
          %get3A_862 = arith.constant 32 : index
          %get3A_863 = tpu.vector_load %arg9[%get3A_861, %get3A_862] {strides = array<i32>} : memref<128x128xf32, #tpu.memory_space<vmem>>, vector<1x16xf32>,
          %get3A_864 = vector.shape_cast %get3A_863 : vector<1x16xf32> to vector<16xf32>
          %mul3A_865 = arith.mulf %get3A_864, %get3A_74 : vector<16xf32>
          %get3A_866 = arith.index_cast %add3A_850 : i32 to index
          %get3A_867 = arith.constant 48 : index
          %get3A_868 = tpu.vector_load %arg9[%get3A_866, %get3A_867] {strides = array<i32>} : memref<128x128xf32, #tpu.memory_space<vmem>>, vector<1x16xf32>,
          %get3A_869 = vector.shape_cast %get3A_868 : vector<1x16xf32> to vector<16xf32>
          %mul3A_870 = arith.mulf %get3A_869, %get3A_79 : vector<16xf32>
          %get3A_871 = arith.index_cast %add3A_850 : i32 to index
          %get3A_872 = arith.constant 64 : index
          %get3A_873 = tpu.vector_load %arg9[%get3A_871, %get3A_872] {strides = array<i32>} : memref<128x128xf32, #tpu.memory_space<vmem>>, vector<1x16xf32>,
          %get3A_874 = vector.shape_cast %get3A_873 : vector<1x16xf32> to vector<16xf32>
          %mul3A_875 = arith.mulf %get3A_874, %get3A_84 : vector<16xf32>
          %get3A_876 = arith.index_cast %add3A_850 : i32 to index
          %get3A_877 = arith.constant 80 : index
          %get3A_878 = tpu.vector_load %arg9[%get3A_876, %get3A_877] {strides = array<i32>} : memref<128x128xf32, #tpu.memory_space<vmem>>, vector<1x16xf32>,
          %get3A_879 = vector.shape_cast %get3A_878 : vector<1x16xf32> to vector<16xf32>
          %mul3A_880 = arith.mulf %get3A_879, %get3A_89 : vector<16xf32>
          %add3A_881 = arith.addf %mul3A_855, %mul3A_860 : vector<16xf32>
          %add3A_882 = arith.addf %mul3A_865, %mul3A_870 : vector<16xf32>
          %add3A_883 = arith.addf %add3A_881, %add3A_882 : vector<16xf32>
          %add3A_884 = arith.addf %mul3A_875, %mul3A_880 : vector<16xf32>
          %add3A_885 = arith.addf %add3A_883, %add3A_884 : vector<16xf32>
          %mul3A_886 = arith.constant 16 : i32
          %mul3A_887 = arith.muli %add3A_850, %mul3A_886 : i32
          %swap3A_888 = arith.index_cast %mul3A_887 : i32 to index
          %swap3A_889 = tpu.vector_load %arg13[%swap3A_888] {strides = array<i32>} : memref<2048xf32, #tpu.memory_space<vmem>>, vector<16xf32>,
          %swap3A_890 = vector.shape_cast %swap3A_889 : vector<16xf32> to vector<16xf32>
          %swap3A_891 = vector.shape_cast %add3A_885 : vector<16xf32> to vector<16xf32>
          tpu.vector_store %arg13[%swap3A_888], %swap3A_891 {strides = array<i32>} : memref<2048xf32, #tpu.memory_space<vmem>>, vector<16xf32>,
          %get3A_892 = arith.index_cast %add3A_850 : i32 to index
          %get3A_893 = arith.constant 96 : index
          %get3A_894 = tpu.vector_load %arg9[%get3A_892, %get3A_893] {strides = array<i32>} : memref<128x128xf32, #tpu.memory_space<vmem>>, vector<1x16xf32>,
          %get3A_895 = vector.shape_cast %get3A_894 : vector<1x16xf32> to vector<16xf32>
          %add3A_896 = arith.addf %get3A_895, %add3A_170 : vector<16xf32>
          %eq3A_897 = arith.constant 4 : i32
          %eq3A_898 = vector.broadcast %eq3A_897 : i32 to vector<16xi32>
          %eq3A_899 = arith.cmpi eq, %iota3A, %eq3A_898 : vector<16xi32>
          %slice3A_900 = vector.extract_strided_slice %get3A_255 {offsets = [9], sizes = [1], strides = [1]} : vector<16xf32> to vector<1xf32>
          %squeeze3A_901 = vector.extract %slice3A_900[0] : f32 from vector<1xf32>
          %jit3A_902 = arith.constant 0.000000e+00 : f32
          %broadcast_in_dim3A_903 = vector.broadcast %squeeze3A_901 : f32 to vector<16xf32>
          %broadcast_in_dim3A_904 = vector.broadcast %jit3A_902 : f32 to vector<16xf32>
          %select_n3A_905 = arith.select %eq3A_899, %broadcast_in_dim3A_903, %broadcast_in_dim3A_904 : vector<16xi1>, vector<16xf32>
          %add3A_906 = arith.addf %add3A_896, %select_n3A_905 : vector<16xf32>
          %mul3A_907 = arith.constant 16 : i32
          %mul3A_908 = arith.muli %add3A_850, %mul3A_907 : i32
          %swap3A_909 = arith.index_cast %mul3A_908 : i32 to index
          %swap3A_910 = tpu.vector_load %arg15[%swap3A_909] {strides = array<i32>} : memref<2048xf32, #tpu.memory_space<vmem>>, vector<16xf32>,
          %swap3A_911 = vector.shape_cast %swap3A_910 : vector<16xf32> to vector<16xf32>
          %swap3A_912 = vector.shape_cast %add3A_906 : vector<16xf32> to vector<16xf32>
          tpu.vector_store %arg15[%swap3A_909], %swap3A_912 {strides = array<i32>} : memref<2048xf32, #tpu.memory_space<vmem>>, vector<16xf32>,
          %mul3A_913 = arith.constant 16 : i32
          %mul3A_914 = arith.muli %scan3A_249, %mul3A_913 : i32
          %add3A_915 = arith.constant 10 : i32
          %add3A_916 = arith.addi %mul3A_914, %add3A_915 : i32
          %get3A_917 = arith.index_cast %add3A_916 : i32 to index
          %get3A_918 = arith.constant 0 : index
          %get3A_919 = tpu.vector_load %arg9[%get3A_917, %get3A_918] {strides = array<i32>} : memref<128x128xf32, #tpu.memory_space<vmem>>, vector<1x16xf32>,
          %get3A_920 = vector.shape_cast %get3A_919 : vector<1x16xf32> to vector<16xf32>
          %mul3A_921 = arith.mulf %get3A_920, %get3A_64 : vector<16xf32>
          %get3A_922 = arith.index_cast %add3A_916 : i32 to index
          %get3A_923 = arith.constant 16 : index
          %get3A_924 = tpu.vector_load %arg9[%get3A_922, %get3A_923] {strides = array<i32>} : memref<128x128xf32, #tpu.memory_space<vmem>>, vector<1x16xf32>,
          %get3A_925 = vector.shape_cast %get3A_924 : vector<1x16xf32> to vector<16xf32>
          %mul3A_926 = arith.mulf %get3A_925, %get3A_69 : vector<16xf32>
          %get3A_927 = arith.index_cast %add3A_916 : i32 to index
          %get3A_928 = arith.constant 32 : index
          %get3A_929 = tpu.vector_load %arg9[%get3A_927, %get3A_928] {strides = array<i32>} : memref<128x128xf32, #tpu.memory_space<vmem>>, vector<1x16xf32>,
          %get3A_930 = vector.shape_cast %get3A_929 : vector<1x16xf32> to vector<16xf32>
          %mul3A_931 = arith.mulf %get3A_930, %get3A_74 : vector<16xf32>
          %get3A_932 = arith.index_cast %add3A_916 : i32 to index
          %get3A_933 = arith.constant 48 : index
          %get3A_934 = tpu.vector_load %arg9[%get3A_932, %get3A_933] {strides = array<i32>} : memref<128x128xf32, #tpu.memory_space<vmem>>, vector<1x16xf32>,
          %get3A_935 = vector.shape_cast %get3A_934 : vector<1x16xf32> to vector<16xf32>
          %mul3A_936 = arith.mulf %get3A_935, %get3A_79 : vector<16xf32>
          %get3A_937 = arith.index_cast %add3A_916 : i32 to index
          %get3A_938 = arith.constant 64 : index
          %get3A_939 = tpu.vector_load %arg9[%get3A_937, %get3A_938] {strides = array<i32>} : memref<128x128xf32, #tpu.memory_space<vmem>>, vector<1x16xf32>,
          %get3A_940 = vector.shape_cast %get3A_939 : vector<1x16xf32> to vector<16xf32>
          %mul3A_941 = arith.mulf %get3A_940, %get3A_84 : vector<16xf32>
          %get3A_942 = arith.index_cast %add3A_916 : i32 to index
          %get3A_943 = arith.constant 80 : index
          %get3A_944 = tpu.vector_load %arg9[%get3A_942, %get3A_943] {strides = array<i32>} : memref<128x128xf32, #tpu.memory_space<vmem>>, vector<1x16xf32>,
          %get3A_945 = vector.shape_cast %get3A_944 : vector<1x16xf32> to vector<16xf32>
          %mul3A_946 = arith.mulf %get3A_945, %get3A_89 : vector<16xf32>
          %add3A_947 = arith.addf %mul3A_921, %mul3A_926 : vector<16xf32>
          %add3A_948 = arith.addf %mul3A_931, %mul3A_936 : vector<16xf32>
          %add3A_949 = arith.addf %add3A_947, %add3A_948 : vector<16xf32>
          %add3A_950 = arith.addf %mul3A_941, %mul3A_946 : vector<16xf32>
          %add3A_951 = arith.addf %add3A_949, %add3A_950 : vector<16xf32>
          %mul3A_952 = arith.constant 16 : i32
          %mul3A_953 = arith.muli %add3A_916, %mul3A_952 : i32
          %swap3A_954 = arith.index_cast %mul3A_953 : i32 to index
          %swap3A_955 = tpu.vector_load %arg13[%swap3A_954] {strides = array<i32>} : memref<2048xf32, #tpu.memory_space<vmem>>, vector<16xf32>,
          %swap3A_956 = vector.shape_cast %swap3A_955 : vector<16xf32> to vector<16xf32>
          %swap3A_957 = vector.shape_cast %add3A_951 : vector<16xf32> to vector<16xf32>
          tpu.vector_store %arg13[%swap3A_954], %swap3A_957 {strides = array<i32>} : memref<2048xf32, #tpu.memory_space<vmem>>, vector<16xf32>,
          %get3A_958 = arith.index_cast %add3A_916 : i32 to index
          %get3A_959 = arith.constant 96 : index
          %get3A_960 = tpu.vector_load %arg9[%get3A_958, %get3A_959] {strides = array<i32>} : memref<128x128xf32, #tpu.memory_space<vmem>>, vector<1x16xf32>,
          %get3A_961 = vector.shape_cast %get3A_960 : vector<1x16xf32> to vector<16xf32>
          %add3A_962 = arith.addf %get3A_961, %add3A_170 : vector<16xf32>
          %eq3A_963 = arith.constant 4 : i32
          %eq3A_964 = vector.broadcast %eq3A_963 : i32 to vector<16xi32>
          %eq3A_965 = arith.cmpi eq, %iota3A, %eq3A_964 : vector<16xi32>
          %slice3A_966 = vector.extract_strided_slice %get3A_255 {offsets = [10], sizes = [1], strides = [1]} : vector<16xf32> to vector<1xf32>
          %squeeze3A_967 = vector.extract %slice3A_966[0] : f32 from vector<1xf32>
          %jit3A_968 = arith.constant 0.000000e+00 : f32
          %broadcast_in_dim3A_969 = vector.broadcast %squeeze3A_967 : f32 to vector<16xf32>
          %broadcast_in_dim3A_970 = vector.broadcast %jit3A_968 : f32 to vector<16xf32>
          %select_n3A_971 = arith.select %eq3A_965, %broadcast_in_dim3A_969, %broadcast_in_dim3A_970 : vector<16xi1>, vector<16xf32>
          %add3A_972 = arith.addf %add3A_962, %select_n3A_971 : vector<16xf32>
          %mul3A_973 = arith.constant 16 : i32
          %mul3A_974 = arith.muli %add3A_916, %mul3A_973 : i32
          %swap3A_975 = arith.index_cast %mul3A_974 : i32 to index
          %swap3A_976 = tpu.vector_load %arg15[%swap3A_975] {strides = array<i32>} : memref<2048xf32, #tpu.memory_space<vmem>>, vector<16xf32>,
          %swap3A_977 = vector.shape_cast %swap3A_976 : vector<16xf32> to vector<16xf32>
          %swap3A_978 = vector.shape_cast %add3A_972 : vector<16xf32> to vector<16xf32>
          tpu.vector_store %arg15[%swap3A_975], %swap3A_978 {strides = array<i32>} : memref<2048xf32, #tpu.memory_space<vmem>>, vector<16xf32>,
          %mul3A_979 = arith.constant 16 : i32
          %mul3A_980 = arith.muli %scan3A_249, %mul3A_979 : i32
          %add3A_981 = arith.constant 11 : i32
          %add3A_982 = arith.addi %mul3A_980, %add3A_981 : i32
          %get3A_983 = arith.index_cast %add3A_982 : i32 to index
          %get3A_984 = arith.constant 0 : index
          %get3A_985 = tpu.vector_load %arg9[%get3A_983, %get3A_984] {strides = array<i32>} : memref<128x128xf32, #tpu.memory_space<vmem>>, vector<1x16xf32>,
          %get3A_986 = vector.shape_cast %get3A_985 : vector<1x16xf32> to vector<16xf32>
          %mul3A_987 = arith.mulf %get3A_986, %get3A_64 : vector<16xf32>
          %get3A_988 = arith.index_cast %add3A_982 : i32 to index
          %get3A_989 = arith.constant 16 : index
          %get3A_990 = tpu.vector_load %arg9[%get3A_988, %get3A_989] {strides = array<i32>} : memref<128x128xf32, #tpu.memory_space<vmem>>, vector<1x16xf32>,
          %get3A_991 = vector.shape_cast %get3A_990 : vector<1x16xf32> to vector<16xf32>
          %mul3A_992 = arith.mulf %get3A_991, %get3A_69 : vector<16xf32>
          %get3A_993 = arith.index_cast %add3A_982 : i32 to index
          %get3A_994 = arith.constant 32 : index
          %get3A_995 = tpu.vector_load %arg9[%get3A_993, %get3A_994] {strides = array<i32>} : memref<128x128xf32, #tpu.memory_space<vmem>>, vector<1x16xf32>,
          %get3A_996 = vector.shape_cast %get3A_995 : vector<1x16xf32> to vector<16xf32>
          %mul3A_997 = arith.mulf %get3A_996, %get3A_74 : vector<16xf32>
          %get3A_998 = arith.index_cast %add3A_982 : i32 to index
          %get3A_999 = arith.constant 48 : index
          %get3A_1000 = tpu.vector_load %arg9[%get3A_998, %get3A_999] {strides = array<i32>} : memref<128x128xf32, #tpu.memory_space<vmem>>, vector<1x16xf32>,
          %get3A_1001 = vector.shape_cast %get3A_1000 : vector<1x16xf32> to vector<16xf32>
          %mul3A_1002 = arith.mulf %get3A_1001, %get3A_79 : vector<16xf32>
          %get3A_1003 = arith.index_cast %add3A_982 : i32 to index
          %get3A_1004 = arith.constant 64 : index
          %get3A_1005 = tpu.vector_load %arg9[%get3A_1003, %get3A_1004] {strides = array<i32>} : memref<128x128xf32, #tpu.memory_space<vmem>>, vector<1x16xf32>,
          %get3A_1006 = vector.shape_cast %get3A_1005 : vector<1x16xf32> to vector<16xf32>
          %mul3A_1007 = arith.mulf %get3A_1006, %get3A_84 : vector<16xf32>
          %get3A_1008 = arith.index_cast %add3A_982 : i32 to index
          %get3A_1009 = arith.constant 80 : index
          %get3A_1010 = tpu.vector_load %arg9[%get3A_1008, %get3A_1009] {strides = array<i32>} : memref<128x128xf32, #tpu.memory_space<vmem>>, vector<1x16xf32>,
          %get3A_1011 = vector.shape_cast %get3A_1010 : vector<1x16xf32> to vector<16xf32>
          %mul3A_1012 = arith.mulf %get3A_1011, %get3A_89 : vector<16xf32>
          %add3A_1013 = arith.addf %mul3A_987, %mul3A_992 : vector<16xf32>
          %add3A_1014 = arith.addf %mul3A_997, %mul3A_1002 : vector<16xf32>
          %add3A_1015 = arith.addf %add3A_1013, %add3A_1014 : vector<16xf32>
          %add3A_1016 = arith.addf %mul3A_1007, %mul3A_1012 : vector<16xf32>
          %add3A_1017 = arith.addf %add3A_1015, %add3A_1016 : vector<16xf32>
          %mul3A_1018 = arith.constant 16 : i32
          %mul3A_1019 = arith.muli %add3A_982, %mul3A_1018 : i32
          %swap3A_1020 = arith.index_cast %mul3A_1019 : i32 to index
          %swap3A_1021 = tpu.vector_load %arg13[%swap3A_1020] {strides = array<i32>} : memref<2048xf32, #tpu.memory_space<vmem>>, vector<16xf32>,
          %swap3A_1022 = vector.shape_cast %swap3A_1021 : vector<16xf32> to vector<16xf32>
          %swap3A_1023 = vector.shape_cast %add3A_1017 : vector<16xf32> to vector<16xf32>
          tpu.vector_store %arg13[%swap3A_1020], %swap3A_1023 {strides = array<i32>} : memref<2048xf32, #tpu.memory_space<vmem>>, vector<16xf32>,
          %get3A_1024 = arith.index_cast %add3A_982 : i32 to index
          %get3A_1025 = arith.constant 96 : index
          %get3A_1026 = tpu.vector_load %arg9[%get3A_1024, %get3A_1025] {strides = array<i32>} : memref<128x128xf32, #tpu.memory_space<vmem>>, vector<1x16xf32>,
          %get3A_1027 = vector.shape_cast %get3A_1026 : vector<1x16xf32> to vector<16xf32>
          %add3A_1028 = arith.addf %get3A_1027, %add3A_170 : vector<16xf32>
          %eq3A_1029 = arith.constant 4 : i32
          %eq3A_1030 = vector.broadcast %eq3A_1029 : i32 to vector<16xi32>
          %eq3A_1031 = arith.cmpi eq, %iota3A, %eq3A_1030 : vector<16xi32>
          %slice3A_1032 = vector.extract_strided_slice %get3A_255 {offsets = [11], sizes = [1], strides = [1]} : vector<16xf32> to vector<1xf32>
          %squeeze3A_1033 = vector.extract %slice3A_1032[0] : f32 from vector<1xf32>
          %jit3A_1034 = arith.constant 0.000000e+00 : f32
          %broadcast_in_dim3A_1035 = vector.broadcast %squeeze3A_1033 : f32 to vector<16xf32>
          %broadcast_in_dim3A_1036 = vector.broadcast %jit3A_1034 : f32 to vector<16xf32>
          %select_n3A_1037 = arith.select %eq3A_1031, %broadcast_in_dim3A_1035, %broadcast_in_dim3A_1036 : vector<16xi1>, vector<16xf32>
          %add3A_1038 = arith.addf %add3A_1028, %select_n3A_1037 : vector<16xf32>
          %mul3A_1039 = arith.constant 16 : i32
          %mul3A_1040 = arith.muli %add3A_982, %mul3A_1039 : i32
          %swap3A_1041 = arith.index_cast %mul3A_1040 : i32 to index
          %swap3A_1042 = tpu.vector_load %arg15[%swap3A_1041] {strides = array<i32>} : memref<2048xf32, #tpu.memory_space<vmem>>, vector<16xf32>,
          %swap3A_1043 = vector.shape_cast %swap3A_1042 : vector<16xf32> to vector<16xf32>
          %swap3A_1044 = vector.shape_cast %add3A_1038 : vector<16xf32> to vector<16xf32>
          tpu.vector_store %arg15[%swap3A_1041], %swap3A_1044 {strides = array<i32>} : memref<2048xf32, #tpu.memory_space<vmem>>, vector<16xf32>,
          %mul3A_1045 = arith.constant 16 : i32
          %mul3A_1046 = arith.muli %scan3A_249, %mul3A_1045 : i32
          %add3A_1047 = arith.constant 12 : i32
          %add3A_1048 = arith.addi %mul3A_1046, %add3A_1047 : i32
          %get3A_1049 = arith.index_cast %add3A_1048 : i32 to index
          %get3A_1050 = arith.constant 0 : index
          %get3A_1051 = tpu.vector_load %arg9[%get3A_1049, %get3A_1050] {strides = array<i32>} : memref<128x128xf32, #tpu.memory_space<vmem>>, vector<1x16xf32>,
          %get3A_1052 = vector.shape_cast %get3A_1051 : vector<1x16xf32> to vector<16xf32>
          %mul3A_1053 = arith.mulf %get3A_1052, %get3A_64 : vector<16xf32>
          %get3A_1054 = arith.index_cast %add3A_1048 : i32 to index
          %get3A_1055 = arith.constant 16 : index
          %get3A_1056 = tpu.vector_load %arg9[%get3A_1054, %get3A_1055] {strides = array<i32>} : memref<128x128xf32, #tpu.memory_space<vmem>>, vector<1x16xf32>,
          %get3A_1057 = vector.shape_cast %get3A_1056 : vector<1x16xf32> to vector<16xf32>
          %mul3A_1058 = arith.mulf %get3A_1057, %get3A_69 : vector<16xf32>
          %get3A_1059 = arith.index_cast %add3A_1048 : i32 to index
          %get3A_1060 = arith.constant 32 : index
          %get3A_1061 = tpu.vector_load %arg9[%get3A_1059, %get3A_1060] {strides = array<i32>} : memref<128x128xf32, #tpu.memory_space<vmem>>, vector<1x16xf32>,
          %get3A_1062 = vector.shape_cast %get3A_1061 : vector<1x16xf32> to vector<16xf32>
          %mul3A_1063 = arith.mulf %get3A_1062, %get3A_74 : vector<16xf32>
          %get3A_1064 = arith.index_cast %add3A_1048 : i32 to index
          %get3A_1065 = arith.constant 48 : index
          %get3A_1066 = tpu.vector_load %arg9[%get3A_1064, %get3A_1065] {strides = array<i32>} : memref<128x128xf32, #tpu.memory_space<vmem>>, vector<1x16xf32>,
          %get3A_1067 = vector.shape_cast %get3A_1066 : vector<1x16xf32> to vector<16xf32>
          %mul3A_1068 = arith.mulf %get3A_1067, %get3A_79 : vector<16xf32>
          %get3A_1069 = arith.index_cast %add3A_1048 : i32 to index
          %get3A_1070 = arith.constant 64 : index
          %get3A_1071 = tpu.vector_load %arg9[%get3A_1069, %get3A_1070] {strides = array<i32>} : memref<128x128xf32, #tpu.memory_space<vmem>>, vector<1x16xf32>,
          %get3A_1072 = vector.shape_cast %get3A_1071 : vector<1x16xf32> to vector<16xf32>
          %mul3A_1073 = arith.mulf %get3A_1072, %get3A_84 : vector<16xf32>
          %get3A_1074 = arith.index_cast %add3A_1048 : i32 to index
          %get3A_1075 = arith.constant 80 : index
          %get3A_1076 = tpu.vector_load %arg9[%get3A_1074, %get3A_1075] {strides = array<i32>} : memref<128x128xf32, #tpu.memory_space<vmem>>, vector<1x16xf32>,
          %get3A_1077 = vector.shape_cast %get3A_1076 : vector<1x16xf32> to vector<16xf32>
          %mul3A_1078 = arith.mulf %get3A_1077, %get3A_89 : vector<16xf32>
          %add3A_1079 = arith.addf %mul3A_1053, %mul3A_1058 : vector<16xf32>
          %add3A_1080 = arith.addf %mul3A_1063, %mul3A_1068 : vector<16xf32>
          %add3A_1081 = arith.addf %add3A_1079, %add3A_1080 : vector<16xf32>
          %add3A_1082 = arith.addf %mul3A_1073, %mul3A_1078 : vector<16xf32>
          %add3A_1083 = arith.addf %add3A_1081, %add3A_1082 : vector<16xf32>
          %mul3A_1084 = arith.constant 16 : i32
          %mul3A_1085 = arith.muli %add3A_1048, %mul3A_1084 : i32
          %swap3A_1086 = arith.index_cast %mul3A_1085 : i32 to index
          %swap3A_1087 = tpu.vector_load %arg13[%swap3A_1086] {strides = array<i32>} : memref<2048xf32, #tpu.memory_space<vmem>>, vector<16xf32>,
          %swap3A_1088 = vector.shape_cast %swap3A_1087 : vector<16xf32> to vector<16xf32>
          %swap3A_1089 = vector.shape_cast %add3A_1083 : vector<16xf32> to vector<16xf32>
          tpu.vector_store %arg13[%swap3A_1086], %swap3A_1089 {strides = array<i32>} : memref<2048xf32, #tpu.memory_space<vmem>>, vector<16xf32>,
          %get3A_1090 = arith.index_cast %add3A_1048 : i32 to index
          %get3A_1091 = arith.constant 96 : index
          %get3A_1092 = tpu.vector_load %arg9[%get3A_1090, %get3A_1091] {strides = array<i32>} : memref<128x128xf32, #tpu.memory_space<vmem>>, vector<1x16xf32>,
          %get3A_1093 = vector.shape_cast %get3A_1092 : vector<1x16xf32> to vector<16xf32>
          %add3A_1094 = arith.addf %get3A_1093, %add3A_170 : vector<16xf32>
          %eq3A_1095 = arith.constant 4 : i32
          %eq3A_1096 = vector.broadcast %eq3A_1095 : i32 to vector<16xi32>
          %eq3A_1097 = arith.cmpi eq, %iota3A, %eq3A_1096 : vector<16xi32>
          %slice3A_1098 = vector.extract_strided_slice %get3A_255 {offsets = [12], sizes = [1], strides = [1]} : vector<16xf32> to vector<1xf32>
          %squeeze3A_1099 = vector.extract %slice3A_1098[0] : f32 from vector<1xf32>
          %jit3A_1100 = arith.constant 0.000000e+00 : f32
          %broadcast_in_dim3A_1101 = vector.broadcast %squeeze3A_1099 : f32 to vector<16xf32>
          %broadcast_in_dim3A_1102 = vector.broadcast %jit3A_1100 : f32 to vector<16xf32>
          %select_n3A_1103 = arith.select %eq3A_1097, %broadcast_in_dim3A_1101, %broadcast_in_dim3A_1102 : vector<16xi1>, vector<16xf32>
          %add3A_1104 = arith.addf %add3A_1094, %select_n3A_1103 : vector<16xf32>
          %mul3A_1105 = arith.constant 16 : i32
          %mul3A_1106 = arith.muli %add3A_1048, %mul3A_1105 : i32
          %swap3A_1107 = arith.index_cast %mul3A_1106 : i32 to index
          %swap3A_1108 = tpu.vector_load %arg15[%swap3A_1107] {strides = array<i32>} : memref<2048xf32, #tpu.memory_space<vmem>>, vector<16xf32>,
          %swap3A_1109 = vector.shape_cast %swap3A_1108 : vector<16xf32> to vector<16xf32>
          %swap3A_1110 = vector.shape_cast %add3A_1104 : vector<16xf32> to vector<16xf32>
          tpu.vector_store %arg15[%swap3A_1107], %swap3A_1110 {strides = array<i32>} : memref<2048xf32, #tpu.memory_space<vmem>>, vector<16xf32>,
          %mul3A_1111 = arith.constant 16 : i32
          %mul3A_1112 = arith.muli %scan3A_249, %mul3A_1111 : i32
          %add3A_1113 = arith.constant 13 : i32
          %add3A_1114 = arith.addi %mul3A_1112, %add3A_1113 : i32
          %get3A_1115 = arith.index_cast %add3A_1114 : i32 to index
          %get3A_1116 = arith.constant 0 : index
          %get3A_1117 = tpu.vector_load %arg9[%get3A_1115, %get3A_1116] {strides = array<i32>} : memref<128x128xf32, #tpu.memory_space<vmem>>, vector<1x16xf32>,
          %get3A_1118 = vector.shape_cast %get3A_1117 : vector<1x16xf32> to vector<16xf32>
          %mul3A_1119 = arith.mulf %get3A_1118, %get3A_64 : vector<16xf32>
          %get3A_1120 = arith.index_cast %add3A_1114 : i32 to index
          %get3A_1121 = arith.constant 16 : index
          %get3A_1122 = tpu.vector_load %arg9[%get3A_1120, %get3A_1121] {strides = array<i32>} : memref<128x128xf32, #tpu.memory_space<vmem>>, vector<1x16xf32>,
          %get3A_1123 = vector.shape_cast %get3A_1122 : vector<1x16xf32> to vector<16xf32>
          %mul3A_1124 = arith.mulf %get3A_1123, %get3A_69 : vector<16xf32>
          %get3A_1125 = arith.index_cast %add3A_1114 : i32 to index
          %get3A_1126 = arith.constant 32 : index
          %get3A_1127 = tpu.vector_load %arg9[%get3A_1125, %get3A_1126] {strides = array<i32>} : memref<128x128xf32, #tpu.memory_space<vmem>>, vector<1x16xf32>,
          %get3A_1128 = vector.shape_cast %get3A_1127 : vector<1x16xf32> to vector<16xf32>
          %mul3A_1129 = arith.mulf %get3A_1128, %get3A_74 : vector<16xf32>
          %get3A_1130 = arith.index_cast %add3A_1114 : i32 to index
          %get3A_1131 = arith.constant 48 : index
          %get3A_1132 = tpu.vector_load %arg9[%get3A_1130, %get3A_1131] {strides = array<i32>} : memref<128x128xf32, #tpu.memory_space<vmem>>, vector<1x16xf32>,
          %get3A_1133 = vector.shape_cast %get3A_1132 : vector<1x16xf32> to vector<16xf32>
          %mul3A_1134 = arith.mulf %get3A_1133, %get3A_79 : vector<16xf32>
          %get3A_1135 = arith.index_cast %add3A_1114 : i32 to index
          %get3A_1136 = arith.constant 64 : index
          %get3A_1137 = tpu.vector_load %arg9[%get3A_1135, %get3A_1136] {strides = array<i32>} : memref<128x128xf32, #tpu.memory_space<vmem>>, vector<1x16xf32>,
          %get3A_1138 = vector.shape_cast %get3A_1137 : vector<1x16xf32> to vector<16xf32>
          %mul3A_1139 = arith.mulf %get3A_1138, %get3A_84 : vector<16xf32>
          %get3A_1140 = arith.index_cast %add3A_1114 : i32 to index
          %get3A_1141 = arith.constant 80 : index
          %get3A_1142 = tpu.vector_load %arg9[%get3A_1140, %get3A_1141] {strides = array<i32>} : memref<128x128xf32, #tpu.memory_space<vmem>>, vector<1x16xf32>,
          %get3A_1143 = vector.shape_cast %get3A_1142 : vector<1x16xf32> to vector<16xf32>
          %mul3A_1144 = arith.mulf %get3A_1143, %get3A_89 : vector<16xf32>
          %add3A_1145 = arith.addf %mul3A_1119, %mul3A_1124 : vector<16xf32>
          %add3A_1146 = arith.addf %mul3A_1129, %mul3A_1134 : vector<16xf32>
          %add3A_1147 = arith.addf %add3A_1145, %add3A_1146 : vector<16xf32>
          %add3A_1148 = arith.addf %mul3A_1139, %mul3A_1144 : vector<16xf32>
          %add3A_1149 = arith.addf %add3A_1147, %add3A_1148 : vector<16xf32>
          %mul3A_1150 = arith.constant 16 : i32
          %mul3A_1151 = arith.muli %add3A_1114, %mul3A_1150 : i32
          %swap3A_1152 = arith.index_cast %mul3A_1151 : i32 to index
          %swap3A_1153 = tpu.vector_load %arg13[%swap3A_1152] {strides = array<i32>} : memref<2048xf32, #tpu.memory_space<vmem>>, vector<16xf32>,
          %swap3A_1154 = vector.shape_cast %swap3A_1153 : vector<16xf32> to vector<16xf32>
          %swap3A_1155 = vector.shape_cast %add3A_1149 : vector<16xf32> to vector<16xf32>
          tpu.vector_store %arg13[%swap3A_1152], %swap3A_1155 {strides = array<i32>} : memref<2048xf32, #tpu.memory_space<vmem>>, vector<16xf32>,
          %get3A_1156 = arith.index_cast %add3A_1114 : i32 to index
          %get3A_1157 = arith.constant 96 : index
          %get3A_1158 = tpu.vector_load %arg9[%get3A_1156, %get3A_1157] {strides = array<i32>} : memref<128x128xf32, #tpu.memory_space<vmem>>, vector<1x16xf32>,
          %get3A_1159 = vector.shape_cast %get3A_1158 : vector<1x16xf32> to vector<16xf32>
          %add3A_1160 = arith.addf %get3A_1159, %add3A_170 : vector<16xf32>
          %eq3A_1161 = arith.constant 4 : i32
          %eq3A_1162 = vector.broadcast %eq3A_1161 : i32 to vector<16xi32>
          %eq3A_1163 = arith.cmpi eq, %iota3A, %eq3A_1162 : vector<16xi32>
          %slice3A_1164 = vector.extract_strided_slice %get3A_255 {offsets = [13], sizes = [1], strides = [1]} : vector<16xf32> to vector<1xf32>
          %squeeze3A_1165 = vector.extract %slice3A_1164[0] : f32 from vector<1xf32>
          %jit3A_1166 = arith.constant 0.000000e+00 : f32
          %broadcast_in_dim3A_1167 = vector.broadcast %squeeze3A_1165 : f32 to vector<16xf32>
          %broadcast_in_dim3A_1168 = vector.broadcast %jit3A_1166 : f32 to vector<16xf32>
          %select_n3A_1169 = arith.select %eq3A_1163, %broadcast_in_dim3A_1167, %broadcast_in_dim3A_1168 : vector<16xi1>, vector<16xf32>
          %add3A_1170 = arith.addf %add3A_1160, %select_n3A_1169 : vector<16xf32>
          %mul3A_1171 = arith.constant 16 : i32
          %mul3A_1172 = arith.muli %add3A_1114, %mul3A_1171 : i32
          %swap3A_1173 = arith.index_cast %mul3A_1172 : i32 to index
          %swap3A_1174 = tpu.vector_load %arg15[%swap3A_1173] {strides = array<i32>} : memref<2048xf32, #tpu.memory_space<vmem>>, vector<16xf32>,
          %swap3A_1175 = vector.shape_cast %swap3A_1174 : vector<16xf32> to vector<16xf32>
          %swap3A_1176 = vector.shape_cast %add3A_1170 : vector<16xf32> to vector<16xf32>
          tpu.vector_store %arg15[%swap3A_1173], %swap3A_1176 {strides = array<i32>} : memref<2048xf32, #tpu.memory_space<vmem>>, vector<16xf32>,
          %mul3A_1177 = arith.constant 16 : i32
          %mul3A_1178 = arith.muli %scan3A_249, %mul3A_1177 : i32
          %add3A_1179 = arith.constant 14 : i32
          %add3A_1180 = arith.addi %mul3A_1178, %add3A_1179 : i32
          %get3A_1181 = arith.index_cast %add3A_1180 : i32 to index
          %get3A_1182 = arith.constant 0 : index
          %get3A_1183 = tpu.vector_load %arg9[%get3A_1181, %get3A_1182] {strides = array<i32>} : memref<128x128xf32, #tpu.memory_space<vmem>>, vector<1x16xf32>,
          %get3A_1184 = vector.shape_cast %get3A_1183 : vector<1x16xf32> to vector<16xf32>
          %mul3A_1185 = arith.mulf %get3A_1184, %get3A_64 : vector<16xf32>
          %get3A_1186 = arith.index_cast %add3A_1180 : i32 to index
          %get3A_1187 = arith.constant 16 : index
          %get3A_1188 = tpu.vector_load %arg9[%get3A_1186, %get3A_1187] {strides = array<i32>} : memref<128x128xf32, #tpu.memory_space<vmem>>, vector<1x16xf32>,
          %get3A_1189 = vector.shape_cast %get3A_1188 : vector<1x16xf32> to vector<16xf32>
          %mul3A_1190 = arith.mulf %get3A_1189, %get3A_69 : vector<16xf32>
          %get3A_1191 = arith.index_cast %add3A_1180 : i32 to index
          %get3A_1192 = arith.constant 32 : index
          %get3A_1193 = tpu.vector_load %arg9[%get3A_1191, %get3A_1192] {strides = array<i32>} : memref<128x128xf32, #tpu.memory_space<vmem>>, vector<1x16xf32>,
          %get3A_1194 = vector.shape_cast %get3A_1193 : vector<1x16xf32> to vector<16xf32>
          %mul3A_1195 = arith.mulf %get3A_1194, %get3A_74 : vector<16xf32>
          %get3A_1196 = arith.index_cast %add3A_1180 : i32 to index
          %get3A_1197 = arith.constant 48 : index
          %get3A_1198 = tpu.vector_load %arg9[%get3A_1196, %get3A_1197] {strides = array<i32>} : memref<128x128xf32, #tpu.memory_space<vmem>>, vector<1x16xf32>,
          %get3A_1199 = vector.shape_cast %get3A_1198 : vector<1x16xf32> to vector<16xf32>
          %mul3A_1200 = arith.mulf %get3A_1199, %get3A_79 : vector<16xf32>
          %get3A_1201 = arith.index_cast %add3A_1180 : i32 to index
          %get3A_1202 = arith.constant 64 : index
          %get3A_1203 = tpu.vector_load %arg9[%get3A_1201, %get3A_1202] {strides = array<i32>} : memref<128x128xf32, #tpu.memory_space<vmem>>, vector<1x16xf32>,
          %get3A_1204 = vector.shape_cast %get3A_1203 : vector<1x16xf32> to vector<16xf32>
          %mul3A_1205 = arith.mulf %get3A_1204, %get3A_84 : vector<16xf32>
          %get3A_1206 = arith.index_cast %add3A_1180 : i32 to index
          %get3A_1207 = arith.constant 80 : index
          %get3A_1208 = tpu.vector_load %arg9[%get3A_1206, %get3A_1207] {strides = array<i32>} : memref<128x128xf32, #tpu.memory_space<vmem>>, vector<1x16xf32>,
          %get3A_1209 = vector.shape_cast %get3A_1208 : vector<1x16xf32> to vector<16xf32>
          %mul3A_1210 = arith.mulf %get3A_1209, %get3A_89 : vector<16xf32>
          %add3A_1211 = arith.addf %mul3A_1185, %mul3A_1190 : vector<16xf32>
          %add3A_1212 = arith.addf %mul3A_1195, %mul3A_1200 : vector<16xf32>
          %add3A_1213 = arith.addf %add3A_1211, %add3A_1212 : vector<16xf32>
          %add3A_1214 = arith.addf %mul3A_1205, %mul3A_1210 : vector<16xf32>
          %add3A_1215 = arith.addf %add3A_1213, %add3A_1214 : vector<16xf32>
          %mul3A_1216 = arith.constant 16 : i32
          %mul3A_1217 = arith.muli %add3A_1180, %mul3A_1216 : i32
          %swap3A_1218 = arith.index_cast %mul3A_1217 : i32 to index
          %swap3A_1219 = tpu.vector_load %arg13[%swap3A_1218] {strides = array<i32>} : memref<2048xf32, #tpu.memory_space<vmem>>, vector<16xf32>,
          %swap3A_1220 = vector.shape_cast %swap3A_1219 : vector<16xf32> to vector<16xf32>
          %swap3A_1221 = vector.shape_cast %add3A_1215 : vector<16xf32> to vector<16xf32>
          tpu.vector_store %arg13[%swap3A_1218], %swap3A_1221 {strides = array<i32>} : memref<2048xf32, #tpu.memory_space<vmem>>, vector<16xf32>,
          %get3A_1222 = arith.index_cast %add3A_1180 : i32 to index
          %get3A_1223 = arith.constant 96 : index
          %get3A_1224 = tpu.vector_load %arg9[%get3A_1222, %get3A_1223] {strides = array<i32>} : memref<128x128xf32, #tpu.memory_space<vmem>>, vector<1x16xf32>,
          %get3A_1225 = vector.shape_cast %get3A_1224 : vector<1x16xf32> to vector<16xf32>
          %add3A_1226 = arith.addf %get3A_1225, %add3A_170 : vector<16xf32>
          %eq3A_1227 = arith.constant 4 : i32
          %eq3A_1228 = vector.broadcast %eq3A_1227 : i32 to vector<16xi32>
          %eq3A_1229 = arith.cmpi eq, %iota3A, %eq3A_1228 : vector<16xi32>
          %slice3A_1230 = vector.extract_strided_slice %get3A_255 {offsets = [14], sizes = [1], strides = [1]} : vector<16xf32> to vector<1xf32>
          %squeeze3A_1231 = vector.extract %slice3A_1230[0] : f32 from vector<1xf32>
          %jit3A_1232 = arith.constant 0.000000e+00 : f32
          %broadcast_in_dim3A_1233 = vector.broadcast %squeeze3A_1231 : f32 to vector<16xf32>
          %broadcast_in_dim3A_1234 = vector.broadcast %jit3A_1232 : f32 to vector<16xf32>
          %select_n3A_1235 = arith.select %eq3A_1229, %broadcast_in_dim3A_1233, %broadcast_in_dim3A_1234 : vector<16xi1>, vector<16xf32>
          %add3A_1236 = arith.addf %add3A_1226, %select_n3A_1235 : vector<16xf32>
          %mul3A_1237 = arith.constant 16 : i32
          %mul3A_1238 = arith.muli %add3A_1180, %mul3A_1237 : i32
          %swap3A_1239 = arith.index_cast %mul3A_1238 : i32 to index
          %swap3A_1240 = tpu.vector_load %arg15[%swap3A_1239] {strides = array<i32>} : memref<2048xf32, #tpu.memory_space<vmem>>, vector<16xf32>,
          %swap3A_1241 = vector.shape_cast %swap3A_1240 : vector<16xf32> to vector<16xf32>
          %swap3A_1242 = vector.shape_cast %add3A_1236 : vector<16xf32> to vector<16xf32>
          tpu.vector_store %arg15[%swap3A_1239], %swap3A_1242 {strides = array<i32>} : memref<2048xf32, #tpu.memory_space<vmem>>, vector<16xf32>,
          %mul3A_1243 = arith.constant 16 : i32
          %mul3A_1244 = arith.muli %scan3A_249, %mul3A_1243 : i32
          %add3A_1245 = arith.constant 15 : i32
          %add3A_1246 = arith.addi %mul3A_1244, %add3A_1245 : i32
          %get3A_1247 = arith.index_cast %add3A_1246 : i32 to index
          %get3A_1248 = arith.constant 0 : index
          %get3A_1249 = tpu.vector_load %arg9[%get3A_1247, %get3A_1248] {strides = array<i32>} : memref<128x128xf32, #tpu.memory_space<vmem>>, vector<1x16xf32>,
          %get3A_1250 = vector.shape_cast %get3A_1249 : vector<1x16xf32> to vector<16xf32>
          %mul3A_1251 = arith.mulf %get3A_1250, %get3A_64 : vector<16xf32>
          %get3A_1252 = arith.index_cast %add3A_1246 : i32 to index
          %get3A_1253 = arith.constant 16 : index
          %get3A_1254 = tpu.vector_load %arg9[%get3A_1252, %get3A_1253] {strides = array<i32>} : memref<128x128xf32, #tpu.memory_space<vmem>>, vector<1x16xf32>,
          %get3A_1255 = vector.shape_cast %get3A_1254 : vector<1x16xf32> to vector<16xf32>
          %mul3A_1256 = arith.mulf %get3A_1255, %get3A_69 : vector<16xf32>
          %get3A_1257 = arith.index_cast %add3A_1246 : i32 to index
          %get3A_1258 = arith.constant 32 : index
          %get3A_1259 = tpu.vector_load %arg9[%get3A_1257, %get3A_1258] {strides = array<i32>} : memref<128x128xf32, #tpu.memory_space<vmem>>, vector<1x16xf32>,
          %get3A_1260 = vector.shape_cast %get3A_1259 : vector<1x16xf32> to vector<16xf32>
          %mul3A_1261 = arith.mulf %get3A_1260, %get3A_74 : vector<16xf32>
          %get3A_1262 = arith.index_cast %add3A_1246 : i32 to index
          %get3A_1263 = arith.constant 48 : index
          %get3A_1264 = tpu.vector_load %arg9[%get3A_1262, %get3A_1263] {strides = array<i32>} : memref<128x128xf32, #tpu.memory_space<vmem>>, vector<1x16xf32>,
          %get3A_1265 = vector.shape_cast %get3A_1264 : vector<1x16xf32> to vector<16xf32>
          %mul3A_1266 = arith.mulf %get3A_1265, %get3A_79 : vector<16xf32>
          %get3A_1267 = arith.index_cast %add3A_1246 : i32 to index
          %get3A_1268 = arith.constant 64 : index
          %get3A_1269 = tpu.vector_load %arg9[%get3A_1267, %get3A_1268] {strides = array<i32>} : memref<128x128xf32, #tpu.memory_space<vmem>>, vector<1x16xf32>,
          %get3A_1270 = vector.shape_cast %get3A_1269 : vector<1x16xf32> to vector<16xf32>
          %mul3A_1271 = arith.mulf %get3A_1270, %get3A_84 : vector<16xf32>
          %get3A_1272 = arith.index_cast %add3A_1246 : i32 to index
          %get3A_1273 = arith.constant 80 : index
          %get3A_1274 = tpu.vector_load %arg9[%get3A_1272, %get3A_1273] {strides = array<i32>} : memref<128x128xf32, #tpu.memory_space<vmem>>, vector<1x16xf32>,
          %get3A_1275 = vector.shape_cast %get3A_1274 : vector<1x16xf32> to vector<16xf32>
          %mul3A_1276 = arith.mulf %get3A_1275, %get3A_89 : vector<16xf32>
          %add3A_1277 = arith.addf %mul3A_1251, %mul3A_1256 : vector<16xf32>
          %add3A_1278 = arith.addf %mul3A_1261, %mul3A_1266 : vector<16xf32>
          %add3A_1279 = arith.addf %add3A_1277, %add3A_1278 : vector<16xf32>
          %add3A_1280 = arith.addf %mul3A_1271, %mul3A_1276 : vector<16xf32>
          %add3A_1281 = arith.addf %add3A_1279, %add3A_1280 : vector<16xf32>
          %mul3A_1282 = arith.constant 16 : i32
          %mul3A_1283 = arith.muli %add3A_1246, %mul3A_1282 : i32
          %swap3A_1284 = arith.index_cast %mul3A_1283 : i32 to index
          %swap3A_1285 = tpu.vector_load %arg13[%swap3A_1284] {strides = array<i32>} : memref<2048xf32, #tpu.memory_space<vmem>>, vector<16xf32>,
          %swap3A_1286 = vector.shape_cast %swap3A_1285 : vector<16xf32> to vector<16xf32>
          %swap3A_1287 = vector.shape_cast %add3A_1281 : vector<16xf32> to vector<16xf32>
          tpu.vector_store %arg13[%swap3A_1284], %swap3A_1287 {strides = array<i32>} : memref<2048xf32, #tpu.memory_space<vmem>>, vector<16xf32>,
          %get3A_1288 = arith.index_cast %add3A_1246 : i32 to index
          %get3A_1289 = arith.constant 96 : index
          %get3A_1290 = tpu.vector_load %arg9[%get3A_1288, %get3A_1289] {strides = array<i32>} : memref<128x128xf32, #tpu.memory_space<vmem>>, vector<1x16xf32>,
          %get3A_1291 = vector.shape_cast %get3A_1290 : vector<1x16xf32> to vector<16xf32>
          %add3A_1292 = arith.addf %get3A_1291, %add3A_170 : vector<16xf32>
          %eq3A_1293 = arith.constant 4 : i32
          %eq3A_1294 = vector.broadcast %eq3A_1293 : i32 to vector<16xi32>
          %eq3A_1295 = arith.cmpi eq, %iota3A, %eq3A_1294 : vector<16xi32>
          %slice3A_1296 = vector.extract_strided_slice %get3A_255 {offsets = [15], sizes = [1], strides = [1]} : vector<16xf32> to vector<1xf32>
          %squeeze3A_1297 = vector.extract %slice3A_1296[0] : f32 from vector<1xf32>
          %jit3A_1298 = arith.constant 0.000000e+00 : f32
          %broadcast_in_dim3A_1299 = vector.broadcast %squeeze3A_1297 : f32 to vector<16xf32>
          %broadcast_in_dim3A_1300 = vector.broadcast %jit3A_1298 : f32 to vector<16xf32>
          %select_n3A_1301 = arith.select %eq3A_1295, %broadcast_in_dim3A_1299, %broadcast_in_dim3A_1300 : vector<16xi1>, vector<16xf32>
          %add3A_1302 = arith.addf %add3A_1292, %select_n3A_1301 : vector<16xf32>
          %mul3A_1303 = arith.constant 16 : i32
          %mul3A_1304 = arith.muli %add3A_1246, %mul3A_1303 : i32
          %swap3A_1305 = arith.index_cast %mul3A_1304 : i32 to index
          %swap3A_1306 = tpu.vector_load %arg15[%swap3A_1305] {strides = array<i32>} : memref<2048xf32, #tpu.memory_space<vmem>>, vector<16xf32>,
          %swap3A_1307 = vector.shape_cast %swap3A_1306 : vector<16xf32> to vector<16xf32>
          %swap3A_1308 = vector.shape_cast %add3A_1302 : vector<16xf32> to vector<16xf32>
          tpu.vector_store %arg15[%swap3A_1305], %swap3A_1308 {strides = array<i32>} : memref<2048xf32, #tpu.memory_space<vmem>>, vector<16xf32>,
        }
        %scan3A_203 = arith.constant 8 : i32
        %dma_start3A_204 = tpu.memref_slice %arg6[%mul3A_193] : memref<23887872xf32, #tpu.memory_space<hbm>> -> memref<2048xf32, #tpu.memory_space<hbm>>
        %dma_start3A_205 = tpu.memref_slice %arg6[%mul3A_193] : memref<23887872xf32, #tpu.memory_space<hbm>> -> memref<2048xf32, #tpu.memory_space<hbm>>
        tpu.enqueue_dma source(%arg13 : memref<2048xf32, #tpu.memory_space<vmem>>) target(%dma_start3A_205 : memref<2048xf32, #tpu.memory_space<hbm>>) target_semaphore(%arg19 : memref<!tpu.dma_semaphore, #tpu.memory_space<semaphore_mem>>)
        %dma_start3A_206 = tpu.memref_slice %arg7[%mul3A_195] : memref<23887872xf32, #tpu.memory_space<hbm>> -> memref<2048xf32, #tpu.memory_space<hbm>>
        %dma_start3A_207 = tpu.memref_slice %arg7[%mul3A_195] : memref<23887872xf32, #tpu.memory_space<hbm>> -> memref<2048xf32, #tpu.memory_space<hbm>>
        tpu.enqueue_dma source(%arg15 : memref<2048xf32, #tpu.memory_space<vmem>>) target(%dma_start3A_207 : memref<2048xf32, #tpu.memory_space<hbm>>) target_semaphore(%arg19 : memref<!tpu.dma_semaphore, #tpu.memory_space<semaphore_mem>>)
        %add3A_208 = arith.constant 1 : i32
        %add3A_209 = arith.addi %scan3A_54, %add3A_208 : i32
        %lt3A_210 = arith.constant 8 : i32
        %lt3A_211 = arith.cmpi slt, %add3A_209, %lt3A_210 : i32
        %convert_element_type3A_212 = arith.extui %lt3A_211 : i1 to i32
        %cond3A_213 = arith.constant 0 : i32
        %cond3A_214 = arith.cmpi ne, %convert_element_type3A_212, %cond3A_213 : i32
        scf.if %cond3A_214 {
          %mul3A_249 = arith.constant 2 : i32
          %mul3A_250 = arith.muli %mul3A_249, %scan3A_54 : i32
          %add3A_251 = arith.constant 2 : i32
          %add3A_252 = arith.addi %mul3A_250, %add3A_251 : i32
          %dma_start3A_253 = arith.constant 0 : i32
          %dma_start3A_254 = tpu.memref_slice %arg8[%add3A_252, %dma_start3A_253] : memref<16x128xi32, #tpu.memory_space<vmem>> -> memref<1x128xi32, #tpu.memory_space<vmem>>
          %dma_start3A_255 = tpu.memref_squeeze %dma_start3A_254 : memref<1x128xi32, #tpu.memory_space<vmem>> -> memref<128xi32, #tpu.memory_space<vmem>>
          %dma_start3A_256 = arith.constant 0 : i32
          %dma_start3A_257 = arith.constant 0 : i32
          %dma_start3A_258 = tpu.memref_slice %arg2[%dma_start3A_256, %dma_start3A_257] : memref<401408x128xf32, #tpu.memory_space<hbm>> -> memref<401408x128xf32, #tpu.memory_space<hbm>>
          tpu.enqueue_indirect_dma source(%dma_start3A_258 : memref<401408x128xf32, #tpu.memory_space<hbm>>) target(%arg9 : memref<128x128xf32, #tpu.memory_space<vmem>>) offsets(%dma_start3A_255 : memref<128xi32, #tpu.memory_space<vmem>>) semaphore(%arg17 : memref<!tpu.dma_semaphore, #tpu.memory_space<semaphore_mem>>)
        } else {
        }
        %dma_wait3A_215 = arith.constant 0 : i32
        %dma_wait3A_216 = arith.constant 0 : i32
        %dma_wait3A_217 = tpu.memref_slice %arg8[%dma_wait3A_215, %dma_wait3A_216] : memref<16x128xi32, #tpu.memory_space<vmem>> -> memref<1x128xi32, #tpu.memory_space<vmem>>
        %dma_wait3A_218 = tpu.memref_squeeze %dma_wait3A_217 : memref<1x128xi32, #tpu.memory_space<vmem>> -> memref<128xi32, #tpu.memory_space<vmem>>
        %dma_wait3A_219 = arith.constant 0 : i32
        %dma_wait3A_220 = arith.constant 0 : i32
        %dma_wait3A_221 = tpu.memref_slice %arg2[%dma_wait3A_219, %dma_wait3A_220] : memref<401408x128xf32, #tpu.memory_space<hbm>> -> memref<401408x128xf32, #tpu.memory_space<hbm>>
        tpu.wait_indirect_dma semaphore(%arg18 : memref<!tpu.dma_semaphore, #tpu.memory_space<semaphore_mem>>) src(%dma_wait3A_221 : memref<401408x128xf32, #tpu.memory_space<hbm>>) dst(%arg10 : memref<128x128xf32, #tpu.memory_space<vmem>>)
        %mul3A_222 = arith.constant 256 : i32
        %mul3A_223 = arith.muli %add3A_55, %mul3A_222 : i32
        %add3A_224 = arith.constant 128 : i32
        %add3A_225 = arith.addi %mul3A_223, %add3A_224 : i32
        %mul3A_226 = arith.constant 256 : i32
        %mul3A_227 = arith.muli %scan3A_54, %mul3A_226 : i32
        %add3A_228 = arith.constant 128 : i32
        %add3A_229 = arith.addi %mul3A_227, %add3A_228 : i32
        %mul3A_230 = arith.constant 16 : i32
        %mul3A_231 = arith.muli %add3A_225, %mul3A_230 : i32
        %mul3A_232 = arith.constant 16 : i32
        %mul3A_233 = arith.muli %add3A_225, %mul3A_232 : i32
        %not3A_234 = arith.constant true
        %not3A_235 = arith.xori %and3A, %not3A_234 : i1
        %convert_element_type3A_236 = arith.extui %not3A_235 : i1 to i32
        %cond3A_237 = arith.constant 0 : i32
        %cond3A_238 = arith.cmpi ne, %convert_element_type3A_236, %cond3A_237 : i32
        scf.if %cond3A_238 {
          %dma_wait3A_249 = tpu.memref_slice %arg6[%mul3A_231] : memref<23887872xf32, #tpu.memory_space<hbm>> -> memref<2048xf32, #tpu.memory_space<hbm>>
          %dma_wait3A_250 = tpu.memref_slice %arg6[%mul3A_231] : memref<23887872xf32, #tpu.memory_space<hbm>> -> memref<2048xf32, #tpu.memory_space<hbm>>
          tpu.wait_dma2 semaphore(%arg20 : memref<!tpu.dma_semaphore, #tpu.memory_space<semaphore_mem>>) src(%arg14 : memref<2048xf32, #tpu.memory_space<vmem>>) dst(%dma_wait3A_250 : memref<2048xf32, #tpu.memory_space<hbm>>)
          %dma_wait3A_251 = tpu.memref_slice %arg7[%mul3A_233] : memref<23887872xf32, #tpu.memory_space<hbm>> -> memref<2048xf32, #tpu.memory_space<hbm>>
          %dma_wait3A_252 = tpu.memref_slice %arg7[%mul3A_233] : memref<23887872xf32, #tpu.memory_space<hbm>> -> memref<2048xf32, #tpu.memory_space<hbm>>
          tpu.wait_dma2 semaphore(%arg20 : memref<!tpu.dma_semaphore, #tpu.memory_space<semaphore_mem>>) src(%arg16 : memref<2048xf32, #tpu.memory_space<vmem>>) dst(%dma_wait3A_252 : memref<2048xf32, #tpu.memory_space<hbm>>)
        } else {
        }
        %scan3A_239 = arith.constant 0 : i32
        %scan3A_240 = arith.constant 0 : i32
        %scan3A_241 = arith.constant 8 : i32
        %scan3A_242 = arith.addi %scan3A_240, %scan3A_241 : i32
        %scan3A_243 = arith.constant 1 : i32
        scf.for %scan3A_249 = %scan3A_240 to %scan3A_242 step %scan3A_243  : i32 {
          %mul3A_250 = arith.constant 16 : i32
          %mul3A_251 = arith.muli %scan3A_249, %mul3A_250 : i32
          %add3A_252 = arith.addi %add3A_229, %mul3A_251 : i32
          %get3A_253 = arith.index_cast %add3A_252 : i32 to index
          %get3A_254 = tpu.vector_load %arg12[%get3A_253] {strides = array<i32>} : memref<2048xf32, #tpu.memory_space<vmem>>, vector<16xf32>,
          %get3A_255 = vector.shape_cast %get3A_254 : vector<16xf32> to vector<16xf32>
          %mul3A_256 = arith.constant 16 : i32
          %mul3A_257 = arith.muli %scan3A_249, %mul3A_256 : i32
          %add3A_258 = arith.constant 0 : i32
          %add3A_259 = arith.addi %mul3A_257, %add3A_258 : i32
          %get3A_260 = arith.index_cast %add3A_259 : i32 to index
          %get3A_261 = arith.constant 0 : index
          %get3A_262 = tpu.vector_load %arg10[%get3A_260, %get3A_261] {strides = array<i32>} : memref<128x128xf32, #tpu.memory_space<vmem>>, vector<1x16xf32>,
          %get3A_263 = vector.shape_cast %get3A_262 : vector<1x16xf32> to vector<16xf32>
          %mul3A_264 = arith.mulf %get3A_263, %get3A_64 : vector<16xf32>
          %get3A_265 = arith.index_cast %add3A_259 : i32 to index
          %get3A_266 = arith.constant 16 : index
          %get3A_267 = tpu.vector_load %arg10[%get3A_265, %get3A_266] {strides = array<i32>} : memref<128x128xf32, #tpu.memory_space<vmem>>, vector<1x16xf32>,
          %get3A_268 = vector.shape_cast %get3A_267 : vector<1x16xf32> to vector<16xf32>
          %mul3A_269 = arith.mulf %get3A_268, %get3A_69 : vector<16xf32>
          %get3A_270 = arith.index_cast %add3A_259 : i32 to index
          %get3A_271 = arith.constant 32 : index
          %get3A_272 = tpu.vector_load %arg10[%get3A_270, %get3A_271] {strides = array<i32>} : memref<128x128xf32, #tpu.memory_space<vmem>>, vector<1x16xf32>,
          %get3A_273 = vector.shape_cast %get3A_272 : vector<1x16xf32> to vector<16xf32>
          %mul3A_274 = arith.mulf %get3A_273, %get3A_74 : vector<16xf32>
          %get3A_275 = arith.index_cast %add3A_259 : i32 to index
          %get3A_276 = arith.constant 48 : index
          %get3A_277 = tpu.vector_load %arg10[%get3A_275, %get3A_276] {strides = array<i32>} : memref<128x128xf32, #tpu.memory_space<vmem>>, vector<1x16xf32>,
          %get3A_278 = vector.shape_cast %get3A_277 : vector<1x16xf32> to vector<16xf32>
          %mul3A_279 = arith.mulf %get3A_278, %get3A_79 : vector<16xf32>
          %get3A_280 = arith.index_cast %add3A_259 : i32 to index
          %get3A_281 = arith.constant 64 : index
          %get3A_282 = tpu.vector_load %arg10[%get3A_280, %get3A_281] {strides = array<i32>} : memref<128x128xf32, #tpu.memory_space<vmem>>, vector<1x16xf32>,
          %get3A_283 = vector.shape_cast %get3A_282 : vector<1x16xf32> to vector<16xf32>
          %mul3A_284 = arith.mulf %get3A_283, %get3A_84 : vector<16xf32>
          %get3A_285 = arith.index_cast %add3A_259 : i32 to index
          %get3A_286 = arith.constant 80 : index
          %get3A_287 = tpu.vector_load %arg10[%get3A_285, %get3A_286] {strides = array<i32>} : memref<128x128xf32, #tpu.memory_space<vmem>>, vector<1x16xf32>,
          %get3A_288 = vector.shape_cast %get3A_287 : vector<1x16xf32> to vector<16xf32>
          %mul3A_289 = arith.mulf %get3A_288, %get3A_89 : vector<16xf32>
          %add3A_290 = arith.addf %mul3A_264, %mul3A_269 : vector<16xf32>
          %add3A_291 = arith.addf %mul3A_274, %mul3A_279 : vector<16xf32>
          %add3A_292 = arith.addf %add3A_290, %add3A_291 : vector<16xf32>
          %add3A_293 = arith.addf %mul3A_284, %mul3A_289 : vector<16xf32>
          %add3A_294 = arith.addf %add3A_292, %add3A_293 : vector<16xf32>
          %mul3A_295 = arith.constant 16 : i32
          %mul3A_296 = arith.muli %add3A_259, %mul3A_295 : i32
          %swap3A = arith.index_cast %mul3A_296 : i32 to index
          %swap3A_297 = tpu.vector_load %arg14[%swap3A] {strides = array<i32>} : memref<2048xf32, #tpu.memory_space<vmem>>, vector<16xf32>,
          %swap3A_298 = vector.shape_cast %swap3A_297 : vector<16xf32> to vector<16xf32>
          %swap3A_299 = vector.shape_cast %add3A_294 : vector<16xf32> to vector<16xf32>
          tpu.vector_store %arg14[%swap3A], %swap3A_299 {strides = array<i32>} : memref<2048xf32, #tpu.memory_space<vmem>>, vector<16xf32>,
          %get3A_300 = arith.index_cast %add3A_259 : i32 to index
          %get3A_301 = arith.constant 96 : index
          %get3A_302 = tpu.vector_load %arg10[%get3A_300, %get3A_301] {strides = array<i32>} : memref<128x128xf32, #tpu.memory_space<vmem>>, vector<1x16xf32>,
          %get3A_303 = vector.shape_cast %get3A_302 : vector<1x16xf32> to vector<16xf32>
          %add3A_304 = arith.addf %get3A_303, %add3A_170 : vector<16xf32>
          %eq3A_305 = arith.constant 4 : i32
          %eq3A_306 = vector.broadcast %eq3A_305 : i32 to vector<16xi32>
          %eq3A_307 = arith.cmpi eq, %iota3A, %eq3A_306 : vector<16xi32>
          %slice3A = vector.extract_strided_slice %get3A_255 {offsets = [0], sizes = [1], strides = [1]} : vector<16xf32> to vector<1xf32>
          %squeeze3A = vector.extract %slice3A[0] : f32 from vector<1xf32>
          %jit3A_308 = arith.constant 0.000000e+00 : f32
          %broadcast_in_dim3A_309 = vector.broadcast %squeeze3A : f32 to vector<16xf32>
          %broadcast_in_dim3A_310 = vector.broadcast %jit3A_308 : f32 to vector<16xf32>
          %select_n3A_311 = arith.select %eq3A_307, %broadcast_in_dim3A_309, %broadcast_in_dim3A_310 : vector<16xi1>, vector<16xf32>
          %add3A_312 = arith.addf %add3A_304, %select_n3A_311 : vector<16xf32>
          %mul3A_313 = arith.constant 16 : i32
          %mul3A_314 = arith.muli %add3A_259, %mul3A_313 : i32
          %swap3A_315 = arith.index_cast %mul3A_314 : i32 to index
          %swap3A_316 = tpu.vector_load %arg16[%swap3A_315] {strides = array<i32>} : memref<2048xf32, #tpu.memory_space<vmem>>, vector<16xf32>,
          %swap3A_317 = vector.shape_cast %swap3A_316 : vector<16xf32> to vector<16xf32>
          %swap3A_318 = vector.shape_cast %add3A_312 : vector<16xf32> to vector<16xf32>
          tpu.vector_store %arg16[%swap3A_315], %swap3A_318 {strides = array<i32>} : memref<2048xf32, #tpu.memory_space<vmem>>, vector<16xf32>,
          %mul3A_319 = arith.constant 16 : i32
          %mul3A_320 = arith.muli %scan3A_249, %mul3A_319 : i32
          %add3A_321 = arith.constant 1 : i32
          %add3A_322 = arith.addi %mul3A_320, %add3A_321 : i32
          %get3A_323 = arith.index_cast %add3A_322 : i32 to index
          %get3A_324 = arith.constant 0 : index
          %get3A_325 = tpu.vector_load %arg10[%get3A_323, %get3A_324] {strides = array<i32>} : memref<128x128xf32, #tpu.memory_space<vmem>>, vector<1x16xf32>,
          %get3A_326 = vector.shape_cast %get3A_325 : vector<1x16xf32> to vector<16xf32>
          %mul3A_327 = arith.mulf %get3A_326, %get3A_64 : vector<16xf32>
          %get3A_328 = arith.index_cast %add3A_322 : i32 to index
          %get3A_329 = arith.constant 16 : index
          %get3A_330 = tpu.vector_load %arg10[%get3A_328, %get3A_329] {strides = array<i32>} : memref<128x128xf32, #tpu.memory_space<vmem>>, vector<1x16xf32>,
          %get3A_331 = vector.shape_cast %get3A_330 : vector<1x16xf32> to vector<16xf32>
          %mul3A_332 = arith.mulf %get3A_331, %get3A_69 : vector<16xf32>
          %get3A_333 = arith.index_cast %add3A_322 : i32 to index
          %get3A_334 = arith.constant 32 : index
          %get3A_335 = tpu.vector_load %arg10[%get3A_333, %get3A_334] {strides = array<i32>} : memref<128x128xf32, #tpu.memory_space<vmem>>, vector<1x16xf32>,
          %get3A_336 = vector.shape_cast %get3A_335 : vector<1x16xf32> to vector<16xf32>
          %mul3A_337 = arith.mulf %get3A_336, %get3A_74 : vector<16xf32>
          %get3A_338 = arith.index_cast %add3A_322 : i32 to index
          %get3A_339 = arith.constant 48 : index
          %get3A_340 = tpu.vector_load %arg10[%get3A_338, %get3A_339] {strides = array<i32>} : memref<128x128xf32, #tpu.memory_space<vmem>>, vector<1x16xf32>,
          %get3A_341 = vector.shape_cast %get3A_340 : vector<1x16xf32> to vector<16xf32>
          %mul3A_342 = arith.mulf %get3A_341, %get3A_79 : vector<16xf32>
          %get3A_343 = arith.index_cast %add3A_322 : i32 to index
          %get3A_344 = arith.constant 64 : index
          %get3A_345 = tpu.vector_load %arg10[%get3A_343, %get3A_344] {strides = array<i32>} : memref<128x128xf32, #tpu.memory_space<vmem>>, vector<1x16xf32>,
          %get3A_346 = vector.shape_cast %get3A_345 : vector<1x16xf32> to vector<16xf32>
          %mul3A_347 = arith.mulf %get3A_346, %get3A_84 : vector<16xf32>
          %get3A_348 = arith.index_cast %add3A_322 : i32 to index
          %get3A_349 = arith.constant 80 : index
          %get3A_350 = tpu.vector_load %arg10[%get3A_348, %get3A_349] {strides = array<i32>} : memref<128x128xf32, #tpu.memory_space<vmem>>, vector<1x16xf32>,
          %get3A_351 = vector.shape_cast %get3A_350 : vector<1x16xf32> to vector<16xf32>
          %mul3A_352 = arith.mulf %get3A_351, %get3A_89 : vector<16xf32>
          %add3A_353 = arith.addf %mul3A_327, %mul3A_332 : vector<16xf32>
          %add3A_354 = arith.addf %mul3A_337, %mul3A_342 : vector<16xf32>
          %add3A_355 = arith.addf %add3A_353, %add3A_354 : vector<16xf32>
          %add3A_356 = arith.addf %mul3A_347, %mul3A_352 : vector<16xf32>
          %add3A_357 = arith.addf %add3A_355, %add3A_356 : vector<16xf32>
          %mul3A_358 = arith.constant 16 : i32
          %mul3A_359 = arith.muli %add3A_322, %mul3A_358 : i32
          %swap3A_360 = arith.index_cast %mul3A_359 : i32 to index
          %swap3A_361 = tpu.vector_load %arg14[%swap3A_360] {strides = array<i32>} : memref<2048xf32, #tpu.memory_space<vmem>>, vector<16xf32>,
          %swap3A_362 = vector.shape_cast %swap3A_361 : vector<16xf32> to vector<16xf32>
          %swap3A_363 = vector.shape_cast %add3A_357 : vector<16xf32> to vector<16xf32>
          tpu.vector_store %arg14[%swap3A_360], %swap3A_363 {strides = array<i32>} : memref<2048xf32, #tpu.memory_space<vmem>>, vector<16xf32>,
          %get3A_364 = arith.index_cast %add3A_322 : i32 to index
          %get3A_365 = arith.constant 96 : index
          %get3A_366 = tpu.vector_load %arg10[%get3A_364, %get3A_365] {strides = array<i32>} : memref<128x128xf32, #tpu.memory_space<vmem>>, vector<1x16xf32>,
          %get3A_367 = vector.shape_cast %get3A_366 : vector<1x16xf32> to vector<16xf32>
          %add3A_368 = arith.addf %get3A_367, %add3A_170 : vector<16xf32>
          %eq3A_369 = arith.constant 4 : i32
          %eq3A_370 = vector.broadcast %eq3A_369 : i32 to vector<16xi32>
          %eq3A_371 = arith.cmpi eq, %iota3A, %eq3A_370 : vector<16xi32>
          %slice3A_372 = vector.extract_strided_slice %get3A_255 {offsets = [1], sizes = [1], strides = [1]} : vector<16xf32> to vector<1xf32>
          %squeeze3A_373 = vector.extract %slice3A_372[0] : f32 from vector<1xf32>
          %jit3A_374 = arith.constant 0.000000e+00 : f32
          %broadcast_in_dim3A_375 = vector.broadcast %squeeze3A_373 : f32 to vector<16xf32>
          %broadcast_in_dim3A_376 = vector.broadcast %jit3A_374 : f32 to vector<16xf32>
          %select_n3A_377 = arith.select %eq3A_371, %broadcast_in_dim3A_375, %broadcast_in_dim3A_376 : vector<16xi1>, vector<16xf32>
          %add3A_378 = arith.addf %add3A_368, %select_n3A_377 : vector<16xf32>
          %mul3A_379 = arith.constant 16 : i32
          %mul3A_380 = arith.muli %add3A_322, %mul3A_379 : i32
          %swap3A_381 = arith.index_cast %mul3A_380 : i32 to index
          %swap3A_382 = tpu.vector_load %arg16[%swap3A_381] {strides = array<i32>} : memref<2048xf32, #tpu.memory_space<vmem>>, vector<16xf32>,
          %swap3A_383 = vector.shape_cast %swap3A_382 : vector<16xf32> to vector<16xf32>
          %swap3A_384 = vector.shape_cast %add3A_378 : vector<16xf32> to vector<16xf32>
          tpu.vector_store %arg16[%swap3A_381], %swap3A_384 {strides = array<i32>} : memref<2048xf32, #tpu.memory_space<vmem>>, vector<16xf32>,
          %mul3A_385 = arith.constant 16 : i32
          %mul3A_386 = arith.muli %scan3A_249, %mul3A_385 : i32
          %add3A_387 = arith.constant 2 : i32
          %add3A_388 = arith.addi %mul3A_386, %add3A_387 : i32
          %get3A_389 = arith.index_cast %add3A_388 : i32 to index
          %get3A_390 = arith.constant 0 : index
          %get3A_391 = tpu.vector_load %arg10[%get3A_389, %get3A_390] {strides = array<i32>} : memref<128x128xf32, #tpu.memory_space<vmem>>, vector<1x16xf32>,
          %get3A_392 = vector.shape_cast %get3A_391 : vector<1x16xf32> to vector<16xf32>
          %mul3A_393 = arith.mulf %get3A_392, %get3A_64 : vector<16xf32>
          %get3A_394 = arith.index_cast %add3A_388 : i32 to index
          %get3A_395 = arith.constant 16 : index
          %get3A_396 = tpu.vector_load %arg10[%get3A_394, %get3A_395] {strides = array<i32>} : memref<128x128xf32, #tpu.memory_space<vmem>>, vector<1x16xf32>,
          %get3A_397 = vector.shape_cast %get3A_396 : vector<1x16xf32> to vector<16xf32>
          %mul3A_398 = arith.mulf %get3A_397, %get3A_69 : vector<16xf32>
          %get3A_399 = arith.index_cast %add3A_388 : i32 to index
          %get3A_400 = arith.constant 32 : index
          %get3A_401 = tpu.vector_load %arg10[%get3A_399, %get3A_400] {strides = array<i32>} : memref<128x128xf32, #tpu.memory_space<vmem>>, vector<1x16xf32>,
          %get3A_402 = vector.shape_cast %get3A_401 : vector<1x16xf32> to vector<16xf32>
          %mul3A_403 = arith.mulf %get3A_402, %get3A_74 : vector<16xf32>
          %get3A_404 = arith.index_cast %add3A_388 : i32 to index
          %get3A_405 = arith.constant 48 : index
          %get3A_406 = tpu.vector_load %arg10[%get3A_404, %get3A_405] {strides = array<i32>} : memref<128x128xf32, #tpu.memory_space<vmem>>, vector<1x16xf32>,
          %get3A_407 = vector.shape_cast %get3A_406 : vector<1x16xf32> to vector<16xf32>
          %mul3A_408 = arith.mulf %get3A_407, %get3A_79 : vector<16xf32>
          %get3A_409 = arith.index_cast %add3A_388 : i32 to index
          %get3A_410 = arith.constant 64 : index
          %get3A_411 = tpu.vector_load %arg10[%get3A_409, %get3A_410] {strides = array<i32>} : memref<128x128xf32, #tpu.memory_space<vmem>>, vector<1x16xf32>,
          %get3A_412 = vector.shape_cast %get3A_411 : vector<1x16xf32> to vector<16xf32>
          %mul3A_413 = arith.mulf %get3A_412, %get3A_84 : vector<16xf32>
          %get3A_414 = arith.index_cast %add3A_388 : i32 to index
          %get3A_415 = arith.constant 80 : index
          %get3A_416 = tpu.vector_load %arg10[%get3A_414, %get3A_415] {strides = array<i32>} : memref<128x128xf32, #tpu.memory_space<vmem>>, vector<1x16xf32>,
          %get3A_417 = vector.shape_cast %get3A_416 : vector<1x16xf32> to vector<16xf32>
          %mul3A_418 = arith.mulf %get3A_417, %get3A_89 : vector<16xf32>
          %add3A_419 = arith.addf %mul3A_393, %mul3A_398 : vector<16xf32>
          %add3A_420 = arith.addf %mul3A_403, %mul3A_408 : vector<16xf32>
          %add3A_421 = arith.addf %add3A_419, %add3A_420 : vector<16xf32>
          %add3A_422 = arith.addf %mul3A_413, %mul3A_418 : vector<16xf32>
          %add3A_423 = arith.addf %add3A_421, %add3A_422 : vector<16xf32>
          %mul3A_424 = arith.constant 16 : i32
          %mul3A_425 = arith.muli %add3A_388, %mul3A_424 : i32
          %swap3A_426 = arith.index_cast %mul3A_425 : i32 to index
          %swap3A_427 = tpu.vector_load %arg14[%swap3A_426] {strides = array<i32>} : memref<2048xf32, #tpu.memory_space<vmem>>, vector<16xf32>,
          %swap3A_428 = vector.shape_cast %swap3A_427 : vector<16xf32> to vector<16xf32>
          %swap3A_429 = vector.shape_cast %add3A_423 : vector<16xf32> to vector<16xf32>
          tpu.vector_store %arg14[%swap3A_426], %swap3A_429 {strides = array<i32>} : memref<2048xf32, #tpu.memory_space<vmem>>, vector<16xf32>,
          %get3A_430 = arith.index_cast %add3A_388 : i32 to index
          %get3A_431 = arith.constant 96 : index
          %get3A_432 = tpu.vector_load %arg10[%get3A_430, %get3A_431] {strides = array<i32>} : memref<128x128xf32, #tpu.memory_space<vmem>>, vector<1x16xf32>,
          %get3A_433 = vector.shape_cast %get3A_432 : vector<1x16xf32> to vector<16xf32>
          %add3A_434 = arith.addf %get3A_433, %add3A_170 : vector<16xf32>
          %eq3A_435 = arith.constant 4 : i32
          %eq3A_436 = vector.broadcast %eq3A_435 : i32 to vector<16xi32>
          %eq3A_437 = arith.cmpi eq, %iota3A, %eq3A_436 : vector<16xi32>
          %slice3A_438 = vector.extract_strided_slice %get3A_255 {offsets = [2], sizes = [1], strides = [1]} : vector<16xf32> to vector<1xf32>
          %squeeze3A_439 = vector.extract %slice3A_438[0] : f32 from vector<1xf32>
          %jit3A_440 = arith.constant 0.000000e+00 : f32
          %broadcast_in_dim3A_441 = vector.broadcast %squeeze3A_439 : f32 to vector<16xf32>
          %broadcast_in_dim3A_442 = vector.broadcast %jit3A_440 : f32 to vector<16xf32>
          %select_n3A_443 = arith.select %eq3A_437, %broadcast_in_dim3A_441, %broadcast_in_dim3A_442 : vector<16xi1>, vector<16xf32>
          %add3A_444 = arith.addf %add3A_434, %select_n3A_443 : vector<16xf32>
          %mul3A_445 = arith.constant 16 : i32
          %mul3A_446 = arith.muli %add3A_388, %mul3A_445 : i32
          %swap3A_447 = arith.index_cast %mul3A_446 : i32 to index
          %swap3A_448 = tpu.vector_load %arg16[%swap3A_447] {strides = array<i32>} : memref<2048xf32, #tpu.memory_space<vmem>>, vector<16xf32>,
          %swap3A_449 = vector.shape_cast %swap3A_448 : vector<16xf32> to vector<16xf32>
          %swap3A_450 = vector.shape_cast %add3A_444 : vector<16xf32> to vector<16xf32>
          tpu.vector_store %arg16[%swap3A_447], %swap3A_450 {strides = array<i32>} : memref<2048xf32, #tpu.memory_space<vmem>>, vector<16xf32>,
          %mul3A_451 = arith.constant 16 : i32
          %mul3A_452 = arith.muli %scan3A_249, %mul3A_451 : i32
          %add3A_453 = arith.constant 3 : i32
          %add3A_454 = arith.addi %mul3A_452, %add3A_453 : i32
          %get3A_455 = arith.index_cast %add3A_454 : i32 to index
          %get3A_456 = arith.constant 0 : index
          %get3A_457 = tpu.vector_load %arg10[%get3A_455, %get3A_456] {strides = array<i32>} : memref<128x128xf32, #tpu.memory_space<vmem>>, vector<1x16xf32>,
          %get3A_458 = vector.shape_cast %get3A_457 : vector<1x16xf32> to vector<16xf32>
          %mul3A_459 = arith.mulf %get3A_458, %get3A_64 : vector<16xf32>
          %get3A_460 = arith.index_cast %add3A_454 : i32 to index
          %get3A_461 = arith.constant 16 : index
          %get3A_462 = tpu.vector_load %arg10[%get3A_460, %get3A_461] {strides = array<i32>} : memref<128x128xf32, #tpu.memory_space<vmem>>, vector<1x16xf32>,
          %get3A_463 = vector.shape_cast %get3A_462 : vector<1x16xf32> to vector<16xf32>
          %mul3A_464 = arith.mulf %get3A_463, %get3A_69 : vector<16xf32>
          %get3A_465 = arith.index_cast %add3A_454 : i32 to index
          %get3A_466 = arith.constant 32 : index
          %get3A_467 = tpu.vector_load %arg10[%get3A_465, %get3A_466] {strides = array<i32>} : memref<128x128xf32, #tpu.memory_space<vmem>>, vector<1x16xf32>,
          %get3A_468 = vector.shape_cast %get3A_467 : vector<1x16xf32> to vector<16xf32>
          %mul3A_469 = arith.mulf %get3A_468, %get3A_74 : vector<16xf32>
          %get3A_470 = arith.index_cast %add3A_454 : i32 to index
          %get3A_471 = arith.constant 48 : index
          %get3A_472 = tpu.vector_load %arg10[%get3A_470, %get3A_471] {strides = array<i32>} : memref<128x128xf32, #tpu.memory_space<vmem>>, vector<1x16xf32>,
          %get3A_473 = vector.shape_cast %get3A_472 : vector<1x16xf32> to vector<16xf32>
          %mul3A_474 = arith.mulf %get3A_473, %get3A_79 : vector<16xf32>
          %get3A_475 = arith.index_cast %add3A_454 : i32 to index
          %get3A_476 = arith.constant 64 : index
          %get3A_477 = tpu.vector_load %arg10[%get3A_475, %get3A_476] {strides = array<i32>} : memref<128x128xf32, #tpu.memory_space<vmem>>, vector<1x16xf32>,
          %get3A_478 = vector.shape_cast %get3A_477 : vector<1x16xf32> to vector<16xf32>
          %mul3A_479 = arith.mulf %get3A_478, %get3A_84 : vector<16xf32>
          %get3A_480 = arith.index_cast %add3A_454 : i32 to index
          %get3A_481 = arith.constant 80 : index
          %get3A_482 = tpu.vector_load %arg10[%get3A_480, %get3A_481] {strides = array<i32>} : memref<128x128xf32, #tpu.memory_space<vmem>>, vector<1x16xf32>,
          %get3A_483 = vector.shape_cast %get3A_482 : vector<1x16xf32> to vector<16xf32>
          %mul3A_484 = arith.mulf %get3A_483, %get3A_89 : vector<16xf32>
          %add3A_485 = arith.addf %mul3A_459, %mul3A_464 : vector<16xf32>
          %add3A_486 = arith.addf %mul3A_469, %mul3A_474 : vector<16xf32>
          %add3A_487 = arith.addf %add3A_485, %add3A_486 : vector<16xf32>
          %add3A_488 = arith.addf %mul3A_479, %mul3A_484 : vector<16xf32>
          %add3A_489 = arith.addf %add3A_487, %add3A_488 : vector<16xf32>
          %mul3A_490 = arith.constant 16 : i32
          %mul3A_491 = arith.muli %add3A_454, %mul3A_490 : i32
          %swap3A_492 = arith.index_cast %mul3A_491 : i32 to index
          %swap3A_493 = tpu.vector_load %arg14[%swap3A_492] {strides = array<i32>} : memref<2048xf32, #tpu.memory_space<vmem>>, vector<16xf32>,
          %swap3A_494 = vector.shape_cast %swap3A_493 : vector<16xf32> to vector<16xf32>
          %swap3A_495 = vector.shape_cast %add3A_489 : vector<16xf32> to vector<16xf32>
          tpu.vector_store %arg14[%swap3A_492], %swap3A_495 {strides = array<i32>} : memref<2048xf32, #tpu.memory_space<vmem>>, vector<16xf32>,
          %get3A_496 = arith.index_cast %add3A_454 : i32 to index
          %get3A_497 = arith.constant 96 : index
          %get3A_498 = tpu.vector_load %arg10[%get3A_496, %get3A_497] {strides = array<i32>} : memref<128x128xf32, #tpu.memory_space<vmem>>, vector<1x16xf32>,
          %get3A_499 = vector.shape_cast %get3A_498 : vector<1x16xf32> to vector<16xf32>
          %add3A_500 = arith.addf %get3A_499, %add3A_170 : vector<16xf32>
          %eq3A_501 = arith.constant 4 : i32
          %eq3A_502 = vector.broadcast %eq3A_501 : i32 to vector<16xi32>
          %eq3A_503 = arith.cmpi eq, %iota3A, %eq3A_502 : vector<16xi32>
          %slice3A_504 = vector.extract_strided_slice %get3A_255 {offsets = [3], sizes = [1], strides = [1]} : vector<16xf32> to vector<1xf32>
          %squeeze3A_505 = vector.extract %slice3A_504[0] : f32 from vector<1xf32>
          %jit3A_506 = arith.constant 0.000000e+00 : f32
          %broadcast_in_dim3A_507 = vector.broadcast %squeeze3A_505 : f32 to vector<16xf32>
          %broadcast_in_dim3A_508 = vector.broadcast %jit3A_506 : f32 to vector<16xf32>
          %select_n3A_509 = arith.select %eq3A_503, %broadcast_in_dim3A_507, %broadcast_in_dim3A_508 : vector<16xi1>, vector<16xf32>
          %add3A_510 = arith.addf %add3A_500, %select_n3A_509 : vector<16xf32>
          %mul3A_511 = arith.constant 16 : i32
          %mul3A_512 = arith.muli %add3A_454, %mul3A_511 : i32
          %swap3A_513 = arith.index_cast %mul3A_512 : i32 to index
          %swap3A_514 = tpu.vector_load %arg16[%swap3A_513] {strides = array<i32>} : memref<2048xf32, #tpu.memory_space<vmem>>, vector<16xf32>,
          %swap3A_515 = vector.shape_cast %swap3A_514 : vector<16xf32> to vector<16xf32>
          %swap3A_516 = vector.shape_cast %add3A_510 : vector<16xf32> to vector<16xf32>
          tpu.vector_store %arg16[%swap3A_513], %swap3A_516 {strides = array<i32>} : memref<2048xf32, #tpu.memory_space<vmem>>, vector<16xf32>,
          %mul3A_517 = arith.constant 16 : i32
          %mul3A_518 = arith.muli %scan3A_249, %mul3A_517 : i32
          %add3A_519 = arith.constant 4 : i32
          %add3A_520 = arith.addi %mul3A_518, %add3A_519 : i32
          %get3A_521 = arith.index_cast %add3A_520 : i32 to index
          %get3A_522 = arith.constant 0 : index
          %get3A_523 = tpu.vector_load %arg10[%get3A_521, %get3A_522] {strides = array<i32>} : memref<128x128xf32, #tpu.memory_space<vmem>>, vector<1x16xf32>,
          %get3A_524 = vector.shape_cast %get3A_523 : vector<1x16xf32> to vector<16xf32>
          %mul3A_525 = arith.mulf %get3A_524, %get3A_64 : vector<16xf32>
          %get3A_526 = arith.index_cast %add3A_520 : i32 to index
          %get3A_527 = arith.constant 16 : index
          %get3A_528 = tpu.vector_load %arg10[%get3A_526, %get3A_527] {strides = array<i32>} : memref<128x128xf32, #tpu.memory_space<vmem>>, vector<1x16xf32>,
          %get3A_529 = vector.shape_cast %get3A_528 : vector<1x16xf32> to vector<16xf32>
          %mul3A_530 = arith.mulf %get3A_529, %get3A_69 : vector<16xf32>
          %get3A_531 = arith.index_cast %add3A_520 : i32 to index
          %get3A_532 = arith.constant 32 : index
          %get3A_533 = tpu.vector_load %arg10[%get3A_531, %get3A_532] {strides = array<i32>} : memref<128x128xf32, #tpu.memory_space<vmem>>, vector<1x16xf32>,
          %get3A_534 = vector.shape_cast %get3A_533 : vector<1x16xf32> to vector<16xf32>
          %mul3A_535 = arith.mulf %get3A_534, %get3A_74 : vector<16xf32>
          %get3A_536 = arith.index_cast %add3A_520 : i32 to index
          %get3A_537 = arith.constant 48 : index
          %get3A_538 = tpu.vector_load %arg10[%get3A_536, %get3A_537] {strides = array<i32>} : memref<128x128xf32, #tpu.memory_space<vmem>>, vector<1x16xf32>,
          %get3A_539 = vector.shape_cast %get3A_538 : vector<1x16xf32> to vector<16xf32>
          %mul3A_540 = arith.mulf %get3A_539, %get3A_79 : vector<16xf32>
          %get3A_541 = arith.index_cast %add3A_520 : i32 to index
          %get3A_542 = arith.constant 64 : index
          %get3A_543 = tpu.vector_load %arg10[%get3A_541, %get3A_542] {strides = array<i32>} : memref<128x128xf32, #tpu.memory_space<vmem>>, vector<1x16xf32>,
          %get3A_544 = vector.shape_cast %get3A_543 : vector<1x16xf32> to vector<16xf32>
          %mul3A_545 = arith.mulf %get3A_544, %get3A_84 : vector<16xf32>
          %get3A_546 = arith.index_cast %add3A_520 : i32 to index
          %get3A_547 = arith.constant 80 : index
          %get3A_548 = tpu.vector_load %arg10[%get3A_546, %get3A_547] {strides = array<i32>} : memref<128x128xf32, #tpu.memory_space<vmem>>, vector<1x16xf32>,
          %get3A_549 = vector.shape_cast %get3A_548 : vector<1x16xf32> to vector<16xf32>
          %mul3A_550 = arith.mulf %get3A_549, %get3A_89 : vector<16xf32>
          %add3A_551 = arith.addf %mul3A_525, %mul3A_530 : vector<16xf32>
          %add3A_552 = arith.addf %mul3A_535, %mul3A_540 : vector<16xf32>
          %add3A_553 = arith.addf %add3A_551, %add3A_552 : vector<16xf32>
          %add3A_554 = arith.addf %mul3A_545, %mul3A_550 : vector<16xf32>
          %add3A_555 = arith.addf %add3A_553, %add3A_554 : vector<16xf32>
          %mul3A_556 = arith.constant 16 : i32
          %mul3A_557 = arith.muli %add3A_520, %mul3A_556 : i32
          %swap3A_558 = arith.index_cast %mul3A_557 : i32 to index
          %swap3A_559 = tpu.vector_load %arg14[%swap3A_558] {strides = array<i32>} : memref<2048xf32, #tpu.memory_space<vmem>>, vector<16xf32>,
          %swap3A_560 = vector.shape_cast %swap3A_559 : vector<16xf32> to vector<16xf32>
          %swap3A_561 = vector.shape_cast %add3A_555 : vector<16xf32> to vector<16xf32>
          tpu.vector_store %arg14[%swap3A_558], %swap3A_561 {strides = array<i32>} : memref<2048xf32, #tpu.memory_space<vmem>>, vector<16xf32>,
          %get3A_562 = arith.index_cast %add3A_520 : i32 to index
          %get3A_563 = arith.constant 96 : index
          %get3A_564 = tpu.vector_load %arg10[%get3A_562, %get3A_563] {strides = array<i32>} : memref<128x128xf32, #tpu.memory_space<vmem>>, vector<1x16xf32>,
          %get3A_565 = vector.shape_cast %get3A_564 : vector<1x16xf32> to vector<16xf32>
          %add3A_566 = arith.addf %get3A_565, %add3A_170 : vector<16xf32>
          %eq3A_567 = arith.constant 4 : i32
          %eq3A_568 = vector.broadcast %eq3A_567 : i32 to vector<16xi32>
          %eq3A_569 = arith.cmpi eq, %iota3A, %eq3A_568 : vector<16xi32>
          %slice3A_570 = vector.extract_strided_slice %get3A_255 {offsets = [4], sizes = [1], strides = [1]} : vector<16xf32> to vector<1xf32>
          %squeeze3A_571 = vector.extract %slice3A_570[0] : f32 from vector<1xf32>
          %jit3A_572 = arith.constant 0.000000e+00 : f32
          %broadcast_in_dim3A_573 = vector.broadcast %squeeze3A_571 : f32 to vector<16xf32>
          %broadcast_in_dim3A_574 = vector.broadcast %jit3A_572 : f32 to vector<16xf32>
          %select_n3A_575 = arith.select %eq3A_569, %broadcast_in_dim3A_573, %broadcast_in_dim3A_574 : vector<16xi1>, vector<16xf32>
          %add3A_576 = arith.addf %add3A_566, %select_n3A_575 : vector<16xf32>
          %mul3A_577 = arith.constant 16 : i32
          %mul3A_578 = arith.muli %add3A_520, %mul3A_577 : i32
          %swap3A_579 = arith.index_cast %mul3A_578 : i32 to index
          %swap3A_580 = tpu.vector_load %arg16[%swap3A_579] {strides = array<i32>} : memref<2048xf32, #tpu.memory_space<vmem>>, vector<16xf32>,
          %swap3A_581 = vector.shape_cast %swap3A_580 : vector<16xf32> to vector<16xf32>
          %swap3A_582 = vector.shape_cast %add3A_576 : vector<16xf32> to vector<16xf32>
          tpu.vector_store %arg16[%swap3A_579], %swap3A_582 {strides = array<i32>} : memref<2048xf32, #tpu.memory_space<vmem>>, vector<16xf32>,
          %mul3A_583 = arith.constant 16 : i32
          %mul3A_584 = arith.muli %scan3A_249, %mul3A_583 : i32
          %add3A_585 = arith.constant 5 : i32
          %add3A_586 = arith.addi %mul3A_584, %add3A_585 : i32
          %get3A_587 = arith.index_cast %add3A_586 : i32 to index
          %get3A_588 = arith.constant 0 : index
          %get3A_589 = tpu.vector_load %arg10[%get3A_587, %get3A_588] {strides = array<i32>} : memref<128x128xf32, #tpu.memory_space<vmem>>, vector<1x16xf32>,
          %get3A_590 = vector.shape_cast %get3A_589 : vector<1x16xf32> to vector<16xf32>
          %mul3A_591 = arith.mulf %get3A_590, %get3A_64 : vector<16xf32>
          %get3A_592 = arith.index_cast %add3A_586 : i32 to index
          %get3A_593 = arith.constant 16 : index
          %get3A_594 = tpu.vector_load %arg10[%get3A_592, %get3A_593] {strides = array<i32>} : memref<128x128xf32, #tpu.memory_space<vmem>>, vector<1x16xf32>,
          %get3A_595 = vector.shape_cast %get3A_594 : vector<1x16xf32> to vector<16xf32>
          %mul3A_596 = arith.mulf %get3A_595, %get3A_69 : vector<16xf32>
          %get3A_597 = arith.index_cast %add3A_586 : i32 to index
          %get3A_598 = arith.constant 32 : index
          %get3A_599 = tpu.vector_load %arg10[%get3A_597, %get3A_598] {strides = array<i32>} : memref<128x128xf32, #tpu.memory_space<vmem>>, vector<1x16xf32>,
          %get3A_600 = vector.shape_cast %get3A_599 : vector<1x16xf32> to vector<16xf32>
          %mul3A_601 = arith.mulf %get3A_600, %get3A_74 : vector<16xf32>
          %get3A_602 = arith.index_cast %add3A_586 : i32 to index
          %get3A_603 = arith.constant 48 : index
          %get3A_604 = tpu.vector_load %arg10[%get3A_602, %get3A_603] {strides = array<i32>} : memref<128x128xf32, #tpu.memory_space<vmem>>, vector<1x16xf32>,
          %get3A_605 = vector.shape_cast %get3A_604 : vector<1x16xf32> to vector<16xf32>
          %mul3A_606 = arith.mulf %get3A_605, %get3A_79 : vector<16xf32>
          %get3A_607 = arith.index_cast %add3A_586 : i32 to index
          %get3A_608 = arith.constant 64 : index
          %get3A_609 = tpu.vector_load %arg10[%get3A_607, %get3A_608] {strides = array<i32>} : memref<128x128xf32, #tpu.memory_space<vmem>>, vector<1x16xf32>,
          %get3A_610 = vector.shape_cast %get3A_609 : vector<1x16xf32> to vector<16xf32>
          %mul3A_611 = arith.mulf %get3A_610, %get3A_84 : vector<16xf32>
          %get3A_612 = arith.index_cast %add3A_586 : i32 to index
          %get3A_613 = arith.constant 80 : index
          %get3A_614 = tpu.vector_load %arg10[%get3A_612, %get3A_613] {strides = array<i32>} : memref<128x128xf32, #tpu.memory_space<vmem>>, vector<1x16xf32>,
          %get3A_615 = vector.shape_cast %get3A_614 : vector<1x16xf32> to vector<16xf32>
          %mul3A_616 = arith.mulf %get3A_615, %get3A_89 : vector<16xf32>
          %add3A_617 = arith.addf %mul3A_591, %mul3A_596 : vector<16xf32>
          %add3A_618 = arith.addf %mul3A_601, %mul3A_606 : vector<16xf32>
          %add3A_619 = arith.addf %add3A_617, %add3A_618 : vector<16xf32>
          %add3A_620 = arith.addf %mul3A_611, %mul3A_616 : vector<16xf32>
          %add3A_621 = arith.addf %add3A_619, %add3A_620 : vector<16xf32>
          %mul3A_622 = arith.constant 16 : i32
          %mul3A_623 = arith.muli %add3A_586, %mul3A_622 : i32
          %swap3A_624 = arith.index_cast %mul3A_623 : i32 to index
          %swap3A_625 = tpu.vector_load %arg14[%swap3A_624] {strides = array<i32>} : memref<2048xf32, #tpu.memory_space<vmem>>, vector<16xf32>,
          %swap3A_626 = vector.shape_cast %swap3A_625 : vector<16xf32> to vector<16xf32>
          %swap3A_627 = vector.shape_cast %add3A_621 : vector<16xf32> to vector<16xf32>
          tpu.vector_store %arg14[%swap3A_624], %swap3A_627 {strides = array<i32>} : memref<2048xf32, #tpu.memory_space<vmem>>, vector<16xf32>,
          %get3A_628 = arith.index_cast %add3A_586 : i32 to index
          %get3A_629 = arith.constant 96 : index
          %get3A_630 = tpu.vector_load %arg10[%get3A_628, %get3A_629] {strides = array<i32>} : memref<128x128xf32, #tpu.memory_space<vmem>>, vector<1x16xf32>,
          %get3A_631 = vector.shape_cast %get3A_630 : vector<1x16xf32> to vector<16xf32>
          %add3A_632 = arith.addf %get3A_631, %add3A_170 : vector<16xf32>
          %eq3A_633 = arith.constant 4 : i32
          %eq3A_634 = vector.broadcast %eq3A_633 : i32 to vector<16xi32>
          %eq3A_635 = arith.cmpi eq, %iota3A, %eq3A_634 : vector<16xi32>
          %slice3A_636 = vector.extract_strided_slice %get3A_255 {offsets = [5], sizes = [1], strides = [1]} : vector<16xf32> to vector<1xf32>
          %squeeze3A_637 = vector.extract %slice3A_636[0] : f32 from vector<1xf32>
          %jit3A_638 = arith.constant 0.000000e+00 : f32
          %broadcast_in_dim3A_639 = vector.broadcast %squeeze3A_637 : f32 to vector<16xf32>
          %broadcast_in_dim3A_640 = vector.broadcast %jit3A_638 : f32 to vector<16xf32>
          %select_n3A_641 = arith.select %eq3A_635, %broadcast_in_dim3A_639, %broadcast_in_dim3A_640 : vector<16xi1>, vector<16xf32>
          %add3A_642 = arith.addf %add3A_632, %select_n3A_641 : vector<16xf32>
          %mul3A_643 = arith.constant 16 : i32
          %mul3A_644 = arith.muli %add3A_586, %mul3A_643 : i32
          %swap3A_645 = arith.index_cast %mul3A_644 : i32 to index
          %swap3A_646 = tpu.vector_load %arg16[%swap3A_645] {strides = array<i32>} : memref<2048xf32, #tpu.memory_space<vmem>>, vector<16xf32>,
          %swap3A_647 = vector.shape_cast %swap3A_646 : vector<16xf32> to vector<16xf32>
          %swap3A_648 = vector.shape_cast %add3A_642 : vector<16xf32> to vector<16xf32>
          tpu.vector_store %arg16[%swap3A_645], %swap3A_648 {strides = array<i32>} : memref<2048xf32, #tpu.memory_space<vmem>>, vector<16xf32>,
          %mul3A_649 = arith.constant 16 : i32
          %mul3A_650 = arith.muli %scan3A_249, %mul3A_649 : i32
          %add3A_651 = arith.constant 6 : i32
          %add3A_652 = arith.addi %mul3A_650, %add3A_651 : i32
          %get3A_653 = arith.index_cast %add3A_652 : i32 to index
          %get3A_654 = arith.constant 0 : index
          %get3A_655 = tpu.vector_load %arg10[%get3A_653, %get3A_654] {strides = array<i32>} : memref<128x128xf32, #tpu.memory_space<vmem>>, vector<1x16xf32>,
          %get3A_656 = vector.shape_cast %get3A_655 : vector<1x16xf32> to vector<16xf32>
          %mul3A_657 = arith.mulf %get3A_656, %get3A_64 : vector<16xf32>
          %get3A_658 = arith.index_cast %add3A_652 : i32 to index
          %get3A_659 = arith.constant 16 : index
          %get3A_660 = tpu.vector_load %arg10[%get3A_658, %get3A_659] {strides = array<i32>} : memref<128x128xf32, #tpu.memory_space<vmem>>, vector<1x16xf32>,
          %get3A_661 = vector.shape_cast %get3A_660 : vector<1x16xf32> to vector<16xf32>
          %mul3A_662 = arith.mulf %get3A_661, %get3A_69 : vector<16xf32>
          %get3A_663 = arith.index_cast %add3A_652 : i32 to index
          %get3A_664 = arith.constant 32 : index
          %get3A_665 = tpu.vector_load %arg10[%get3A_663, %get3A_664] {strides = array<i32>} : memref<128x128xf32, #tpu.memory_space<vmem>>, vector<1x16xf32>,
          %get3A_666 = vector.shape_cast %get3A_665 : vector<1x16xf32> to vector<16xf32>
          %mul3A_667 = arith.mulf %get3A_666, %get3A_74 : vector<16xf32>
          %get3A_668 = arith.index_cast %add3A_652 : i32 to index
          %get3A_669 = arith.constant 48 : index
          %get3A_670 = tpu.vector_load %arg10[%get3A_668, %get3A_669] {strides = array<i32>} : memref<128x128xf32, #tpu.memory_space<vmem>>, vector<1x16xf32>,
          %get3A_671 = vector.shape_cast %get3A_670 : vector<1x16xf32> to vector<16xf32>
          %mul3A_672 = arith.mulf %get3A_671, %get3A_79 : vector<16xf32>
          %get3A_673 = arith.index_cast %add3A_652 : i32 to index
          %get3A_674 = arith.constant 64 : index
          %get3A_675 = tpu.vector_load %arg10[%get3A_673, %get3A_674] {strides = array<i32>} : memref<128x128xf32, #tpu.memory_space<vmem>>, vector<1x16xf32>,
          %get3A_676 = vector.shape_cast %get3A_675 : vector<1x16xf32> to vector<16xf32>
          %mul3A_677 = arith.mulf %get3A_676, %get3A_84 : vector<16xf32>
          %get3A_678 = arith.index_cast %add3A_652 : i32 to index
          %get3A_679 = arith.constant 80 : index
          %get3A_680 = tpu.vector_load %arg10[%get3A_678, %get3A_679] {strides = array<i32>} : memref<128x128xf32, #tpu.memory_space<vmem>>, vector<1x16xf32>,
          %get3A_681 = vector.shape_cast %get3A_680 : vector<1x16xf32> to vector<16xf32>
          %mul3A_682 = arith.mulf %get3A_681, %get3A_89 : vector<16xf32>
          %add3A_683 = arith.addf %mul3A_657, %mul3A_662 : vector<16xf32>
          %add3A_684 = arith.addf %mul3A_667, %mul3A_672 : vector<16xf32>
          %add3A_685 = arith.addf %add3A_683, %add3A_684 : vector<16xf32>
          %add3A_686 = arith.addf %mul3A_677, %mul3A_682 : vector<16xf32>
          %add3A_687 = arith.addf %add3A_685, %add3A_686 : vector<16xf32>
          %mul3A_688 = arith.constant 16 : i32
          %mul3A_689 = arith.muli %add3A_652, %mul3A_688 : i32
          %swap3A_690 = arith.index_cast %mul3A_689 : i32 to index
          %swap3A_691 = tpu.vector_load %arg14[%swap3A_690] {strides = array<i32>} : memref<2048xf32, #tpu.memory_space<vmem>>, vector<16xf32>,
          %swap3A_692 = vector.shape_cast %swap3A_691 : vector<16xf32> to vector<16xf32>
          %swap3A_693 = vector.shape_cast %add3A_687 : vector<16xf32> to vector<16xf32>
          tpu.vector_store %arg14[%swap3A_690], %swap3A_693 {strides = array<i32>} : memref<2048xf32, #tpu.memory_space<vmem>>, vector<16xf32>,
          %get3A_694 = arith.index_cast %add3A_652 : i32 to index
          %get3A_695 = arith.constant 96 : index
          %get3A_696 = tpu.vector_load %arg10[%get3A_694, %get3A_695] {strides = array<i32>} : memref<128x128xf32, #tpu.memory_space<vmem>>, vector<1x16xf32>,
          %get3A_697 = vector.shape_cast %get3A_696 : vector<1x16xf32> to vector<16xf32>
          %add3A_698 = arith.addf %get3A_697, %add3A_170 : vector<16xf32>
          %eq3A_699 = arith.constant 4 : i32
          %eq3A_700 = vector.broadcast %eq3A_699 : i32 to vector<16xi32>
          %eq3A_701 = arith.cmpi eq, %iota3A, %eq3A_700 : vector<16xi32>
          %slice3A_702 = vector.extract_strided_slice %get3A_255 {offsets = [6], sizes = [1], strides = [1]} : vector<16xf32> to vector<1xf32>
          %squeeze3A_703 = vector.extract %slice3A_702[0] : f32 from vector<1xf32>
          %jit3A_704 = arith.constant 0.000000e+00 : f32
          %broadcast_in_dim3A_705 = vector.broadcast %squeeze3A_703 : f32 to vector<16xf32>
          %broadcast_in_dim3A_706 = vector.broadcast %jit3A_704 : f32 to vector<16xf32>
          %select_n3A_707 = arith.select %eq3A_701, %broadcast_in_dim3A_705, %broadcast_in_dim3A_706 : vector<16xi1>, vector<16xf32>
          %add3A_708 = arith.addf %add3A_698, %select_n3A_707 : vector<16xf32>
          %mul3A_709 = arith.constant 16 : i32
          %mul3A_710 = arith.muli %add3A_652, %mul3A_709 : i32
          %swap3A_711 = arith.index_cast %mul3A_710 : i32 to index
          %swap3A_712 = tpu.vector_load %arg16[%swap3A_711] {strides = array<i32>} : memref<2048xf32, #tpu.memory_space<vmem>>, vector<16xf32>,
          %swap3A_713 = vector.shape_cast %swap3A_712 : vector<16xf32> to vector<16xf32>
          %swap3A_714 = vector.shape_cast %add3A_708 : vector<16xf32> to vector<16xf32>
          tpu.vector_store %arg16[%swap3A_711], %swap3A_714 {strides = array<i32>} : memref<2048xf32, #tpu.memory_space<vmem>>, vector<16xf32>,
          %mul3A_715 = arith.constant 16 : i32
          %mul3A_716 = arith.muli %scan3A_249, %mul3A_715 : i32
          %add3A_717 = arith.constant 7 : i32
          %add3A_718 = arith.addi %mul3A_716, %add3A_717 : i32
          %get3A_719 = arith.index_cast %add3A_718 : i32 to index
          %get3A_720 = arith.constant 0 : index
          %get3A_721 = tpu.vector_load %arg10[%get3A_719, %get3A_720] {strides = array<i32>} : memref<128x128xf32, #tpu.memory_space<vmem>>, vector<1x16xf32>,
          %get3A_722 = vector.shape_cast %get3A_721 : vector<1x16xf32> to vector<16xf32>
          %mul3A_723 = arith.mulf %get3A_722, %get3A_64 : vector<16xf32>
          %get3A_724 = arith.index_cast %add3A_718 : i32 to index
          %get3A_725 = arith.constant 16 : index
          %get3A_726 = tpu.vector_load %arg10[%get3A_724, %get3A_725] {strides = array<i32>} : memref<128x128xf32, #tpu.memory_space<vmem>>, vector<1x16xf32>,
          %get3A_727 = vector.shape_cast %get3A_726 : vector<1x16xf32> to vector<16xf32>
          %mul3A_728 = arith.mulf %get3A_727, %get3A_69 : vector<16xf32>
          %get3A_729 = arith.index_cast %add3A_718 : i32 to index
          %get3A_730 = arith.constant 32 : index
          %get3A_731 = tpu.vector_load %arg10[%get3A_729, %get3A_730] {strides = array<i32>} : memref<128x128xf32, #tpu.memory_space<vmem>>, vector<1x16xf32>,
          %get3A_732 = vector.shape_cast %get3A_731 : vector<1x16xf32> to vector<16xf32>
          %mul3A_733 = arith.mulf %get3A_732, %get3A_74 : vector<16xf32>
          %get3A_734 = arith.index_cast %add3A_718 : i32 to index
          %get3A_735 = arith.constant 48 : index
          %get3A_736 = tpu.vector_load %arg10[%get3A_734, %get3A_735] {strides = array<i32>} : memref<128x128xf32, #tpu.memory_space<vmem>>, vector<1x16xf32>,
          %get3A_737 = vector.shape_cast %get3A_736 : vector<1x16xf32> to vector<16xf32>
          %mul3A_738 = arith.mulf %get3A_737, %get3A_79 : vector<16xf32>
          %get3A_739 = arith.index_cast %add3A_718 : i32 to index
          %get3A_740 = arith.constant 64 : index
          %get3A_741 = tpu.vector_load %arg10[%get3A_739, %get3A_740] {strides = array<i32>} : memref<128x128xf32, #tpu.memory_space<vmem>>, vector<1x16xf32>,
          %get3A_742 = vector.shape_cast %get3A_741 : vector<1x16xf32> to vector<16xf32>
          %mul3A_743 = arith.mulf %get3A_742, %get3A_84 : vector<16xf32>
          %get3A_744 = arith.index_cast %add3A_718 : i32 to index
          %get3A_745 = arith.constant 80 : index
          %get3A_746 = tpu.vector_load %arg10[%get3A_744, %get3A_745] {strides = array<i32>} : memref<128x128xf32, #tpu.memory_space<vmem>>, vector<1x16xf32>,
          %get3A_747 = vector.shape_cast %get3A_746 : vector<1x16xf32> to vector<16xf32>
          %mul3A_748 = arith.mulf %get3A_747, %get3A_89 : vector<16xf32>
          %add3A_749 = arith.addf %mul3A_723, %mul3A_728 : vector<16xf32>
          %add3A_750 = arith.addf %mul3A_733, %mul3A_738 : vector<16xf32>
          %add3A_751 = arith.addf %add3A_749, %add3A_750 : vector<16xf32>
          %add3A_752 = arith.addf %mul3A_743, %mul3A_748 : vector<16xf32>
          %add3A_753 = arith.addf %add3A_751, %add3A_752 : vector<16xf32>
          %mul3A_754 = arith.constant 16 : i32
          %mul3A_755 = arith.muli %add3A_718, %mul3A_754 : i32
          %swap3A_756 = arith.index_cast %mul3A_755 : i32 to index
          %swap3A_757 = tpu.vector_load %arg14[%swap3A_756] {strides = array<i32>} : memref<2048xf32, #tpu.memory_space<vmem>>, vector<16xf32>,
          %swap3A_758 = vector.shape_cast %swap3A_757 : vector<16xf32> to vector<16xf32>
          %swap3A_759 = vector.shape_cast %add3A_753 : vector<16xf32> to vector<16xf32>
          tpu.vector_store %arg14[%swap3A_756], %swap3A_759 {strides = array<i32>} : memref<2048xf32, #tpu.memory_space<vmem>>, vector<16xf32>,
          %get3A_760 = arith.index_cast %add3A_718 : i32 to index
          %get3A_761 = arith.constant 96 : index
          %get3A_762 = tpu.vector_load %arg10[%get3A_760, %get3A_761] {strides = array<i32>} : memref<128x128xf32, #tpu.memory_space<vmem>>, vector<1x16xf32>,
          %get3A_763 = vector.shape_cast %get3A_762 : vector<1x16xf32> to vector<16xf32>
          %add3A_764 = arith.addf %get3A_763, %add3A_170 : vector<16xf32>
          %eq3A_765 = arith.constant 4 : i32
          %eq3A_766 = vector.broadcast %eq3A_765 : i32 to vector<16xi32>
          %eq3A_767 = arith.cmpi eq, %iota3A, %eq3A_766 : vector<16xi32>
          %slice3A_768 = vector.extract_strided_slice %get3A_255 {offsets = [7], sizes = [1], strides = [1]} : vector<16xf32> to vector<1xf32>
          %squeeze3A_769 = vector.extract %slice3A_768[0] : f32 from vector<1xf32>
          %jit3A_770 = arith.constant 0.000000e+00 : f32
          %broadcast_in_dim3A_771 = vector.broadcast %squeeze3A_769 : f32 to vector<16xf32>
          %broadcast_in_dim3A_772 = vector.broadcast %jit3A_770 : f32 to vector<16xf32>
          %select_n3A_773 = arith.select %eq3A_767, %broadcast_in_dim3A_771, %broadcast_in_dim3A_772 : vector<16xi1>, vector<16xf32>
          %add3A_774 = arith.addf %add3A_764, %select_n3A_773 : vector<16xf32>
          %mul3A_775 = arith.constant 16 : i32
          %mul3A_776 = arith.muli %add3A_718, %mul3A_775 : i32
          %swap3A_777 = arith.index_cast %mul3A_776 : i32 to index
          %swap3A_778 = tpu.vector_load %arg16[%swap3A_777] {strides = array<i32>} : memref<2048xf32, #tpu.memory_space<vmem>>, vector<16xf32>,
          %swap3A_779 = vector.shape_cast %swap3A_778 : vector<16xf32> to vector<16xf32>
          %swap3A_780 = vector.shape_cast %add3A_774 : vector<16xf32> to vector<16xf32>
          tpu.vector_store %arg16[%swap3A_777], %swap3A_780 {strides = array<i32>} : memref<2048xf32, #tpu.memory_space<vmem>>, vector<16xf32>,
          %mul3A_781 = arith.constant 16 : i32
          %mul3A_782 = arith.muli %scan3A_249, %mul3A_781 : i32
          %add3A_783 = arith.constant 8 : i32
          %add3A_784 = arith.addi %mul3A_782, %add3A_783 : i32
          %get3A_785 = arith.index_cast %add3A_784 : i32 to index
          %get3A_786 = arith.constant 0 : index
          %get3A_787 = tpu.vector_load %arg10[%get3A_785, %get3A_786] {strides = array<i32>} : memref<128x128xf32, #tpu.memory_space<vmem>>, vector<1x16xf32>,
          %get3A_788 = vector.shape_cast %get3A_787 : vector<1x16xf32> to vector<16xf32>
          %mul3A_789 = arith.mulf %get3A_788, %get3A_64 : vector<16xf32>
          %get3A_790 = arith.index_cast %add3A_784 : i32 to index
          %get3A_791 = arith.constant 16 : index
          %get3A_792 = tpu.vector_load %arg10[%get3A_790, %get3A_791] {strides = array<i32>} : memref<128x128xf32, #tpu.memory_space<vmem>>, vector<1x16xf32>,
          %get3A_793 = vector.shape_cast %get3A_792 : vector<1x16xf32> to vector<16xf32>
          %mul3A_794 = arith.mulf %get3A_793, %get3A_69 : vector<16xf32>
          %get3A_795 = arith.index_cast %add3A_784 : i32 to index
          %get3A_796 = arith.constant 32 : index
          %get3A_797 = tpu.vector_load %arg10[%get3A_795, %get3A_796] {strides = array<i32>} : memref<128x128xf32, #tpu.memory_space<vmem>>, vector<1x16xf32>,
          %get3A_798 = vector.shape_cast %get3A_797 : vector<1x16xf32> to vector<16xf32>
          %mul3A_799 = arith.mulf %get3A_798, %get3A_74 : vector<16xf32>
          %get3A_800 = arith.index_cast %add3A_784 : i32 to index
          %get3A_801 = arith.constant 48 : index
          %get3A_802 = tpu.vector_load %arg10[%get3A_800, %get3A_801] {strides = array<i32>} : memref<128x128xf32, #tpu.memory_space<vmem>>, vector<1x16xf32>,
          %get3A_803 = vector.shape_cast %get3A_802 : vector<1x16xf32> to vector<16xf32>
          %mul3A_804 = arith.mulf %get3A_803, %get3A_79 : vector<16xf32>
          %get3A_805 = arith.index_cast %add3A_784 : i32 to index
          %get3A_806 = arith.constant 64 : index
          %get3A_807 = tpu.vector_load %arg10[%get3A_805, %get3A_806] {strides = array<i32>} : memref<128x128xf32, #tpu.memory_space<vmem>>, vector<1x16xf32>,
          %get3A_808 = vector.shape_cast %get3A_807 : vector<1x16xf32> to vector<16xf32>
          %mul3A_809 = arith.mulf %get3A_808, %get3A_84 : vector<16xf32>
          %get3A_810 = arith.index_cast %add3A_784 : i32 to index
          %get3A_811 = arith.constant 80 : index
          %get3A_812 = tpu.vector_load %arg10[%get3A_810, %get3A_811] {strides = array<i32>} : memref<128x128xf32, #tpu.memory_space<vmem>>, vector<1x16xf32>,
          %get3A_813 = vector.shape_cast %get3A_812 : vector<1x16xf32> to vector<16xf32>
          %mul3A_814 = arith.mulf %get3A_813, %get3A_89 : vector<16xf32>
          %add3A_815 = arith.addf %mul3A_789, %mul3A_794 : vector<16xf32>
          %add3A_816 = arith.addf %mul3A_799, %mul3A_804 : vector<16xf32>
          %add3A_817 = arith.addf %add3A_815, %add3A_816 : vector<16xf32>
          %add3A_818 = arith.addf %mul3A_809, %mul3A_814 : vector<16xf32>
          %add3A_819 = arith.addf %add3A_817, %add3A_818 : vector<16xf32>
          %mul3A_820 = arith.constant 16 : i32
          %mul3A_821 = arith.muli %add3A_784, %mul3A_820 : i32
          %swap3A_822 = arith.index_cast %mul3A_821 : i32 to index
          %swap3A_823 = tpu.vector_load %arg14[%swap3A_822] {strides = array<i32>} : memref<2048xf32, #tpu.memory_space<vmem>>, vector<16xf32>,
          %swap3A_824 = vector.shape_cast %swap3A_823 : vector<16xf32> to vector<16xf32>
          %swap3A_825 = vector.shape_cast %add3A_819 : vector<16xf32> to vector<16xf32>
          tpu.vector_store %arg14[%swap3A_822], %swap3A_825 {strides = array<i32>} : memref<2048xf32, #tpu.memory_space<vmem>>, vector<16xf32>,
          %get3A_826 = arith.index_cast %add3A_784 : i32 to index
          %get3A_827 = arith.constant 96 : index
          %get3A_828 = tpu.vector_load %arg10[%get3A_826, %get3A_827] {strides = array<i32>} : memref<128x128xf32, #tpu.memory_space<vmem>>, vector<1x16xf32>,
          %get3A_829 = vector.shape_cast %get3A_828 : vector<1x16xf32> to vector<16xf32>
          %add3A_830 = arith.addf %get3A_829, %add3A_170 : vector<16xf32>
          %eq3A_831 = arith.constant 4 : i32
          %eq3A_832 = vector.broadcast %eq3A_831 : i32 to vector<16xi32>
          %eq3A_833 = arith.cmpi eq, %iota3A, %eq3A_832 : vector<16xi32>
          %slice3A_834 = vector.extract_strided_slice %get3A_255 {offsets = [8], sizes = [1], strides = [1]} : vector<16xf32> to vector<1xf32>
          %squeeze3A_835 = vector.extract %slice3A_834[0] : f32 from vector<1xf32>
          %jit3A_836 = arith.constant 0.000000e+00 : f32
          %broadcast_in_dim3A_837 = vector.broadcast %squeeze3A_835 : f32 to vector<16xf32>
          %broadcast_in_dim3A_838 = vector.broadcast %jit3A_836 : f32 to vector<16xf32>
          %select_n3A_839 = arith.select %eq3A_833, %broadcast_in_dim3A_837, %broadcast_in_dim3A_838 : vector<16xi1>, vector<16xf32>
          %add3A_840 = arith.addf %add3A_830, %select_n3A_839 : vector<16xf32>
          %mul3A_841 = arith.constant 16 : i32
          %mul3A_842 = arith.muli %add3A_784, %mul3A_841 : i32
          %swap3A_843 = arith.index_cast %mul3A_842 : i32 to index
          %swap3A_844 = tpu.vector_load %arg16[%swap3A_843] {strides = array<i32>} : memref<2048xf32, #tpu.memory_space<vmem>>, vector<16xf32>,
          %swap3A_845 = vector.shape_cast %swap3A_844 : vector<16xf32> to vector<16xf32>
          %swap3A_846 = vector.shape_cast %add3A_840 : vector<16xf32> to vector<16xf32>
          tpu.vector_store %arg16[%swap3A_843], %swap3A_846 {strides = array<i32>} : memref<2048xf32, #tpu.memory_space<vmem>>, vector<16xf32>,
          %mul3A_847 = arith.constant 16 : i32
          %mul3A_848 = arith.muli %scan3A_249, %mul3A_847 : i32
          %add3A_849 = arith.constant 9 : i32
          %add3A_850 = arith.addi %mul3A_848, %add3A_849 : i32
          %get3A_851 = arith.index_cast %add3A_850 : i32 to index
          %get3A_852 = arith.constant 0 : index
          %get3A_853 = tpu.vector_load %arg10[%get3A_851, %get3A_852] {strides = array<i32>} : memref<128x128xf32, #tpu.memory_space<vmem>>, vector<1x16xf32>,
          %get3A_854 = vector.shape_cast %get3A_853 : vector<1x16xf32> to vector<16xf32>
          %mul3A_855 = arith.mulf %get3A_854, %get3A_64 : vector<16xf32>
          %get3A_856 = arith.index_cast %add3A_850 : i32 to index
          %get3A_857 = arith.constant 16 : index
          %get3A_858 = tpu.vector_load %arg10[%get3A_856, %get3A_857] {strides = array<i32>} : memref<128x128xf32, #tpu.memory_space<vmem>>, vector<1x16xf32>,
          %get3A_859 = vector.shape_cast %get3A_858 : vector<1x16xf32> to vector<16xf32>
          %mul3A_860 = arith.mulf %get3A_859, %get3A_69 : vector<16xf32>
          %get3A_861 = arith.index_cast %add3A_850 : i32 to index
          %get3A_862 = arith.constant 32 : index
          %get3A_863 = tpu.vector_load %arg10[%get3A_861, %get3A_862] {strides = array<i32>} : memref<128x128xf32, #tpu.memory_space<vmem>>, vector<1x16xf32>,
          %get3A_864 = vector.shape_cast %get3A_863 : vector<1x16xf32> to vector<16xf32>
          %mul3A_865 = arith.mulf %get3A_864, %get3A_74 : vector<16xf32>
          %get3A_866 = arith.index_cast %add3A_850 : i32 to index
          %get3A_867 = arith.constant 48 : index
          %get3A_868 = tpu.vector_load %arg10[%get3A_866, %get3A_867] {strides = array<i32>} : memref<128x128xf32, #tpu.memory_space<vmem>>, vector<1x16xf32>,
          %get3A_869 = vector.shape_cast %get3A_868 : vector<1x16xf32> to vector<16xf32>
          %mul3A_870 = arith.mulf %get3A_869, %get3A_79 : vector<16xf32>
          %get3A_871 = arith.index_cast %add3A_850 : i32 to index
          %get3A_872 = arith.constant 64 : index
          %get3A_873 = tpu.vector_load %arg10[%get3A_871, %get3A_872] {strides = array<i32>} : memref<128x128xf32, #tpu.memory_space<vmem>>, vector<1x16xf32>,
          %get3A_874 = vector.shape_cast %get3A_873 : vector<1x16xf32> to vector<16xf32>
          %mul3A_875 = arith.mulf %get3A_874, %get3A_84 : vector<16xf32>
          %get3A_876 = arith.index_cast %add3A_850 : i32 to index
          %get3A_877 = arith.constant 80 : index
          %get3A_878 = tpu.vector_load %arg10[%get3A_876, %get3A_877] {strides = array<i32>} : memref<128x128xf32, #tpu.memory_space<vmem>>, vector<1x16xf32>,
          %get3A_879 = vector.shape_cast %get3A_878 : vector<1x16xf32> to vector<16xf32>
          %mul3A_880 = arith.mulf %get3A_879, %get3A_89 : vector<16xf32>
          %add3A_881 = arith.addf %mul3A_855, %mul3A_860 : vector<16xf32>
          %add3A_882 = arith.addf %mul3A_865, %mul3A_870 : vector<16xf32>
          %add3A_883 = arith.addf %add3A_881, %add3A_882 : vector<16xf32>
          %add3A_884 = arith.addf %mul3A_875, %mul3A_880 : vector<16xf32>
          %add3A_885 = arith.addf %add3A_883, %add3A_884 : vector<16xf32>
          %mul3A_886 = arith.constant 16 : i32
          %mul3A_887 = arith.muli %add3A_850, %mul3A_886 : i32
          %swap3A_888 = arith.index_cast %mul3A_887 : i32 to index
          %swap3A_889 = tpu.vector_load %arg14[%swap3A_888] {strides = array<i32>} : memref<2048xf32, #tpu.memory_space<vmem>>, vector<16xf32>,
          %swap3A_890 = vector.shape_cast %swap3A_889 : vector<16xf32> to vector<16xf32>
          %swap3A_891 = vector.shape_cast %add3A_885 : vector<16xf32> to vector<16xf32>
          tpu.vector_store %arg14[%swap3A_888], %swap3A_891 {strides = array<i32>} : memref<2048xf32, #tpu.memory_space<vmem>>, vector<16xf32>,
          %get3A_892 = arith.index_cast %add3A_850 : i32 to index
          %get3A_893 = arith.constant 96 : index
          %get3A_894 = tpu.vector_load %arg10[%get3A_892, %get3A_893] {strides = array<i32>} : memref<128x128xf32, #tpu.memory_space<vmem>>, vector<1x16xf32>,
          %get3A_895 = vector.shape_cast %get3A_894 : vector<1x16xf32> to vector<16xf32>
          %add3A_896 = arith.addf %get3A_895, %add3A_170 : vector<16xf32>
          %eq3A_897 = arith.constant 4 : i32
          %eq3A_898 = vector.broadcast %eq3A_897 : i32 to vector<16xi32>
          %eq3A_899 = arith.cmpi eq, %iota3A, %eq3A_898 : vector<16xi32>
          %slice3A_900 = vector.extract_strided_slice %get3A_255 {offsets = [9], sizes = [1], strides = [1]} : vector<16xf32> to vector<1xf32>
          %squeeze3A_901 = vector.extract %slice3A_900[0] : f32 from vector<1xf32>
          %jit3A_902 = arith.constant 0.000000e+00 : f32
          %broadcast_in_dim3A_903 = vector.broadcast %squeeze3A_901 : f32 to vector<16xf32>
          %broadcast_in_dim3A_904 = vector.broadcast %jit3A_902 : f32 to vector<16xf32>
          %select_n3A_905 = arith.select %eq3A_899, %broadcast_in_dim3A_903, %broadcast_in_dim3A_904 : vector<16xi1>, vector<16xf32>
          %add3A_906 = arith.addf %add3A_896, %select_n3A_905 : vector<16xf32>
          %mul3A_907 = arith.constant 16 : i32
          %mul3A_908 = arith.muli %add3A_850, %mul3A_907 : i32
          %swap3A_909 = arith.index_cast %mul3A_908 : i32 to index
          %swap3A_910 = tpu.vector_load %arg16[%swap3A_909] {strides = array<i32>} : memref<2048xf32, #tpu.memory_space<vmem>>, vector<16xf32>,
          %swap3A_911 = vector.shape_cast %swap3A_910 : vector<16xf32> to vector<16xf32>
          %swap3A_912 = vector.shape_cast %add3A_906 : vector<16xf32> to vector<16xf32>
          tpu.vector_store %arg16[%swap3A_909], %swap3A_912 {strides = array<i32>} : memref<2048xf32, #tpu.memory_space<vmem>>, vector<16xf32>,
          %mul3A_913 = arith.constant 16 : i32
          %mul3A_914 = arith.muli %scan3A_249, %mul3A_913 : i32
          %add3A_915 = arith.constant 10 : i32
          %add3A_916 = arith.addi %mul3A_914, %add3A_915 : i32
          %get3A_917 = arith.index_cast %add3A_916 : i32 to index
          %get3A_918 = arith.constant 0 : index
          %get3A_919 = tpu.vector_load %arg10[%get3A_917, %get3A_918] {strides = array<i32>} : memref<128x128xf32, #tpu.memory_space<vmem>>, vector<1x16xf32>,
          %get3A_920 = vector.shape_cast %get3A_919 : vector<1x16xf32> to vector<16xf32>
          %mul3A_921 = arith.mulf %get3A_920, %get3A_64 : vector<16xf32>
          %get3A_922 = arith.index_cast %add3A_916 : i32 to index
          %get3A_923 = arith.constant 16 : index
          %get3A_924 = tpu.vector_load %arg10[%get3A_922, %get3A_923] {strides = array<i32>} : memref<128x128xf32, #tpu.memory_space<vmem>>, vector<1x16xf32>,
          %get3A_925 = vector.shape_cast %get3A_924 : vector<1x16xf32> to vector<16xf32>
          %mul3A_926 = arith.mulf %get3A_925, %get3A_69 : vector<16xf32>
          %get3A_927 = arith.index_cast %add3A_916 : i32 to index
          %get3A_928 = arith.constant 32 : index
          %get3A_929 = tpu.vector_load %arg10[%get3A_927, %get3A_928] {strides = array<i32>} : memref<128x128xf32, #tpu.memory_space<vmem>>, vector<1x16xf32>,
          %get3A_930 = vector.shape_cast %get3A_929 : vector<1x16xf32> to vector<16xf32>
          %mul3A_931 = arith.mulf %get3A_930, %get3A_74 : vector<16xf32>
          %get3A_932 = arith.index_cast %add3A_916 : i32 to index
          %get3A_933 = arith.constant 48 : index
          %get3A_934 = tpu.vector_load %arg10[%get3A_932, %get3A_933] {strides = array<i32>} : memref<128x128xf32, #tpu.memory_space<vmem>>, vector<1x16xf32>,
          %get3A_935 = vector.shape_cast %get3A_934 : vector<1x16xf32> to vector<16xf32>
          %mul3A_936 = arith.mulf %get3A_935, %get3A_79 : vector<16xf32>
          %get3A_937 = arith.index_cast %add3A_916 : i32 to index
          %get3A_938 = arith.constant 64 : index
          %get3A_939 = tpu.vector_load %arg10[%get3A_937, %get3A_938] {strides = array<i32>} : memref<128x128xf32, #tpu.memory_space<vmem>>, vector<1x16xf32>,
          %get3A_940 = vector.shape_cast %get3A_939 : vector<1x16xf32> to vector<16xf32>
          %mul3A_941 = arith.mulf %get3A_940, %get3A_84 : vector<16xf32>
          %get3A_942 = arith.index_cast %add3A_916 : i32 to index
          %get3A_943 = arith.constant 80 : index
          %get3A_944 = tpu.vector_load %arg10[%get3A_942, %get3A_943] {strides = array<i32>} : memref<128x128xf32, #tpu.memory_space<vmem>>, vector<1x16xf32>,
          %get3A_945 = vector.shape_cast %get3A_944 : vector<1x16xf32> to vector<16xf32>
          %mul3A_946 = arith.mulf %get3A_945, %get3A_89 : vector<16xf32>
          %add3A_947 = arith.addf %mul3A_921, %mul3A_926 : vector<16xf32>
          %add3A_948 = arith.addf %mul3A_931, %mul3A_936 : vector<16xf32>
          %add3A_949 = arith.addf %add3A_947, %add3A_948 : vector<16xf32>
          %add3A_950 = arith.addf %mul3A_941, %mul3A_946 : vector<16xf32>
          %add3A_951 = arith.addf %add3A_949, %add3A_950 : vector<16xf32>
          %mul3A_952 = arith.constant 16 : i32
          %mul3A_953 = arith.muli %add3A_916, %mul3A_952 : i32
          %swap3A_954 = arith.index_cast %mul3A_953 : i32 to index
          %swap3A_955 = tpu.vector_load %arg14[%swap3A_954] {strides = array<i32>} : memref<2048xf32, #tpu.memory_space<vmem>>, vector<16xf32>,
          %swap3A_956 = vector.shape_cast %swap3A_955 : vector<16xf32> to vector<16xf32>
          %swap3A_957 = vector.shape_cast %add3A_951 : vector<16xf32> to vector<16xf32>
          tpu.vector_store %arg14[%swap3A_954], %swap3A_957 {strides = array<i32>} : memref<2048xf32, #tpu.memory_space<vmem>>, vector<16xf32>,
          %get3A_958 = arith.index_cast %add3A_916 : i32 to index
          %get3A_959 = arith.constant 96 : index
          %get3A_960 = tpu.vector_load %arg10[%get3A_958, %get3A_959] {strides = array<i32>} : memref<128x128xf32, #tpu.memory_space<vmem>>, vector<1x16xf32>,
          %get3A_961 = vector.shape_cast %get3A_960 : vector<1x16xf32> to vector<16xf32>
          %add3A_962 = arith.addf %get3A_961, %add3A_170 : vector<16xf32>
          %eq3A_963 = arith.constant 4 : i32
          %eq3A_964 = vector.broadcast %eq3A_963 : i32 to vector<16xi32>
          %eq3A_965 = arith.cmpi eq, %iota3A, %eq3A_964 : vector<16xi32>
          %slice3A_966 = vector.extract_strided_slice %get3A_255 {offsets = [10], sizes = [1], strides = [1]} : vector<16xf32> to vector<1xf32>
          %squeeze3A_967 = vector.extract %slice3A_966[0] : f32 from vector<1xf32>
          %jit3A_968 = arith.constant 0.000000e+00 : f32
          %broadcast_in_dim3A_969 = vector.broadcast %squeeze3A_967 : f32 to vector<16xf32>
          %broadcast_in_dim3A_970 = vector.broadcast %jit3A_968 : f32 to vector<16xf32>
          %select_n3A_971 = arith.select %eq3A_965, %broadcast_in_dim3A_969, %broadcast_in_dim3A_970 : vector<16xi1>, vector<16xf32>
          %add3A_972 = arith.addf %add3A_962, %select_n3A_971 : vector<16xf32>
          %mul3A_973 = arith.constant 16 : i32
          %mul3A_974 = arith.muli %add3A_916, %mul3A_973 : i32
          %swap3A_975 = arith.index_cast %mul3A_974 : i32 to index
          %swap3A_976 = tpu.vector_load %arg16[%swap3A_975] {strides = array<i32>} : memref<2048xf32, #tpu.memory_space<vmem>>, vector<16xf32>,
          %swap3A_977 = vector.shape_cast %swap3A_976 : vector<16xf32> to vector<16xf32>
          %swap3A_978 = vector.shape_cast %add3A_972 : vector<16xf32> to vector<16xf32>
          tpu.vector_store %arg16[%swap3A_975], %swap3A_978 {strides = array<i32>} : memref<2048xf32, #tpu.memory_space<vmem>>, vector<16xf32>,
          %mul3A_979 = arith.constant 16 : i32
          %mul3A_980 = arith.muli %scan3A_249, %mul3A_979 : i32
          %add3A_981 = arith.constant 11 : i32
          %add3A_982 = arith.addi %mul3A_980, %add3A_981 : i32
          %get3A_983 = arith.index_cast %add3A_982 : i32 to index
          %get3A_984 = arith.constant 0 : index
          %get3A_985 = tpu.vector_load %arg10[%get3A_983, %get3A_984] {strides = array<i32>} : memref<128x128xf32, #tpu.memory_space<vmem>>, vector<1x16xf32>,
          %get3A_986 = vector.shape_cast %get3A_985 : vector<1x16xf32> to vector<16xf32>
          %mul3A_987 = arith.mulf %get3A_986, %get3A_64 : vector<16xf32>
          %get3A_988 = arith.index_cast %add3A_982 : i32 to index
          %get3A_989 = arith.constant 16 : index
          %get3A_990 = tpu.vector_load %arg10[%get3A_988, %get3A_989] {strides = array<i32>} : memref<128x128xf32, #tpu.memory_space<vmem>>, vector<1x16xf32>,
          %get3A_991 = vector.shape_cast %get3A_990 : vector<1x16xf32> to vector<16xf32>
          %mul3A_992 = arith.mulf %get3A_991, %get3A_69 : vector<16xf32>
          %get3A_993 = arith.index_cast %add3A_982 : i32 to index
          %get3A_994 = arith.constant 32 : index
          %get3A_995 = tpu.vector_load %arg10[%get3A_993, %get3A_994] {strides = array<i32>} : memref<128x128xf32, #tpu.memory_space<vmem>>, vector<1x16xf32>,
          %get3A_996 = vector.shape_cast %get3A_995 : vector<1x16xf32> to vector<16xf32>
          %mul3A_997 = arith.mulf %get3A_996, %get3A_74 : vector<16xf32>
          %get3A_998 = arith.index_cast %add3A_982 : i32 to index
          %get3A_999 = arith.constant 48 : index
          %get3A_1000 = tpu.vector_load %arg10[%get3A_998, %get3A_999] {strides = array<i32>} : memref<128x128xf32, #tpu.memory_space<vmem>>, vector<1x16xf32>,
          %get3A_1001 = vector.shape_cast %get3A_1000 : vector<1x16xf32> to vector<16xf32>
          %mul3A_1002 = arith.mulf %get3A_1001, %get3A_79 : vector<16xf32>
          %get3A_1003 = arith.index_cast %add3A_982 : i32 to index
          %get3A_1004 = arith.constant 64 : index
          %get3A_1005 = tpu.vector_load %arg10[%get3A_1003, %get3A_1004] {strides = array<i32>} : memref<128x128xf32, #tpu.memory_space<vmem>>, vector<1x16xf32>,
          %get3A_1006 = vector.shape_cast %get3A_1005 : vector<1x16xf32> to vector<16xf32>
          %mul3A_1007 = arith.mulf %get3A_1006, %get3A_84 : vector<16xf32>
          %get3A_1008 = arith.index_cast %add3A_982 : i32 to index
          %get3A_1009 = arith.constant 80 : index
          %get3A_1010 = tpu.vector_load %arg10[%get3A_1008, %get3A_1009] {strides = array<i32>} : memref<128x128xf32, #tpu.memory_space<vmem>>, vector<1x16xf32>,
          %get3A_1011 = vector.shape_cast %get3A_1010 : vector<1x16xf32> to vector<16xf32>
          %mul3A_1012 = arith.mulf %get3A_1011, %get3A_89 : vector<16xf32>
          %add3A_1013 = arith.addf %mul3A_987, %mul3A_992 : vector<16xf32>
          %add3A_1014 = arith.addf %mul3A_997, %mul3A_1002 : vector<16xf32>
          %add3A_1015 = arith.addf %add3A_1013, %add3A_1014 : vector<16xf32>
          %add3A_1016 = arith.addf %mul3A_1007, %mul3A_1012 : vector<16xf32>
          %add3A_1017 = arith.addf %add3A_1015, %add3A_1016 : vector<16xf32>
          %mul3A_1018 = arith.constant 16 : i32
          %mul3A_1019 = arith.muli %add3A_982, %mul3A_1018 : i32
          %swap3A_1020 = arith.index_cast %mul3A_1019 : i32 to index
          %swap3A_1021 = tpu.vector_load %arg14[%swap3A_1020] {strides = array<i32>} : memref<2048xf32, #tpu.memory_space<vmem>>, vector<16xf32>,
          %swap3A_1022 = vector.shape_cast %swap3A_1021 : vector<16xf32> to vector<16xf32>
          %swap3A_1023 = vector.shape_cast %add3A_1017 : vector<16xf32> to vector<16xf32>
          tpu.vector_store %arg14[%swap3A_1020], %swap3A_1023 {strides = array<i32>} : memref<2048xf32, #tpu.memory_space<vmem>>, vector<16xf32>,
          %get3A_1024 = arith.index_cast %add3A_982 : i32 to index
          %get3A_1025 = arith.constant 96 : index
          %get3A_1026 = tpu.vector_load %arg10[%get3A_1024, %get3A_1025] {strides = array<i32>} : memref<128x128xf32, #tpu.memory_space<vmem>>, vector<1x16xf32>,
          %get3A_1027 = vector.shape_cast %get3A_1026 : vector<1x16xf32> to vector<16xf32>
          %add3A_1028 = arith.addf %get3A_1027, %add3A_170 : vector<16xf32>
          %eq3A_1029 = arith.constant 4 : i32
          %eq3A_1030 = vector.broadcast %eq3A_1029 : i32 to vector<16xi32>
          %eq3A_1031 = arith.cmpi eq, %iota3A, %eq3A_1030 : vector<16xi32>
          %slice3A_1032 = vector.extract_strided_slice %get3A_255 {offsets = [11], sizes = [1], strides = [1]} : vector<16xf32> to vector<1xf32>
          %squeeze3A_1033 = vector.extract %slice3A_1032[0] : f32 from vector<1xf32>
          %jit3A_1034 = arith.constant 0.000000e+00 : f32
          %broadcast_in_dim3A_1035 = vector.broadcast %squeeze3A_1033 : f32 to vector<16xf32>
          %broadcast_in_dim3A_1036 = vector.broadcast %jit3A_1034 : f32 to vector<16xf32>
          %select_n3A_1037 = arith.select %eq3A_1031, %broadcast_in_dim3A_1035, %broadcast_in_dim3A_1036 : vector<16xi1>, vector<16xf32>
          %add3A_1038 = arith.addf %add3A_1028, %select_n3A_1037 : vector<16xf32>
          %mul3A_1039 = arith.constant 16 : i32
          %mul3A_1040 = arith.muli %add3A_982, %mul3A_1039 : i32
          %swap3A_1041 = arith.index_cast %mul3A_1040 : i32 to index
          %swap3A_1042 = tpu.vector_load %arg16[%swap3A_1041] {strides = array<i32>} : memref<2048xf32, #tpu.memory_space<vmem>>, vector<16xf32>,
          %swap3A_1043 = vector.shape_cast %swap3A_1042 : vector<16xf32> to vector<16xf32>
          %swap3A_1044 = vector.shape_cast %add3A_1038 : vector<16xf32> to vector<16xf32>
          tpu.vector_store %arg16[%swap3A_1041], %swap3A_1044 {strides = array<i32>} : memref<2048xf32, #tpu.memory_space<vmem>>, vector<16xf32>,
          %mul3A_1045 = arith.constant 16 : i32
          %mul3A_1046 = arith.muli %scan3A_249, %mul3A_1045 : i32
          %add3A_1047 = arith.constant 12 : i32
          %add3A_1048 = arith.addi %mul3A_1046, %add3A_1047 : i32
          %get3A_1049 = arith.index_cast %add3A_1048 : i32 to index
          %get3A_1050 = arith.constant 0 : index
          %get3A_1051 = tpu.vector_load %arg10[%get3A_1049, %get3A_1050] {strides = array<i32>} : memref<128x128xf32, #tpu.memory_space<vmem>>, vector<1x16xf32>,
          %get3A_1052 = vector.shape_cast %get3A_1051 : vector<1x16xf32> to vector<16xf32>
          %mul3A_1053 = arith.mulf %get3A_1052, %get3A_64 : vector<16xf32>
          %get3A_1054 = arith.index_cast %add3A_1048 : i32 to index
          %get3A_1055 = arith.constant 16 : index
          %get3A_1056 = tpu.vector_load %arg10[%get3A_1054, %get3A_1055] {strides = array<i32>} : memref<128x128xf32, #tpu.memory_space<vmem>>, vector<1x16xf32>,
          %get3A_1057 = vector.shape_cast %get3A_1056 : vector<1x16xf32> to vector<16xf32>
          %mul3A_1058 = arith.mulf %get3A_1057, %get3A_69 : vector<16xf32>
          %get3A_1059 = arith.index_cast %add3A_1048 : i32 to index
          %get3A_1060 = arith.constant 32 : index
          %get3A_1061 = tpu.vector_load %arg10[%get3A_1059, %get3A_1060] {strides = array<i32>} : memref<128x128xf32, #tpu.memory_space<vmem>>, vector<1x16xf32>,
          %get3A_1062 = vector.shape_cast %get3A_1061 : vector<1x16xf32> to vector<16xf32>
          %mul3A_1063 = arith.mulf %get3A_1062, %get3A_74 : vector<16xf32>
          %get3A_1064 = arith.index_cast %add3A_1048 : i32 to index
          %get3A_1065 = arith.constant 48 : index
          %get3A_1066 = tpu.vector_load %arg10[%get3A_1064, %get3A_1065] {strides = array<i32>} : memref<128x128xf32, #tpu.memory_space<vmem>>, vector<1x16xf32>,
          %get3A_1067 = vector.shape_cast %get3A_1066 : vector<1x16xf32> to vector<16xf32>
          %mul3A_1068 = arith.mulf %get3A_1067, %get3A_79 : vector<16xf32>
          %get3A_1069 = arith.index_cast %add3A_1048 : i32 to index
          %get3A_1070 = arith.constant 64 : index
          %get3A_1071 = tpu.vector_load %arg10[%get3A_1069, %get3A_1070] {strides = array<i32>} : memref<128x128xf32, #tpu.memory_space<vmem>>, vector<1x16xf32>,
          %get3A_1072 = vector.shape_cast %get3A_1071 : vector<1x16xf32> to vector<16xf32>
          %mul3A_1073 = arith.mulf %get3A_1072, %get3A_84 : vector<16xf32>
          %get3A_1074 = arith.index_cast %add3A_1048 : i32 to index
          %get3A_1075 = arith.constant 80 : index
          %get3A_1076 = tpu.vector_load %arg10[%get3A_1074, %get3A_1075] {strides = array<i32>} : memref<128x128xf32, #tpu.memory_space<vmem>>, vector<1x16xf32>,
          %get3A_1077 = vector.shape_cast %get3A_1076 : vector<1x16xf32> to vector<16xf32>
          %mul3A_1078 = arith.mulf %get3A_1077, %get3A_89 : vector<16xf32>
          %add3A_1079 = arith.addf %mul3A_1053, %mul3A_1058 : vector<16xf32>
          %add3A_1080 = arith.addf %mul3A_1063, %mul3A_1068 : vector<16xf32>
          %add3A_1081 = arith.addf %add3A_1079, %add3A_1080 : vector<16xf32>
          %add3A_1082 = arith.addf %mul3A_1073, %mul3A_1078 : vector<16xf32>
          %add3A_1083 = arith.addf %add3A_1081, %add3A_1082 : vector<16xf32>
          %mul3A_1084 = arith.constant 16 : i32
          %mul3A_1085 = arith.muli %add3A_1048, %mul3A_1084 : i32
          %swap3A_1086 = arith.index_cast %mul3A_1085 : i32 to index
          %swap3A_1087 = tpu.vector_load %arg14[%swap3A_1086] {strides = array<i32>} : memref<2048xf32, #tpu.memory_space<vmem>>, vector<16xf32>,
          %swap3A_1088 = vector.shape_cast %swap3A_1087 : vector<16xf32> to vector<16xf32>
          %swap3A_1089 = vector.shape_cast %add3A_1083 : vector<16xf32> to vector<16xf32>
          tpu.vector_store %arg14[%swap3A_1086], %swap3A_1089 {strides = array<i32>} : memref<2048xf32, #tpu.memory_space<vmem>>, vector<16xf32>,
          %get3A_1090 = arith.index_cast %add3A_1048 : i32 to index
          %get3A_1091 = arith.constant 96 : index
          %get3A_1092 = tpu.vector_load %arg10[%get3A_1090, %get3A_1091] {strides = array<i32>} : memref<128x128xf32, #tpu.memory_space<vmem>>, vector<1x16xf32>,
          %get3A_1093 = vector.shape_cast %get3A_1092 : vector<1x16xf32> to vector<16xf32>
          %add3A_1094 = arith.addf %get3A_1093, %add3A_170 : vector<16xf32>
          %eq3A_1095 = arith.constant 4 : i32
          %eq3A_1096 = vector.broadcast %eq3A_1095 : i32 to vector<16xi32>
          %eq3A_1097 = arith.cmpi eq, %iota3A, %eq3A_1096 : vector<16xi32>
          %slice3A_1098 = vector.extract_strided_slice %get3A_255 {offsets = [12], sizes = [1], strides = [1]} : vector<16xf32> to vector<1xf32>
          %squeeze3A_1099 = vector.extract %slice3A_1098[0] : f32 from vector<1xf32>
          %jit3A_1100 = arith.constant 0.000000e+00 : f32
          %broadcast_in_dim3A_1101 = vector.broadcast %squeeze3A_1099 : f32 to vector<16xf32>
          %broadcast_in_dim3A_1102 = vector.broadcast %jit3A_1100 : f32 to vector<16xf32>
          %select_n3A_1103 = arith.select %eq3A_1097, %broadcast_in_dim3A_1101, %broadcast_in_dim3A_1102 : vector<16xi1>, vector<16xf32>
          %add3A_1104 = arith.addf %add3A_1094, %select_n3A_1103 : vector<16xf32>
          %mul3A_1105 = arith.constant 16 : i32
          %mul3A_1106 = arith.muli %add3A_1048, %mul3A_1105 : i32
          %swap3A_1107 = arith.index_cast %mul3A_1106 : i32 to index
          %swap3A_1108 = tpu.vector_load %arg16[%swap3A_1107] {strides = array<i32>} : memref<2048xf32, #tpu.memory_space<vmem>>, vector<16xf32>,
          %swap3A_1109 = vector.shape_cast %swap3A_1108 : vector<16xf32> to vector<16xf32>
          %swap3A_1110 = vector.shape_cast %add3A_1104 : vector<16xf32> to vector<16xf32>
          tpu.vector_store %arg16[%swap3A_1107], %swap3A_1110 {strides = array<i32>} : memref<2048xf32, #tpu.memory_space<vmem>>, vector<16xf32>,
          %mul3A_1111 = arith.constant 16 : i32
          %mul3A_1112 = arith.muli %scan3A_249, %mul3A_1111 : i32
          %add3A_1113 = arith.constant 13 : i32
          %add3A_1114 = arith.addi %mul3A_1112, %add3A_1113 : i32
          %get3A_1115 = arith.index_cast %add3A_1114 : i32 to index
          %get3A_1116 = arith.constant 0 : index
          %get3A_1117 = tpu.vector_load %arg10[%get3A_1115, %get3A_1116] {strides = array<i32>} : memref<128x128xf32, #tpu.memory_space<vmem>>, vector<1x16xf32>,
          %get3A_1118 = vector.shape_cast %get3A_1117 : vector<1x16xf32> to vector<16xf32>
          %mul3A_1119 = arith.mulf %get3A_1118, %get3A_64 : vector<16xf32>
          %get3A_1120 = arith.index_cast %add3A_1114 : i32 to index
          %get3A_1121 = arith.constant 16 : index
          %get3A_1122 = tpu.vector_load %arg10[%get3A_1120, %get3A_1121] {strides = array<i32>} : memref<128x128xf32, #tpu.memory_space<vmem>>, vector<1x16xf32>,
          %get3A_1123 = vector.shape_cast %get3A_1122 : vector<1x16xf32> to vector<16xf32>
          %mul3A_1124 = arith.mulf %get3A_1123, %get3A_69 : vector<16xf32>
          %get3A_1125 = arith.index_cast %add3A_1114 : i32 to index
          %get3A_1126 = arith.constant 32 : index
          %get3A_1127 = tpu.vector_load %arg10[%get3A_1125, %get3A_1126] {strides = array<i32>} : memref<128x128xf32, #tpu.memory_space<vmem>>, vector<1x16xf32>,
          %get3A_1128 = vector.shape_cast %get3A_1127 : vector<1x16xf32> to vector<16xf32>
          %mul3A_1129 = arith.mulf %get3A_1128, %get3A_74 : vector<16xf32>
          %get3A_1130 = arith.index_cast %add3A_1114 : i32 to index
          %get3A_1131 = arith.constant 48 : index
          %get3A_1132 = tpu.vector_load %arg10[%get3A_1130, %get3A_1131] {strides = array<i32>} : memref<128x128xf32, #tpu.memory_space<vmem>>, vector<1x16xf32>,
          %get3A_1133 = vector.shape_cast %get3A_1132 : vector<1x16xf32> to vector<16xf32>
          %mul3A_1134 = arith.mulf %get3A_1133, %get3A_79 : vector<16xf32>
          %get3A_1135 = arith.index_cast %add3A_1114 : i32 to index
          %get3A_1136 = arith.constant 64 : index
          %get3A_1137 = tpu.vector_load %arg10[%get3A_1135, %get3A_1136] {strides = array<i32>} : memref<128x128xf32, #tpu.memory_space<vmem>>, vector<1x16xf32>,
          %get3A_1138 = vector.shape_cast %get3A_1137 : vector<1x16xf32> to vector<16xf32>
          %mul3A_1139 = arith.mulf %get3A_1138, %get3A_84 : vector<16xf32>
          %get3A_1140 = arith.index_cast %add3A_1114 : i32 to index
          %get3A_1141 = arith.constant 80 : index
          %get3A_1142 = tpu.vector_load %arg10[%get3A_1140, %get3A_1141] {strides = array<i32>} : memref<128x128xf32, #tpu.memory_space<vmem>>, vector<1x16xf32>,
          %get3A_1143 = vector.shape_cast %get3A_1142 : vector<1x16xf32> to vector<16xf32>
          %mul3A_1144 = arith.mulf %get3A_1143, %get3A_89 : vector<16xf32>
          %add3A_1145 = arith.addf %mul3A_1119, %mul3A_1124 : vector<16xf32>
          %add3A_1146 = arith.addf %mul3A_1129, %mul3A_1134 : vector<16xf32>
          %add3A_1147 = arith.addf %add3A_1145, %add3A_1146 : vector<16xf32>
          %add3A_1148 = arith.addf %mul3A_1139, %mul3A_1144 : vector<16xf32>
          %add3A_1149 = arith.addf %add3A_1147, %add3A_1148 : vector<16xf32>
          %mul3A_1150 = arith.constant 16 : i32
          %mul3A_1151 = arith.muli %add3A_1114, %mul3A_1150 : i32
          %swap3A_1152 = arith.index_cast %mul3A_1151 : i32 to index
          %swap3A_1153 = tpu.vector_load %arg14[%swap3A_1152] {strides = array<i32>} : memref<2048xf32, #tpu.memory_space<vmem>>, vector<16xf32>,
          %swap3A_1154 = vector.shape_cast %swap3A_1153 : vector<16xf32> to vector<16xf32>
          %swap3A_1155 = vector.shape_cast %add3A_1149 : vector<16xf32> to vector<16xf32>
          tpu.vector_store %arg14[%swap3A_1152], %swap3A_1155 {strides = array<i32>} : memref<2048xf32, #tpu.memory_space<vmem>>, vector<16xf32>,
          %get3A_1156 = arith.index_cast %add3A_1114 : i32 to index
          %get3A_1157 = arith.constant 96 : index
          %get3A_1158 = tpu.vector_load %arg10[%get3A_1156, %get3A_1157] {strides = array<i32>} : memref<128x128xf32, #tpu.memory_space<vmem>>, vector<1x16xf32>,
          %get3A_1159 = vector.shape_cast %get3A_1158 : vector<1x16xf32> to vector<16xf32>
          %add3A_1160 = arith.addf %get3A_1159, %add3A_170 : vector<16xf32>
          %eq3A_1161 = arith.constant 4 : i32
          %eq3A_1162 = vector.broadcast %eq3A_1161 : i32 to vector<16xi32>
          %eq3A_1163 = arith.cmpi eq, %iota3A, %eq3A_1162 : vector<16xi32>
          %slice3A_1164 = vector.extract_strided_slice %get3A_255 {offsets = [13], sizes = [1], strides = [1]} : vector<16xf32> to vector<1xf32>
          %squeeze3A_1165 = vector.extract %slice3A_1164[0] : f32 from vector<1xf32>
          %jit3A_1166 = arith.constant 0.000000e+00 : f32
          %broadcast_in_dim3A_1167 = vector.broadcast %squeeze3A_1165 : f32 to vector<16xf32>
          %broadcast_in_dim3A_1168 = vector.broadcast %jit3A_1166 : f32 to vector<16xf32>
          %select_n3A_1169 = arith.select %eq3A_1163, %broadcast_in_dim3A_1167, %broadcast_in_dim3A_1168 : vector<16xi1>, vector<16xf32>
          %add3A_1170 = arith.addf %add3A_1160, %select_n3A_1169 : vector<16xf32>
          %mul3A_1171 = arith.constant 16 : i32
          %mul3A_1172 = arith.muli %add3A_1114, %mul3A_1171 : i32
          %swap3A_1173 = arith.index_cast %mul3A_1172 : i32 to index
          %swap3A_1174 = tpu.vector_load %arg16[%swap3A_1173] {strides = array<i32>} : memref<2048xf32, #tpu.memory_space<vmem>>, vector<16xf32>,
          %swap3A_1175 = vector.shape_cast %swap3A_1174 : vector<16xf32> to vector<16xf32>
          %swap3A_1176 = vector.shape_cast %add3A_1170 : vector<16xf32> to vector<16xf32>
          tpu.vector_store %arg16[%swap3A_1173], %swap3A_1176 {strides = array<i32>} : memref<2048xf32, #tpu.memory_space<vmem>>, vector<16xf32>,
          %mul3A_1177 = arith.constant 16 : i32
          %mul3A_1178 = arith.muli %scan3A_249, %mul3A_1177 : i32
          %add3A_1179 = arith.constant 14 : i32
          %add3A_1180 = arith.addi %mul3A_1178, %add3A_1179 : i32
          %get3A_1181 = arith.index_cast %add3A_1180 : i32 to index
          %get3A_1182 = arith.constant 0 : index
          %get3A_1183 = tpu.vector_load %arg10[%get3A_1181, %get3A_1182] {strides = array<i32>} : memref<128x128xf32, #tpu.memory_space<vmem>>, vector<1x16xf32>,
          %get3A_1184 = vector.shape_cast %get3A_1183 : vector<1x16xf32> to vector<16xf32>
          %mul3A_1185 = arith.mulf %get3A_1184, %get3A_64 : vector<16xf32>
          %get3A_1186 = arith.index_cast %add3A_1180 : i32 to index
          %get3A_1187 = arith.constant 16 : index
          %get3A_1188 = tpu.vector_load %arg10[%get3A_1186, %get3A_1187] {strides = array<i32>} : memref<128x128xf32, #tpu.memory_space<vmem>>, vector<1x16xf32>,
          %get3A_1189 = vector.shape_cast %get3A_1188 : vector<1x16xf32> to vector<16xf32>
          %mul3A_1190 = arith.mulf %get3A_1189, %get3A_69 : vector<16xf32>
          %get3A_1191 = arith.index_cast %add3A_1180 : i32 to index
          %get3A_1192 = arith.constant 32 : index
          %get3A_1193 = tpu.vector_load %arg10[%get3A_1191, %get3A_1192] {strides = array<i32>} : memref<128x128xf32, #tpu.memory_space<vmem>>, vector<1x16xf32>,
          %get3A_1194 = vector.shape_cast %get3A_1193 : vector<1x16xf32> to vector<16xf32>
          %mul3A_1195 = arith.mulf %get3A_1194, %get3A_74 : vector<16xf32>
          %get3A_1196 = arith.index_cast %add3A_1180 : i32 to index
          %get3A_1197 = arith.constant 48 : index
          %get3A_1198 = tpu.vector_load %arg10[%get3A_1196, %get3A_1197] {strides = array<i32>} : memref<128x128xf32, #tpu.memory_space<vmem>>, vector<1x16xf32>,
          %get3A_1199 = vector.shape_cast %get3A_1198 : vector<1x16xf32> to vector<16xf32>
          %mul3A_1200 = arith.mulf %get3A_1199, %get3A_79 : vector<16xf32>
          %get3A_1201 = arith.index_cast %add3A_1180 : i32 to index
          %get3A_1202 = arith.constant 64 : index
          %get3A_1203 = tpu.vector_load %arg10[%get3A_1201, %get3A_1202] {strides = array<i32>} : memref<128x128xf32, #tpu.memory_space<vmem>>, vector<1x16xf32>,
          %get3A_1204 = vector.shape_cast %get3A_1203 : vector<1x16xf32> to vector<16xf32>
          %mul3A_1205 = arith.mulf %get3A_1204, %get3A_84 : vector<16xf32>
          %get3A_1206 = arith.index_cast %add3A_1180 : i32 to index
          %get3A_1207 = arith.constant 80 : index
          %get3A_1208 = tpu.vector_load %arg10[%get3A_1206, %get3A_1207] {strides = array<i32>} : memref<128x128xf32, #tpu.memory_space<vmem>>, vector<1x16xf32>,
          %get3A_1209 = vector.shape_cast %get3A_1208 : vector<1x16xf32> to vector<16xf32>
          %mul3A_1210 = arith.mulf %get3A_1209, %get3A_89 : vector<16xf32>
          %add3A_1211 = arith.addf %mul3A_1185, %mul3A_1190 : vector<16xf32>
          %add3A_1212 = arith.addf %mul3A_1195, %mul3A_1200 : vector<16xf32>
          %add3A_1213 = arith.addf %add3A_1211, %add3A_1212 : vector<16xf32>
          %add3A_1214 = arith.addf %mul3A_1205, %mul3A_1210 : vector<16xf32>
          %add3A_1215 = arith.addf %add3A_1213, %add3A_1214 : vector<16xf32>
          %mul3A_1216 = arith.constant 16 : i32
          %mul3A_1217 = arith.muli %add3A_1180, %mul3A_1216 : i32
          %swap3A_1218 = arith.index_cast %mul3A_1217 : i32 to index
          %swap3A_1219 = tpu.vector_load %arg14[%swap3A_1218] {strides = array<i32>} : memref<2048xf32, #tpu.memory_space<vmem>>, vector<16xf32>,
          %swap3A_1220 = vector.shape_cast %swap3A_1219 : vector<16xf32> to vector<16xf32>
          %swap3A_1221 = vector.shape_cast %add3A_1215 : vector<16xf32> to vector<16xf32>
          tpu.vector_store %arg14[%swap3A_1218], %swap3A_1221 {strides = array<i32>} : memref<2048xf32, #tpu.memory_space<vmem>>, vector<16xf32>,
          %get3A_1222 = arith.index_cast %add3A_1180 : i32 to index
          %get3A_1223 = arith.constant 96 : index
          %get3A_1224 = tpu.vector_load %arg10[%get3A_1222, %get3A_1223] {strides = array<i32>} : memref<128x128xf32, #tpu.memory_space<vmem>>, vector<1x16xf32>,
          %get3A_1225 = vector.shape_cast %get3A_1224 : vector<1x16xf32> to vector<16xf32>
          %add3A_1226 = arith.addf %get3A_1225, %add3A_170 : vector<16xf32>
          %eq3A_1227 = arith.constant 4 : i32
          %eq3A_1228 = vector.broadcast %eq3A_1227 : i32 to vector<16xi32>
          %eq3A_1229 = arith.cmpi eq, %iota3A, %eq3A_1228 : vector<16xi32>
          %slice3A_1230 = vector.extract_strided_slice %get3A_255 {offsets = [14], sizes = [1], strides = [1]} : vector<16xf32> to vector<1xf32>
          %squeeze3A_1231 = vector.extract %slice3A_1230[0] : f32 from vector<1xf32>
          %jit3A_1232 = arith.constant 0.000000e+00 : f32
          %broadcast_in_dim3A_1233 = vector.broadcast %squeeze3A_1231 : f32 to vector<16xf32>
          %broadcast_in_dim3A_1234 = vector.broadcast %jit3A_1232 : f32 to vector<16xf32>
          %select_n3A_1235 = arith.select %eq3A_1229, %broadcast_in_dim3A_1233, %broadcast_in_dim3A_1234 : vector<16xi1>, vector<16xf32>
          %add3A_1236 = arith.addf %add3A_1226, %select_n3A_1235 : vector<16xf32>
          %mul3A_1237 = arith.constant 16 : i32
          %mul3A_1238 = arith.muli %add3A_1180, %mul3A_1237 : i32
          %swap3A_1239 = arith.index_cast %mul3A_1238 : i32 to index
          %swap3A_1240 = tpu.vector_load %arg16[%swap3A_1239] {strides = array<i32>} : memref<2048xf32, #tpu.memory_space<vmem>>, vector<16xf32>,
          %swap3A_1241 = vector.shape_cast %swap3A_1240 : vector<16xf32> to vector<16xf32>
          %swap3A_1242 = vector.shape_cast %add3A_1236 : vector<16xf32> to vector<16xf32>
          tpu.vector_store %arg16[%swap3A_1239], %swap3A_1242 {strides = array<i32>} : memref<2048xf32, #tpu.memory_space<vmem>>, vector<16xf32>,
          %mul3A_1243 = arith.constant 16 : i32
          %mul3A_1244 = arith.muli %scan3A_249, %mul3A_1243 : i32
          %add3A_1245 = arith.constant 15 : i32
          %add3A_1246 = arith.addi %mul3A_1244, %add3A_1245 : i32
          %get3A_1247 = arith.index_cast %add3A_1246 : i32 to index
          %get3A_1248 = arith.constant 0 : index
          %get3A_1249 = tpu.vector_load %arg10[%get3A_1247, %get3A_1248] {strides = array<i32>} : memref<128x128xf32, #tpu.memory_space<vmem>>, vector<1x16xf32>,
          %get3A_1250 = vector.shape_cast %get3A_1249 : vector<1x16xf32> to vector<16xf32>
          %mul3A_1251 = arith.mulf %get3A_1250, %get3A_64 : vector<16xf32>
          %get3A_1252 = arith.index_cast %add3A_1246 : i32 to index
          %get3A_1253 = arith.constant 16 : index
          %get3A_1254 = tpu.vector_load %arg10[%get3A_1252, %get3A_1253] {strides = array<i32>} : memref<128x128xf32, #tpu.memory_space<vmem>>, vector<1x16xf32>,
          %get3A_1255 = vector.shape_cast %get3A_1254 : vector<1x16xf32> to vector<16xf32>
          %mul3A_1256 = arith.mulf %get3A_1255, %get3A_69 : vector<16xf32>
          %get3A_1257 = arith.index_cast %add3A_1246 : i32 to index
          %get3A_1258 = arith.constant 32 : index
          %get3A_1259 = tpu.vector_load %arg10[%get3A_1257, %get3A_1258] {strides = array<i32>} : memref<128x128xf32, #tpu.memory_space<vmem>>, vector<1x16xf32>,
          %get3A_1260 = vector.shape_cast %get3A_1259 : vector<1x16xf32> to vector<16xf32>
          %mul3A_1261 = arith.mulf %get3A_1260, %get3A_74 : vector<16xf32>
          %get3A_1262 = arith.index_cast %add3A_1246 : i32 to index
          %get3A_1263 = arith.constant 48 : index
          %get3A_1264 = tpu.vector_load %arg10[%get3A_1262, %get3A_1263] {strides = array<i32>} : memref<128x128xf32, #tpu.memory_space<vmem>>, vector<1x16xf32>,
          %get3A_1265 = vector.shape_cast %get3A_1264 : vector<1x16xf32> to vector<16xf32>
          %mul3A_1266 = arith.mulf %get3A_1265, %get3A_79 : vector<16xf32>
          %get3A_1267 = arith.index_cast %add3A_1246 : i32 to index
          %get3A_1268 = arith.constant 64 : index
          %get3A_1269 = tpu.vector_load %arg10[%get3A_1267, %get3A_1268] {strides = array<i32>} : memref<128x128xf32, #tpu.memory_space<vmem>>, vector<1x16xf32>,
          %get3A_1270 = vector.shape_cast %get3A_1269 : vector<1x16xf32> to vector<16xf32>
          %mul3A_1271 = arith.mulf %get3A_1270, %get3A_84 : vector<16xf32>
          %get3A_1272 = arith.index_cast %add3A_1246 : i32 to index
          %get3A_1273 = arith.constant 80 : index
          %get3A_1274 = tpu.vector_load %arg10[%get3A_1272, %get3A_1273] {strides = array<i32>} : memref<128x128xf32, #tpu.memory_space<vmem>>, vector<1x16xf32>,
          %get3A_1275 = vector.shape_cast %get3A_1274 : vector<1x16xf32> to vector<16xf32>
          %mul3A_1276 = arith.mulf %get3A_1275, %get3A_89 : vector<16xf32>
          %add3A_1277 = arith.addf %mul3A_1251, %mul3A_1256 : vector<16xf32>
          %add3A_1278 = arith.addf %mul3A_1261, %mul3A_1266 : vector<16xf32>
          %add3A_1279 = arith.addf %add3A_1277, %add3A_1278 : vector<16xf32>
          %add3A_1280 = arith.addf %mul3A_1271, %mul3A_1276 : vector<16xf32>
          %add3A_1281 = arith.addf %add3A_1279, %add3A_1280 : vector<16xf32>
          %mul3A_1282 = arith.constant 16 : i32
          %mul3A_1283 = arith.muli %add3A_1246, %mul3A_1282 : i32
          %swap3A_1284 = arith.index_cast %mul3A_1283 : i32 to index
          %swap3A_1285 = tpu.vector_load %arg14[%swap3A_1284] {strides = array<i32>} : memref<2048xf32, #tpu.memory_space<vmem>>, vector<16xf32>,
          %swap3A_1286 = vector.shape_cast %swap3A_1285 : vector<16xf32> to vector<16xf32>
          %swap3A_1287 = vector.shape_cast %add3A_1281 : vector<16xf32> to vector<16xf32>
          tpu.vector_store %arg14[%swap3A_1284], %swap3A_1287 {strides = array<i32>} : memref<2048xf32, #tpu.memory_space<vmem>>, vector<16xf32>,
          %get3A_1288 = arith.index_cast %add3A_1246 : i32 to index
          %get3A_1289 = arith.constant 96 : index
          %get3A_1290 = tpu.vector_load %arg10[%get3A_1288, %get3A_1289] {strides = array<i32>} : memref<128x128xf32, #tpu.memory_space<vmem>>, vector<1x16xf32>,
          %get3A_1291 = vector.shape_cast %get3A_1290 : vector<1x16xf32> to vector<16xf32>
          %add3A_1292 = arith.addf %get3A_1291, %add3A_170 : vector<16xf32>
          %eq3A_1293 = arith.constant 4 : i32
          %eq3A_1294 = vector.broadcast %eq3A_1293 : i32 to vector<16xi32>
          %eq3A_1295 = arith.cmpi eq, %iota3A, %eq3A_1294 : vector<16xi32>
          %slice3A_1296 = vector.extract_strided_slice %get3A_255 {offsets = [15], sizes = [1], strides = [1]} : vector<16xf32> to vector<1xf32>
          %squeeze3A_1297 = vector.extract %slice3A_1296[0] : f32 from vector<1xf32>
          %jit3A_1298 = arith.constant 0.000000e+00 : f32
          %broadcast_in_dim3A_1299 = vector.broadcast %squeeze3A_1297 : f32 to vector<16xf32>
          %broadcast_in_dim3A_1300 = vector.broadcast %jit3A_1298 : f32 to vector<16xf32>
          %select_n3A_1301 = arith.select %eq3A_1295, %broadcast_in_dim3A_1299, %broadcast_in_dim3A_1300 : vector<16xi1>, vector<16xf32>
          %add3A_1302 = arith.addf %add3A_1292, %select_n3A_1301 : vector<16xf32>
          %mul3A_1303 = arith.constant 16 : i32
          %mul3A_1304 = arith.muli %add3A_1246, %mul3A_1303 : i32
          %swap3A_1305 = arith.index_cast %mul3A_1304 : i32 to index
          %swap3A_1306 = tpu.vector_load %arg16[%swap3A_1305] {strides = array<i32>} : memref<2048xf32, #tpu.memory_space<vmem>>, vector<16xf32>,
          %swap3A_1307 = vector.shape_cast %swap3A_1306 : vector<16xf32> to vector<16xf32>
          %swap3A_1308 = vector.shape_cast %add3A_1302 : vector<16xf32> to vector<16xf32>
          tpu.vector_store %arg16[%swap3A_1305], %swap3A_1308 {strides = array<i32>} : memref<2048xf32, #tpu.memory_space<vmem>>, vector<16xf32>,
        }
        %scan3A_244 = arith.constant 8 : i32
        %dma_start3A_245 = tpu.memref_slice %arg6[%mul3A_231] : memref<23887872xf32, #tpu.memory_space<hbm>> -> memref<2048xf32, #tpu.memory_space<hbm>>
        %dma_start3A_246 = tpu.memref_slice %arg6[%mul3A_231] : memref<23887872xf32, #tpu.memory_space<hbm>> -> memref<2048xf32, #tpu.memory_space<hbm>>
        tpu.enqueue_dma source(%arg14 : memref<2048xf32, #tpu.memory_space<vmem>>) target(%dma_start3A_246 : memref<2048xf32, #tpu.memory_space<hbm>>) target_semaphore(%arg20 : memref<!tpu.dma_semaphore, #tpu.memory_space<semaphore_mem>>)
        %dma_start3A_247 = tpu.memref_slice %arg7[%mul3A_233] : memref<23887872xf32, #tpu.memory_space<hbm>> -> memref<2048xf32, #tpu.memory_space<hbm>>
        %dma_start3A_248 = tpu.memref_slice %arg7[%mul3A_233] : memref<23887872xf32, #tpu.memory_space<hbm>> -> memref<2048xf32, #tpu.memory_space<hbm>>
        tpu.enqueue_dma source(%arg16 : memref<2048xf32, #tpu.memory_space<vmem>>) target(%dma_start3A_248 : memref<2048xf32, #tpu.memory_space<hbm>>) target_semaphore(%arg20 : memref<!tpu.dma_semaphore, #tpu.memory_space<semaphore_mem>>)
      }
      %scan3A_53 = arith.constant 8 : i32
    }
    %while3A_17 = arith.constant 1 : i32
    scf.for %while3A_33 = %while3A_15 to %while3A_11 step %while3A_17  : i32 {
      %add3A_34 = arith.addi %add3A_4, %while3A_33 : i32
      %mul3A_35 = arith.constant 8 : i32
      %mul3A_36 = arith.muli %add3A_34, %mul3A_35 : i32
      %mul3A_37 = arith.constant 2 : i32
      %mul3A_38 = arith.muli %mul3A_36, %mul3A_37 : i32
      "tpu.region"() ({
        %run_scoped3A = tpu.sem_alloc : memref<!tpu.dma_semaphore, #tpu.memory_space<semaphore_mem>>
        %dma_start3A_54 = arith.constant 0 : i32
        %dma_start3A_55 = tpu.memref_slice %arg4[%mul3A_38, %dma_start3A_54] : memref<11680x128xi32, #tpu.memory_space<hbm>> -> memref<16x128xi32, #tpu.memory_space<hbm>>
        %dma_start3A_56 = arith.constant 0 : i32
        %dma_start3A_57 = tpu.memref_slice %arg4[%mul3A_38, %dma_start3A_56] : memref<11680x128xi32, #tpu.memory_space<hbm>> -> memref<16x128xi32, #tpu.memory_space<hbm>>
        tpu.enqueue_dma source(%dma_start3A_57 : memref<16x128xi32, #tpu.memory_space<hbm>>) target(%arg8 : memref<16x128xi32, #tpu.memory_space<vmem>>) target_semaphore(%run_scoped3A : memref<!tpu.dma_semaphore, #tpu.memory_space<semaphore_mem>>)
        %dma_wait3A_58 = arith.constant 0 : i32
        %dma_wait3A_59 = tpu.memref_slice %arg4[%mul3A_38, %dma_wait3A_58] : memref<11680x128xi32, #tpu.memory_space<hbm>> -> memref<16x128xi32, #tpu.memory_space<hbm>>
        %dma_wait3A_60 = arith.constant 0 : i32
        %dma_wait3A_61 = tpu.memref_slice %arg4[%mul3A_38, %dma_wait3A_60] : memref<11680x128xi32, #tpu.memory_space<hbm>> -> memref<16x128xi32, #tpu.memory_space<hbm>>
        tpu.wait_dma2 semaphore(%run_scoped3A : memref<!tpu.dma_semaphore, #tpu.memory_space<semaphore_mem>>) src(%dma_wait3A_61 : memref<16x128xi32, #tpu.memory_space<hbm>>) dst(%arg8 : memref<16x128xi32, #tpu.memory_space<vmem>>)
        tpu.yield
      }) : () -> ()
      %mul3A_39 = arith.constant 128 : i32
      %mul3A_40 = arith.muli %mul3A_36, %mul3A_39 : i32
      "tpu.region"() ({
        %run_scoped3A = tpu.sem_alloc : memref<!tpu.dma_semaphore, #tpu.memory_space<semaphore_mem>>
        %dma_start3A_54 = tpu.memref_slice %arg3[%mul3A_40] : memref<747520xf32, #tpu.memory_space<hbm>> -> memref<1024xf32, #tpu.memory_space<hbm>>
        %dma_start3A_55 = tpu.memref_slice %arg3[%mul3A_40] : memref<747520xf32, #tpu.memory_space<hbm>> -> memref<1024xf32, #tpu.memory_space<hbm>>
        tpu.enqueue_dma source(%dma_start3A_55 : memref<1024xf32, #tpu.memory_space<hbm>>) target(%arg11 : memref<1024xf32, #tpu.memory_space<vmem>>) target_semaphore(%run_scoped3A : memref<!tpu.dma_semaphore, #tpu.memory_space<semaphore_mem>>)
        %dma_wait3A_56 = tpu.memref_slice %arg3[%mul3A_40] : memref<747520xf32, #tpu.memory_space<hbm>> -> memref<1024xf32, #tpu.memory_space<hbm>>
        %dma_wait3A_57 = tpu.memref_slice %arg3[%mul3A_40] : memref<747520xf32, #tpu.memory_space<hbm>> -> memref<1024xf32, #tpu.memory_space<hbm>>
        tpu.wait_dma2 semaphore(%run_scoped3A : memref<!tpu.dma_semaphore, #tpu.memory_space<semaphore_mem>>) src(%dma_wait3A_57 : memref<1024xf32, #tpu.memory_space<hbm>>) dst(%arg11 : memref<1024xf32, #tpu.memory_space<vmem>>)
        tpu.yield
      }) : () -> ()
      %mul3A_41 = arith.constant 256 : i32
      %mul3A_42 = arith.muli %mul3A_36, %mul3A_41 : i32
      "tpu.region"() ({
        %run_scoped3A = tpu.sem_alloc : memref<!tpu.dma_semaphore, #tpu.memory_space<semaphore_mem>>
        %dma_start3A_54 = tpu.memref_slice %arg5[%mul3A_42] : memref<1495040xf32, #tpu.memory_space<hbm>> -> memref<2048xf32, #tpu.memory_space<hbm>>
        %dma_start3A_55 = tpu.memref_slice %arg5[%mul3A_42] : memref<1495040xf32, #tpu.memory_space<hbm>> -> memref<2048xf32, #tpu.memory_space<hbm>>
        tpu.enqueue_dma source(%dma_start3A_55 : memref<2048xf32, #tpu.memory_space<hbm>>) target(%arg12 : memref<2048xf32, #tpu.memory_space<vmem>>) target_semaphore(%run_scoped3A : memref<!tpu.dma_semaphore, #tpu.memory_space<semaphore_mem>>)
        %dma_wait3A_56 = tpu.memref_slice %arg5[%mul3A_42] : memref<1495040xf32, #tpu.memory_space<hbm>> -> memref<2048xf32, #tpu.memory_space<hbm>>
        %dma_wait3A_57 = tpu.memref_slice %arg5[%mul3A_42] : memref<1495040xf32, #tpu.memory_space<hbm>> -> memref<2048xf32, #tpu.memory_space<hbm>>
        tpu.wait_dma2 semaphore(%run_scoped3A : memref<!tpu.dma_semaphore, #tpu.memory_space<semaphore_mem>>) src(%dma_wait3A_57 : memref<2048xf32, #tpu.memory_space<hbm>>) dst(%arg12 : memref<2048xf32, #tpu.memory_space<vmem>>)
        tpu.yield
      }) : () -> ()
      %dma_start3A = arith.constant 0 : i32
      %dma_start3A_43 = arith.constant 0 : i32
      %dma_start3A_44 = tpu.memref_slice %arg8[%dma_start3A, %dma_start3A_43] : memref<16x128xi32, #tpu.memory_space<vmem>> -> memref<1x128xi32, #tpu.memory_space<vmem>>
      %dma_start3A_45 = tpu.memref_squeeze %dma_start3A_44 : memref<1x128xi32, #tpu.memory_space<vmem>> -> memref<128xi32, #tpu.memory_space<vmem>>
      %dma_start3A_46 = arith.constant 0 : i32
      %dma_start3A_47 = arith.constant 0 : i32
      %dma_start3A_48 = tpu.memref_slice %arg2[%dma_start3A_46, %dma_start3A_47] : memref<401408x128xf32, #tpu.memory_space<hbm>> -> memref<401408x128xf32, #tpu.memory_space<hbm>>
      tpu.enqueue_indirect_dma source(%dma_start3A_48 : memref<401408x128xf32, #tpu.memory_space<hbm>>) target(%arg9 : memref<128x128xf32, #tpu.memory_space<vmem>>) offsets(%dma_start3A_45 : memref<128xi32, #tpu.memory_space<vmem>>) semaphore(%arg17 : memref<!tpu.dma_semaphore, #tpu.memory_space<semaphore_mem>>)
      %scan3A = arith.constant 0 : i32
      %scan3A_49 = arith.constant 0 : i32
      %scan3A_50 = arith.constant 8 : i32
      %scan3A_51 = arith.addi %scan3A_49, %scan3A_50 : i32
      %scan3A_52 = arith.constant 1 : i32
      scf.for %scan3A_54 = %scan3A_49 to %scan3A_51 step %scan3A_52  : i32 {
        %add3A_55 = arith.addi %mul3A_36, %scan3A_54 : i32
        %eq3A = arith.constant 0 : i32
        %eq3A_56 = arith.cmpi eq, %while3A_33, %eq3A : i32
        %eq3A_57 = arith.constant 0 : i32
        %eq3A_58 = arith.cmpi eq, %scan3A_54, %eq3A_57 : i32
        %and3A = arith.andi %eq3A_56, %eq3A_58 : i1
        %mul3A_59 = arith.constant 128 : i32
        %mul3A_60 = arith.muli %scan3A_54, %mul3A_59 : i32
        %add3A_61 = arith.constant 0 : i32
        %add3A_62 = arith.addi %mul3A_60, %add3A_61 : i32
        %get3A = arith.index_cast %add3A_62 : i32 to index
        %get3A_63 = tpu.vector_load %arg11[%get3A] {strides = array<i32>} : memref<1024xf32, #tpu.memory_space<vmem>>, vector<16xf32>,
        %get3A_64 = vector.shape_cast %get3A_63 : vector<16xf32> to vector<16xf32>
        %add3A_65 = arith.constant 16 : i32
        %add3A_66 = arith.addi %mul3A_60, %add3A_65 : i32
        %get3A_67 = arith.index_cast %add3A_66 : i32 to index
        %get3A_68 = tpu.vector_load %arg11[%get3A_67] {strides = array<i32>} : memref<1024xf32, #tpu.memory_space<vmem>>, vector<16xf32>,
        %get3A_69 = vector.shape_cast %get3A_68 : vector<16xf32> to vector<16xf32>
        %add3A_70 = arith.constant 32 : i32
        %add3A_71 = arith.addi %mul3A_60, %add3A_70 : i32
        %get3A_72 = arith.index_cast %add3A_71 : i32 to index
        %get3A_73 = tpu.vector_load %arg11[%get3A_72] {strides = array<i32>} : memref<1024xf32, #tpu.memory_space<vmem>>, vector<16xf32>,
        %get3A_74 = vector.shape_cast %get3A_73 : vector<16xf32> to vector<16xf32>
        %add3A_75 = arith.constant 48 : i32
        %add3A_76 = arith.addi %mul3A_60, %add3A_75 : i32
        %get3A_77 = arith.index_cast %add3A_76 : i32 to index
        %get3A_78 = tpu.vector_load %arg11[%get3A_77] {strides = array<i32>} : memref<1024xf32, #tpu.memory_space<vmem>>, vector<16xf32>,
        %get3A_79 = vector.shape_cast %get3A_78 : vector<16xf32> to vector<16xf32>
        %add3A_80 = arith.constant 64 : i32
        %add3A_81 = arith.addi %mul3A_60, %add3A_80 : i32
        %get3A_82 = arith.index_cast %add3A_81 : i32 to index
        %get3A_83 = tpu.vector_load %arg11[%get3A_82] {strides = array<i32>} : memref<1024xf32, #tpu.memory_space<vmem>>, vector<16xf32>,
        %get3A_84 = vector.shape_cast %get3A_83 : vector<16xf32> to vector<16xf32>
        %add3A_85 = arith.constant 80 : i32
        %add3A_86 = arith.addi %mul3A_60, %add3A_85 : i32
        %get3A_87 = arith.index_cast %add3A_86 : i32 to index
        %get3A_88 = tpu.vector_load %arg11[%get3A_87] {strides = array<i32>} : memref<1024xf32, #tpu.memory_space<vmem>>, vector<16xf32>,
        %get3A_89 = vector.shape_cast %get3A_88 : vector<16xf32> to vector<16xf32>
        %add3A_90 = arith.constant 96 : i32
        %add3A_91 = arith.addi %mul3A_60, %add3A_90 : i32
        %get3A_92 = arith.index_cast %add3A_91 : i32 to index
        %get3A_93 = tpu.vector_load %arg11[%get3A_92] {strides = array<i32>} : memref<1024xf32, #tpu.memory_space<vmem>>, vector<16xf32>,
        %get3A_94 = vector.shape_cast %get3A_93 : vector<16xf32> to vector<16xf32>
        %broadcast_in_dim3A = arith.constant 0.000000e+00 : f32
        %broadcast_in_dim3A_95 = vector.broadcast %broadcast_in_dim3A : f32 to vector<16xf32>
        %broadcast_in_dim3A_96 = arith.constant 0 : i32
        %broadcast_in_dim3A_97 = vector.broadcast %broadcast_in_dim3A_96 : i32 to vector<16xi32>
        %lt3A_98 = arith.constant 0 : i32
        %lt3A_99 = vector.broadcast %lt3A_98 : i32 to vector<16xi32>
        %lt3A_100 = arith.cmpi slt, %broadcast_in_dim3A_97, %lt3A_99 : vector<16xi32>
        %add3A_101 = arith.constant 16 : i32
        %add3A_102 = vector.broadcast %add3A_101 : i32 to vector<16xi32>
        %add3A_103 = arith.addi %broadcast_in_dim3A_97, %add3A_102 : vector<16xi32>
        %select_n3A_104 = arith.select %lt3A_100, %add3A_103, %broadcast_in_dim3A_97 : vector<16xi1>, vector<16xi32>
        %broadcast_in_dim3A_105 = vector.shape_cast %select_n3A_104 : vector<16xi32> to vector<16x1xi32>
        %gather3A = vector.shape_cast %broadcast_in_dim3A_105 : vector<16x1xi32> to vector<16xi32>
        %gather3A_106 = tpu.dynamic_gather %get3A_94[%gather3A] in [0] : vector<16xf32>, vector<16xi32> -> vector<16xf32>
        %eq3A_107 = arith.constant 5 : i32
        %eq3A_108 = vector.broadcast %eq3A_107 : i32 to vector<16xi32>
        %eq3A_109 = arith.cmpi eq, %iota3A, %eq3A_108 : vector<16xi32>
        %jit3A_110 = arith.constant 0.000000e+00 : f32
        %broadcast_in_dim3A_111 = vector.broadcast %jit3A_110 : f32 to vector<16xf32>
        %select_n3A_112 = arith.select %eq3A_109, %gather3A_106, %broadcast_in_dim3A_111 : vector<16xi1>, vector<16xf32>
        %add3A_113 = arith.addf %broadcast_in_dim3A_95, %select_n3A_112 : vector<16xf32>
        %broadcast_in_dim3A_114 = arith.constant 1 : i32
        %broadcast_in_dim3A_115 = vector.broadcast %broadcast_in_dim3A_114 : i32 to vector<16xi32>
        %lt3A_116 = arith.constant 0 : i32
        %lt3A_117 = vector.broadcast %lt3A_116 : i32 to vector<16xi32>
        %lt3A_118 = arith.cmpi slt, %broadcast_in_dim3A_115, %lt3A_117 : vector<16xi32>
        %add3A_119 = arith.constant 16 : i32
        %add3A_120 = vector.broadcast %add3A_119 : i32 to vector<16xi32>
        %add3A_121 = arith.addi %broadcast_in_dim3A_115, %add3A_120 : vector<16xi32>
        %select_n3A_122 = arith.select %lt3A_118, %add3A_121, %broadcast_in_dim3A_115 : vector<16xi1>, vector<16xi32>
        %broadcast_in_dim3A_123 = vector.shape_cast %select_n3A_122 : vector<16xi32> to vector<16x1xi32>
        %gather3A_124 = vector.shape_cast %broadcast_in_dim3A_123 : vector<16x1xi32> to vector<16xi32>
        %gather3A_125 = tpu.dynamic_gather %get3A_94[%gather3A_124] in [0] : vector<16xf32>, vector<16xi32> -> vector<16xf32>
        %eq3A_126 = arith.constant 6 : i32
        %eq3A_127 = vector.broadcast %eq3A_126 : i32 to vector<16xi32>
        %eq3A_128 = arith.cmpi eq, %iota3A, %eq3A_127 : vector<16xi32>
        %jit3A_129 = arith.constant 0.000000e+00 : f32
        %broadcast_in_dim3A_130 = vector.broadcast %jit3A_129 : f32 to vector<16xf32>
        %select_n3A_131 = arith.select %eq3A_128, %gather3A_125, %broadcast_in_dim3A_130 : vector<16xi1>, vector<16xf32>
        %add3A_132 = arith.addf %add3A_113, %select_n3A_131 : vector<16xf32>
        %broadcast_in_dim3A_133 = arith.constant 2 : i32
        %broadcast_in_dim3A_134 = vector.broadcast %broadcast_in_dim3A_133 : i32 to vector<16xi32>
        %lt3A_135 = arith.constant 0 : i32
        %lt3A_136 = vector.broadcast %lt3A_135 : i32 to vector<16xi32>
        %lt3A_137 = arith.cmpi slt, %broadcast_in_dim3A_134, %lt3A_136 : vector<16xi32>
        %add3A_138 = arith.constant 16 : i32
        %add3A_139 = vector.broadcast %add3A_138 : i32 to vector<16xi32>
        %add3A_140 = arith.addi %broadcast_in_dim3A_134, %add3A_139 : vector<16xi32>
        %select_n3A_141 = arith.select %lt3A_137, %add3A_140, %broadcast_in_dim3A_134 : vector<16xi1>, vector<16xi32>
        %broadcast_in_dim3A_142 = vector.shape_cast %select_n3A_141 : vector<16xi32> to vector<16x1xi32>
        %gather3A_143 = vector.shape_cast %broadcast_in_dim3A_142 : vector<16x1xi32> to vector<16xi32>
        %gather3A_144 = tpu.dynamic_gather %get3A_94[%gather3A_143] in [0] : vector<16xf32>, vector<16xi32> -> vector<16xf32>
        %eq3A_145 = arith.constant 7 : i32
        %eq3A_146 = vector.broadcast %eq3A_145 : i32 to vector<16xi32>
        %eq3A_147 = arith.cmpi eq, %iota3A, %eq3A_146 : vector<16xi32>
        %jit3A_148 = arith.constant 0.000000e+00 : f32
        %broadcast_in_dim3A_149 = vector.broadcast %jit3A_148 : f32 to vector<16xf32>
        %select_n3A_150 = arith.select %eq3A_147, %gather3A_144, %broadcast_in_dim3A_149 : vector<16xi1>, vector<16xf32>
        %add3A_151 = arith.addf %add3A_132, %select_n3A_150 : vector<16xf32>
        %broadcast_in_dim3A_152 = arith.constant 3 : i32
        %broadcast_in_dim3A_153 = vector.broadcast %broadcast_in_dim3A_152 : i32 to vector<16xi32>
        %lt3A_154 = arith.constant 0 : i32
        %lt3A_155 = vector.broadcast %lt3A_154 : i32 to vector<16xi32>
        %lt3A_156 = arith.cmpi slt, %broadcast_in_dim3A_153, %lt3A_155 : vector<16xi32>
        %add3A_157 = arith.constant 16 : i32
        %add3A_158 = vector.broadcast %add3A_157 : i32 to vector<16xi32>
        %add3A_159 = arith.addi %broadcast_in_dim3A_153, %add3A_158 : vector<16xi32>
        %select_n3A_160 = arith.select %lt3A_156, %add3A_159, %broadcast_in_dim3A_153 : vector<16xi1>, vector<16xi32>
        %broadcast_in_dim3A_161 = vector.shape_cast %select_n3A_160 : vector<16xi32> to vector<16x1xi32>
        %gather3A_162 = vector.shape_cast %broadcast_in_dim3A_161 : vector<16x1xi32> to vector<16xi32>
        %gather3A_163 = tpu.dynamic_gather %get3A_94[%gather3A_162] in [0] : vector<16xf32>, vector<16xi32> -> vector<16xf32>
        %eq3A_164 = arith.constant 8 : i32
        %eq3A_165 = vector.broadcast %eq3A_164 : i32 to vector<16xi32>
        %eq3A_166 = arith.cmpi eq, %iota3A, %eq3A_165 : vector<16xi32>
        %jit3A_167 = arith.constant 0.000000e+00 : f32
        %broadcast_in_dim3A_168 = vector.broadcast %jit3A_167 : f32 to vector<16xf32>
        %select_n3A_169 = arith.select %eq3A_166, %gather3A_163, %broadcast_in_dim3A_168 : vector<16xi1>, vector<16xf32>
        %add3A_170 = arith.addf %add3A_151, %select_n3A_169 : vector<16xf32>
        %mul3A_171 = arith.constant 2 : i32
        %mul3A_172 = arith.muli %mul3A_171, %scan3A_54 : i32
        %add3A_173 = arith.constant 1 : i32
        %add3A_174 = arith.addi %mul3A_172, %add3A_173 : i32
        %dma_start3A_175 = arith.constant 0 : i32
        %dma_start3A_176 = tpu.memref_slice %arg8[%add3A_174, %dma_start3A_175] : memref<16x128xi32, #tpu.memory_space<vmem>> -> memref<1x128xi32, #tpu.memory_space<vmem>>
        %dma_start3A_177 = tpu.memref_squeeze %dma_start3A_176 : memref<1x128xi32, #tpu.memory_space<vmem>> -> memref<128xi32, #tpu.memory_space<vmem>>
        %dma_start3A_178 = arith.constant 0 : i32
        %dma_start3A_179 = arith.constant 0 : i32
        %dma_start3A_180 = tpu.memref_slice %arg2[%dma_start3A_178, %dma_start3A_179] : memref<401408x128xf32, #tpu.memory_space<hbm>> -> memref<401408x128xf32, #tpu.memory_space<hbm>>
        tpu.enqueue_indirect_dma source(%dma_start3A_180 : memref<401408x128xf32, #tpu.memory_space<hbm>>) target(%arg10 : memref<128x128xf32, #tpu.memory_space<vmem>>) offsets(%dma_start3A_177 : memref<128xi32, #tpu.memory_space<vmem>>) semaphore(%arg18 : memref<!tpu.dma_semaphore, #tpu.memory_space<semaphore_mem>>)
        %dma_wait3A_181 = arith.constant 0 : i32
        %dma_wait3A_182 = arith.constant 0 : i32
        %dma_wait3A_183 = tpu.memref_slice %arg8[%dma_wait3A_181, %dma_wait3A_182] : memref<16x128xi32, #tpu.memory_space<vmem>> -> memref<1x128xi32, #tpu.memory_space<vmem>>
        %dma_wait3A_184 = tpu.memref_squeeze %dma_wait3A_183 : memref<1x128xi32, #tpu.memory_space<vmem>> -> memref<128xi32, #tpu.memory_space<vmem>>
        %dma_wait3A_185 = arith.constant 0 : i32
        %dma_wait3A_186 = arith.constant 0 : i32
        %dma_wait3A_187 = tpu.memref_slice %arg2[%dma_wait3A_185, %dma_wait3A_186] : memref<401408x128xf32, #tpu.memory_space<hbm>> -> memref<401408x128xf32, #tpu.memory_space<hbm>>
        tpu.wait_indirect_dma semaphore(%arg17 : memref<!tpu.dma_semaphore, #tpu.memory_space<semaphore_mem>>) src(%dma_wait3A_187 : memref<401408x128xf32, #tpu.memory_space<hbm>>) dst(%arg9 : memref<128x128xf32, #tpu.memory_space<vmem>>)
        %mul3A_188 = arith.constant 256 : i32
        %mul3A_189 = arith.muli %add3A_55, %mul3A_188 : i32
        %mul3A_190 = arith.constant 256 : i32
        %mul3A_191 = arith.muli %scan3A_54, %mul3A_190 : i32
        %mul3A_192 = arith.constant 16 : i32
        %mul3A_193 = arith.muli %mul3A_189, %mul3A_192 : i32
        %mul3A_194 = arith.constant 16 : i32
        %mul3A_195 = arith.muli %mul3A_189, %mul3A_194 : i32
        %not3A = arith.constant true
        %not3A_196 = arith.xori %and3A, %not3A : i1
        %convert_element_type3A = arith.extui %not3A_196 : i1 to i32
        %cond3A = arith.constant 0 : i32
        %cond3A_197 = arith.cmpi ne, %convert_element_type3A, %cond3A : i32
        scf.if %cond3A_197 {
          %dma_wait3A_249 = tpu.memref_slice %arg6[%mul3A_193] : memref<23887872xf32, #tpu.memory_space<hbm>> -> memref<2048xf32, #tpu.memory_space<hbm>>
          %dma_wait3A_250 = tpu.memref_slice %arg6[%mul3A_193] : memref<23887872xf32, #tpu.memory_space<hbm>> -> memref<2048xf32, #tpu.memory_space<hbm>>
          tpu.wait_dma2 semaphore(%arg19 : memref<!tpu.dma_semaphore, #tpu.memory_space<semaphore_mem>>) src(%arg13 : memref<2048xf32, #tpu.memory_space<vmem>>) dst(%dma_wait3A_250 : memref<2048xf32, #tpu.memory_space<hbm>>)
          %dma_wait3A_251 = tpu.memref_slice %arg7[%mul3A_195] : memref<23887872xf32, #tpu.memory_space<hbm>> -> memref<2048xf32, #tpu.memory_space<hbm>>
          %dma_wait3A_252 = tpu.memref_slice %arg7[%mul3A_195] : memref<23887872xf32, #tpu.memory_space<hbm>> -> memref<2048xf32, #tpu.memory_space<hbm>>
          tpu.wait_dma2 semaphore(%arg19 : memref<!tpu.dma_semaphore, #tpu.memory_space<semaphore_mem>>) src(%arg15 : memref<2048xf32, #tpu.memory_space<vmem>>) dst(%dma_wait3A_252 : memref<2048xf32, #tpu.memory_space<hbm>>)
        } else {
        }
        %scan3A_198 = arith.constant 0 : i32
        %scan3A_199 = arith.constant 0 : i32
        %scan3A_200 = arith.constant 8 : i32
        %scan3A_201 = arith.addi %scan3A_199, %scan3A_200 : i32
        %scan3A_202 = arith.constant 1 : i32
        scf.for %scan3A_249 = %scan3A_199 to %scan3A_201 step %scan3A_202  : i32 {
          %mul3A_250 = arith.constant 16 : i32
          %mul3A_251 = arith.muli %scan3A_249, %mul3A_250 : i32
          %add3A_252 = arith.addi %mul3A_191, %mul3A_251 : i32
          %get3A_253 = arith.index_cast %add3A_252 : i32 to index
          %get3A_254 = tpu.vector_load %arg12[%get3A_253] {strides = array<i32>} : memref<2048xf32, #tpu.memory_space<vmem>>, vector<16xf32>,
          %get3A_255 = vector.shape_cast %get3A_254 : vector<16xf32> to vector<16xf32>
          %mul3A_256 = arith.constant 16 : i32
          %mul3A_257 = arith.muli %scan3A_249, %mul3A_256 : i32
          %add3A_258 = arith.constant 0 : i32
          %add3A_259 = arith.addi %mul3A_257, %add3A_258 : i32
          %get3A_260 = arith.index_cast %add3A_259 : i32 to index
          %get3A_261 = arith.constant 0 : index
          %get3A_262 = tpu.vector_load %arg9[%get3A_260, %get3A_261] {strides = array<i32>} : memref<128x128xf32, #tpu.memory_space<vmem>>, vector<1x16xf32>,
          %get3A_263 = vector.shape_cast %get3A_262 : vector<1x16xf32> to vector<16xf32>
          %mul3A_264 = arith.mulf %get3A_263, %get3A_64 : vector<16xf32>
          %get3A_265 = arith.index_cast %add3A_259 : i32 to index
          %get3A_266 = arith.constant 16 : index
          %get3A_267 = tpu.vector_load %arg9[%get3A_265, %get3A_266] {strides = array<i32>} : memref<128x128xf32, #tpu.memory_space<vmem>>, vector<1x16xf32>,
          %get3A_268 = vector.shape_cast %get3A_267 : vector<1x16xf32> to vector<16xf32>
          %mul3A_269 = arith.mulf %get3A_268, %get3A_69 : vector<16xf32>
          %get3A_270 = arith.index_cast %add3A_259 : i32 to index
          %get3A_271 = arith.constant 32 : index
          %get3A_272 = tpu.vector_load %arg9[%get3A_270, %get3A_271] {strides = array<i32>} : memref<128x128xf32, #tpu.memory_space<vmem>>, vector<1x16xf32>,
          %get3A_273 = vector.shape_cast %get3A_272 : vector<1x16xf32> to vector<16xf32>
          %mul3A_274 = arith.mulf %get3A_273, %get3A_74 : vector<16xf32>
          %get3A_275 = arith.index_cast %add3A_259 : i32 to index
          %get3A_276 = arith.constant 48 : index
          %get3A_277 = tpu.vector_load %arg9[%get3A_275, %get3A_276] {strides = array<i32>} : memref<128x128xf32, #tpu.memory_space<vmem>>, vector<1x16xf32>,
          %get3A_278 = vector.shape_cast %get3A_277 : vector<1x16xf32> to vector<16xf32>
          %mul3A_279 = arith.mulf %get3A_278, %get3A_79 : vector<16xf32>
          %get3A_280 = arith.index_cast %add3A_259 : i32 to index
          %get3A_281 = arith.constant 64 : index
          %get3A_282 = tpu.vector_load %arg9[%get3A_280, %get3A_281] {strides = array<i32>} : memref<128x128xf32, #tpu.memory_space<vmem>>, vector<1x16xf32>,
          %get3A_283 = vector.shape_cast %get3A_282 : vector<1x16xf32> to vector<16xf32>
          %mul3A_284 = arith.mulf %get3A_283, %get3A_84 : vector<16xf32>
          %get3A_285 = arith.index_cast %add3A_259 : i32 to index
          %get3A_286 = arith.constant 80 : index
          %get3A_287 = tpu.vector_load %arg9[%get3A_285, %get3A_286] {strides = array<i32>} : memref<128x128xf32, #tpu.memory_space<vmem>>, vector<1x16xf32>,
          %get3A_288 = vector.shape_cast %get3A_287 : vector<1x16xf32> to vector<16xf32>
          %mul3A_289 = arith.mulf %get3A_288, %get3A_89 : vector<16xf32>
          %add3A_290 = arith.addf %mul3A_264, %mul3A_269 : vector<16xf32>
          %add3A_291 = arith.addf %mul3A_274, %mul3A_279 : vector<16xf32>
          %add3A_292 = arith.addf %add3A_290, %add3A_291 : vector<16xf32>
          %add3A_293 = arith.addf %mul3A_284, %mul3A_289 : vector<16xf32>
          %add3A_294 = arith.addf %add3A_292, %add3A_293 : vector<16xf32>
          %mul3A_295 = arith.constant 16 : i32
          %mul3A_296 = arith.muli %add3A_259, %mul3A_295 : i32
          %swap3A = arith.index_cast %mul3A_296 : i32 to index
          %swap3A_297 = tpu.vector_load %arg13[%swap3A] {strides = array<i32>} : memref<2048xf32, #tpu.memory_space<vmem>>, vector<16xf32>,
          %swap3A_298 = vector.shape_cast %swap3A_297 : vector<16xf32> to vector<16xf32>
          %swap3A_299 = vector.shape_cast %add3A_294 : vector<16xf32> to vector<16xf32>
          tpu.vector_store %arg13[%swap3A], %swap3A_299 {strides = array<i32>} : memref<2048xf32, #tpu.memory_space<vmem>>, vector<16xf32>,
          %get3A_300 = arith.index_cast %add3A_259 : i32 to index
          %get3A_301 = arith.constant 96 : index
          %get3A_302 = tpu.vector_load %arg9[%get3A_300, %get3A_301] {strides = array<i32>} : memref<128x128xf32, #tpu.memory_space<vmem>>, vector<1x16xf32>,
          %get3A_303 = vector.shape_cast %get3A_302 : vector<1x16xf32> to vector<16xf32>
          %add3A_304 = arith.addf %get3A_303, %add3A_170 : vector<16xf32>
          %eq3A_305 = arith.constant 4 : i32
          %eq3A_306 = vector.broadcast %eq3A_305 : i32 to vector<16xi32>
          %eq3A_307 = arith.cmpi eq, %iota3A, %eq3A_306 : vector<16xi32>
          %slice3A = vector.extract_strided_slice %get3A_255 {offsets = [0], sizes = [1], strides = [1]} : vector<16xf32> to vector<1xf32>
          %squeeze3A = vector.extract %slice3A[0] : f32 from vector<1xf32>
          %jit3A_308 = arith.constant 0.000000e+00 : f32
          %broadcast_in_dim3A_309 = vector.broadcast %squeeze3A : f32 to vector<16xf32>
          %broadcast_in_dim3A_310 = vector.broadcast %jit3A_308 : f32 to vector<16xf32>
          %select_n3A_311 = arith.select %eq3A_307, %broadcast_in_dim3A_309, %broadcast_in_dim3A_310 : vector<16xi1>, vector<16xf32>
          %add3A_312 = arith.addf %add3A_304, %select_n3A_311 : vector<16xf32>
          %mul3A_313 = arith.constant 16 : i32
          %mul3A_314 = arith.muli %add3A_259, %mul3A_313 : i32
          %swap3A_315 = arith.index_cast %mul3A_314 : i32 to index
          %swap3A_316 = tpu.vector_load %arg15[%swap3A_315] {strides = array<i32>} : memref<2048xf32, #tpu.memory_space<vmem>>, vector<16xf32>,
          %swap3A_317 = vector.shape_cast %swap3A_316 : vector<16xf32> to vector<16xf32>
          %swap3A_318 = vector.shape_cast %add3A_312 : vector<16xf32> to vector<16xf32>
          tpu.vector_store %arg15[%swap3A_315], %swap3A_318 {strides = array<i32>} : memref<2048xf32, #tpu.memory_space<vmem>>, vector<16xf32>,
          %mul3A_319 = arith.constant 16 : i32
          %mul3A_320 = arith.muli %scan3A_249, %mul3A_319 : i32
          %add3A_321 = arith.constant 1 : i32
          %add3A_322 = arith.addi %mul3A_320, %add3A_321 : i32
          %get3A_323 = arith.index_cast %add3A_322 : i32 to index
          %get3A_324 = arith.constant 0 : index
          %get3A_325 = tpu.vector_load %arg9[%get3A_323, %get3A_324] {strides = array<i32>} : memref<128x128xf32, #tpu.memory_space<vmem>>, vector<1x16xf32>,
          %get3A_326 = vector.shape_cast %get3A_325 : vector<1x16xf32> to vector<16xf32>
          %mul3A_327 = arith.mulf %get3A_326, %get3A_64 : vector<16xf32>
          %get3A_328 = arith.index_cast %add3A_322 : i32 to index
          %get3A_329 = arith.constant 16 : index
          %get3A_330 = tpu.vector_load %arg9[%get3A_328, %get3A_329] {strides = array<i32>} : memref<128x128xf32, #tpu.memory_space<vmem>>, vector<1x16xf32>,
          %get3A_331 = vector.shape_cast %get3A_330 : vector<1x16xf32> to vector<16xf32>
          %mul3A_332 = arith.mulf %get3A_331, %get3A_69 : vector<16xf32>
          %get3A_333 = arith.index_cast %add3A_322 : i32 to index
          %get3A_334 = arith.constant 32 : index
          %get3A_335 = tpu.vector_load %arg9[%get3A_333, %get3A_334] {strides = array<i32>} : memref<128x128xf32, #tpu.memory_space<vmem>>, vector<1x16xf32>,
          %get3A_336 = vector.shape_cast %get3A_335 : vector<1x16xf32> to vector<16xf32>
          %mul3A_337 = arith.mulf %get3A_336, %get3A_74 : vector<16xf32>
          %get3A_338 = arith.index_cast %add3A_322 : i32 to index
          %get3A_339 = arith.constant 48 : index
          %get3A_340 = tpu.vector_load %arg9[%get3A_338, %get3A_339] {strides = array<i32>} : memref<128x128xf32, #tpu.memory_space<vmem>>, vector<1x16xf32>,
          %get3A_341 = vector.shape_cast %get3A_340 : vector<1x16xf32> to vector<16xf32>
          %mul3A_342 = arith.mulf %get3A_341, %get3A_79 : vector<16xf32>
          %get3A_343 = arith.index_cast %add3A_322 : i32 to index
          %get3A_344 = arith.constant 64 : index
          %get3A_345 = tpu.vector_load %arg9[%get3A_343, %get3A_344] {strides = array<i32>} : memref<128x128xf32, #tpu.memory_space<vmem>>, vector<1x16xf32>,
          %get3A_346 = vector.shape_cast %get3A_345 : vector<1x16xf32> to vector<16xf32>
          %mul3A_347 = arith.mulf %get3A_346, %get3A_84 : vector<16xf32>
          %get3A_348 = arith.index_cast %add3A_322 : i32 to index
          %get3A_349 = arith.constant 80 : index
          %get3A_350 = tpu.vector_load %arg9[%get3A_348, %get3A_349] {strides = array<i32>} : memref<128x128xf32, #tpu.memory_space<vmem>>, vector<1x16xf32>,
          %get3A_351 = vector.shape_cast %get3A_350 : vector<1x16xf32> to vector<16xf32>
          %mul3A_352 = arith.mulf %get3A_351, %get3A_89 : vector<16xf32>
          %add3A_353 = arith.addf %mul3A_327, %mul3A_332 : vector<16xf32>
          %add3A_354 = arith.addf %mul3A_337, %mul3A_342 : vector<16xf32>
          %add3A_355 = arith.addf %add3A_353, %add3A_354 : vector<16xf32>
          %add3A_356 = arith.addf %mul3A_347, %mul3A_352 : vector<16xf32>
          %add3A_357 = arith.addf %add3A_355, %add3A_356 : vector<16xf32>
          %mul3A_358 = arith.constant 16 : i32
          %mul3A_359 = arith.muli %add3A_322, %mul3A_358 : i32
          %swap3A_360 = arith.index_cast %mul3A_359 : i32 to index
          %swap3A_361 = tpu.vector_load %arg13[%swap3A_360] {strides = array<i32>} : memref<2048xf32, #tpu.memory_space<vmem>>, vector<16xf32>,
          %swap3A_362 = vector.shape_cast %swap3A_361 : vector<16xf32> to vector<16xf32>
          %swap3A_363 = vector.shape_cast %add3A_357 : vector<16xf32> to vector<16xf32>
          tpu.vector_store %arg13[%swap3A_360], %swap3A_363 {strides = array<i32>} : memref<2048xf32, #tpu.memory_space<vmem>>, vector<16xf32>,
          %get3A_364 = arith.index_cast %add3A_322 : i32 to index
          %get3A_365 = arith.constant 96 : index
          %get3A_366 = tpu.vector_load %arg9[%get3A_364, %get3A_365] {strides = array<i32>} : memref<128x128xf32, #tpu.memory_space<vmem>>, vector<1x16xf32>,
          %get3A_367 = vector.shape_cast %get3A_366 : vector<1x16xf32> to vector<16xf32>
          %add3A_368 = arith.addf %get3A_367, %add3A_170 : vector<16xf32>
          %eq3A_369 = arith.constant 4 : i32
          %eq3A_370 = vector.broadcast %eq3A_369 : i32 to vector<16xi32>
          %eq3A_371 = arith.cmpi eq, %iota3A, %eq3A_370 : vector<16xi32>
          %slice3A_372 = vector.extract_strided_slice %get3A_255 {offsets = [1], sizes = [1], strides = [1]} : vector<16xf32> to vector<1xf32>
          %squeeze3A_373 = vector.extract %slice3A_372[0] : f32 from vector<1xf32>
          %jit3A_374 = arith.constant 0.000000e+00 : f32
          %broadcast_in_dim3A_375 = vector.broadcast %squeeze3A_373 : f32 to vector<16xf32>
          %broadcast_in_dim3A_376 = vector.broadcast %jit3A_374 : f32 to vector<16xf32>
          %select_n3A_377 = arith.select %eq3A_371, %broadcast_in_dim3A_375, %broadcast_in_dim3A_376 : vector<16xi1>, vector<16xf32>
          %add3A_378 = arith.addf %add3A_368, %select_n3A_377 : vector<16xf32>
          %mul3A_379 = arith.constant 16 : i32
          %mul3A_380 = arith.muli %add3A_322, %mul3A_379 : i32
          %swap3A_381 = arith.index_cast %mul3A_380 : i32 to index
          %swap3A_382 = tpu.vector_load %arg15[%swap3A_381] {strides = array<i32>} : memref<2048xf32, #tpu.memory_space<vmem>>, vector<16xf32>,
          %swap3A_383 = vector.shape_cast %swap3A_382 : vector<16xf32> to vector<16xf32>
          %swap3A_384 = vector.shape_cast %add3A_378 : vector<16xf32> to vector<16xf32>
          tpu.vector_store %arg15[%swap3A_381], %swap3A_384 {strides = array<i32>} : memref<2048xf32, #tpu.memory_space<vmem>>, vector<16xf32>,
          %mul3A_385 = arith.constant 16 : i32
          %mul3A_386 = arith.muli %scan3A_249, %mul3A_385 : i32
          %add3A_387 = arith.constant 2 : i32
          %add3A_388 = arith.addi %mul3A_386, %add3A_387 : i32
          %get3A_389 = arith.index_cast %add3A_388 : i32 to index
          %get3A_390 = arith.constant 0 : index
          %get3A_391 = tpu.vector_load %arg9[%get3A_389, %get3A_390] {strides = array<i32>} : memref<128x128xf32, #tpu.memory_space<vmem>>, vector<1x16xf32>,
          %get3A_392 = vector.shape_cast %get3A_391 : vector<1x16xf32> to vector<16xf32>
          %mul3A_393 = arith.mulf %get3A_392, %get3A_64 : vector<16xf32>
          %get3A_394 = arith.index_cast %add3A_388 : i32 to index
          %get3A_395 = arith.constant 16 : index
          %get3A_396 = tpu.vector_load %arg9[%get3A_394, %get3A_395] {strides = array<i32>} : memref<128x128xf32, #tpu.memory_space<vmem>>, vector<1x16xf32>,
          %get3A_397 = vector.shape_cast %get3A_396 : vector<1x16xf32> to vector<16xf32>
          %mul3A_398 = arith.mulf %get3A_397, %get3A_69 : vector<16xf32>
          %get3A_399 = arith.index_cast %add3A_388 : i32 to index
          %get3A_400 = arith.constant 32 : index
          %get3A_401 = tpu.vector_load %arg9[%get3A_399, %get3A_400] {strides = array<i32>} : memref<128x128xf32, #tpu.memory_space<vmem>>, vector<1x16xf32>,
          %get3A_402 = vector.shape_cast %get3A_401 : vector<1x16xf32> to vector<16xf32>
          %mul3A_403 = arith.mulf %get3A_402, %get3A_74 : vector<16xf32>
          %get3A_404 = arith.index_cast %add3A_388 : i32 to index
          %get3A_405 = arith.constant 48 : index
          %get3A_406 = tpu.vector_load %arg9[%get3A_404, %get3A_405] {strides = array<i32>} : memref<128x128xf32, #tpu.memory_space<vmem>>, vector<1x16xf32>,
          %get3A_407 = vector.shape_cast %get3A_406 : vector<1x16xf32> to vector<16xf32>
          %mul3A_408 = arith.mulf %get3A_407, %get3A_79 : vector<16xf32>
          %get3A_409 = arith.index_cast %add3A_388 : i32 to index
          %get3A_410 = arith.constant 64 : index
          %get3A_411 = tpu.vector_load %arg9[%get3A_409, %get3A_410] {strides = array<i32>} : memref<128x128xf32, #tpu.memory_space<vmem>>, vector<1x16xf32>,
          %get3A_412 = vector.shape_cast %get3A_411 : vector<1x16xf32> to vector<16xf32>
          %mul3A_413 = arith.mulf %get3A_412, %get3A_84 : vector<16xf32>
          %get3A_414 = arith.index_cast %add3A_388 : i32 to index
          %get3A_415 = arith.constant 80 : index
          %get3A_416 = tpu.vector_load %arg9[%get3A_414, %get3A_415] {strides = array<i32>} : memref<128x128xf32, #tpu.memory_space<vmem>>, vector<1x16xf32>,
          %get3A_417 = vector.shape_cast %get3A_416 : vector<1x16xf32> to vector<16xf32>
          %mul3A_418 = arith.mulf %get3A_417, %get3A_89 : vector<16xf32>
          %add3A_419 = arith.addf %mul3A_393, %mul3A_398 : vector<16xf32>
          %add3A_420 = arith.addf %mul3A_403, %mul3A_408 : vector<16xf32>
          %add3A_421 = arith.addf %add3A_419, %add3A_420 : vector<16xf32>
          %add3A_422 = arith.addf %mul3A_413, %mul3A_418 : vector<16xf32>
          %add3A_423 = arith.addf %add3A_421, %add3A_422 : vector<16xf32>
          %mul3A_424 = arith.constant 16 : i32
          %mul3A_425 = arith.muli %add3A_388, %mul3A_424 : i32
          %swap3A_426 = arith.index_cast %mul3A_425 : i32 to index
          %swap3A_427 = tpu.vector_load %arg13[%swap3A_426] {strides = array<i32>} : memref<2048xf32, #tpu.memory_space<vmem>>, vector<16xf32>,
          %swap3A_428 = vector.shape_cast %swap3A_427 : vector<16xf32> to vector<16xf32>
          %swap3A_429 = vector.shape_cast %add3A_423 : vector<16xf32> to vector<16xf32>
          tpu.vector_store %arg13[%swap3A_426], %swap3A_429 {strides = array<i32>} : memref<2048xf32, #tpu.memory_space<vmem>>, vector<16xf32>,
          %get3A_430 = arith.index_cast %add3A_388 : i32 to index
          %get3A_431 = arith.constant 96 : index
          %get3A_432 = tpu.vector_load %arg9[%get3A_430, %get3A_431] {strides = array<i32>} : memref<128x128xf32, #tpu.memory_space<vmem>>, vector<1x16xf32>,
          %get3A_433 = vector.shape_cast %get3A_432 : vector<1x16xf32> to vector<16xf32>
          %add3A_434 = arith.addf %get3A_433, %add3A_170 : vector<16xf32>
          %eq3A_435 = arith.constant 4 : i32
          %eq3A_436 = vector.broadcast %eq3A_435 : i32 to vector<16xi32>
          %eq3A_437 = arith.cmpi eq, %iota3A, %eq3A_436 : vector<16xi32>
          %slice3A_438 = vector.extract_strided_slice %get3A_255 {offsets = [2], sizes = [1], strides = [1]} : vector<16xf32> to vector<1xf32>
          %squeeze3A_439 = vector.extract %slice3A_438[0] : f32 from vector<1xf32>
          %jit3A_440 = arith.constant 0.000000e+00 : f32
          %broadcast_in_dim3A_441 = vector.broadcast %squeeze3A_439 : f32 to vector<16xf32>
          %broadcast_in_dim3A_442 = vector.broadcast %jit3A_440 : f32 to vector<16xf32>
          %select_n3A_443 = arith.select %eq3A_437, %broadcast_in_dim3A_441, %broadcast_in_dim3A_442 : vector<16xi1>, vector<16xf32>
          %add3A_444 = arith.addf %add3A_434, %select_n3A_443 : vector<16xf32>
          %mul3A_445 = arith.constant 16 : i32
          %mul3A_446 = arith.muli %add3A_388, %mul3A_445 : i32
          %swap3A_447 = arith.index_cast %mul3A_446 : i32 to index
          %swap3A_448 = tpu.vector_load %arg15[%swap3A_447] {strides = array<i32>} : memref<2048xf32, #tpu.memory_space<vmem>>, vector<16xf32>,
          %swap3A_449 = vector.shape_cast %swap3A_448 : vector<16xf32> to vector<16xf32>
          %swap3A_450 = vector.shape_cast %add3A_444 : vector<16xf32> to vector<16xf32>
          tpu.vector_store %arg15[%swap3A_447], %swap3A_450 {strides = array<i32>} : memref<2048xf32, #tpu.memory_space<vmem>>, vector<16xf32>,
          %mul3A_451 = arith.constant 16 : i32
          %mul3A_452 = arith.muli %scan3A_249, %mul3A_451 : i32
          %add3A_453 = arith.constant 3 : i32
          %add3A_454 = arith.addi %mul3A_452, %add3A_453 : i32
          %get3A_455 = arith.index_cast %add3A_454 : i32 to index
          %get3A_456 = arith.constant 0 : index
          %get3A_457 = tpu.vector_load %arg9[%get3A_455, %get3A_456] {strides = array<i32>} : memref<128x128xf32, #tpu.memory_space<vmem>>, vector<1x16xf32>,
          %get3A_458 = vector.shape_cast %get3A_457 : vector<1x16xf32> to vector<16xf32>
          %mul3A_459 = arith.mulf %get3A_458, %get3A_64 : vector<16xf32>
          %get3A_460 = arith.index_cast %add3A_454 : i32 to index
          %get3A_461 = arith.constant 16 : index
          %get3A_462 = tpu.vector_load %arg9[%get3A_460, %get3A_461] {strides = array<i32>} : memref<128x128xf32, #tpu.memory_space<vmem>>, vector<1x16xf32>,
          %get3A_463 = vector.shape_cast %get3A_462 : vector<1x16xf32> to vector<16xf32>
          %mul3A_464 = arith.mulf %get3A_463, %get3A_69 : vector<16xf32>
          %get3A_465 = arith.index_cast %add3A_454 : i32 to index
          %get3A_466 = arith.constant 32 : index
          %get3A_467 = tpu.vector_load %arg9[%get3A_465, %get3A_466] {strides = array<i32>} : memref<128x128xf32, #tpu.memory_space<vmem>>, vector<1x16xf32>,
          %get3A_468 = vector.shape_cast %get3A_467 : vector<1x16xf32> to vector<16xf32>
          %mul3A_469 = arith.mulf %get3A_468, %get3A_74 : vector<16xf32>
          %get3A_470 = arith.index_cast %add3A_454 : i32 to index
          %get3A_471 = arith.constant 48 : index
          %get3A_472 = tpu.vector_load %arg9[%get3A_470, %get3A_471] {strides = array<i32>} : memref<128x128xf32, #tpu.memory_space<vmem>>, vector<1x16xf32>,
          %get3A_473 = vector.shape_cast %get3A_472 : vector<1x16xf32> to vector<16xf32>
          %mul3A_474 = arith.mulf %get3A_473, %get3A_79 : vector<16xf32>
          %get3A_475 = arith.index_cast %add3A_454 : i32 to index
          %get3A_476 = arith.constant 64 : index
          %get3A_477 = tpu.vector_load %arg9[%get3A_475, %get3A_476] {strides = array<i32>} : memref<128x128xf32, #tpu.memory_space<vmem>>, vector<1x16xf32>,
          %get3A_478 = vector.shape_cast %get3A_477 : vector<1x16xf32> to vector<16xf32>
          %mul3A_479 = arith.mulf %get3A_478, %get3A_84 : vector<16xf32>
          %get3A_480 = arith.index_cast %add3A_454 : i32 to index
          %get3A_481 = arith.constant 80 : index
          %get3A_482 = tpu.vector_load %arg9[%get3A_480, %get3A_481] {strides = array<i32>} : memref<128x128xf32, #tpu.memory_space<vmem>>, vector<1x16xf32>,
          %get3A_483 = vector.shape_cast %get3A_482 : vector<1x16xf32> to vector<16xf32>
          %mul3A_484 = arith.mulf %get3A_483, %get3A_89 : vector<16xf32>
          %add3A_485 = arith.addf %mul3A_459, %mul3A_464 : vector<16xf32>
          %add3A_486 = arith.addf %mul3A_469, %mul3A_474 : vector<16xf32>
          %add3A_487 = arith.addf %add3A_485, %add3A_486 : vector<16xf32>
          %add3A_488 = arith.addf %mul3A_479, %mul3A_484 : vector<16xf32>
          %add3A_489 = arith.addf %add3A_487, %add3A_488 : vector<16xf32>
          %mul3A_490 = arith.constant 16 : i32
          %mul3A_491 = arith.muli %add3A_454, %mul3A_490 : i32
          %swap3A_492 = arith.index_cast %mul3A_491 : i32 to index
          %swap3A_493 = tpu.vector_load %arg13[%swap3A_492] {strides = array<i32>} : memref<2048xf32, #tpu.memory_space<vmem>>, vector<16xf32>,
          %swap3A_494 = vector.shape_cast %swap3A_493 : vector<16xf32> to vector<16xf32>
          %swap3A_495 = vector.shape_cast %add3A_489 : vector<16xf32> to vector<16xf32>
          tpu.vector_store %arg13[%swap3A_492], %swap3A_495 {strides = array<i32>} : memref<2048xf32, #tpu.memory_space<vmem>>, vector<16xf32>,
          %get3A_496 = arith.index_cast %add3A_454 : i32 to index
          %get3A_497 = arith.constant 96 : index
          %get3A_498 = tpu.vector_load %arg9[%get3A_496, %get3A_497] {strides = array<i32>} : memref<128x128xf32, #tpu.memory_space<vmem>>, vector<1x16xf32>,
          %get3A_499 = vector.shape_cast %get3A_498 : vector<1x16xf32> to vector<16xf32>
          %add3A_500 = arith.addf %get3A_499, %add3A_170 : vector<16xf32>
          %eq3A_501 = arith.constant 4 : i32
          %eq3A_502 = vector.broadcast %eq3A_501 : i32 to vector<16xi32>
          %eq3A_503 = arith.cmpi eq, %iota3A, %eq3A_502 : vector<16xi32>
          %slice3A_504 = vector.extract_strided_slice %get3A_255 {offsets = [3], sizes = [1], strides = [1]} : vector<16xf32> to vector<1xf32>
          %squeeze3A_505 = vector.extract %slice3A_504[0] : f32 from vector<1xf32>
          %jit3A_506 = arith.constant 0.000000e+00 : f32
          %broadcast_in_dim3A_507 = vector.broadcast %squeeze3A_505 : f32 to vector<16xf32>
          %broadcast_in_dim3A_508 = vector.broadcast %jit3A_506 : f32 to vector<16xf32>
          %select_n3A_509 = arith.select %eq3A_503, %broadcast_in_dim3A_507, %broadcast_in_dim3A_508 : vector<16xi1>, vector<16xf32>
          %add3A_510 = arith.addf %add3A_500, %select_n3A_509 : vector<16xf32>
          %mul3A_511 = arith.constant 16 : i32
          %mul3A_512 = arith.muli %add3A_454, %mul3A_511 : i32
          %swap3A_513 = arith.index_cast %mul3A_512 : i32 to index
          %swap3A_514 = tpu.vector_load %arg15[%swap3A_513] {strides = array<i32>} : memref<2048xf32, #tpu.memory_space<vmem>>, vector<16xf32>,
          %swap3A_515 = vector.shape_cast %swap3A_514 : vector<16xf32> to vector<16xf32>
          %swap3A_516 = vector.shape_cast %add3A_510 : vector<16xf32> to vector<16xf32>
          tpu.vector_store %arg15[%swap3A_513], %swap3A_516 {strides = array<i32>} : memref<2048xf32, #tpu.memory_space<vmem>>, vector<16xf32>,
          %mul3A_517 = arith.constant 16 : i32
          %mul3A_518 = arith.muli %scan3A_249, %mul3A_517 : i32
          %add3A_519 = arith.constant 4 : i32
          %add3A_520 = arith.addi %mul3A_518, %add3A_519 : i32
          %get3A_521 = arith.index_cast %add3A_520 : i32 to index
          %get3A_522 = arith.constant 0 : index
          %get3A_523 = tpu.vector_load %arg9[%get3A_521, %get3A_522] {strides = array<i32>} : memref<128x128xf32, #tpu.memory_space<vmem>>, vector<1x16xf32>,
          %get3A_524 = vector.shape_cast %get3A_523 : vector<1x16xf32> to vector<16xf32>
          %mul3A_525 = arith.mulf %get3A_524, %get3A_64 : vector<16xf32>
          %get3A_526 = arith.index_cast %add3A_520 : i32 to index
          %get3A_527 = arith.constant 16 : index
          %get3A_528 = tpu.vector_load %arg9[%get3A_526, %get3A_527] {strides = array<i32>} : memref<128x128xf32, #tpu.memory_space<vmem>>, vector<1x16xf32>,
          %get3A_529 = vector.shape_cast %get3A_528 : vector<1x16xf32> to vector<16xf32>
          %mul3A_530 = arith.mulf %get3A_529, %get3A_69 : vector<16xf32>
          %get3A_531 = arith.index_cast %add3A_520 : i32 to index
          %get3A_532 = arith.constant 32 : index
          %get3A_533 = tpu.vector_load %arg9[%get3A_531, %get3A_532] {strides = array<i32>} : memref<128x128xf32, #tpu.memory_space<vmem>>, vector<1x16xf32>,
          %get3A_534 = vector.shape_cast %get3A_533 : vector<1x16xf32> to vector<16xf32>
          %mul3A_535 = arith.mulf %get3A_534, %get3A_74 : vector<16xf32>
          %get3A_536 = arith.index_cast %add3A_520 : i32 to index
          %get3A_537 = arith.constant 48 : index
          %get3A_538 = tpu.vector_load %arg9[%get3A_536, %get3A_537] {strides = array<i32>} : memref<128x128xf32, #tpu.memory_space<vmem>>, vector<1x16xf32>,
          %get3A_539 = vector.shape_cast %get3A_538 : vector<1x16xf32> to vector<16xf32>
          %mul3A_540 = arith.mulf %get3A_539, %get3A_79 : vector<16xf32>
          %get3A_541 = arith.index_cast %add3A_520 : i32 to index
          %get3A_542 = arith.constant 64 : index
          %get3A_543 = tpu.vector_load %arg9[%get3A_541, %get3A_542] {strides = array<i32>} : memref<128x128xf32, #tpu.memory_space<vmem>>, vector<1x16xf32>,
          %get3A_544 = vector.shape_cast %get3A_543 : vector<1x16xf32> to vector<16xf32>
          %mul3A_545 = arith.mulf %get3A_544, %get3A_84 : vector<16xf32>
          %get3A_546 = arith.index_cast %add3A_520 : i32 to index
          %get3A_547 = arith.constant 80 : index
          %get3A_548 = tpu.vector_load %arg9[%get3A_546, %get3A_547] {strides = array<i32>} : memref<128x128xf32, #tpu.memory_space<vmem>>, vector<1x16xf32>,
          %get3A_549 = vector.shape_cast %get3A_548 : vector<1x16xf32> to vector<16xf32>
          %mul3A_550 = arith.mulf %get3A_549, %get3A_89 : vector<16xf32>
          %add3A_551 = arith.addf %mul3A_525, %mul3A_530 : vector<16xf32>
          %add3A_552 = arith.addf %mul3A_535, %mul3A_540 : vector<16xf32>
          %add3A_553 = arith.addf %add3A_551, %add3A_552 : vector<16xf32>
          %add3A_554 = arith.addf %mul3A_545, %mul3A_550 : vector<16xf32>
          %add3A_555 = arith.addf %add3A_553, %add3A_554 : vector<16xf32>
          %mul3A_556 = arith.constant 16 : i32
          %mul3A_557 = arith.muli %add3A_520, %mul3A_556 : i32
          %swap3A_558 = arith.index_cast %mul3A_557 : i32 to index
          %swap3A_559 = tpu.vector_load %arg13[%swap3A_558] {strides = array<i32>} : memref<2048xf32, #tpu.memory_space<vmem>>, vector<16xf32>,
          %swap3A_560 = vector.shape_cast %swap3A_559 : vector<16xf32> to vector<16xf32>
          %swap3A_561 = vector.shape_cast %add3A_555 : vector<16xf32> to vector<16xf32>
          tpu.vector_store %arg13[%swap3A_558], %swap3A_561 {strides = array<i32>} : memref<2048xf32, #tpu.memory_space<vmem>>, vector<16xf32>,
          %get3A_562 = arith.index_cast %add3A_520 : i32 to index
          %get3A_563 = arith.constant 96 : index
          %get3A_564 = tpu.vector_load %arg9[%get3A_562, %get3A_563] {strides = array<i32>} : memref<128x128xf32, #tpu.memory_space<vmem>>, vector<1x16xf32>,
          %get3A_565 = vector.shape_cast %get3A_564 : vector<1x16xf32> to vector<16xf32>
          %add3A_566 = arith.addf %get3A_565, %add3A_170 : vector<16xf32>
          %eq3A_567 = arith.constant 4 : i32
          %eq3A_568 = vector.broadcast %eq3A_567 : i32 to vector<16xi32>
          %eq3A_569 = arith.cmpi eq, %iota3A, %eq3A_568 : vector<16xi32>
          %slice3A_570 = vector.extract_strided_slice %get3A_255 {offsets = [4], sizes = [1], strides = [1]} : vector<16xf32> to vector<1xf32>
          %squeeze3A_571 = vector.extract %slice3A_570[0] : f32 from vector<1xf32>
          %jit3A_572 = arith.constant 0.000000e+00 : f32
          %broadcast_in_dim3A_573 = vector.broadcast %squeeze3A_571 : f32 to vector<16xf32>
          %broadcast_in_dim3A_574 = vector.broadcast %jit3A_572 : f32 to vector<16xf32>
          %select_n3A_575 = arith.select %eq3A_569, %broadcast_in_dim3A_573, %broadcast_in_dim3A_574 : vector<16xi1>, vector<16xf32>
          %add3A_576 = arith.addf %add3A_566, %select_n3A_575 : vector<16xf32>
          %mul3A_577 = arith.constant 16 : i32
          %mul3A_578 = arith.muli %add3A_520, %mul3A_577 : i32
          %swap3A_579 = arith.index_cast %mul3A_578 : i32 to index
          %swap3A_580 = tpu.vector_load %arg15[%swap3A_579] {strides = array<i32>} : memref<2048xf32, #tpu.memory_space<vmem>>, vector<16xf32>,
          %swap3A_581 = vector.shape_cast %swap3A_580 : vector<16xf32> to vector<16xf32>
          %swap3A_582 = vector.shape_cast %add3A_576 : vector<16xf32> to vector<16xf32>
          tpu.vector_store %arg15[%swap3A_579], %swap3A_582 {strides = array<i32>} : memref<2048xf32, #tpu.memory_space<vmem>>, vector<16xf32>,
          %mul3A_583 = arith.constant 16 : i32
          %mul3A_584 = arith.muli %scan3A_249, %mul3A_583 : i32
          %add3A_585 = arith.constant 5 : i32
          %add3A_586 = arith.addi %mul3A_584, %add3A_585 : i32
          %get3A_587 = arith.index_cast %add3A_586 : i32 to index
          %get3A_588 = arith.constant 0 : index
          %get3A_589 = tpu.vector_load %arg9[%get3A_587, %get3A_588] {strides = array<i32>} : memref<128x128xf32, #tpu.memory_space<vmem>>, vector<1x16xf32>,
          %get3A_590 = vector.shape_cast %get3A_589 : vector<1x16xf32> to vector<16xf32>
          %mul3A_591 = arith.mulf %get3A_590, %get3A_64 : vector<16xf32>
          %get3A_592 = arith.index_cast %add3A_586 : i32 to index
          %get3A_593 = arith.constant 16 : index
          %get3A_594 = tpu.vector_load %arg9[%get3A_592, %get3A_593] {strides = array<i32>} : memref<128x128xf32, #tpu.memory_space<vmem>>, vector<1x16xf32>,
          %get3A_595 = vector.shape_cast %get3A_594 : vector<1x16xf32> to vector<16xf32>
          %mul3A_596 = arith.mulf %get3A_595, %get3A_69 : vector<16xf32>
          %get3A_597 = arith.index_cast %add3A_586 : i32 to index
          %get3A_598 = arith.constant 32 : index
          %get3A_599 = tpu.vector_load %arg9[%get3A_597, %get3A_598] {strides = array<i32>} : memref<128x128xf32, #tpu.memory_space<vmem>>, vector<1x16xf32>,
          %get3A_600 = vector.shape_cast %get3A_599 : vector<1x16xf32> to vector<16xf32>
          %mul3A_601 = arith.mulf %get3A_600, %get3A_74 : vector<16xf32>
          %get3A_602 = arith.index_cast %add3A_586 : i32 to index
          %get3A_603 = arith.constant 48 : index
          %get3A_604 = tpu.vector_load %arg9[%get3A_602, %get3A_603] {strides = array<i32>} : memref<128x128xf32, #tpu.memory_space<vmem>>, vector<1x16xf32>,
          %get3A_605 = vector.shape_cast %get3A_604 : vector<1x16xf32> to vector<16xf32>
          %mul3A_606 = arith.mulf %get3A_605, %get3A_79 : vector<16xf32>
          %get3A_607 = arith.index_cast %add3A_586 : i32 to index
          %get3A_608 = arith.constant 64 : index
          %get3A_609 = tpu.vector_load %arg9[%get3A_607, %get3A_608] {strides = array<i32>} : memref<128x128xf32, #tpu.memory_space<vmem>>, vector<1x16xf32>,
          %get3A_610 = vector.shape_cast %get3A_609 : vector<1x16xf32> to vector<16xf32>
          %mul3A_611 = arith.mulf %get3A_610, %get3A_84 : vector<16xf32>
          %get3A_612 = arith.index_cast %add3A_586 : i32 to index
          %get3A_613 = arith.constant 80 : index
          %get3A_614 = tpu.vector_load %arg9[%get3A_612, %get3A_613] {strides = array<i32>} : memref<128x128xf32, #tpu.memory_space<vmem>>, vector<1x16xf32>,
          %get3A_615 = vector.shape_cast %get3A_614 : vector<1x16xf32> to vector<16xf32>
          %mul3A_616 = arith.mulf %get3A_615, %get3A_89 : vector<16xf32>
          %add3A_617 = arith.addf %mul3A_591, %mul3A_596 : vector<16xf32>
          %add3A_618 = arith.addf %mul3A_601, %mul3A_606 : vector<16xf32>
          %add3A_619 = arith.addf %add3A_617, %add3A_618 : vector<16xf32>
          %add3A_620 = arith.addf %mul3A_611, %mul3A_616 : vector<16xf32>
          %add3A_621 = arith.addf %add3A_619, %add3A_620 : vector<16xf32>
          %mul3A_622 = arith.constant 16 : i32
          %mul3A_623 = arith.muli %add3A_586, %mul3A_622 : i32
          %swap3A_624 = arith.index_cast %mul3A_623 : i32 to index
          %swap3A_625 = tpu.vector_load %arg13[%swap3A_624] {strides = array<i32>} : memref<2048xf32, #tpu.memory_space<vmem>>, vector<16xf32>,
          %swap3A_626 = vector.shape_cast %swap3A_625 : vector<16xf32> to vector<16xf32>
          %swap3A_627 = vector.shape_cast %add3A_621 : vector<16xf32> to vector<16xf32>
          tpu.vector_store %arg13[%swap3A_624], %swap3A_627 {strides = array<i32>} : memref<2048xf32, #tpu.memory_space<vmem>>, vector<16xf32>,
          %get3A_628 = arith.index_cast %add3A_586 : i32 to index
          %get3A_629 = arith.constant 96 : index
          %get3A_630 = tpu.vector_load %arg9[%get3A_628, %get3A_629] {strides = array<i32>} : memref<128x128xf32, #tpu.memory_space<vmem>>, vector<1x16xf32>,
          %get3A_631 = vector.shape_cast %get3A_630 : vector<1x16xf32> to vector<16xf32>
          %add3A_632 = arith.addf %get3A_631, %add3A_170 : vector<16xf32>
          %eq3A_633 = arith.constant 4 : i32
          %eq3A_634 = vector.broadcast %eq3A_633 : i32 to vector<16xi32>
          %eq3A_635 = arith.cmpi eq, %iota3A, %eq3A_634 : vector<16xi32>
          %slice3A_636 = vector.extract_strided_slice %get3A_255 {offsets = [5], sizes = [1], strides = [1]} : vector<16xf32> to vector<1xf32>
          %squeeze3A_637 = vector.extract %slice3A_636[0] : f32 from vector<1xf32>
          %jit3A_638 = arith.constant 0.000000e+00 : f32
          %broadcast_in_dim3A_639 = vector.broadcast %squeeze3A_637 : f32 to vector<16xf32>
          %broadcast_in_dim3A_640 = vector.broadcast %jit3A_638 : f32 to vector<16xf32>
          %select_n3A_641 = arith.select %eq3A_635, %broadcast_in_dim3A_639, %broadcast_in_dim3A_640 : vector<16xi1>, vector<16xf32>
          %add3A_642 = arith.addf %add3A_632, %select_n3A_641 : vector<16xf32>
          %mul3A_643 = arith.constant 16 : i32
          %mul3A_644 = arith.muli %add3A_586, %mul3A_643 : i32
          %swap3A_645 = arith.index_cast %mul3A_644 : i32 to index
          %swap3A_646 = tpu.vector_load %arg15[%swap3A_645] {strides = array<i32>} : memref<2048xf32, #tpu.memory_space<vmem>>, vector<16xf32>,
          %swap3A_647 = vector.shape_cast %swap3A_646 : vector<16xf32> to vector<16xf32>
          %swap3A_648 = vector.shape_cast %add3A_642 : vector<16xf32> to vector<16xf32>
          tpu.vector_store %arg15[%swap3A_645], %swap3A_648 {strides = array<i32>} : memref<2048xf32, #tpu.memory_space<vmem>>, vector<16xf32>,
          %mul3A_649 = arith.constant 16 : i32
          %mul3A_650 = arith.muli %scan3A_249, %mul3A_649 : i32
          %add3A_651 = arith.constant 6 : i32
          %add3A_652 = arith.addi %mul3A_650, %add3A_651 : i32
          %get3A_653 = arith.index_cast %add3A_652 : i32 to index
          %get3A_654 = arith.constant 0 : index
          %get3A_655 = tpu.vector_load %arg9[%get3A_653, %get3A_654] {strides = array<i32>} : memref<128x128xf32, #tpu.memory_space<vmem>>, vector<1x16xf32>,
          %get3A_656 = vector.shape_cast %get3A_655 : vector<1x16xf32> to vector<16xf32>
          %mul3A_657 = arith.mulf %get3A_656, %get3A_64 : vector<16xf32>
          %get3A_658 = arith.index_cast %add3A_652 : i32 to index
          %get3A_659 = arith.constant 16 : index
          %get3A_660 = tpu.vector_load %arg9[%get3A_658, %get3A_659] {strides = array<i32>} : memref<128x128xf32, #tpu.memory_space<vmem>>, vector<1x16xf32>,
          %get3A_661 = vector.shape_cast %get3A_660 : vector<1x16xf32> to vector<16xf32>
          %mul3A_662 = arith.mulf %get3A_661, %get3A_69 : vector<16xf32>
          %get3A_663 = arith.index_cast %add3A_652 : i32 to index
          %get3A_664 = arith.constant 32 : index
          %get3A_665 = tpu.vector_load %arg9[%get3A_663, %get3A_664] {strides = array<i32>} : memref<128x128xf32, #tpu.memory_space<vmem>>, vector<1x16xf32>,
          %get3A_666 = vector.shape_cast %get3A_665 : vector<1x16xf32> to vector<16xf32>
          %mul3A_667 = arith.mulf %get3A_666, %get3A_74 : vector<16xf32>
          %get3A_668 = arith.index_cast %add3A_652 : i32 to index
          %get3A_669 = arith.constant 48 : index
          %get3A_670 = tpu.vector_load %arg9[%get3A_668, %get3A_669] {strides = array<i32>} : memref<128x128xf32, #tpu.memory_space<vmem>>, vector<1x16xf32>,
          %get3A_671 = vector.shape_cast %get3A_670 : vector<1x16xf32> to vector<16xf32>
          %mul3A_672 = arith.mulf %get3A_671, %get3A_79 : vector<16xf32>
          %get3A_673 = arith.index_cast %add3A_652 : i32 to index
          %get3A_674 = arith.constant 64 : index
          %get3A_675 = tpu.vector_load %arg9[%get3A_673, %get3A_674] {strides = array<i32>} : memref<128x128xf32, #tpu.memory_space<vmem>>, vector<1x16xf32>,
          %get3A_676 = vector.shape_cast %get3A_675 : vector<1x16xf32> to vector<16xf32>
          %mul3A_677 = arith.mulf %get3A_676, %get3A_84 : vector<16xf32>
          %get3A_678 = arith.index_cast %add3A_652 : i32 to index
          %get3A_679 = arith.constant 80 : index
          %get3A_680 = tpu.vector_load %arg9[%get3A_678, %get3A_679] {strides = array<i32>} : memref<128x128xf32, #tpu.memory_space<vmem>>, vector<1x16xf32>,
          %get3A_681 = vector.shape_cast %get3A_680 : vector<1x16xf32> to vector<16xf32>
          %mul3A_682 = arith.mulf %get3A_681, %get3A_89 : vector<16xf32>
          %add3A_683 = arith.addf %mul3A_657, %mul3A_662 : vector<16xf32>
          %add3A_684 = arith.addf %mul3A_667, %mul3A_672 : vector<16xf32>
          %add3A_685 = arith.addf %add3A_683, %add3A_684 : vector<16xf32>
          %add3A_686 = arith.addf %mul3A_677, %mul3A_682 : vector<16xf32>
          %add3A_687 = arith.addf %add3A_685, %add3A_686 : vector<16xf32>
          %mul3A_688 = arith.constant 16 : i32
          %mul3A_689 = arith.muli %add3A_652, %mul3A_688 : i32
          %swap3A_690 = arith.index_cast %mul3A_689 : i32 to index
          %swap3A_691 = tpu.vector_load %arg13[%swap3A_690] {strides = array<i32>} : memref<2048xf32, #tpu.memory_space<vmem>>, vector<16xf32>,
          %swap3A_692 = vector.shape_cast %swap3A_691 : vector<16xf32> to vector<16xf32>
          %swap3A_693 = vector.shape_cast %add3A_687 : vector<16xf32> to vector<16xf32>
          tpu.vector_store %arg13[%swap3A_690], %swap3A_693 {strides = array<i32>} : memref<2048xf32, #tpu.memory_space<vmem>>, vector<16xf32>,
          %get3A_694 = arith.index_cast %add3A_652 : i32 to index
          %get3A_695 = arith.constant 96 : index
          %get3A_696 = tpu.vector_load %arg9[%get3A_694, %get3A_695] {strides = array<i32>} : memref<128x128xf32, #tpu.memory_space<vmem>>, vector<1x16xf32>,
          %get3A_697 = vector.shape_cast %get3A_696 : vector<1x16xf32> to vector<16xf32>
          %add3A_698 = arith.addf %get3A_697, %add3A_170 : vector<16xf32>
          %eq3A_699 = arith.constant 4 : i32
          %eq3A_700 = vector.broadcast %eq3A_699 : i32 to vector<16xi32>
          %eq3A_701 = arith.cmpi eq, %iota3A, %eq3A_700 : vector<16xi32>
          %slice3A_702 = vector.extract_strided_slice %get3A_255 {offsets = [6], sizes = [1], strides = [1]} : vector<16xf32> to vector<1xf32>
          %squeeze3A_703 = vector.extract %slice3A_702[0] : f32 from vector<1xf32>
          %jit3A_704 = arith.constant 0.000000e+00 : f32
          %broadcast_in_dim3A_705 = vector.broadcast %squeeze3A_703 : f32 to vector<16xf32>
          %broadcast_in_dim3A_706 = vector.broadcast %jit3A_704 : f32 to vector<16xf32>
          %select_n3A_707 = arith.select %eq3A_701, %broadcast_in_dim3A_705, %broadcast_in_dim3A_706 : vector<16xi1>, vector<16xf32>
          %add3A_708 = arith.addf %add3A_698, %select_n3A_707 : vector<16xf32>
          %mul3A_709 = arith.constant 16 : i32
          %mul3A_710 = arith.muli %add3A_652, %mul3A_709 : i32
          %swap3A_711 = arith.index_cast %mul3A_710 : i32 to index
          %swap3A_712 = tpu.vector_load %arg15[%swap3A_711] {strides = array<i32>} : memref<2048xf32, #tpu.memory_space<vmem>>, vector<16xf32>,
          %swap3A_713 = vector.shape_cast %swap3A_712 : vector<16xf32> to vector<16xf32>
          %swap3A_714 = vector.shape_cast %add3A_708 : vector<16xf32> to vector<16xf32>
          tpu.vector_store %arg15[%swap3A_711], %swap3A_714 {strides = array<i32>} : memref<2048xf32, #tpu.memory_space<vmem>>, vector<16xf32>,
          %mul3A_715 = arith.constant 16 : i32
          %mul3A_716 = arith.muli %scan3A_249, %mul3A_715 : i32
          %add3A_717 = arith.constant 7 : i32
          %add3A_718 = arith.addi %mul3A_716, %add3A_717 : i32
          %get3A_719 = arith.index_cast %add3A_718 : i32 to index
          %get3A_720 = arith.constant 0 : index
          %get3A_721 = tpu.vector_load %arg9[%get3A_719, %get3A_720] {strides = array<i32>} : memref<128x128xf32, #tpu.memory_space<vmem>>, vector<1x16xf32>,
          %get3A_722 = vector.shape_cast %get3A_721 : vector<1x16xf32> to vector<16xf32>
          %mul3A_723 = arith.mulf %get3A_722, %get3A_64 : vector<16xf32>
          %get3A_724 = arith.index_cast %add3A_718 : i32 to index
          %get3A_725 = arith.constant 16 : index
          %get3A_726 = tpu.vector_load %arg9[%get3A_724, %get3A_725] {strides = array<i32>} : memref<128x128xf32, #tpu.memory_space<vmem>>, vector<1x16xf32>,
          %get3A_727 = vector.shape_cast %get3A_726 : vector<1x16xf32> to vector<16xf32>
          %mul3A_728 = arith.mulf %get3A_727, %get3A_69 : vector<16xf32>
          %get3A_729 = arith.index_cast %add3A_718 : i32 to index
          %get3A_730 = arith.constant 32 : index
          %get3A_731 = tpu.vector_load %arg9[%get3A_729, %get3A_730] {strides = array<i32>} : memref<128x128xf32, #tpu.memory_space<vmem>>, vector<1x16xf32>,
          %get3A_732 = vector.shape_cast %get3A_731 : vector<1x16xf32> to vector<16xf32>
          %mul3A_733 = arith.mulf %get3A_732, %get3A_74 : vector<16xf32>
          %get3A_734 = arith.index_cast %add3A_718 : i32 to index
          %get3A_735 = arith.constant 48 : index
          %get3A_736 = tpu.vector_load %arg9[%get3A_734, %get3A_735] {strides = array<i32>} : memref<128x128xf32, #tpu.memory_space<vmem>>, vector<1x16xf32>,
          %get3A_737 = vector.shape_cast %get3A_736 : vector<1x16xf32> to vector<16xf32>
          %mul3A_738 = arith.mulf %get3A_737, %get3A_79 : vector<16xf32>
          %get3A_739 = arith.index_cast %add3A_718 : i32 to index
          %get3A_740 = arith.constant 64 : index
          %get3A_741 = tpu.vector_load %arg9[%get3A_739, %get3A_740] {strides = array<i32>} : memref<128x128xf32, #tpu.memory_space<vmem>>, vector<1x16xf32>,
          %get3A_742 = vector.shape_cast %get3A_741 : vector<1x16xf32> to vector<16xf32>
          %mul3A_743 = arith.mulf %get3A_742, %get3A_84 : vector<16xf32>
          %get3A_744 = arith.index_cast %add3A_718 : i32 to index
          %get3A_745 = arith.constant 80 : index
          %get3A_746 = tpu.vector_load %arg9[%get3A_744, %get3A_745] {strides = array<i32>} : memref<128x128xf32, #tpu.memory_space<vmem>>, vector<1x16xf32>,
          %get3A_747 = vector.shape_cast %get3A_746 : vector<1x16xf32> to vector<16xf32>
          %mul3A_748 = arith.mulf %get3A_747, %get3A_89 : vector<16xf32>
          %add3A_749 = arith.addf %mul3A_723, %mul3A_728 : vector<16xf32>
          %add3A_750 = arith.addf %mul3A_733, %mul3A_738 : vector<16xf32>
          %add3A_751 = arith.addf %add3A_749, %add3A_750 : vector<16xf32>
          %add3A_752 = arith.addf %mul3A_743, %mul3A_748 : vector<16xf32>
          %add3A_753 = arith.addf %add3A_751, %add3A_752 : vector<16xf32>
          %mul3A_754 = arith.constant 16 : i32
          %mul3A_755 = arith.muli %add3A_718, %mul3A_754 : i32
          %swap3A_756 = arith.index_cast %mul3A_755 : i32 to index
          %swap3A_757 = tpu.vector_load %arg13[%swap3A_756] {strides = array<i32>} : memref<2048xf32, #tpu.memory_space<vmem>>, vector<16xf32>,
          %swap3A_758 = vector.shape_cast %swap3A_757 : vector<16xf32> to vector<16xf32>
          %swap3A_759 = vector.shape_cast %add3A_753 : vector<16xf32> to vector<16xf32>
          tpu.vector_store %arg13[%swap3A_756], %swap3A_759 {strides = array<i32>} : memref<2048xf32, #tpu.memory_space<vmem>>, vector<16xf32>,
          %get3A_760 = arith.index_cast %add3A_718 : i32 to index
          %get3A_761 = arith.constant 96 : index
          %get3A_762 = tpu.vector_load %arg9[%get3A_760, %get3A_761] {strides = array<i32>} : memref<128x128xf32, #tpu.memory_space<vmem>>, vector<1x16xf32>,
          %get3A_763 = vector.shape_cast %get3A_762 : vector<1x16xf32> to vector<16xf32>
          %add3A_764 = arith.addf %get3A_763, %add3A_170 : vector<16xf32>
          %eq3A_765 = arith.constant 4 : i32
          %eq3A_766 = vector.broadcast %eq3A_765 : i32 to vector<16xi32>
          %eq3A_767 = arith.cmpi eq, %iota3A, %eq3A_766 : vector<16xi32>
          %slice3A_768 = vector.extract_strided_slice %get3A_255 {offsets = [7], sizes = [1], strides = [1]} : vector<16xf32> to vector<1xf32>
          %squeeze3A_769 = vector.extract %slice3A_768[0] : f32 from vector<1xf32>
          %jit3A_770 = arith.constant 0.000000e+00 : f32
          %broadcast_in_dim3A_771 = vector.broadcast %squeeze3A_769 : f32 to vector<16xf32>
          %broadcast_in_dim3A_772 = vector.broadcast %jit3A_770 : f32 to vector<16xf32>
          %select_n3A_773 = arith.select %eq3A_767, %broadcast_in_dim3A_771, %broadcast_in_dim3A_772 : vector<16xi1>, vector<16xf32>
          %add3A_774 = arith.addf %add3A_764, %select_n3A_773 : vector<16xf32>
          %mul3A_775 = arith.constant 16 : i32
          %mul3A_776 = arith.muli %add3A_718, %mul3A_775 : i32
          %swap3A_777 = arith.index_cast %mul3A_776 : i32 to index
          %swap3A_778 = tpu.vector_load %arg15[%swap3A_777] {strides = array<i32>} : memref<2048xf32, #tpu.memory_space<vmem>>, vector<16xf32>,
          %swap3A_779 = vector.shape_cast %swap3A_778 : vector<16xf32> to vector<16xf32>
          %swap3A_780 = vector.shape_cast %add3A_774 : vector<16xf32> to vector<16xf32>
          tpu.vector_store %arg15[%swap3A_777], %swap3A_780 {strides = array<i32>} : memref<2048xf32, #tpu.memory_space<vmem>>, vector<16xf32>,
          %mul3A_781 = arith.constant 16 : i32
          %mul3A_782 = arith.muli %scan3A_249, %mul3A_781 : i32
          %add3A_783 = arith.constant 8 : i32
          %add3A_784 = arith.addi %mul3A_782, %add3A_783 : i32
          %get3A_785 = arith.index_cast %add3A_784 : i32 to index
          %get3A_786 = arith.constant 0 : index
          %get3A_787 = tpu.vector_load %arg9[%get3A_785, %get3A_786] {strides = array<i32>} : memref<128x128xf32, #tpu.memory_space<vmem>>, vector<1x16xf32>,
          %get3A_788 = vector.shape_cast %get3A_787 : vector<1x16xf32> to vector<16xf32>
          %mul3A_789 = arith.mulf %get3A_788, %get3A_64 : vector<16xf32>
          %get3A_790 = arith.index_cast %add3A_784 : i32 to index
          %get3A_791 = arith.constant 16 : index
          %get3A_792 = tpu.vector_load %arg9[%get3A_790, %get3A_791] {strides = array<i32>} : memref<128x128xf32, #tpu.memory_space<vmem>>, vector<1x16xf32>,
          %get3A_793 = vector.shape_cast %get3A_792 : vector<1x16xf32> to vector<16xf32>
          %mul3A_794 = arith.mulf %get3A_793, %get3A_69 : vector<16xf32>
          %get3A_795 = arith.index_cast %add3A_784 : i32 to index
          %get3A_796 = arith.constant 32 : index
          %get3A_797 = tpu.vector_load %arg9[%get3A_795, %get3A_796] {strides = array<i32>} : memref<128x128xf32, #tpu.memory_space<vmem>>, vector<1x16xf32>,
          %get3A_798 = vector.shape_cast %get3A_797 : vector<1x16xf32> to vector<16xf32>
          %mul3A_799 = arith.mulf %get3A_798, %get3A_74 : vector<16xf32>
          %get3A_800 = arith.index_cast %add3A_784 : i32 to index
          %get3A_801 = arith.constant 48 : index
          %get3A_802 = tpu.vector_load %arg9[%get3A_800, %get3A_801] {strides = array<i32>} : memref<128x128xf32, #tpu.memory_space<vmem>>, vector<1x16xf32>,
          %get3A_803 = vector.shape_cast %get3A_802 : vector<1x16xf32> to vector<16xf32>
          %mul3A_804 = arith.mulf %get3A_803, %get3A_79 : vector<16xf32>
          %get3A_805 = arith.index_cast %add3A_784 : i32 to index
          %get3A_806 = arith.constant 64 : index
          %get3A_807 = tpu.vector_load %arg9[%get3A_805, %get3A_806] {strides = array<i32>} : memref<128x128xf32, #tpu.memory_space<vmem>>, vector<1x16xf32>,
          %get3A_808 = vector.shape_cast %get3A_807 : vector<1x16xf32> to vector<16xf32>
          %mul3A_809 = arith.mulf %get3A_808, %get3A_84 : vector<16xf32>
          %get3A_810 = arith.index_cast %add3A_784 : i32 to index
          %get3A_811 = arith.constant 80 : index
          %get3A_812 = tpu.vector_load %arg9[%get3A_810, %get3A_811] {strides = array<i32>} : memref<128x128xf32, #tpu.memory_space<vmem>>, vector<1x16xf32>,
          %get3A_813 = vector.shape_cast %get3A_812 : vector<1x16xf32> to vector<16xf32>
          %mul3A_814 = arith.mulf %get3A_813, %get3A_89 : vector<16xf32>
          %add3A_815 = arith.addf %mul3A_789, %mul3A_794 : vector<16xf32>
          %add3A_816 = arith.addf %mul3A_799, %mul3A_804 : vector<16xf32>
          %add3A_817 = arith.addf %add3A_815, %add3A_816 : vector<16xf32>
          %add3A_818 = arith.addf %mul3A_809, %mul3A_814 : vector<16xf32>
          %add3A_819 = arith.addf %add3A_817, %add3A_818 : vector<16xf32>
          %mul3A_820 = arith.constant 16 : i32
          %mul3A_821 = arith.muli %add3A_784, %mul3A_820 : i32
          %swap3A_822 = arith.index_cast %mul3A_821 : i32 to index
          %swap3A_823 = tpu.vector_load %arg13[%swap3A_822] {strides = array<i32>} : memref<2048xf32, #tpu.memory_space<vmem>>, vector<16xf32>,
          %swap3A_824 = vector.shape_cast %swap3A_823 : vector<16xf32> to vector<16xf32>
          %swap3A_825 = vector.shape_cast %add3A_819 : vector<16xf32> to vector<16xf32>
          tpu.vector_store %arg13[%swap3A_822], %swap3A_825 {strides = array<i32>} : memref<2048xf32, #tpu.memory_space<vmem>>, vector<16xf32>,
          %get3A_826 = arith.index_cast %add3A_784 : i32 to index
          %get3A_827 = arith.constant 96 : index
          %get3A_828 = tpu.vector_load %arg9[%get3A_826, %get3A_827] {strides = array<i32>} : memref<128x128xf32, #tpu.memory_space<vmem>>, vector<1x16xf32>,
          %get3A_829 = vector.shape_cast %get3A_828 : vector<1x16xf32> to vector<16xf32>
          %add3A_830 = arith.addf %get3A_829, %add3A_170 : vector<16xf32>
          %eq3A_831 = arith.constant 4 : i32
          %eq3A_832 = vector.broadcast %eq3A_831 : i32 to vector<16xi32>
          %eq3A_833 = arith.cmpi eq, %iota3A, %eq3A_832 : vector<16xi32>
          %slice3A_834 = vector.extract_strided_slice %get3A_255 {offsets = [8], sizes = [1], strides = [1]} : vector<16xf32> to vector<1xf32>
          %squeeze3A_835 = vector.extract %slice3A_834[0] : f32 from vector<1xf32>
          %jit3A_836 = arith.constant 0.000000e+00 : f32
          %broadcast_in_dim3A_837 = vector.broadcast %squeeze3A_835 : f32 to vector<16xf32>
          %broadcast_in_dim3A_838 = vector.broadcast %jit3A_836 : f32 to vector<16xf32>
          %select_n3A_839 = arith.select %eq3A_833, %broadcast_in_dim3A_837, %broadcast_in_dim3A_838 : vector<16xi1>, vector<16xf32>
          %add3A_840 = arith.addf %add3A_830, %select_n3A_839 : vector<16xf32>
          %mul3A_841 = arith.constant 16 : i32
          %mul3A_842 = arith.muli %add3A_784, %mul3A_841 : i32
          %swap3A_843 = arith.index_cast %mul3A_842 : i32 to index
          %swap3A_844 = tpu.vector_load %arg15[%swap3A_843] {strides = array<i32>} : memref<2048xf32, #tpu.memory_space<vmem>>, vector<16xf32>,
          %swap3A_845 = vector.shape_cast %swap3A_844 : vector<16xf32> to vector<16xf32>
          %swap3A_846 = vector.shape_cast %add3A_840 : vector<16xf32> to vector<16xf32>
          tpu.vector_store %arg15[%swap3A_843], %swap3A_846 {strides = array<i32>} : memref<2048xf32, #tpu.memory_space<vmem>>, vector<16xf32>,
          %mul3A_847 = arith.constant 16 : i32
          %mul3A_848 = arith.muli %scan3A_249, %mul3A_847 : i32
          %add3A_849 = arith.constant 9 : i32
          %add3A_850 = arith.addi %mul3A_848, %add3A_849 : i32
          %get3A_851 = arith.index_cast %add3A_850 : i32 to index
          %get3A_852 = arith.constant 0 : index
          %get3A_853 = tpu.vector_load %arg9[%get3A_851, %get3A_852] {strides = array<i32>} : memref<128x128xf32, #tpu.memory_space<vmem>>, vector<1x16xf32>,
          %get3A_854 = vector.shape_cast %get3A_853 : vector<1x16xf32> to vector<16xf32>
          %mul3A_855 = arith.mulf %get3A_854, %get3A_64 : vector<16xf32>
          %get3A_856 = arith.index_cast %add3A_850 : i32 to index
          %get3A_857 = arith.constant 16 : index
          %get3A_858 = tpu.vector_load %arg9[%get3A_856, %get3A_857] {strides = array<i32>} : memref<128x128xf32, #tpu.memory_space<vmem>>, vector<1x16xf32>,
          %get3A_859 = vector.shape_cast %get3A_858 : vector<1x16xf32> to vector<16xf32>
          %mul3A_860 = arith.mulf %get3A_859, %get3A_69 : vector<16xf32>
          %get3A_861 = arith.index_cast %add3A_850 : i32 to index
          %get3A_862 = arith.constant 32 : index
          %get3A_863 = tpu.vector_load %arg9[%get3A_861, %get3A_862] {strides = array<i32>} : memref<128x128xf32, #tpu.memory_space<vmem>>, vector<1x16xf32>,
          %get3A_864 = vector.shape_cast %get3A_863 : vector<1x16xf32> to vector<16xf32>
          %mul3A_865 = arith.mulf %get3A_864, %get3A_74 : vector<16xf32>
          %get3A_866 = arith.index_cast %add3A_850 : i32 to index
          %get3A_867 = arith.constant 48 : index
          %get3A_868 = tpu.vector_load %arg9[%get3A_866, %get3A_867] {strides = array<i32>} : memref<128x128xf32, #tpu.memory_space<vmem>>, vector<1x16xf32>,
          %get3A_869 = vector.shape_cast %get3A_868 : vector<1x16xf32> to vector<16xf32>
          %mul3A_870 = arith.mulf %get3A_869, %get3A_79 : vector<16xf32>
          %get3A_871 = arith.index_cast %add3A_850 : i32 to index
          %get3A_872 = arith.constant 64 : index
          %get3A_873 = tpu.vector_load %arg9[%get3A_871, %get3A_872] {strides = array<i32>} : memref<128x128xf32, #tpu.memory_space<vmem>>, vector<1x16xf32>,
          %get3A_874 = vector.shape_cast %get3A_873 : vector<1x16xf32> to vector<16xf32>
          %mul3A_875 = arith.mulf %get3A_874, %get3A_84 : vector<16xf32>
          %get3A_876 = arith.index_cast %add3A_850 : i32 to index
          %get3A_877 = arith.constant 80 : index
          %get3A_878 = tpu.vector_load %arg9[%get3A_876, %get3A_877] {strides = array<i32>} : memref<128x128xf32, #tpu.memory_space<vmem>>, vector<1x16xf32>,
          %get3A_879 = vector.shape_cast %get3A_878 : vector<1x16xf32> to vector<16xf32>
          %mul3A_880 = arith.mulf %get3A_879, %get3A_89 : vector<16xf32>
          %add3A_881 = arith.addf %mul3A_855, %mul3A_860 : vector<16xf32>
          %add3A_882 = arith.addf %mul3A_865, %mul3A_870 : vector<16xf32>
          %add3A_883 = arith.addf %add3A_881, %add3A_882 : vector<16xf32>
          %add3A_884 = arith.addf %mul3A_875, %mul3A_880 : vector<16xf32>
          %add3A_885 = arith.addf %add3A_883, %add3A_884 : vector<16xf32>
          %mul3A_886 = arith.constant 16 : i32
          %mul3A_887 = arith.muli %add3A_850, %mul3A_886 : i32
          %swap3A_888 = arith.index_cast %mul3A_887 : i32 to index
          %swap3A_889 = tpu.vector_load %arg13[%swap3A_888] {strides = array<i32>} : memref<2048xf32, #tpu.memory_space<vmem>>, vector<16xf32>,
          %swap3A_890 = vector.shape_cast %swap3A_889 : vector<16xf32> to vector<16xf32>
          %swap3A_891 = vector.shape_cast %add3A_885 : vector<16xf32> to vector<16xf32>
          tpu.vector_store %arg13[%swap3A_888], %swap3A_891 {strides = array<i32>} : memref<2048xf32, #tpu.memory_space<vmem>>, vector<16xf32>,
          %get3A_892 = arith.index_cast %add3A_850 : i32 to index
          %get3A_893 = arith.constant 96 : index
          %get3A_894 = tpu.vector_load %arg9[%get3A_892, %get3A_893] {strides = array<i32>} : memref<128x128xf32, #tpu.memory_space<vmem>>, vector<1x16xf32>,
          %get3A_895 = vector.shape_cast %get3A_894 : vector<1x16xf32> to vector<16xf32>
          %add3A_896 = arith.addf %get3A_895, %add3A_170 : vector<16xf32>
          %eq3A_897 = arith.constant 4 : i32
          %eq3A_898 = vector.broadcast %eq3A_897 : i32 to vector<16xi32>
          %eq3A_899 = arith.cmpi eq, %iota3A, %eq3A_898 : vector<16xi32>
          %slice3A_900 = vector.extract_strided_slice %get3A_255 {offsets = [9], sizes = [1], strides = [1]} : vector<16xf32> to vector<1xf32>
          %squeeze3A_901 = vector.extract %slice3A_900[0] : f32 from vector<1xf32>
          %jit3A_902 = arith.constant 0.000000e+00 : f32
          %broadcast_in_dim3A_903 = vector.broadcast %squeeze3A_901 : f32 to vector<16xf32>
          %broadcast_in_dim3A_904 = vector.broadcast %jit3A_902 : f32 to vector<16xf32>
          %select_n3A_905 = arith.select %eq3A_899, %broadcast_in_dim3A_903, %broadcast_in_dim3A_904 : vector<16xi1>, vector<16xf32>
          %add3A_906 = arith.addf %add3A_896, %select_n3A_905 : vector<16xf32>
          %mul3A_907 = arith.constant 16 : i32
          %mul3A_908 = arith.muli %add3A_850, %mul3A_907 : i32
          %swap3A_909 = arith.index_cast %mul3A_908 : i32 to index
          %swap3A_910 = tpu.vector_load %arg15[%swap3A_909] {strides = array<i32>} : memref<2048xf32, #tpu.memory_space<vmem>>, vector<16xf32>,
          %swap3A_911 = vector.shape_cast %swap3A_910 : vector<16xf32> to vector<16xf32>
          %swap3A_912 = vector.shape_cast %add3A_906 : vector<16xf32> to vector<16xf32>
          tpu.vector_store %arg15[%swap3A_909], %swap3A_912 {strides = array<i32>} : memref<2048xf32, #tpu.memory_space<vmem>>, vector<16xf32>,
          %mul3A_913 = arith.constant 16 : i32
          %mul3A_914 = arith.muli %scan3A_249, %mul3A_913 : i32
          %add3A_915 = arith.constant 10 : i32
          %add3A_916 = arith.addi %mul3A_914, %add3A_915 : i32
          %get3A_917 = arith.index_cast %add3A_916 : i32 to index
          %get3A_918 = arith.constant 0 : index
          %get3A_919 = tpu.vector_load %arg9[%get3A_917, %get3A_918] {strides = array<i32>} : memref<128x128xf32, #tpu.memory_space<vmem>>, vector<1x16xf32>,
          %get3A_920 = vector.shape_cast %get3A_919 : vector<1x16xf32> to vector<16xf32>
          %mul3A_921 = arith.mulf %get3A_920, %get3A_64 : vector<16xf32>
          %get3A_922 = arith.index_cast %add3A_916 : i32 to index
          %get3A_923 = arith.constant 16 : index
          %get3A_924 = tpu.vector_load %arg9[%get3A_922, %get3A_923] {strides = array<i32>} : memref<128x128xf32, #tpu.memory_space<vmem>>, vector<1x16xf32>,
          %get3A_925 = vector.shape_cast %get3A_924 : vector<1x16xf32> to vector<16xf32>
          %mul3A_926 = arith.mulf %get3A_925, %get3A_69 : vector<16xf32>
          %get3A_927 = arith.index_cast %add3A_916 : i32 to index
          %get3A_928 = arith.constant 32 : index
          %get3A_929 = tpu.vector_load %arg9[%get3A_927, %get3A_928] {strides = array<i32>} : memref<128x128xf32, #tpu.memory_space<vmem>>, vector<1x16xf32>,
          %get3A_930 = vector.shape_cast %get3A_929 : vector<1x16xf32> to vector<16xf32>
          %mul3A_931 = arith.mulf %get3A_930, %get3A_74 : vector<16xf32>
          %get3A_932 = arith.index_cast %add3A_916 : i32 to index
          %get3A_933 = arith.constant 48 : index
          %get3A_934 = tpu.vector_load %arg9[%get3A_932, %get3A_933] {strides = array<i32>} : memref<128x128xf32, #tpu.memory_space<vmem>>, vector<1x16xf32>,
          %get3A_935 = vector.shape_cast %get3A_934 : vector<1x16xf32> to vector<16xf32>
          %mul3A_936 = arith.mulf %get3A_935, %get3A_79 : vector<16xf32>
          %get3A_937 = arith.index_cast %add3A_916 : i32 to index
          %get3A_938 = arith.constant 64 : index
          %get3A_939 = tpu.vector_load %arg9[%get3A_937, %get3A_938] {strides = array<i32>} : memref<128x128xf32, #tpu.memory_space<vmem>>, vector<1x16xf32>,
          %get3A_940 = vector.shape_cast %get3A_939 : vector<1x16xf32> to vector<16xf32>
          %mul3A_941 = arith.mulf %get3A_940, %get3A_84 : vector<16xf32>
          %get3A_942 = arith.index_cast %add3A_916 : i32 to index
          %get3A_943 = arith.constant 80 : index
          %get3A_944 = tpu.vector_load %arg9[%get3A_942, %get3A_943] {strides = array<i32>} : memref<128x128xf32, #tpu.memory_space<vmem>>, vector<1x16xf32>,
          %get3A_945 = vector.shape_cast %get3A_944 : vector<1x16xf32> to vector<16xf32>
          %mul3A_946 = arith.mulf %get3A_945, %get3A_89 : vector<16xf32>
          %add3A_947 = arith.addf %mul3A_921, %mul3A_926 : vector<16xf32>
          %add3A_948 = arith.addf %mul3A_931, %mul3A_936 : vector<16xf32>
          %add3A_949 = arith.addf %add3A_947, %add3A_948 : vector<16xf32>
          %add3A_950 = arith.addf %mul3A_941, %mul3A_946 : vector<16xf32>
          %add3A_951 = arith.addf %add3A_949, %add3A_950 : vector<16xf32>
          %mul3A_952 = arith.constant 16 : i32
          %mul3A_953 = arith.muli %add3A_916, %mul3A_952 : i32
          %swap3A_954 = arith.index_cast %mul3A_953 : i32 to index
          %swap3A_955 = tpu.vector_load %arg13[%swap3A_954] {strides = array<i32>} : memref<2048xf32, #tpu.memory_space<vmem>>, vector<16xf32>,
          %swap3A_956 = vector.shape_cast %swap3A_955 : vector<16xf32> to vector<16xf32>
          %swap3A_957 = vector.shape_cast %add3A_951 : vector<16xf32> to vector<16xf32>
          tpu.vector_store %arg13[%swap3A_954], %swap3A_957 {strides = array<i32>} : memref<2048xf32, #tpu.memory_space<vmem>>, vector<16xf32>,
          %get3A_958 = arith.index_cast %add3A_916 : i32 to index
          %get3A_959 = arith.constant 96 : index
          %get3A_960 = tpu.vector_load %arg9[%get3A_958, %get3A_959] {strides = array<i32>} : memref<128x128xf32, #tpu.memory_space<vmem>>, vector<1x16xf32>,
          %get3A_961 = vector.shape_cast %get3A_960 : vector<1x16xf32> to vector<16xf32>
          %add3A_962 = arith.addf %get3A_961, %add3A_170 : vector<16xf32>
          %eq3A_963 = arith.constant 4 : i32
          %eq3A_964 = vector.broadcast %eq3A_963 : i32 to vector<16xi32>
          %eq3A_965 = arith.cmpi eq, %iota3A, %eq3A_964 : vector<16xi32>
          %slice3A_966 = vector.extract_strided_slice %get3A_255 {offsets = [10], sizes = [1], strides = [1]} : vector<16xf32> to vector<1xf32>
          %squeeze3A_967 = vector.extract %slice3A_966[0] : f32 from vector<1xf32>
          %jit3A_968 = arith.constant 0.000000e+00 : f32
          %broadcast_in_dim3A_969 = vector.broadcast %squeeze3A_967 : f32 to vector<16xf32>
          %broadcast_in_dim3A_970 = vector.broadcast %jit3A_968 : f32 to vector<16xf32>
          %select_n3A_971 = arith.select %eq3A_965, %broadcast_in_dim3A_969, %broadcast_in_dim3A_970 : vector<16xi1>, vector<16xf32>
          %add3A_972 = arith.addf %add3A_962, %select_n3A_971 : vector<16xf32>
          %mul3A_973 = arith.constant 16 : i32
          %mul3A_974 = arith.muli %add3A_916, %mul3A_973 : i32
          %swap3A_975 = arith.index_cast %mul3A_974 : i32 to index
          %swap3A_976 = tpu.vector_load %arg15[%swap3A_975] {strides = array<i32>} : memref<2048xf32, #tpu.memory_space<vmem>>, vector<16xf32>,
          %swap3A_977 = vector.shape_cast %swap3A_976 : vector<16xf32> to vector<16xf32>
          %swap3A_978 = vector.shape_cast %add3A_972 : vector<16xf32> to vector<16xf32>
          tpu.vector_store %arg15[%swap3A_975], %swap3A_978 {strides = array<i32>} : memref<2048xf32, #tpu.memory_space<vmem>>, vector<16xf32>,
          %mul3A_979 = arith.constant 16 : i32
          %mul3A_980 = arith.muli %scan3A_249, %mul3A_979 : i32
          %add3A_981 = arith.constant 11 : i32
          %add3A_982 = arith.addi %mul3A_980, %add3A_981 : i32
          %get3A_983 = arith.index_cast %add3A_982 : i32 to index
          %get3A_984 = arith.constant 0 : index
          %get3A_985 = tpu.vector_load %arg9[%get3A_983, %get3A_984] {strides = array<i32>} : memref<128x128xf32, #tpu.memory_space<vmem>>, vector<1x16xf32>,
          %get3A_986 = vector.shape_cast %get3A_985 : vector<1x16xf32> to vector<16xf32>
          %mul3A_987 = arith.mulf %get3A_986, %get3A_64 : vector<16xf32>
          %get3A_988 = arith.index_cast %add3A_982 : i32 to index
          %get3A_989 = arith.constant 16 : index
          %get3A_990 = tpu.vector_load %arg9[%get3A_988, %get3A_989] {strides = array<i32>} : memref<128x128xf32, #tpu.memory_space<vmem>>, vector<1x16xf32>,
          %get3A_991 = vector.shape_cast %get3A_990 : vector<1x16xf32> to vector<16xf32>
          %mul3A_992 = arith.mulf %get3A_991, %get3A_69 : vector<16xf32>
          %get3A_993 = arith.index_cast %add3A_982 : i32 to index
          %get3A_994 = arith.constant 32 : index
          %get3A_995 = tpu.vector_load %arg9[%get3A_993, %get3A_994] {strides = array<i32>} : memref<128x128xf32, #tpu.memory_space<vmem>>, vector<1x16xf32>,
          %get3A_996 = vector.shape_cast %get3A_995 : vector<1x16xf32> to vector<16xf32>
          %mul3A_997 = arith.mulf %get3A_996, %get3A_74 : vector<16xf32>
          %get3A_998 = arith.index_cast %add3A_982 : i32 to index
          %get3A_999 = arith.constant 48 : index
          %get3A_1000 = tpu.vector_load %arg9[%get3A_998, %get3A_999] {strides = array<i32>} : memref<128x128xf32, #tpu.memory_space<vmem>>, vector<1x16xf32>,
          %get3A_1001 = vector.shape_cast %get3A_1000 : vector<1x16xf32> to vector<16xf32>
          %mul3A_1002 = arith.mulf %get3A_1001, %get3A_79 : vector<16xf32>
          %get3A_1003 = arith.index_cast %add3A_982 : i32 to index
          %get3A_1004 = arith.constant 64 : index
          %get3A_1005 = tpu.vector_load %arg9[%get3A_1003, %get3A_1004] {strides = array<i32>} : memref<128x128xf32, #tpu.memory_space<vmem>>, vector<1x16xf32>,
          %get3A_1006 = vector.shape_cast %get3A_1005 : vector<1x16xf32> to vector<16xf32>
          %mul3A_1007 = arith.mulf %get3A_1006, %get3A_84 : vector<16xf32>
          %get3A_1008 = arith.index_cast %add3A_982 : i32 to index
          %get3A_1009 = arith.constant 80 : index
          %get3A_1010 = tpu.vector_load %arg9[%get3A_1008, %get3A_1009] {strides = array<i32>} : memref<128x128xf32, #tpu.memory_space<vmem>>, vector<1x16xf32>,
          %get3A_1011 = vector.shape_cast %get3A_1010 : vector<1x16xf32> to vector<16xf32>
          %mul3A_1012 = arith.mulf %get3A_1011, %get3A_89 : vector<16xf32>
          %add3A_1013 = arith.addf %mul3A_987, %mul3A_992 : vector<16xf32>
          %add3A_1014 = arith.addf %mul3A_997, %mul3A_1002 : vector<16xf32>
          %add3A_1015 = arith.addf %add3A_1013, %add3A_1014 : vector<16xf32>
          %add3A_1016 = arith.addf %mul3A_1007, %mul3A_1012 : vector<16xf32>
          %add3A_1017 = arith.addf %add3A_1015, %add3A_1016 : vector<16xf32>
          %mul3A_1018 = arith.constant 16 : i32
          %mul3A_1019 = arith.muli %add3A_982, %mul3A_1018 : i32
          %swap3A_1020 = arith.index_cast %mul3A_1019 : i32 to index
          %swap3A_1021 = tpu.vector_load %arg13[%swap3A_1020] {strides = array<i32>} : memref<2048xf32, #tpu.memory_space<vmem>>, vector<16xf32>,
          %swap3A_1022 = vector.shape_cast %swap3A_1021 : vector<16xf32> to vector<16xf32>
          %swap3A_1023 = vector.shape_cast %add3A_1017 : vector<16xf32> to vector<16xf32>
          tpu.vector_store %arg13[%swap3A_1020], %swap3A_1023 {strides = array<i32>} : memref<2048xf32, #tpu.memory_space<vmem>>, vector<16xf32>,
          %get3A_1024 = arith.index_cast %add3A_982 : i32 to index
          %get3A_1025 = arith.constant 96 : index
          %get3A_1026 = tpu.vector_load %arg9[%get3A_1024, %get3A_1025] {strides = array<i32>} : memref<128x128xf32, #tpu.memory_space<vmem>>, vector<1x16xf32>,
          %get3A_1027 = vector.shape_cast %get3A_1026 : vector<1x16xf32> to vector<16xf32>
          %add3A_1028 = arith.addf %get3A_1027, %add3A_170 : vector<16xf32>
          %eq3A_1029 = arith.constant 4 : i32
          %eq3A_1030 = vector.broadcast %eq3A_1029 : i32 to vector<16xi32>
          %eq3A_1031 = arith.cmpi eq, %iota3A, %eq3A_1030 : vector<16xi32>
          %slice3A_1032 = vector.extract_strided_slice %get3A_255 {offsets = [11], sizes = [1], strides = [1]} : vector<16xf32> to vector<1xf32>
          %squeeze3A_1033 = vector.extract %slice3A_1032[0] : f32 from vector<1xf32>
          %jit3A_1034 = arith.constant 0.000000e+00 : f32
          %broadcast_in_dim3A_1035 = vector.broadcast %squeeze3A_1033 : f32 to vector<16xf32>
          %broadcast_in_dim3A_1036 = vector.broadcast %jit3A_1034 : f32 to vector<16xf32>
          %select_n3A_1037 = arith.select %eq3A_1031, %broadcast_in_dim3A_1035, %broadcast_in_dim3A_1036 : vector<16xi1>, vector<16xf32>
          %add3A_1038 = arith.addf %add3A_1028, %select_n3A_1037 : vector<16xf32>
          %mul3A_1039 = arith.constant 16 : i32
          %mul3A_1040 = arith.muli %add3A_982, %mul3A_1039 : i32
          %swap3A_1041 = arith.index_cast %mul3A_1040 : i32 to index
          %swap3A_1042 = tpu.vector_load %arg15[%swap3A_1041] {strides = array<i32>} : memref<2048xf32, #tpu.memory_space<vmem>>, vector<16xf32>,
          %swap3A_1043 = vector.shape_cast %swap3A_1042 : vector<16xf32> to vector<16xf32>
          %swap3A_1044 = vector.shape_cast %add3A_1038 : vector<16xf32> to vector<16xf32>
          tpu.vector_store %arg15[%swap3A_1041], %swap3A_1044 {strides = array<i32>} : memref<2048xf32, #tpu.memory_space<vmem>>, vector<16xf32>,
          %mul3A_1045 = arith.constant 16 : i32
          %mul3A_1046 = arith.muli %scan3A_249, %mul3A_1045 : i32
          %add3A_1047 = arith.constant 12 : i32
          %add3A_1048 = arith.addi %mul3A_1046, %add3A_1047 : i32
          %get3A_1049 = arith.index_cast %add3A_1048 : i32 to index
          %get3A_1050 = arith.constant 0 : index
          %get3A_1051 = tpu.vector_load %arg9[%get3A_1049, %get3A_1050] {strides = array<i32>} : memref<128x128xf32, #tpu.memory_space<vmem>>, vector<1x16xf32>,
          %get3A_1052 = vector.shape_cast %get3A_1051 : vector<1x16xf32> to vector<16xf32>
          %mul3A_1053 = arith.mulf %get3A_1052, %get3A_64 : vector<16xf32>
          %get3A_1054 = arith.index_cast %add3A_1048 : i32 to index
          %get3A_1055 = arith.constant 16 : index
          %get3A_1056 = tpu.vector_load %arg9[%get3A_1054, %get3A_1055] {strides = array<i32>} : memref<128x128xf32, #tpu.memory_space<vmem>>, vector<1x16xf32>,
          %get3A_1057 = vector.shape_cast %get3A_1056 : vector<1x16xf32> to vector<16xf32>
          %mul3A_1058 = arith.mulf %get3A_1057, %get3A_69 : vector<16xf32>
          %get3A_1059 = arith.index_cast %add3A_1048 : i32 to index
          %get3A_1060 = arith.constant 32 : index
          %get3A_1061 = tpu.vector_load %arg9[%get3A_1059, %get3A_1060] {strides = array<i32>} : memref<128x128xf32, #tpu.memory_space<vmem>>, vector<1x16xf32>,
          %get3A_1062 = vector.shape_cast %get3A_1061 : vector<1x16xf32> to vector<16xf32>
          %mul3A_1063 = arith.mulf %get3A_1062, %get3A_74 : vector<16xf32>
          %get3A_1064 = arith.index_cast %add3A_1048 : i32 to index
          %get3A_1065 = arith.constant 48 : index
          %get3A_1066 = tpu.vector_load %arg9[%get3A_1064, %get3A_1065] {strides = array<i32>} : memref<128x128xf32, #tpu.memory_space<vmem>>, vector<1x16xf32>,
          %get3A_1067 = vector.shape_cast %get3A_1066 : vector<1x16xf32> to vector<16xf32>
          %mul3A_1068 = arith.mulf %get3A_1067, %get3A_79 : vector<16xf32>
          %get3A_1069 = arith.index_cast %add3A_1048 : i32 to index
          %get3A_1070 = arith.constant 64 : index
          %get3A_1071 = tpu.vector_load %arg9[%get3A_1069, %get3A_1070] {strides = array<i32>} : memref<128x128xf32, #tpu.memory_space<vmem>>, vector<1x16xf32>,
          %get3A_1072 = vector.shape_cast %get3A_1071 : vector<1x16xf32> to vector<16xf32>
          %mul3A_1073 = arith.mulf %get3A_1072, %get3A_84 : vector<16xf32>
          %get3A_1074 = arith.index_cast %add3A_1048 : i32 to index
          %get3A_1075 = arith.constant 80 : index
          %get3A_1076 = tpu.vector_load %arg9[%get3A_1074, %get3A_1075] {strides = array<i32>} : memref<128x128xf32, #tpu.memory_space<vmem>>, vector<1x16xf32>,
          %get3A_1077 = vector.shape_cast %get3A_1076 : vector<1x16xf32> to vector<16xf32>
          %mul3A_1078 = arith.mulf %get3A_1077, %get3A_89 : vector<16xf32>
          %add3A_1079 = arith.addf %mul3A_1053, %mul3A_1058 : vector<16xf32>
          %add3A_1080 = arith.addf %mul3A_1063, %mul3A_1068 : vector<16xf32>
          %add3A_1081 = arith.addf %add3A_1079, %add3A_1080 : vector<16xf32>
          %add3A_1082 = arith.addf %mul3A_1073, %mul3A_1078 : vector<16xf32>
          %add3A_1083 = arith.addf %add3A_1081, %add3A_1082 : vector<16xf32>
          %mul3A_1084 = arith.constant 16 : i32
          %mul3A_1085 = arith.muli %add3A_1048, %mul3A_1084 : i32
          %swap3A_1086 = arith.index_cast %mul3A_1085 : i32 to index
          %swap3A_1087 = tpu.vector_load %arg13[%swap3A_1086] {strides = array<i32>} : memref<2048xf32, #tpu.memory_space<vmem>>, vector<16xf32>,
          %swap3A_1088 = vector.shape_cast %swap3A_1087 : vector<16xf32> to vector<16xf32>
          %swap3A_1089 = vector.shape_cast %add3A_1083 : vector<16xf32> to vector<16xf32>
          tpu.vector_store %arg13[%swap3A_1086], %swap3A_1089 {strides = array<i32>} : memref<2048xf32, #tpu.memory_space<vmem>>, vector<16xf32>,
          %get3A_1090 = arith.index_cast %add3A_1048 : i32 to index
          %get3A_1091 = arith.constant 96 : index
          %get3A_1092 = tpu.vector_load %arg9[%get3A_1090, %get3A_1091] {strides = array<i32>} : memref<128x128xf32, #tpu.memory_space<vmem>>, vector<1x16xf32>,
          %get3A_1093 = vector.shape_cast %get3A_1092 : vector<1x16xf32> to vector<16xf32>
          %add3A_1094 = arith.addf %get3A_1093, %add3A_170 : vector<16xf32>
          %eq3A_1095 = arith.constant 4 : i32
          %eq3A_1096 = vector.broadcast %eq3A_1095 : i32 to vector<16xi32>
          %eq3A_1097 = arith.cmpi eq, %iota3A, %eq3A_1096 : vector<16xi32>
          %slice3A_1098 = vector.extract_strided_slice %get3A_255 {offsets = [12], sizes = [1], strides = [1]} : vector<16xf32> to vector<1xf32>
          %squeeze3A_1099 = vector.extract %slice3A_1098[0] : f32 from vector<1xf32>
          %jit3A_1100 = arith.constant 0.000000e+00 : f32
          %broadcast_in_dim3A_1101 = vector.broadcast %squeeze3A_1099 : f32 to vector<16xf32>
          %broadcast_in_dim3A_1102 = vector.broadcast %jit3A_1100 : f32 to vector<16xf32>
          %select_n3A_1103 = arith.select %eq3A_1097, %broadcast_in_dim3A_1101, %broadcast_in_dim3A_1102 : vector<16xi1>, vector<16xf32>
          %add3A_1104 = arith.addf %add3A_1094, %select_n3A_1103 : vector<16xf32>
          %mul3A_1105 = arith.constant 16 : i32
          %mul3A_1106 = arith.muli %add3A_1048, %mul3A_1105 : i32
          %swap3A_1107 = arith.index_cast %mul3A_1106 : i32 to index
          %swap3A_1108 = tpu.vector_load %arg15[%swap3A_1107] {strides = array<i32>} : memref<2048xf32, #tpu.memory_space<vmem>>, vector<16xf32>,
          %swap3A_1109 = vector.shape_cast %swap3A_1108 : vector<16xf32> to vector<16xf32>
          %swap3A_1110 = vector.shape_cast %add3A_1104 : vector<16xf32> to vector<16xf32>
          tpu.vector_store %arg15[%swap3A_1107], %swap3A_1110 {strides = array<i32>} : memref<2048xf32, #tpu.memory_space<vmem>>, vector<16xf32>,
          %mul3A_1111 = arith.constant 16 : i32
          %mul3A_1112 = arith.muli %scan3A_249, %mul3A_1111 : i32
          %add3A_1113 = arith.constant 13 : i32
          %add3A_1114 = arith.addi %mul3A_1112, %add3A_1113 : i32
          %get3A_1115 = arith.index_cast %add3A_1114 : i32 to index
          %get3A_1116 = arith.constant 0 : index
          %get3A_1117 = tpu.vector_load %arg9[%get3A_1115, %get3A_1116] {strides = array<i32>} : memref<128x128xf32, #tpu.memory_space<vmem>>, vector<1x16xf32>,
          %get3A_1118 = vector.shape_cast %get3A_1117 : vector<1x16xf32> to vector<16xf32>
          %mul3A_1119 = arith.mulf %get3A_1118, %get3A_64 : vector<16xf32>
          %get3A_1120 = arith.index_cast %add3A_1114 : i32 to index
          %get3A_1121 = arith.constant 16 : index
          %get3A_1122 = tpu.vector_load %arg9[%get3A_1120, %get3A_1121] {strides = array<i32>} : memref<128x128xf32, #tpu.memory_space<vmem>>, vector<1x16xf32>,
          %get3A_1123 = vector.shape_cast %get3A_1122 : vector<1x16xf32> to vector<16xf32>
          %mul3A_1124 = arith.mulf %get3A_1123, %get3A_69 : vector<16xf32>
          %get3A_1125 = arith.index_cast %add3A_1114 : i32 to index
          %get3A_1126 = arith.constant 32 : index
          %get3A_1127 = tpu.vector_load %arg9[%get3A_1125, %get3A_1126] {strides = array<i32>} : memref<128x128xf32, #tpu.memory_space<vmem>>, vector<1x16xf32>,
          %get3A_1128 = vector.shape_cast %get3A_1127 : vector<1x16xf32> to vector<16xf32>
          %mul3A_1129 = arith.mulf %get3A_1128, %get3A_74 : vector<16xf32>
          %get3A_1130 = arith.index_cast %add3A_1114 : i32 to index
          %get3A_1131 = arith.constant 48 : index
          %get3A_1132 = tpu.vector_load %arg9[%get3A_1130, %get3A_1131] {strides = array<i32>} : memref<128x128xf32, #tpu.memory_space<vmem>>, vector<1x16xf32>,
          %get3A_1133 = vector.shape_cast %get3A_1132 : vector<1x16xf32> to vector<16xf32>
          %mul3A_1134 = arith.mulf %get3A_1133, %get3A_79 : vector<16xf32>
          %get3A_1135 = arith.index_cast %add3A_1114 : i32 to index
          %get3A_1136 = arith.constant 64 : index
          %get3A_1137 = tpu.vector_load %arg9[%get3A_1135, %get3A_1136] {strides = array<i32>} : memref<128x128xf32, #tpu.memory_space<vmem>>, vector<1x16xf32>,
          %get3A_1138 = vector.shape_cast %get3A_1137 : vector<1x16xf32> to vector<16xf32>
          %mul3A_1139 = arith.mulf %get3A_1138, %get3A_84 : vector<16xf32>
          %get3A_1140 = arith.index_cast %add3A_1114 : i32 to index
          %get3A_1141 = arith.constant 80 : index
          %get3A_1142 = tpu.vector_load %arg9[%get3A_1140, %get3A_1141] {strides = array<i32>} : memref<128x128xf32, #tpu.memory_space<vmem>>, vector<1x16xf32>,
          %get3A_1143 = vector.shape_cast %get3A_1142 : vector<1x16xf32> to vector<16xf32>
          %mul3A_1144 = arith.mulf %get3A_1143, %get3A_89 : vector<16xf32>
          %add3A_1145 = arith.addf %mul3A_1119, %mul3A_1124 : vector<16xf32>
          %add3A_1146 = arith.addf %mul3A_1129, %mul3A_1134 : vector<16xf32>
          %add3A_1147 = arith.addf %add3A_1145, %add3A_1146 : vector<16xf32>
          %add3A_1148 = arith.addf %mul3A_1139, %mul3A_1144 : vector<16xf32>
          %add3A_1149 = arith.addf %add3A_1147, %add3A_1148 : vector<16xf32>
          %mul3A_1150 = arith.constant 16 : i32
          %mul3A_1151 = arith.muli %add3A_1114, %mul3A_1150 : i32
          %swap3A_1152 = arith.index_cast %mul3A_1151 : i32 to index
          %swap3A_1153 = tpu.vector_load %arg13[%swap3A_1152] {strides = array<i32>} : memref<2048xf32, #tpu.memory_space<vmem>>, vector<16xf32>,
          %swap3A_1154 = vector.shape_cast %swap3A_1153 : vector<16xf32> to vector<16xf32>
          %swap3A_1155 = vector.shape_cast %add3A_1149 : vector<16xf32> to vector<16xf32>
          tpu.vector_store %arg13[%swap3A_1152], %swap3A_1155 {strides = array<i32>} : memref<2048xf32, #tpu.memory_space<vmem>>, vector<16xf32>,
          %get3A_1156 = arith.index_cast %add3A_1114 : i32 to index
          %get3A_1157 = arith.constant 96 : index
          %get3A_1158 = tpu.vector_load %arg9[%get3A_1156, %get3A_1157] {strides = array<i32>} : memref<128x128xf32, #tpu.memory_space<vmem>>, vector<1x16xf32>,
          %get3A_1159 = vector.shape_cast %get3A_1158 : vector<1x16xf32> to vector<16xf32>
          %add3A_1160 = arith.addf %get3A_1159, %add3A_170 : vector<16xf32>
          %eq3A_1161 = arith.constant 4 : i32
          %eq3A_1162 = vector.broadcast %eq3A_1161 : i32 to vector<16xi32>
          %eq3A_1163 = arith.cmpi eq, %iota3A, %eq3A_1162 : vector<16xi32>
          %slice3A_1164 = vector.extract_strided_slice %get3A_255 {offsets = [13], sizes = [1], strides = [1]} : vector<16xf32> to vector<1xf32>
          %squeeze3A_1165 = vector.extract %slice3A_1164[0] : f32 from vector<1xf32>
          %jit3A_1166 = arith.constant 0.000000e+00 : f32
          %broadcast_in_dim3A_1167 = vector.broadcast %squeeze3A_1165 : f32 to vector<16xf32>
          %broadcast_in_dim3A_1168 = vector.broadcast %jit3A_1166 : f32 to vector<16xf32>
          %select_n3A_1169 = arith.select %eq3A_1163, %broadcast_in_dim3A_1167, %broadcast_in_dim3A_1168 : vector<16xi1>, vector<16xf32>
          %add3A_1170 = arith.addf %add3A_1160, %select_n3A_1169 : vector<16xf32>
          %mul3A_1171 = arith.constant 16 : i32
          %mul3A_1172 = arith.muli %add3A_1114, %mul3A_1171 : i32
          %swap3A_1173 = arith.index_cast %mul3A_1172 : i32 to index
          %swap3A_1174 = tpu.vector_load %arg15[%swap3A_1173] {strides = array<i32>} : memref<2048xf32, #tpu.memory_space<vmem>>, vector<16xf32>,
          %swap3A_1175 = vector.shape_cast %swap3A_1174 : vector<16xf32> to vector<16xf32>
          %swap3A_1176 = vector.shape_cast %add3A_1170 : vector<16xf32> to vector<16xf32>
          tpu.vector_store %arg15[%swap3A_1173], %swap3A_1176 {strides = array<i32>} : memref<2048xf32, #tpu.memory_space<vmem>>, vector<16xf32>,
          %mul3A_1177 = arith.constant 16 : i32
          %mul3A_1178 = arith.muli %scan3A_249, %mul3A_1177 : i32
          %add3A_1179 = arith.constant 14 : i32
          %add3A_1180 = arith.addi %mul3A_1178, %add3A_1179 : i32
          %get3A_1181 = arith.index_cast %add3A_1180 : i32 to index
          %get3A_1182 = arith.constant 0 : index
          %get3A_1183 = tpu.vector_load %arg9[%get3A_1181, %get3A_1182] {strides = array<i32>} : memref<128x128xf32, #tpu.memory_space<vmem>>, vector<1x16xf32>,
          %get3A_1184 = vector.shape_cast %get3A_1183 : vector<1x16xf32> to vector<16xf32>
          %mul3A_1185 = arith.mulf %get3A_1184, %get3A_64 : vector<16xf32>
          %get3A_1186 = arith.index_cast %add3A_1180 : i32 to index
          %get3A_1187 = arith.constant 16 : index
          %get3A_1188 = tpu.vector_load %arg9[%get3A_1186, %get3A_1187] {strides = array<i32>} : memref<128x128xf32, #tpu.memory_space<vmem>>, vector<1x16xf32>,
          %get3A_1189 = vector.shape_cast %get3A_1188 : vector<1x16xf32> to vector<16xf32>
          %mul3A_1190 = arith.mulf %get3A_1189, %get3A_69 : vector<16xf32>
          %get3A_1191 = arith.index_cast %add3A_1180 : i32 to index
          %get3A_1192 = arith.constant 32 : index
          %get3A_1193 = tpu.vector_load %arg9[%get3A_1191, %get3A_1192] {strides = array<i32>} : memref<128x128xf32, #tpu.memory_space<vmem>>, vector<1x16xf32>,
          %get3A_1194 = vector.shape_cast %get3A_1193 : vector<1x16xf32> to vector<16xf32>
          %mul3A_1195 = arith.mulf %get3A_1194, %get3A_74 : vector<16xf32>
          %get3A_1196 = arith.index_cast %add3A_1180 : i32 to index
          %get3A_1197 = arith.constant 48 : index
          %get3A_1198 = tpu.vector_load %arg9[%get3A_1196, %get3A_1197] {strides = array<i32>} : memref<128x128xf32, #tpu.memory_space<vmem>>, vector<1x16xf32>,
          %get3A_1199 = vector.shape_cast %get3A_1198 : vector<1x16xf32> to vector<16xf32>
          %mul3A_1200 = arith.mulf %get3A_1199, %get3A_79 : vector<16xf32>
          %get3A_1201 = arith.index_cast %add3A_1180 : i32 to index
          %get3A_1202 = arith.constant 64 : index
          %get3A_1203 = tpu.vector_load %arg9[%get3A_1201, %get3A_1202] {strides = array<i32>} : memref<128x128xf32, #tpu.memory_space<vmem>>, vector<1x16xf32>,
          %get3A_1204 = vector.shape_cast %get3A_1203 : vector<1x16xf32> to vector<16xf32>
          %mul3A_1205 = arith.mulf %get3A_1204, %get3A_84 : vector<16xf32>
          %get3A_1206 = arith.index_cast %add3A_1180 : i32 to index
          %get3A_1207 = arith.constant 80 : index
          %get3A_1208 = tpu.vector_load %arg9[%get3A_1206, %get3A_1207] {strides = array<i32>} : memref<128x128xf32, #tpu.memory_space<vmem>>, vector<1x16xf32>,
          %get3A_1209 = vector.shape_cast %get3A_1208 : vector<1x16xf32> to vector<16xf32>
          %mul3A_1210 = arith.mulf %get3A_1209, %get3A_89 : vector<16xf32>
          %add3A_1211 = arith.addf %mul3A_1185, %mul3A_1190 : vector<16xf32>
          %add3A_1212 = arith.addf %mul3A_1195, %mul3A_1200 : vector<16xf32>
          %add3A_1213 = arith.addf %add3A_1211, %add3A_1212 : vector<16xf32>
          %add3A_1214 = arith.addf %mul3A_1205, %mul3A_1210 : vector<16xf32>
          %add3A_1215 = arith.addf %add3A_1213, %add3A_1214 : vector<16xf32>
          %mul3A_1216 = arith.constant 16 : i32
          %mul3A_1217 = arith.muli %add3A_1180, %mul3A_1216 : i32
          %swap3A_1218 = arith.index_cast %mul3A_1217 : i32 to index
          %swap3A_1219 = tpu.vector_load %arg13[%swap3A_1218] {strides = array<i32>} : memref<2048xf32, #tpu.memory_space<vmem>>, vector<16xf32>,
          %swap3A_1220 = vector.shape_cast %swap3A_1219 : vector<16xf32> to vector<16xf32>
          %swap3A_1221 = vector.shape_cast %add3A_1215 : vector<16xf32> to vector<16xf32>
          tpu.vector_store %arg13[%swap3A_1218], %swap3A_1221 {strides = array<i32>} : memref<2048xf32, #tpu.memory_space<vmem>>, vector<16xf32>,
          %get3A_1222 = arith.index_cast %add3A_1180 : i32 to index
          %get3A_1223 = arith.constant 96 : index
          %get3A_1224 = tpu.vector_load %arg9[%get3A_1222, %get3A_1223] {strides = array<i32>} : memref<128x128xf32, #tpu.memory_space<vmem>>, vector<1x16xf32>,
          %get3A_1225 = vector.shape_cast %get3A_1224 : vector<1x16xf32> to vector<16xf32>
          %add3A_1226 = arith.addf %get3A_1225, %add3A_170 : vector<16xf32>
          %eq3A_1227 = arith.constant 4 : i32
          %eq3A_1228 = vector.broadcast %eq3A_1227 : i32 to vector<16xi32>
          %eq3A_1229 = arith.cmpi eq, %iota3A, %eq3A_1228 : vector<16xi32>
          %slice3A_1230 = vector.extract_strided_slice %get3A_255 {offsets = [14], sizes = [1], strides = [1]} : vector<16xf32> to vector<1xf32>
          %squeeze3A_1231 = vector.extract %slice3A_1230[0] : f32 from vector<1xf32>
          %jit3A_1232 = arith.constant 0.000000e+00 : f32
          %broadcast_in_dim3A_1233 = vector.broadcast %squeeze3A_1231 : f32 to vector<16xf32>
          %broadcast_in_dim3A_1234 = vector.broadcast %jit3A_1232 : f32 to vector<16xf32>
          %select_n3A_1235 = arith.select %eq3A_1229, %broadcast_in_dim3A_1233, %broadcast_in_dim3A_1234 : vector<16xi1>, vector<16xf32>
          %add3A_1236 = arith.addf %add3A_1226, %select_n3A_1235 : vector<16xf32>
          %mul3A_1237 = arith.constant 16 : i32
          %mul3A_1238 = arith.muli %add3A_1180, %mul3A_1237 : i32
          %swap3A_1239 = arith.index_cast %mul3A_1238 : i32 to index
          %swap3A_1240 = tpu.vector_load %arg15[%swap3A_1239] {strides = array<i32>} : memref<2048xf32, #tpu.memory_space<vmem>>, vector<16xf32>,
          %swap3A_1241 = vector.shape_cast %swap3A_1240 : vector<16xf32> to vector<16xf32>
          %swap3A_1242 = vector.shape_cast %add3A_1236 : vector<16xf32> to vector<16xf32>
          tpu.vector_store %arg15[%swap3A_1239], %swap3A_1242 {strides = array<i32>} : memref<2048xf32, #tpu.memory_space<vmem>>, vector<16xf32>,
          %mul3A_1243 = arith.constant 16 : i32
          %mul3A_1244 = arith.muli %scan3A_249, %mul3A_1243 : i32
          %add3A_1245 = arith.constant 15 : i32
          %add3A_1246 = arith.addi %mul3A_1244, %add3A_1245 : i32
          %get3A_1247 = arith.index_cast %add3A_1246 : i32 to index
          %get3A_1248 = arith.constant 0 : index
          %get3A_1249 = tpu.vector_load %arg9[%get3A_1247, %get3A_1248] {strides = array<i32>} : memref<128x128xf32, #tpu.memory_space<vmem>>, vector<1x16xf32>,
          %get3A_1250 = vector.shape_cast %get3A_1249 : vector<1x16xf32> to vector<16xf32>
          %mul3A_1251 = arith.mulf %get3A_1250, %get3A_64 : vector<16xf32>
          %get3A_1252 = arith.index_cast %add3A_1246 : i32 to index
          %get3A_1253 = arith.constant 16 : index
          %get3A_1254 = tpu.vector_load %arg9[%get3A_1252, %get3A_1253] {strides = array<i32>} : memref<128x128xf32, #tpu.memory_space<vmem>>, vector<1x16xf32>,
          %get3A_1255 = vector.shape_cast %get3A_1254 : vector<1x16xf32> to vector<16xf32>
          %mul3A_1256 = arith.mulf %get3A_1255, %get3A_69 : vector<16xf32>
          %get3A_1257 = arith.index_cast %add3A_1246 : i32 to index
          %get3A_1258 = arith.constant 32 : index
          %get3A_1259 = tpu.vector_load %arg9[%get3A_1257, %get3A_1258] {strides = array<i32>} : memref<128x128xf32, #tpu.memory_space<vmem>>, vector<1x16xf32>,
          %get3A_1260 = vector.shape_cast %get3A_1259 : vector<1x16xf32> to vector<16xf32>
          %mul3A_1261 = arith.mulf %get3A_1260, %get3A_74 : vector<16xf32>
          %get3A_1262 = arith.index_cast %add3A_1246 : i32 to index
          %get3A_1263 = arith.constant 48 : index
          %get3A_1264 = tpu.vector_load %arg9[%get3A_1262, %get3A_1263] {strides = array<i32>} : memref<128x128xf32, #tpu.memory_space<vmem>>, vector<1x16xf32>,
          %get3A_1265 = vector.shape_cast %get3A_1264 : vector<1x16xf32> to vector<16xf32>
          %mul3A_1266 = arith.mulf %get3A_1265, %get3A_79 : vector<16xf32>
          %get3A_1267 = arith.index_cast %add3A_1246 : i32 to index
          %get3A_1268 = arith.constant 64 : index
          %get3A_1269 = tpu.vector_load %arg9[%get3A_1267, %get3A_1268] {strides = array<i32>} : memref<128x128xf32, #tpu.memory_space<vmem>>, vector<1x16xf32>,
          %get3A_1270 = vector.shape_cast %get3A_1269 : vector<1x16xf32> to vector<16xf32>
          %mul3A_1271 = arith.mulf %get3A_1270, %get3A_84 : vector<16xf32>
          %get3A_1272 = arith.index_cast %add3A_1246 : i32 to index
          %get3A_1273 = arith.constant 80 : index
          %get3A_1274 = tpu.vector_load %arg9[%get3A_1272, %get3A_1273] {strides = array<i32>} : memref<128x128xf32, #tpu.memory_space<vmem>>, vector<1x16xf32>,
          %get3A_1275 = vector.shape_cast %get3A_1274 : vector<1x16xf32> to vector<16xf32>
          %mul3A_1276 = arith.mulf %get3A_1275, %get3A_89 : vector<16xf32>
          %add3A_1277 = arith.addf %mul3A_1251, %mul3A_1256 : vector<16xf32>
          %add3A_1278 = arith.addf %mul3A_1261, %mul3A_1266 : vector<16xf32>
          %add3A_1279 = arith.addf %add3A_1277, %add3A_1278 : vector<16xf32>
          %add3A_1280 = arith.addf %mul3A_1271, %mul3A_1276 : vector<16xf32>
          %add3A_1281 = arith.addf %add3A_1279, %add3A_1280 : vector<16xf32>
          %mul3A_1282 = arith.constant 16 : i32
          %mul3A_1283 = arith.muli %add3A_1246, %mul3A_1282 : i32
          %swap3A_1284 = arith.index_cast %mul3A_1283 : i32 to index
          %swap3A_1285 = tpu.vector_load %arg13[%swap3A_1284] {strides = array<i32>} : memref<2048xf32, #tpu.memory_space<vmem>>, vector<16xf32>,
          %swap3A_1286 = vector.shape_cast %swap3A_1285 : vector<16xf32> to vector<16xf32>
          %swap3A_1287 = vector.shape_cast %add3A_1281 : vector<16xf32> to vector<16xf32>
          tpu.vector_store %arg13[%swap3A_1284], %swap3A_1287 {strides = array<i32>} : memref<2048xf32, #tpu.memory_space<vmem>>, vector<16xf32>,
          %get3A_1288 = arith.index_cast %add3A_1246 : i32 to index
          %get3A_1289 = arith.constant 96 : index
          %get3A_1290 = tpu.vector_load %arg9[%get3A_1288, %get3A_1289] {strides = array<i32>} : memref<128x128xf32, #tpu.memory_space<vmem>>, vector<1x16xf32>,
          %get3A_1291 = vector.shape_cast %get3A_1290 : vector<1x16xf32> to vector<16xf32>
          %add3A_1292 = arith.addf %get3A_1291, %add3A_170 : vector<16xf32>
          %eq3A_1293 = arith.constant 4 : i32
          %eq3A_1294 = vector.broadcast %eq3A_1293 : i32 to vector<16xi32>
          %eq3A_1295 = arith.cmpi eq, %iota3A, %eq3A_1294 : vector<16xi32>
          %slice3A_1296 = vector.extract_strided_slice %get3A_255 {offsets = [15], sizes = [1], strides = [1]} : vector<16xf32> to vector<1xf32>
          %squeeze3A_1297 = vector.extract %slice3A_1296[0] : f32 from vector<1xf32>
          %jit3A_1298 = arith.constant 0.000000e+00 : f32
          %broadcast_in_dim3A_1299 = vector.broadcast %squeeze3A_1297 : f32 to vector<16xf32>
          %broadcast_in_dim3A_1300 = vector.broadcast %jit3A_1298 : f32 to vector<16xf32>
          %select_n3A_1301 = arith.select %eq3A_1295, %broadcast_in_dim3A_1299, %broadcast_in_dim3A_1300 : vector<16xi1>, vector<16xf32>
          %add3A_1302 = arith.addf %add3A_1292, %select_n3A_1301 : vector<16xf32>
          %mul3A_1303 = arith.constant 16 : i32
          %mul3A_1304 = arith.muli %add3A_1246, %mul3A_1303 : i32
          %swap3A_1305 = arith.index_cast %mul3A_1304 : i32 to index
          %swap3A_1306 = tpu.vector_load %arg15[%swap3A_1305] {strides = array<i32>} : memref<2048xf32, #tpu.memory_space<vmem>>, vector<16xf32>,
          %swap3A_1307 = vector.shape_cast %swap3A_1306 : vector<16xf32> to vector<16xf32>
          %swap3A_1308 = vector.shape_cast %add3A_1302 : vector<16xf32> to vector<16xf32>
          tpu.vector_store %arg15[%swap3A_1305], %swap3A_1308 {strides = array<i32>} : memref<2048xf32, #tpu.memory_space<vmem>>, vector<16xf32>,
        }
        %scan3A_203 = arith.constant 8 : i32
        %dma_start3A_204 = tpu.memref_slice %arg6[%mul3A_193] : memref<23887872xf32, #tpu.memory_space<hbm>> -> memref<2048xf32, #tpu.memory_space<hbm>>
        %dma_start3A_205 = tpu.memref_slice %arg6[%mul3A_193] : memref<23887872xf32, #tpu.memory_space<hbm>> -> memref<2048xf32, #tpu.memory_space<hbm>>
        tpu.enqueue_dma source(%arg13 : memref<2048xf32, #tpu.memory_space<vmem>>) target(%dma_start3A_205 : memref<2048xf32, #tpu.memory_space<hbm>>) target_semaphore(%arg19 : memref<!tpu.dma_semaphore, #tpu.memory_space<semaphore_mem>>)
        %dma_start3A_206 = tpu.memref_slice %arg7[%mul3A_195] : memref<23887872xf32, #tpu.memory_space<hbm>> -> memref<2048xf32, #tpu.memory_space<hbm>>
        %dma_start3A_207 = tpu.memref_slice %arg7[%mul3A_195] : memref<23887872xf32, #tpu.memory_space<hbm>> -> memref<2048xf32, #tpu.memory_space<hbm>>
        tpu.enqueue_dma source(%arg15 : memref<2048xf32, #tpu.memory_space<vmem>>) target(%dma_start3A_207 : memref<2048xf32, #tpu.memory_space<hbm>>) target_semaphore(%arg19 : memref<!tpu.dma_semaphore, #tpu.memory_space<semaphore_mem>>)
        %add3A_208 = arith.constant 1 : i32
        %add3A_209 = arith.addi %scan3A_54, %add3A_208 : i32
        %lt3A_210 = arith.constant 8 : i32
        %lt3A_211 = arith.cmpi slt, %add3A_209, %lt3A_210 : i32
        %convert_element_type3A_212 = arith.extui %lt3A_211 : i1 to i32
        %cond3A_213 = arith.constant 0 : i32
        %cond3A_214 = arith.cmpi ne, %convert_element_type3A_212, %cond3A_213 : i32
        scf.if %cond3A_214 {
          %mul3A_249 = arith.constant 2 : i32
          %mul3A_250 = arith.muli %mul3A_249, %scan3A_54 : i32
          %add3A_251 = arith.constant 2 : i32
          %add3A_252 = arith.addi %mul3A_250, %add3A_251 : i32
          %dma_start3A_253 = arith.constant 0 : i32
          %dma_start3A_254 = tpu.memref_slice %arg8[%add3A_252, %dma_start3A_253] : memref<16x128xi32, #tpu.memory_space<vmem>> -> memref<1x128xi32, #tpu.memory_space<vmem>>
          %dma_start3A_255 = tpu.memref_squeeze %dma_start3A_254 : memref<1x128xi32, #tpu.memory_space<vmem>> -> memref<128xi32, #tpu.memory_space<vmem>>
          %dma_start3A_256 = arith.constant 0 : i32
          %dma_start3A_257 = arith.constant 0 : i32
          %dma_start3A_258 = tpu.memref_slice %arg2[%dma_start3A_256, %dma_start3A_257] : memref<401408x128xf32, #tpu.memory_space<hbm>> -> memref<401408x128xf32, #tpu.memory_space<hbm>>
          tpu.enqueue_indirect_dma source(%dma_start3A_258 : memref<401408x128xf32, #tpu.memory_space<hbm>>) target(%arg9 : memref<128x128xf32, #tpu.memory_space<vmem>>) offsets(%dma_start3A_255 : memref<128xi32, #tpu.memory_space<vmem>>) semaphore(%arg17 : memref<!tpu.dma_semaphore, #tpu.memory_space<semaphore_mem>>)
        } else {
        }
        %dma_wait3A_215 = arith.constant 0 : i32
        %dma_wait3A_216 = arith.constant 0 : i32
        %dma_wait3A_217 = tpu.memref_slice %arg8[%dma_wait3A_215, %dma_wait3A_216] : memref<16x128xi32, #tpu.memory_space<vmem>> -> memref<1x128xi32, #tpu.memory_space<vmem>>
        %dma_wait3A_218 = tpu.memref_squeeze %dma_wait3A_217 : memref<1x128xi32, #tpu.memory_space<vmem>> -> memref<128xi32, #tpu.memory_space<vmem>>
        %dma_wait3A_219 = arith.constant 0 : i32
        %dma_wait3A_220 = arith.constant 0 : i32
        %dma_wait3A_221 = tpu.memref_slice %arg2[%dma_wait3A_219, %dma_wait3A_220] : memref<401408x128xf32, #tpu.memory_space<hbm>> -> memref<401408x128xf32, #tpu.memory_space<hbm>>
        tpu.wait_indirect_dma semaphore(%arg18 : memref<!tpu.dma_semaphore, #tpu.memory_space<semaphore_mem>>) src(%dma_wait3A_221 : memref<401408x128xf32, #tpu.memory_space<hbm>>) dst(%arg10 : memref<128x128xf32, #tpu.memory_space<vmem>>)
        %mul3A_222 = arith.constant 256 : i32
        %mul3A_223 = arith.muli %add3A_55, %mul3A_222 : i32
        %add3A_224 = arith.constant 128 : i32
        %add3A_225 = arith.addi %mul3A_223, %add3A_224 : i32
        %mul3A_226 = arith.constant 256 : i32
        %mul3A_227 = arith.muli %scan3A_54, %mul3A_226 : i32
        %add3A_228 = arith.constant 128 : i32
        %add3A_229 = arith.addi %mul3A_227, %add3A_228 : i32
        %mul3A_230 = arith.constant 16 : i32
        %mul3A_231 = arith.muli %add3A_225, %mul3A_230 : i32
        %mul3A_232 = arith.constant 16 : i32
        %mul3A_233 = arith.muli %add3A_225, %mul3A_232 : i32
        %not3A_234 = arith.constant true
        %not3A_235 = arith.xori %and3A, %not3A_234 : i1
        %convert_element_type3A_236 = arith.extui %not3A_235 : i1 to i32
        %cond3A_237 = arith.constant 0 : i32
        %cond3A_238 = arith.cmpi ne, %convert_element_type3A_236, %cond3A_237 : i32
        scf.if %cond3A_238 {
          %dma_wait3A_249 = tpu.memref_slice %arg6[%mul3A_231] : memref<23887872xf32, #tpu.memory_space<hbm>> -> memref<2048xf32, #tpu.memory_space<hbm>>
          %dma_wait3A_250 = tpu.memref_slice %arg6[%mul3A_231] : memref<23887872xf32, #tpu.memory_space<hbm>> -> memref<2048xf32, #tpu.memory_space<hbm>>
          tpu.wait_dma2 semaphore(%arg20 : memref<!tpu.dma_semaphore, #tpu.memory_space<semaphore_mem>>) src(%arg14 : memref<2048xf32, #tpu.memory_space<vmem>>) dst(%dma_wait3A_250 : memref<2048xf32, #tpu.memory_space<hbm>>)
          %dma_wait3A_251 = tpu.memref_slice %arg7[%mul3A_233] : memref<23887872xf32, #tpu.memory_space<hbm>> -> memref<2048xf32, #tpu.memory_space<hbm>>
          %dma_wait3A_252 = tpu.memref_slice %arg7[%mul3A_233] : memref<23887872xf32, #tpu.memory_space<hbm>> -> memref<2048xf32, #tpu.memory_space<hbm>>
          tpu.wait_dma2 semaphore(%arg20 : memref<!tpu.dma_semaphore, #tpu.memory_space<semaphore_mem>>) src(%arg16 : memref<2048xf32, #tpu.memory_space<vmem>>) dst(%dma_wait3A_252 : memref<2048xf32, #tpu.memory_space<hbm>>)
        } else {
        }
        %scan3A_239 = arith.constant 0 : i32
        %scan3A_240 = arith.constant 0 : i32
        %scan3A_241 = arith.constant 8 : i32
        %scan3A_242 = arith.addi %scan3A_240, %scan3A_241 : i32
        %scan3A_243 = arith.constant 1 : i32
        scf.for %scan3A_249 = %scan3A_240 to %scan3A_242 step %scan3A_243  : i32 {
          %mul3A_250 = arith.constant 16 : i32
          %mul3A_251 = arith.muli %scan3A_249, %mul3A_250 : i32
          %add3A_252 = arith.addi %add3A_229, %mul3A_251 : i32
          %get3A_253 = arith.index_cast %add3A_252 : i32 to index
          %get3A_254 = tpu.vector_load %arg12[%get3A_253] {strides = array<i32>} : memref<2048xf32, #tpu.memory_space<vmem>>, vector<16xf32>,
          %get3A_255 = vector.shape_cast %get3A_254 : vector<16xf32> to vector<16xf32>
          %mul3A_256 = arith.constant 16 : i32
          %mul3A_257 = arith.muli %scan3A_249, %mul3A_256 : i32
          %add3A_258 = arith.constant 0 : i32
          %add3A_259 = arith.addi %mul3A_257, %add3A_258 : i32
          %get3A_260 = arith.index_cast %add3A_259 : i32 to index
          %get3A_261 = arith.constant 0 : index
          %get3A_262 = tpu.vector_load %arg10[%get3A_260, %get3A_261] {strides = array<i32>} : memref<128x128xf32, #tpu.memory_space<vmem>>, vector<1x16xf32>,
          %get3A_263 = vector.shape_cast %get3A_262 : vector<1x16xf32> to vector<16xf32>
          %mul3A_264 = arith.mulf %get3A_263, %get3A_64 : vector<16xf32>
          %get3A_265 = arith.index_cast %add3A_259 : i32 to index
          %get3A_266 = arith.constant 16 : index
          %get3A_267 = tpu.vector_load %arg10[%get3A_265, %get3A_266] {strides = array<i32>} : memref<128x128xf32, #tpu.memory_space<vmem>>, vector<1x16xf32>,
          %get3A_268 = vector.shape_cast %get3A_267 : vector<1x16xf32> to vector<16xf32>
          %mul3A_269 = arith.mulf %get3A_268, %get3A_69 : vector<16xf32>
          %get3A_270 = arith.index_cast %add3A_259 : i32 to index
          %get3A_271 = arith.constant 32 : index
          %get3A_272 = tpu.vector_load %arg10[%get3A_270, %get3A_271] {strides = array<i32>} : memref<128x128xf32, #tpu.memory_space<vmem>>, vector<1x16xf32>,
          %get3A_273 = vector.shape_cast %get3A_272 : vector<1x16xf32> to vector<16xf32>
          %mul3A_274 = arith.mulf %get3A_273, %get3A_74 : vector<16xf32>
          %get3A_275 = arith.index_cast %add3A_259 : i32 to index
          %get3A_276 = arith.constant 48 : index
          %get3A_277 = tpu.vector_load %arg10[%get3A_275, %get3A_276] {strides = array<i32>} : memref<128x128xf32, #tpu.memory_space<vmem>>, vector<1x16xf32>,
          %get3A_278 = vector.shape_cast %get3A_277 : vector<1x16xf32> to vector<16xf32>
          %mul3A_279 = arith.mulf %get3A_278, %get3A_79 : vector<16xf32>
          %get3A_280 = arith.index_cast %add3A_259 : i32 to index
          %get3A_281 = arith.constant 64 : index
          %get3A_282 = tpu.vector_load %arg10[%get3A_280, %get3A_281] {strides = array<i32>} : memref<128x128xf32, #tpu.memory_space<vmem>>, vector<1x16xf32>,
          %get3A_283 = vector.shape_cast %get3A_282 : vector<1x16xf32> to vector<16xf32>
          %mul3A_284 = arith.mulf %get3A_283, %get3A_84 : vector<16xf32>
          %get3A_285 = arith.index_cast %add3A_259 : i32 to index
          %get3A_286 = arith.constant 80 : index
          %get3A_287 = tpu.vector_load %arg10[%get3A_285, %get3A_286] {strides = array<i32>} : memref<128x128xf32, #tpu.memory_space<vmem>>, vector<1x16xf32>,
          %get3A_288 = vector.shape_cast %get3A_287 : vector<1x16xf32> to vector<16xf32>
          %mul3A_289 = arith.mulf %get3A_288, %get3A_89 : vector<16xf32>
          %add3A_290 = arith.addf %mul3A_264, %mul3A_269 : vector<16xf32>
          %add3A_291 = arith.addf %mul3A_274, %mul3A_279 : vector<16xf32>
          %add3A_292 = arith.addf %add3A_290, %add3A_291 : vector<16xf32>
          %add3A_293 = arith.addf %mul3A_284, %mul3A_289 : vector<16xf32>
          %add3A_294 = arith.addf %add3A_292, %add3A_293 : vector<16xf32>
          %mul3A_295 = arith.constant 16 : i32
          %mul3A_296 = arith.muli %add3A_259, %mul3A_295 : i32
          %swap3A = arith.index_cast %mul3A_296 : i32 to index
          %swap3A_297 = tpu.vector_load %arg14[%swap3A] {strides = array<i32>} : memref<2048xf32, #tpu.memory_space<vmem>>, vector<16xf32>,
          %swap3A_298 = vector.shape_cast %swap3A_297 : vector<16xf32> to vector<16xf32>
          %swap3A_299 = vector.shape_cast %add3A_294 : vector<16xf32> to vector<16xf32>
          tpu.vector_store %arg14[%swap3A], %swap3A_299 {strides = array<i32>} : memref<2048xf32, #tpu.memory_space<vmem>>, vector<16xf32>,
          %get3A_300 = arith.index_cast %add3A_259 : i32 to index
          %get3A_301 = arith.constant 96 : index
          %get3A_302 = tpu.vector_load %arg10[%get3A_300, %get3A_301] {strides = array<i32>} : memref<128x128xf32, #tpu.memory_space<vmem>>, vector<1x16xf32>,
          %get3A_303 = vector.shape_cast %get3A_302 : vector<1x16xf32> to vector<16xf32>
          %add3A_304 = arith.addf %get3A_303, %add3A_170 : vector<16xf32>
          %eq3A_305 = arith.constant 4 : i32
          %eq3A_306 = vector.broadcast %eq3A_305 : i32 to vector<16xi32>
          %eq3A_307 = arith.cmpi eq, %iota3A, %eq3A_306 : vector<16xi32>
          %slice3A = vector.extract_strided_slice %get3A_255 {offsets = [0], sizes = [1], strides = [1]} : vector<16xf32> to vector<1xf32>
          %squeeze3A = vector.extract %slice3A[0] : f32 from vector<1xf32>
          %jit3A_308 = arith.constant 0.000000e+00 : f32
          %broadcast_in_dim3A_309 = vector.broadcast %squeeze3A : f32 to vector<16xf32>
          %broadcast_in_dim3A_310 = vector.broadcast %jit3A_308 : f32 to vector<16xf32>
          %select_n3A_311 = arith.select %eq3A_307, %broadcast_in_dim3A_309, %broadcast_in_dim3A_310 : vector<16xi1>, vector<16xf32>
          %add3A_312 = arith.addf %add3A_304, %select_n3A_311 : vector<16xf32>
          %mul3A_313 = arith.constant 16 : i32
          %mul3A_314 = arith.muli %add3A_259, %mul3A_313 : i32
          %swap3A_315 = arith.index_cast %mul3A_314 : i32 to index
          %swap3A_316 = tpu.vector_load %arg16[%swap3A_315] {strides = array<i32>} : memref<2048xf32, #tpu.memory_space<vmem>>, vector<16xf32>,
          %swap3A_317 = vector.shape_cast %swap3A_316 : vector<16xf32> to vector<16xf32>
          %swap3A_318 = vector.shape_cast %add3A_312 : vector<16xf32> to vector<16xf32>
          tpu.vector_store %arg16[%swap3A_315], %swap3A_318 {strides = array<i32>} : memref<2048xf32, #tpu.memory_space<vmem>>, vector<16xf32>,
          %mul3A_319 = arith.constant 16 : i32
          %mul3A_320 = arith.muli %scan3A_249, %mul3A_319 : i32
          %add3A_321 = arith.constant 1 : i32
          %add3A_322 = arith.addi %mul3A_320, %add3A_321 : i32
          %get3A_323 = arith.index_cast %add3A_322 : i32 to index
          %get3A_324 = arith.constant 0 : index
          %get3A_325 = tpu.vector_load %arg10[%get3A_323, %get3A_324] {strides = array<i32>} : memref<128x128xf32, #tpu.memory_space<vmem>>, vector<1x16xf32>,
          %get3A_326 = vector.shape_cast %get3A_325 : vector<1x16xf32> to vector<16xf32>
          %mul3A_327 = arith.mulf %get3A_326, %get3A_64 : vector<16xf32>
          %get3A_328 = arith.index_cast %add3A_322 : i32 to index
          %get3A_329 = arith.constant 16 : index
          %get3A_330 = tpu.vector_load %arg10[%get3A_328, %get3A_329] {strides = array<i32>} : memref<128x128xf32, #tpu.memory_space<vmem>>, vector<1x16xf32>,
          %get3A_331 = vector.shape_cast %get3A_330 : vector<1x16xf32> to vector<16xf32>
          %mul3A_332 = arith.mulf %get3A_331, %get3A_69 : vector<16xf32>
          %get3A_333 = arith.index_cast %add3A_322 : i32 to index
          %get3A_334 = arith.constant 32 : index
          %get3A_335 = tpu.vector_load %arg10[%get3A_333, %get3A_334] {strides = array<i32>} : memref<128x128xf32, #tpu.memory_space<vmem>>, vector<1x16xf32>,
          %get3A_336 = vector.shape_cast %get3A_335 : vector<1x16xf32> to vector<16xf32>
          %mul3A_337 = arith.mulf %get3A_336, %get3A_74 : vector<16xf32>
          %get3A_338 = arith.index_cast %add3A_322 : i32 to index
          %get3A_339 = arith.constant 48 : index
          %get3A_340 = tpu.vector_load %arg10[%get3A_338, %get3A_339] {strides = array<i32>} : memref<128x128xf32, #tpu.memory_space<vmem>>, vector<1x16xf32>,
          %get3A_341 = vector.shape_cast %get3A_340 : vector<1x16xf32> to vector<16xf32>
          %mul3A_342 = arith.mulf %get3A_341, %get3A_79 : vector<16xf32>
          %get3A_343 = arith.index_cast %add3A_322 : i32 to index
          %get3A_344 = arith.constant 64 : index
          %get3A_345 = tpu.vector_load %arg10[%get3A_343, %get3A_344] {strides = array<i32>} : memref<128x128xf32, #tpu.memory_space<vmem>>, vector<1x16xf32>,
          %get3A_346 = vector.shape_cast %get3A_345 : vector<1x16xf32> to vector<16xf32>
          %mul3A_347 = arith.mulf %get3A_346, %get3A_84 : vector<16xf32>
          %get3A_348 = arith.index_cast %add3A_322 : i32 to index
          %get3A_349 = arith.constant 80 : index
          %get3A_350 = tpu.vector_load %arg10[%get3A_348, %get3A_349] {strides = array<i32>} : memref<128x128xf32, #tpu.memory_space<vmem>>, vector<1x16xf32>,
          %get3A_351 = vector.shape_cast %get3A_350 : vector<1x16xf32> to vector<16xf32>
          %mul3A_352 = arith.mulf %get3A_351, %get3A_89 : vector<16xf32>
          %add3A_353 = arith.addf %mul3A_327, %mul3A_332 : vector<16xf32>
          %add3A_354 = arith.addf %mul3A_337, %mul3A_342 : vector<16xf32>
          %add3A_355 = arith.addf %add3A_353, %add3A_354 : vector<16xf32>
          %add3A_356 = arith.addf %mul3A_347, %mul3A_352 : vector<16xf32>
          %add3A_357 = arith.addf %add3A_355, %add3A_356 : vector<16xf32>
          %mul3A_358 = arith.constant 16 : i32
          %mul3A_359 = arith.muli %add3A_322, %mul3A_358 : i32
          %swap3A_360 = arith.index_cast %mul3A_359 : i32 to index
          %swap3A_361 = tpu.vector_load %arg14[%swap3A_360] {strides = array<i32>} : memref<2048xf32, #tpu.memory_space<vmem>>, vector<16xf32>,
          %swap3A_362 = vector.shape_cast %swap3A_361 : vector<16xf32> to vector<16xf32>
          %swap3A_363 = vector.shape_cast %add3A_357 : vector<16xf32> to vector<16xf32>
          tpu.vector_store %arg14[%swap3A_360], %swap3A_363 {strides = array<i32>} : memref<2048xf32, #tpu.memory_space<vmem>>, vector<16xf32>,
          %get3A_364 = arith.index_cast %add3A_322 : i32 to index
          %get3A_365 = arith.constant 96 : index
          %get3A_366 = tpu.vector_load %arg10[%get3A_364, %get3A_365] {strides = array<i32>} : memref<128x128xf32, #tpu.memory_space<vmem>>, vector<1x16xf32>,
          %get3A_367 = vector.shape_cast %get3A_366 : vector<1x16xf32> to vector<16xf32>
          %add3A_368 = arith.addf %get3A_367, %add3A_170 : vector<16xf32>
          %eq3A_369 = arith.constant 4 : i32
          %eq3A_370 = vector.broadcast %eq3A_369 : i32 to vector<16xi32>
          %eq3A_371 = arith.cmpi eq, %iota3A, %eq3A_370 : vector<16xi32>
          %slice3A_372 = vector.extract_strided_slice %get3A_255 {offsets = [1], sizes = [1], strides = [1]} : vector<16xf32> to vector<1xf32>
          %squeeze3A_373 = vector.extract %slice3A_372[0] : f32 from vector<1xf32>
          %jit3A_374 = arith.constant 0.000000e+00 : f32
          %broadcast_in_dim3A_375 = vector.broadcast %squeeze3A_373 : f32 to vector<16xf32>
          %broadcast_in_dim3A_376 = vector.broadcast %jit3A_374 : f32 to vector<16xf32>
          %select_n3A_377 = arith.select %eq3A_371, %broadcast_in_dim3A_375, %broadcast_in_dim3A_376 : vector<16xi1>, vector<16xf32>
          %add3A_378 = arith.addf %add3A_368, %select_n3A_377 : vector<16xf32>
          %mul3A_379 = arith.constant 16 : i32
          %mul3A_380 = arith.muli %add3A_322, %mul3A_379 : i32
          %swap3A_381 = arith.index_cast %mul3A_380 : i32 to index
          %swap3A_382 = tpu.vector_load %arg16[%swap3A_381] {strides = array<i32>} : memref<2048xf32, #tpu.memory_space<vmem>>, vector<16xf32>,
          %swap3A_383 = vector.shape_cast %swap3A_382 : vector<16xf32> to vector<16xf32>
          %swap3A_384 = vector.shape_cast %add3A_378 : vector<16xf32> to vector<16xf32>
          tpu.vector_store %arg16[%swap3A_381], %swap3A_384 {strides = array<i32>} : memref<2048xf32, #tpu.memory_space<vmem>>, vector<16xf32>,
          %mul3A_385 = arith.constant 16 : i32
          %mul3A_386 = arith.muli %scan3A_249, %mul3A_385 : i32
          %add3A_387 = arith.constant 2 : i32
          %add3A_388 = arith.addi %mul3A_386, %add3A_387 : i32
          %get3A_389 = arith.index_cast %add3A_388 : i32 to index
          %get3A_390 = arith.constant 0 : index
          %get3A_391 = tpu.vector_load %arg10[%get3A_389, %get3A_390] {strides = array<i32>} : memref<128x128xf32, #tpu.memory_space<vmem>>, vector<1x16xf32>,
          %get3A_392 = vector.shape_cast %get3A_391 : vector<1x16xf32> to vector<16xf32>
          %mul3A_393 = arith.mulf %get3A_392, %get3A_64 : vector<16xf32>
          %get3A_394 = arith.index_cast %add3A_388 : i32 to index
          %get3A_395 = arith.constant 16 : index
          %get3A_396 = tpu.vector_load %arg10[%get3A_394, %get3A_395] {strides = array<i32>} : memref<128x128xf32, #tpu.memory_space<vmem>>, vector<1x16xf32>,
          %get3A_397 = vector.shape_cast %get3A_396 : vector<1x16xf32> to vector<16xf32>
          %mul3A_398 = arith.mulf %get3A_397, %get3A_69 : vector<16xf32>
          %get3A_399 = arith.index_cast %add3A_388 : i32 to index
          %get3A_400 = arith.constant 32 : index
          %get3A_401 = tpu.vector_load %arg10[%get3A_399, %get3A_400] {strides = array<i32>} : memref<128x128xf32, #tpu.memory_space<vmem>>, vector<1x16xf32>,
          %get3A_402 = vector.shape_cast %get3A_401 : vector<1x16xf32> to vector<16xf32>
          %mul3A_403 = arith.mulf %get3A_402, %get3A_74 : vector<16xf32>
          %get3A_404 = arith.index_cast %add3A_388 : i32 to index
          %get3A_405 = arith.constant 48 : index
          %get3A_406 = tpu.vector_load %arg10[%get3A_404, %get3A_405] {strides = array<i32>} : memref<128x128xf32, #tpu.memory_space<vmem>>, vector<1x16xf32>,
          %get3A_407 = vector.shape_cast %get3A_406 : vector<1x16xf32> to vector<16xf32>
          %mul3A_408 = arith.mulf %get3A_407, %get3A_79 : vector<16xf32>
          %get3A_409 = arith.index_cast %add3A_388 : i32 to index
          %get3A_410 = arith.constant 64 : index
          %get3A_411 = tpu.vector_load %arg10[%get3A_409, %get3A_410] {strides = array<i32>} : memref<128x128xf32, #tpu.memory_space<vmem>>, vector<1x16xf32>,
          %get3A_412 = vector.shape_cast %get3A_411 : vector<1x16xf32> to vector<16xf32>
          %mul3A_413 = arith.mulf %get3A_412, %get3A_84 : vector<16xf32>
          %get3A_414 = arith.index_cast %add3A_388 : i32 to index
          %get3A_415 = arith.constant 80 : index
          %get3A_416 = tpu.vector_load %arg10[%get3A_414, %get3A_415] {strides = array<i32>} : memref<128x128xf32, #tpu.memory_space<vmem>>, vector<1x16xf32>,
          %get3A_417 = vector.shape_cast %get3A_416 : vector<1x16xf32> to vector<16xf32>
          %mul3A_418 = arith.mulf %get3A_417, %get3A_89 : vector<16xf32>
          %add3A_419 = arith.addf %mul3A_393, %mul3A_398 : vector<16xf32>
          %add3A_420 = arith.addf %mul3A_403, %mul3A_408 : vector<16xf32>
          %add3A_421 = arith.addf %add3A_419, %add3A_420 : vector<16xf32>
          %add3A_422 = arith.addf %mul3A_413, %mul3A_418 : vector<16xf32>
          %add3A_423 = arith.addf %add3A_421, %add3A_422 : vector<16xf32>
          %mul3A_424 = arith.constant 16 : i32
          %mul3A_425 = arith.muli %add3A_388, %mul3A_424 : i32
          %swap3A_426 = arith.index_cast %mul3A_425 : i32 to index
          %swap3A_427 = tpu.vector_load %arg14[%swap3A_426] {strides = array<i32>} : memref<2048xf32, #tpu.memory_space<vmem>>, vector<16xf32>,
          %swap3A_428 = vector.shape_cast %swap3A_427 : vector<16xf32> to vector<16xf32>
          %swap3A_429 = vector.shape_cast %add3A_423 : vector<16xf32> to vector<16xf32>
          tpu.vector_store %arg14[%swap3A_426], %swap3A_429 {strides = array<i32>} : memref<2048xf32, #tpu.memory_space<vmem>>, vector<16xf32>,
          %get3A_430 = arith.index_cast %add3A_388 : i32 to index
          %get3A_431 = arith.constant 96 : index
          %get3A_432 = tpu.vector_load %arg10[%get3A_430, %get3A_431] {strides = array<i32>} : memref<128x128xf32, #tpu.memory_space<vmem>>, vector<1x16xf32>,
          %get3A_433 = vector.shape_cast %get3A_432 : vector<1x16xf32> to vector<16xf32>
          %add3A_434 = arith.addf %get3A_433, %add3A_170 : vector<16xf32>
          %eq3A_435 = arith.constant 4 : i32
          %eq3A_436 = vector.broadcast %eq3A_435 : i32 to vector<16xi32>
          %eq3A_437 = arith.cmpi eq, %iota3A, %eq3A_436 : vector<16xi32>
          %slice3A_438 = vector.extract_strided_slice %get3A_255 {offsets = [2], sizes = [1], strides = [1]} : vector<16xf32> to vector<1xf32>
          %squeeze3A_439 = vector.extract %slice3A_438[0] : f32 from vector<1xf32>
          %jit3A_440 = arith.constant 0.000000e+00 : f32
          %broadcast_in_dim3A_441 = vector.broadcast %squeeze3A_439 : f32 to vector<16xf32>
          %broadcast_in_dim3A_442 = vector.broadcast %jit3A_440 : f32 to vector<16xf32>
          %select_n3A_443 = arith.select %eq3A_437, %broadcast_in_dim3A_441, %broadcast_in_dim3A_442 : vector<16xi1>, vector<16xf32>
          %add3A_444 = arith.addf %add3A_434, %select_n3A_443 : vector<16xf32>
          %mul3A_445 = arith.constant 16 : i32
          %mul3A_446 = arith.muli %add3A_388, %mul3A_445 : i32
          %swap3A_447 = arith.index_cast %mul3A_446 : i32 to index
          %swap3A_448 = tpu.vector_load %arg16[%swap3A_447] {strides = array<i32>} : memref<2048xf32, #tpu.memory_space<vmem>>, vector<16xf32>,
          %swap3A_449 = vector.shape_cast %swap3A_448 : vector<16xf32> to vector<16xf32>
          %swap3A_450 = vector.shape_cast %add3A_444 : vector<16xf32> to vector<16xf32>
          tpu.vector_store %arg16[%swap3A_447], %swap3A_450 {strides = array<i32>} : memref<2048xf32, #tpu.memory_space<vmem>>, vector<16xf32>,
          %mul3A_451 = arith.constant 16 : i32
          %mul3A_452 = arith.muli %scan3A_249, %mul3A_451 : i32
          %add3A_453 = arith.constant 3 : i32
          %add3A_454 = arith.addi %mul3A_452, %add3A_453 : i32
          %get3A_455 = arith.index_cast %add3A_454 : i32 to index
          %get3A_456 = arith.constant 0 : index
          %get3A_457 = tpu.vector_load %arg10[%get3A_455, %get3A_456] {strides = array<i32>} : memref<128x128xf32, #tpu.memory_space<vmem>>, vector<1x16xf32>,
          %get3A_458 = vector.shape_cast %get3A_457 : vector<1x16xf32> to vector<16xf32>
          %mul3A_459 = arith.mulf %get3A_458, %get3A_64 : vector<16xf32>
          %get3A_460 = arith.index_cast %add3A_454 : i32 to index
          %get3A_461 = arith.constant 16 : index
          %get3A_462 = tpu.vector_load %arg10[%get3A_460, %get3A_461] {strides = array<i32>} : memref<128x128xf32, #tpu.memory_space<vmem>>, vector<1x16xf32>,
          %get3A_463 = vector.shape_cast %get3A_462 : vector<1x16xf32> to vector<16xf32>
          %mul3A_464 = arith.mulf %get3A_463, %get3A_69 : vector<16xf32>
          %get3A_465 = arith.index_cast %add3A_454 : i32 to index
          %get3A_466 = arith.constant 32 : index
          %get3A_467 = tpu.vector_load %arg10[%get3A_465, %get3A_466] {strides = array<i32>} : memref<128x128xf32, #tpu.memory_space<vmem>>, vector<1x16xf32>,
          %get3A_468 = vector.shape_cast %get3A_467 : vector<1x16xf32> to vector<16xf32>
          %mul3A_469 = arith.mulf %get3A_468, %get3A_74 : vector<16xf32>
          %get3A_470 = arith.index_cast %add3A_454 : i32 to index
          %get3A_471 = arith.constant 48 : index
          %get3A_472 = tpu.vector_load %arg10[%get3A_470, %get3A_471] {strides = array<i32>} : memref<128x128xf32, #tpu.memory_space<vmem>>, vector<1x16xf32>,
          %get3A_473 = vector.shape_cast %get3A_472 : vector<1x16xf32> to vector<16xf32>
          %mul3A_474 = arith.mulf %get3A_473, %get3A_79 : vector<16xf32>
          %get3A_475 = arith.index_cast %add3A_454 : i32 to index
          %get3A_476 = arith.constant 64 : index
          %get3A_477 = tpu.vector_load %arg10[%get3A_475, %get3A_476] {strides = array<i32>} : memref<128x128xf32, #tpu.memory_space<vmem>>, vector<1x16xf32>,
          %get3A_478 = vector.shape_cast %get3A_477 : vector<1x16xf32> to vector<16xf32>
          %mul3A_479 = arith.mulf %get3A_478, %get3A_84 : vector<16xf32>
          %get3A_480 = arith.index_cast %add3A_454 : i32 to index
          %get3A_481 = arith.constant 80 : index
          %get3A_482 = tpu.vector_load %arg10[%get3A_480, %get3A_481] {strides = array<i32>} : memref<128x128xf32, #tpu.memory_space<vmem>>, vector<1x16xf32>,
          %get3A_483 = vector.shape_cast %get3A_482 : vector<1x16xf32> to vector<16xf32>
          %mul3A_484 = arith.mulf %get3A_483, %get3A_89 : vector<16xf32>
          %add3A_485 = arith.addf %mul3A_459, %mul3A_464 : vector<16xf32>
          %add3A_486 = arith.addf %mul3A_469, %mul3A_474 : vector<16xf32>
          %add3A_487 = arith.addf %add3A_485, %add3A_486 : vector<16xf32>
          %add3A_488 = arith.addf %mul3A_479, %mul3A_484 : vector<16xf32>
          %add3A_489 = arith.addf %add3A_487, %add3A_488 : vector<16xf32>
          %mul3A_490 = arith.constant 16 : i32
          %mul3A_491 = arith.muli %add3A_454, %mul3A_490 : i32
          %swap3A_492 = arith.index_cast %mul3A_491 : i32 to index
          %swap3A_493 = tpu.vector_load %arg14[%swap3A_492] {strides = array<i32>} : memref<2048xf32, #tpu.memory_space<vmem>>, vector<16xf32>,
          %swap3A_494 = vector.shape_cast %swap3A_493 : vector<16xf32> to vector<16xf32>
          %swap3A_495 = vector.shape_cast %add3A_489 : vector<16xf32> to vector<16xf32>
          tpu.vector_store %arg14[%swap3A_492], %swap3A_495 {strides = array<i32>} : memref<2048xf32, #tpu.memory_space<vmem>>, vector<16xf32>,
          %get3A_496 = arith.index_cast %add3A_454 : i32 to index
          %get3A_497 = arith.constant 96 : index
          %get3A_498 = tpu.vector_load %arg10[%get3A_496, %get3A_497] {strides = array<i32>} : memref<128x128xf32, #tpu.memory_space<vmem>>, vector<1x16xf32>,
          %get3A_499 = vector.shape_cast %get3A_498 : vector<1x16xf32> to vector<16xf32>
          %add3A_500 = arith.addf %get3A_499, %add3A_170 : vector<16xf32>
          %eq3A_501 = arith.constant 4 : i32
          %eq3A_502 = vector.broadcast %eq3A_501 : i32 to vector<16xi32>
          %eq3A_503 = arith.cmpi eq, %iota3A, %eq3A_502 : vector<16xi32>
          %slice3A_504 = vector.extract_strided_slice %get3A_255 {offsets = [3], sizes = [1], strides = [1]} : vector<16xf32> to vector<1xf32>
          %squeeze3A_505 = vector.extract %slice3A_504[0] : f32 from vector<1xf32>
          %jit3A_506 = arith.constant 0.000000e+00 : f32
          %broadcast_in_dim3A_507 = vector.broadcast %squeeze3A_505 : f32 to vector<16xf32>
          %broadcast_in_dim3A_508 = vector.broadcast %jit3A_506 : f32 to vector<16xf32>
          %select_n3A_509 = arith.select %eq3A_503, %broadcast_in_dim3A_507, %broadcast_in_dim3A_508 : vector<16xi1>, vector<16xf32>
          %add3A_510 = arith.addf %add3A_500, %select_n3A_509 : vector<16xf32>
          %mul3A_511 = arith.constant 16 : i32
          %mul3A_512 = arith.muli %add3A_454, %mul3A_511 : i32
          %swap3A_513 = arith.index_cast %mul3A_512 : i32 to index
          %swap3A_514 = tpu.vector_load %arg16[%swap3A_513] {strides = array<i32>} : memref<2048xf32, #tpu.memory_space<vmem>>, vector<16xf32>,
          %swap3A_515 = vector.shape_cast %swap3A_514 : vector<16xf32> to vector<16xf32>
          %swap3A_516 = vector.shape_cast %add3A_510 : vector<16xf32> to vector<16xf32>
          tpu.vector_store %arg16[%swap3A_513], %swap3A_516 {strides = array<i32>} : memref<2048xf32, #tpu.memory_space<vmem>>, vector<16xf32>,
          %mul3A_517 = arith.constant 16 : i32
          %mul3A_518 = arith.muli %scan3A_249, %mul3A_517 : i32
          %add3A_519 = arith.constant 4 : i32
          %add3A_520 = arith.addi %mul3A_518, %add3A_519 : i32
          %get3A_521 = arith.index_cast %add3A_520 : i32 to index
          %get3A_522 = arith.constant 0 : index
          %get3A_523 = tpu.vector_load %arg10[%get3A_521, %get3A_522] {strides = array<i32>} : memref<128x128xf32, #tpu.memory_space<vmem>>, vector<1x16xf32>,
          %get3A_524 = vector.shape_cast %get3A_523 : vector<1x16xf32> to vector<16xf32>
          %mul3A_525 = arith.mulf %get3A_524, %get3A_64 : vector<16xf32>
          %get3A_526 = arith.index_cast %add3A_520 : i32 to index
          %get3A_527 = arith.constant 16 : index
          %get3A_528 = tpu.vector_load %arg10[%get3A_526, %get3A_527] {strides = array<i32>} : memref<128x128xf32, #tpu.memory_space<vmem>>, vector<1x16xf32>,
          %get3A_529 = vector.shape_cast %get3A_528 : vector<1x16xf32> to vector<16xf32>
          %mul3A_530 = arith.mulf %get3A_529, %get3A_69 : vector<16xf32>
          %get3A_531 = arith.index_cast %add3A_520 : i32 to index
          %get3A_532 = arith.constant 32 : index
          %get3A_533 = tpu.vector_load %arg10[%get3A_531, %get3A_532] {strides = array<i32>} : memref<128x128xf32, #tpu.memory_space<vmem>>, vector<1x16xf32>,
          %get3A_534 = vector.shape_cast %get3A_533 : vector<1x16xf32> to vector<16xf32>
          %mul3A_535 = arith.mulf %get3A_534, %get3A_74 : vector<16xf32>
          %get3A_536 = arith.index_cast %add3A_520 : i32 to index
          %get3A_537 = arith.constant 48 : index
          %get3A_538 = tpu.vector_load %arg10[%get3A_536, %get3A_537] {strides = array<i32>} : memref<128x128xf32, #tpu.memory_space<vmem>>, vector<1x16xf32>,
          %get3A_539 = vector.shape_cast %get3A_538 : vector<1x16xf32> to vector<16xf32>
          %mul3A_540 = arith.mulf %get3A_539, %get3A_79 : vector<16xf32>
          %get3A_541 = arith.index_cast %add3A_520 : i32 to index
          %get3A_542 = arith.constant 64 : index
          %get3A_543 = tpu.vector_load %arg10[%get3A_541, %get3A_542] {strides = array<i32>} : memref<128x128xf32, #tpu.memory_space<vmem>>, vector<1x16xf32>,
          %get3A_544 = vector.shape_cast %get3A_543 : vector<1x16xf32> to vector<16xf32>
          %mul3A_545 = arith.mulf %get3A_544, %get3A_84 : vector<16xf32>
          %get3A_546 = arith.index_cast %add3A_520 : i32 to index
          %get3A_547 = arith.constant 80 : index
          %get3A_548 = tpu.vector_load %arg10[%get3A_546, %get3A_547] {strides = array<i32>} : memref<128x128xf32, #tpu.memory_space<vmem>>, vector<1x16xf32>,
          %get3A_549 = vector.shape_cast %get3A_548 : vector<1x16xf32> to vector<16xf32>
          %mul3A_550 = arith.mulf %get3A_549, %get3A_89 : vector<16xf32>
          %add3A_551 = arith.addf %mul3A_525, %mul3A_530 : vector<16xf32>
          %add3A_552 = arith.addf %mul3A_535, %mul3A_540 : vector<16xf32>
          %add3A_553 = arith.addf %add3A_551, %add3A_552 : vector<16xf32>
          %add3A_554 = arith.addf %mul3A_545, %mul3A_550 : vector<16xf32>
          %add3A_555 = arith.addf %add3A_553, %add3A_554 : vector<16xf32>
          %mul3A_556 = arith.constant 16 : i32
          %mul3A_557 = arith.muli %add3A_520, %mul3A_556 : i32
          %swap3A_558 = arith.index_cast %mul3A_557 : i32 to index
          %swap3A_559 = tpu.vector_load %arg14[%swap3A_558] {strides = array<i32>} : memref<2048xf32, #tpu.memory_space<vmem>>, vector<16xf32>,
          %swap3A_560 = vector.shape_cast %swap3A_559 : vector<16xf32> to vector<16xf32>
          %swap3A_561 = vector.shape_cast %add3A_555 : vector<16xf32> to vector<16xf32>
          tpu.vector_store %arg14[%swap3A_558], %swap3A_561 {strides = array<i32>} : memref<2048xf32, #tpu.memory_space<vmem>>, vector<16xf32>,
          %get3A_562 = arith.index_cast %add3A_520 : i32 to index
          %get3A_563 = arith.constant 96 : index
          %get3A_564 = tpu.vector_load %arg10[%get3A_562, %get3A_563] {strides = array<i32>} : memref<128x128xf32, #tpu.memory_space<vmem>>, vector<1x16xf32>,
          %get3A_565 = vector.shape_cast %get3A_564 : vector<1x16xf32> to vector<16xf32>
          %add3A_566 = arith.addf %get3A_565, %add3A_170 : vector<16xf32>
          %eq3A_567 = arith.constant 4 : i32
          %eq3A_568 = vector.broadcast %eq3A_567 : i32 to vector<16xi32>
          %eq3A_569 = arith.cmpi eq, %iota3A, %eq3A_568 : vector<16xi32>
          %slice3A_570 = vector.extract_strided_slice %get3A_255 {offsets = [4], sizes = [1], strides = [1]} : vector<16xf32> to vector<1xf32>
          %squeeze3A_571 = vector.extract %slice3A_570[0] : f32 from vector<1xf32>
          %jit3A_572 = arith.constant 0.000000e+00 : f32
          %broadcast_in_dim3A_573 = vector.broadcast %squeeze3A_571 : f32 to vector<16xf32>
          %broadcast_in_dim3A_574 = vector.broadcast %jit3A_572 : f32 to vector<16xf32>
          %select_n3A_575 = arith.select %eq3A_569, %broadcast_in_dim3A_573, %broadcast_in_dim3A_574 : vector<16xi1>, vector<16xf32>
          %add3A_576 = arith.addf %add3A_566, %select_n3A_575 : vector<16xf32>
          %mul3A_577 = arith.constant 16 : i32
          %mul3A_578 = arith.muli %add3A_520, %mul3A_577 : i32
          %swap3A_579 = arith.index_cast %mul3A_578 : i32 to index
          %swap3A_580 = tpu.vector_load %arg16[%swap3A_579] {strides = array<i32>} : memref<2048xf32, #tpu.memory_space<vmem>>, vector<16xf32>,
          %swap3A_581 = vector.shape_cast %swap3A_580 : vector<16xf32> to vector<16xf32>
          %swap3A_582 = vector.shape_cast %add3A_576 : vector<16xf32> to vector<16xf32>
          tpu.vector_store %arg16[%swap3A_579], %swap3A_582 {strides = array<i32>} : memref<2048xf32, #tpu.memory_space<vmem>>, vector<16xf32>,
          %mul3A_583 = arith.constant 16 : i32
          %mul3A_584 = arith.muli %scan3A_249, %mul3A_583 : i32
          %add3A_585 = arith.constant 5 : i32
          %add3A_586 = arith.addi %mul3A_584, %add3A_585 : i32
          %get3A_587 = arith.index_cast %add3A_586 : i32 to index
          %get3A_588 = arith.constant 0 : index
          %get3A_589 = tpu.vector_load %arg10[%get3A_587, %get3A_588] {strides = array<i32>} : memref<128x128xf32, #tpu.memory_space<vmem>>, vector<1x16xf32>,
          %get3A_590 = vector.shape_cast %get3A_589 : vector<1x16xf32> to vector<16xf32>
          %mul3A_591 = arith.mulf %get3A_590, %get3A_64 : vector<16xf32>
          %get3A_592 = arith.index_cast %add3A_586 : i32 to index
          %get3A_593 = arith.constant 16 : index
          %get3A_594 = tpu.vector_load %arg10[%get3A_592, %get3A_593] {strides = array<i32>} : memref<128x128xf32, #tpu.memory_space<vmem>>, vector<1x16xf32>,
          %get3A_595 = vector.shape_cast %get3A_594 : vector<1x16xf32> to vector<16xf32>
          %mul3A_596 = arith.mulf %get3A_595, %get3A_69 : vector<16xf32>
          %get3A_597 = arith.index_cast %add3A_586 : i32 to index
          %get3A_598 = arith.constant 32 : index
          %get3A_599 = tpu.vector_load %arg10[%get3A_597, %get3A_598] {strides = array<i32>} : memref<128x128xf32, #tpu.memory_space<vmem>>, vector<1x16xf32>,
          %get3A_600 = vector.shape_cast %get3A_599 : vector<1x16xf32> to vector<16xf32>
          %mul3A_601 = arith.mulf %get3A_600, %get3A_74 : vector<16xf32>
          %get3A_602 = arith.index_cast %add3A_586 : i32 to index
          %get3A_603 = arith.constant 48 : index
          %get3A_604 = tpu.vector_load %arg10[%get3A_602, %get3A_603] {strides = array<i32>} : memref<128x128xf32, #tpu.memory_space<vmem>>, vector<1x16xf32>,
          %get3A_605 = vector.shape_cast %get3A_604 : vector<1x16xf32> to vector<16xf32>
          %mul3A_606 = arith.mulf %get3A_605, %get3A_79 : vector<16xf32>
          %get3A_607 = arith.index_cast %add3A_586 : i32 to index
          %get3A_608 = arith.constant 64 : index
          %get3A_609 = tpu.vector_load %arg10[%get3A_607, %get3A_608] {strides = array<i32>} : memref<128x128xf32, #tpu.memory_space<vmem>>, vector<1x16xf32>,
          %get3A_610 = vector.shape_cast %get3A_609 : vector<1x16xf32> to vector<16xf32>
          %mul3A_611 = arith.mulf %get3A_610, %get3A_84 : vector<16xf32>
          %get3A_612 = arith.index_cast %add3A_586 : i32 to index
          %get3A_613 = arith.constant 80 : index
          %get3A_614 = tpu.vector_load %arg10[%get3A_612, %get3A_613] {strides = array<i32>} : memref<128x128xf32, #tpu.memory_space<vmem>>, vector<1x16xf32>,
          %get3A_615 = vector.shape_cast %get3A_614 : vector<1x16xf32> to vector<16xf32>
          %mul3A_616 = arith.mulf %get3A_615, %get3A_89 : vector<16xf32>
          %add3A_617 = arith.addf %mul3A_591, %mul3A_596 : vector<16xf32>
          %add3A_618 = arith.addf %mul3A_601, %mul3A_606 : vector<16xf32>
          %add3A_619 = arith.addf %add3A_617, %add3A_618 : vector<16xf32>
          %add3A_620 = arith.addf %mul3A_611, %mul3A_616 : vector<16xf32>
          %add3A_621 = arith.addf %add3A_619, %add3A_620 : vector<16xf32>
          %mul3A_622 = arith.constant 16 : i32
          %mul3A_623 = arith.muli %add3A_586, %mul3A_622 : i32
          %swap3A_624 = arith.index_cast %mul3A_623 : i32 to index
          %swap3A_625 = tpu.vector_load %arg14[%swap3A_624] {strides = array<i32>} : memref<2048xf32, #tpu.memory_space<vmem>>, vector<16xf32>,
          %swap3A_626 = vector.shape_cast %swap3A_625 : vector<16xf32> to vector<16xf32>
          %swap3A_627 = vector.shape_cast %add3A_621 : vector<16xf32> to vector<16xf32>
          tpu.vector_store %arg14[%swap3A_624], %swap3A_627 {strides = array<i32>} : memref<2048xf32, #tpu.memory_space<vmem>>, vector<16xf32>,
          %get3A_628 = arith.index_cast %add3A_586 : i32 to index
          %get3A_629 = arith.constant 96 : index
          %get3A_630 = tpu.vector_load %arg10[%get3A_628, %get3A_629] {strides = array<i32>} : memref<128x128xf32, #tpu.memory_space<vmem>>, vector<1x16xf32>,
          %get3A_631 = vector.shape_cast %get3A_630 : vector<1x16xf32> to vector<16xf32>
          %add3A_632 = arith.addf %get3A_631, %add3A_170 : vector<16xf32>
          %eq3A_633 = arith.constant 4 : i32
          %eq3A_634 = vector.broadcast %eq3A_633 : i32 to vector<16xi32>
          %eq3A_635 = arith.cmpi eq, %iota3A, %eq3A_634 : vector<16xi32>
          %slice3A_636 = vector.extract_strided_slice %get3A_255 {offsets = [5], sizes = [1], strides = [1]} : vector<16xf32> to vector<1xf32>
          %squeeze3A_637 = vector.extract %slice3A_636[0] : f32 from vector<1xf32>
          %jit3A_638 = arith.constant 0.000000e+00 : f32
          %broadcast_in_dim3A_639 = vector.broadcast %squeeze3A_637 : f32 to vector<16xf32>
          %broadcast_in_dim3A_640 = vector.broadcast %jit3A_638 : f32 to vector<16xf32>
          %select_n3A_641 = arith.select %eq3A_635, %broadcast_in_dim3A_639, %broadcast_in_dim3A_640 : vector<16xi1>, vector<16xf32>
          %add3A_642 = arith.addf %add3A_632, %select_n3A_641 : vector<16xf32>
          %mul3A_643 = arith.constant 16 : i32
          %mul3A_644 = arith.muli %add3A_586, %mul3A_643 : i32
          %swap3A_645 = arith.index_cast %mul3A_644 : i32 to index
          %swap3A_646 = tpu.vector_load %arg16[%swap3A_645] {strides = array<i32>} : memref<2048xf32, #tpu.memory_space<vmem>>, vector<16xf32>,
          %swap3A_647 = vector.shape_cast %swap3A_646 : vector<16xf32> to vector<16xf32>
          %swap3A_648 = vector.shape_cast %add3A_642 : vector<16xf32> to vector<16xf32>
          tpu.vector_store %arg16[%swap3A_645], %swap3A_648 {strides = array<i32>} : memref<2048xf32, #tpu.memory_space<vmem>>, vector<16xf32>,
          %mul3A_649 = arith.constant 16 : i32
          %mul3A_650 = arith.muli %scan3A_249, %mul3A_649 : i32
          %add3A_651 = arith.constant 6 : i32
          %add3A_652 = arith.addi %mul3A_650, %add3A_651 : i32
          %get3A_653 = arith.index_cast %add3A_652 : i32 to index
          %get3A_654 = arith.constant 0 : index
          %get3A_655 = tpu.vector_load %arg10[%get3A_653, %get3A_654] {strides = array<i32>} : memref<128x128xf32, #tpu.memory_space<vmem>>, vector<1x16xf32>,
          %get3A_656 = vector.shape_cast %get3A_655 : vector<1x16xf32> to vector<16xf32>
          %mul3A_657 = arith.mulf %get3A_656, %get3A_64 : vector<16xf32>
          %get3A_658 = arith.index_cast %add3A_652 : i32 to index
          %get3A_659 = arith.constant 16 : index
          %get3A_660 = tpu.vector_load %arg10[%get3A_658, %get3A_659] {strides = array<i32>} : memref<128x128xf32, #tpu.memory_space<vmem>>, vector<1x16xf32>,
          %get3A_661 = vector.shape_cast %get3A_660 : vector<1x16xf32> to vector<16xf32>
          %mul3A_662 = arith.mulf %get3A_661, %get3A_69 : vector<16xf32>
          %get3A_663 = arith.index_cast %add3A_652 : i32 to index
          %get3A_664 = arith.constant 32 : index
          %get3A_665 = tpu.vector_load %arg10[%get3A_663, %get3A_664] {strides = array<i32>} : memref<128x128xf32, #tpu.memory_space<vmem>>, vector<1x16xf32>,
          %get3A_666 = vector.shape_cast %get3A_665 : vector<1x16xf32> to vector<16xf32>
          %mul3A_667 = arith.mulf %get3A_666, %get3A_74 : vector<16xf32>
          %get3A_668 = arith.index_cast %add3A_652 : i32 to index
          %get3A_669 = arith.constant 48 : index
          %get3A_670 = tpu.vector_load %arg10[%get3A_668, %get3A_669] {strides = array<i32>} : memref<128x128xf32, #tpu.memory_space<vmem>>, vector<1x16xf32>,
          %get3A_671 = vector.shape_cast %get3A_670 : vector<1x16xf32> to vector<16xf32>
          %mul3A_672 = arith.mulf %get3A_671, %get3A_79 : vector<16xf32>
          %get3A_673 = arith.index_cast %add3A_652 : i32 to index
          %get3A_674 = arith.constant 64 : index
          %get3A_675 = tpu.vector_load %arg10[%get3A_673, %get3A_674] {strides = array<i32>} : memref<128x128xf32, #tpu.memory_space<vmem>>, vector<1x16xf32>,
          %get3A_676 = vector.shape_cast %get3A_675 : vector<1x16xf32> to vector<16xf32>
          %mul3A_677 = arith.mulf %get3A_676, %get3A_84 : vector<16xf32>
          %get3A_678 = arith.index_cast %add3A_652 : i32 to index
          %get3A_679 = arith.constant 80 : index
          %get3A_680 = tpu.vector_load %arg10[%get3A_678, %get3A_679] {strides = array<i32>} : memref<128x128xf32, #tpu.memory_space<vmem>>, vector<1x16xf32>,
          %get3A_681 = vector.shape_cast %get3A_680 : vector<1x16xf32> to vector<16xf32>
          %mul3A_682 = arith.mulf %get3A_681, %get3A_89 : vector<16xf32>
          %add3A_683 = arith.addf %mul3A_657, %mul3A_662 : vector<16xf32>
          %add3A_684 = arith.addf %mul3A_667, %mul3A_672 : vector<16xf32>
          %add3A_685 = arith.addf %add3A_683, %add3A_684 : vector<16xf32>
          %add3A_686 = arith.addf %mul3A_677, %mul3A_682 : vector<16xf32>
          %add3A_687 = arith.addf %add3A_685, %add3A_686 : vector<16xf32>
          %mul3A_688 = arith.constant 16 : i32
          %mul3A_689 = arith.muli %add3A_652, %mul3A_688 : i32
          %swap3A_690 = arith.index_cast %mul3A_689 : i32 to index
          %swap3A_691 = tpu.vector_load %arg14[%swap3A_690] {strides = array<i32>} : memref<2048xf32, #tpu.memory_space<vmem>>, vector<16xf32>,
          %swap3A_692 = vector.shape_cast %swap3A_691 : vector<16xf32> to vector<16xf32>
          %swap3A_693 = vector.shape_cast %add3A_687 : vector<16xf32> to vector<16xf32>
          tpu.vector_store %arg14[%swap3A_690], %swap3A_693 {strides = array<i32>} : memref<2048xf32, #tpu.memory_space<vmem>>, vector<16xf32>,
          %get3A_694 = arith.index_cast %add3A_652 : i32 to index
          %get3A_695 = arith.constant 96 : index
          %get3A_696 = tpu.vector_load %arg10[%get3A_694, %get3A_695] {strides = array<i32>} : memref<128x128xf32, #tpu.memory_space<vmem>>, vector<1x16xf32>,
          %get3A_697 = vector.shape_cast %get3A_696 : vector<1x16xf32> to vector<16xf32>
          %add3A_698 = arith.addf %get3A_697, %add3A_170 : vector<16xf32>
          %eq3A_699 = arith.constant 4 : i32
          %eq3A_700 = vector.broadcast %eq3A_699 : i32 to vector<16xi32>
          %eq3A_701 = arith.cmpi eq, %iota3A, %eq3A_700 : vector<16xi32>
          %slice3A_702 = vector.extract_strided_slice %get3A_255 {offsets = [6], sizes = [1], strides = [1]} : vector<16xf32> to vector<1xf32>
          %squeeze3A_703 = vector.extract %slice3A_702[0] : f32 from vector<1xf32>
          %jit3A_704 = arith.constant 0.000000e+00 : f32
          %broadcast_in_dim3A_705 = vector.broadcast %squeeze3A_703 : f32 to vector<16xf32>
          %broadcast_in_dim3A_706 = vector.broadcast %jit3A_704 : f32 to vector<16xf32>
          %select_n3A_707 = arith.select %eq3A_701, %broadcast_in_dim3A_705, %broadcast_in_dim3A_706 : vector<16xi1>, vector<16xf32>
          %add3A_708 = arith.addf %add3A_698, %select_n3A_707 : vector<16xf32>
          %mul3A_709 = arith.constant 16 : i32
          %mul3A_710 = arith.muli %add3A_652, %mul3A_709 : i32
          %swap3A_711 = arith.index_cast %mul3A_710 : i32 to index
          %swap3A_712 = tpu.vector_load %arg16[%swap3A_711] {strides = array<i32>} : memref<2048xf32, #tpu.memory_space<vmem>>, vector<16xf32>,
          %swap3A_713 = vector.shape_cast %swap3A_712 : vector<16xf32> to vector<16xf32>
          %swap3A_714 = vector.shape_cast %add3A_708 : vector<16xf32> to vector<16xf32>
          tpu.vector_store %arg16[%swap3A_711], %swap3A_714 {strides = array<i32>} : memref<2048xf32, #tpu.memory_space<vmem>>, vector<16xf32>,
          %mul3A_715 = arith.constant 16 : i32
          %mul3A_716 = arith.muli %scan3A_249, %mul3A_715 : i32
          %add3A_717 = arith.constant 7 : i32
          %add3A_718 = arith.addi %mul3A_716, %add3A_717 : i32
          %get3A_719 = arith.index_cast %add3A_718 : i32 to index
          %get3A_720 = arith.constant 0 : index
          %get3A_721 = tpu.vector_load %arg10[%get3A_719, %get3A_720] {strides = array<i32>} : memref<128x128xf32, #tpu.memory_space<vmem>>, vector<1x16xf32>,
          %get3A_722 = vector.shape_cast %get3A_721 : vector<1x16xf32> to vector<16xf32>
          %mul3A_723 = arith.mulf %get3A_722, %get3A_64 : vector<16xf32>
          %get3A_724 = arith.index_cast %add3A_718 : i32 to index
          %get3A_725 = arith.constant 16 : index
          %get3A_726 = tpu.vector_load %arg10[%get3A_724, %get3A_725] {strides = array<i32>} : memref<128x128xf32, #tpu.memory_space<vmem>>, vector<1x16xf32>,
          %get3A_727 = vector.shape_cast %get3A_726 : vector<1x16xf32> to vector<16xf32>
          %mul3A_728 = arith.mulf %get3A_727, %get3A_69 : vector<16xf32>
          %get3A_729 = arith.index_cast %add3A_718 : i32 to index
          %get3A_730 = arith.constant 32 : index
          %get3A_731 = tpu.vector_load %arg10[%get3A_729, %get3A_730] {strides = array<i32>} : memref<128x128xf32, #tpu.memory_space<vmem>>, vector<1x16xf32>,
          %get3A_732 = vector.shape_cast %get3A_731 : vector<1x16xf32> to vector<16xf32>
          %mul3A_733 = arith.mulf %get3A_732, %get3A_74 : vector<16xf32>
          %get3A_734 = arith.index_cast %add3A_718 : i32 to index
          %get3A_735 = arith.constant 48 : index
          %get3A_736 = tpu.vector_load %arg10[%get3A_734, %get3A_735] {strides = array<i32>} : memref<128x128xf32, #tpu.memory_space<vmem>>, vector<1x16xf32>,
          %get3A_737 = vector.shape_cast %get3A_736 : vector<1x16xf32> to vector<16xf32>
          %mul3A_738 = arith.mulf %get3A_737, %get3A_79 : vector<16xf32>
          %get3A_739 = arith.index_cast %add3A_718 : i32 to index
          %get3A_740 = arith.constant 64 : index
          %get3A_741 = tpu.vector_load %arg10[%get3A_739, %get3A_740] {strides = array<i32>} : memref<128x128xf32, #tpu.memory_space<vmem>>, vector<1x16xf32>,
          %get3A_742 = vector.shape_cast %get3A_741 : vector<1x16xf32> to vector<16xf32>
          %mul3A_743 = arith.mulf %get3A_742, %get3A_84 : vector<16xf32>
          %get3A_744 = arith.index_cast %add3A_718 : i32 to index
          %get3A_745 = arith.constant 80 : index
          %get3A_746 = tpu.vector_load %arg10[%get3A_744, %get3A_745] {strides = array<i32>} : memref<128x128xf32, #tpu.memory_space<vmem>>, vector<1x16xf32>,
          %get3A_747 = vector.shape_cast %get3A_746 : vector<1x16xf32> to vector<16xf32>
          %mul3A_748 = arith.mulf %get3A_747, %get3A_89 : vector<16xf32>
          %add3A_749 = arith.addf %mul3A_723, %mul3A_728 : vector<16xf32>
          %add3A_750 = arith.addf %mul3A_733, %mul3A_738 : vector<16xf32>
          %add3A_751 = arith.addf %add3A_749, %add3A_750 : vector<16xf32>
          %add3A_752 = arith.addf %mul3A_743, %mul3A_748 : vector<16xf32>
          %add3A_753 = arith.addf %add3A_751, %add3A_752 : vector<16xf32>
          %mul3A_754 = arith.constant 16 : i32
          %mul3A_755 = arith.muli %add3A_718, %mul3A_754 : i32
          %swap3A_756 = arith.index_cast %mul3A_755 : i32 to index
          %swap3A_757 = tpu.vector_load %arg14[%swap3A_756] {strides = array<i32>} : memref<2048xf32, #tpu.memory_space<vmem>>, vector<16xf32>,
          %swap3A_758 = vector.shape_cast %swap3A_757 : vector<16xf32> to vector<16xf32>
          %swap3A_759 = vector.shape_cast %add3A_753 : vector<16xf32> to vector<16xf32>
          tpu.vector_store %arg14[%swap3A_756], %swap3A_759 {strides = array<i32>} : memref<2048xf32, #tpu.memory_space<vmem>>, vector<16xf32>,
          %get3A_760 = arith.index_cast %add3A_718 : i32 to index
          %get3A_761 = arith.constant 96 : index
          %get3A_762 = tpu.vector_load %arg10[%get3A_760, %get3A_761] {strides = array<i32>} : memref<128x128xf32, #tpu.memory_space<vmem>>, vector<1x16xf32>,
          %get3A_763 = vector.shape_cast %get3A_762 : vector<1x16xf32> to vector<16xf32>
          %add3A_764 = arith.addf %get3A_763, %add3A_170 : vector<16xf32>
          %eq3A_765 = arith.constant 4 : i32
          %eq3A_766 = vector.broadcast %eq3A_765 : i32 to vector<16xi32>
          %eq3A_767 = arith.cmpi eq, %iota3A, %eq3A_766 : vector<16xi32>
          %slice3A_768 = vector.extract_strided_slice %get3A_255 {offsets = [7], sizes = [1], strides = [1]} : vector<16xf32> to vector<1xf32>
          %squeeze3A_769 = vector.extract %slice3A_768[0] : f32 from vector<1xf32>
          %jit3A_770 = arith.constant 0.000000e+00 : f32
          %broadcast_in_dim3A_771 = vector.broadcast %squeeze3A_769 : f32 to vector<16xf32>
          %broadcast_in_dim3A_772 = vector.broadcast %jit3A_770 : f32 to vector<16xf32>
          %select_n3A_773 = arith.select %eq3A_767, %broadcast_in_dim3A_771, %broadcast_in_dim3A_772 : vector<16xi1>, vector<16xf32>
          %add3A_774 = arith.addf %add3A_764, %select_n3A_773 : vector<16xf32>
          %mul3A_775 = arith.constant 16 : i32
          %mul3A_776 = arith.muli %add3A_718, %mul3A_775 : i32
          %swap3A_777 = arith.index_cast %mul3A_776 : i32 to index
          %swap3A_778 = tpu.vector_load %arg16[%swap3A_777] {strides = array<i32>} : memref<2048xf32, #tpu.memory_space<vmem>>, vector<16xf32>,
          %swap3A_779 = vector.shape_cast %swap3A_778 : vector<16xf32> to vector<16xf32>
          %swap3A_780 = vector.shape_cast %add3A_774 : vector<16xf32> to vector<16xf32>
          tpu.vector_store %arg16[%swap3A_777], %swap3A_780 {strides = array<i32>} : memref<2048xf32, #tpu.memory_space<vmem>>, vector<16xf32>,
          %mul3A_781 = arith.constant 16 : i32
          %mul3A_782 = arith.muli %scan3A_249, %mul3A_781 : i32
          %add3A_783 = arith.constant 8 : i32
          %add3A_784 = arith.addi %mul3A_782, %add3A_783 : i32
          %get3A_785 = arith.index_cast %add3A_784 : i32 to index
          %get3A_786 = arith.constant 0 : index
          %get3A_787 = tpu.vector_load %arg10[%get3A_785, %get3A_786] {strides = array<i32>} : memref<128x128xf32, #tpu.memory_space<vmem>>, vector<1x16xf32>,
          %get3A_788 = vector.shape_cast %get3A_787 : vector<1x16xf32> to vector<16xf32>
          %mul3A_789 = arith.mulf %get3A_788, %get3A_64 : vector<16xf32>
          %get3A_790 = arith.index_cast %add3A_784 : i32 to index
          %get3A_791 = arith.constant 16 : index
          %get3A_792 = tpu.vector_load %arg10[%get3A_790, %get3A_791] {strides = array<i32>} : memref<128x128xf32, #tpu.memory_space<vmem>>, vector<1x16xf32>,
          %get3A_793 = vector.shape_cast %get3A_792 : vector<1x16xf32> to vector<16xf32>
          %mul3A_794 = arith.mulf %get3A_793, %get3A_69 : vector<16xf32>
          %get3A_795 = arith.index_cast %add3A_784 : i32 to index
          %get3A_796 = arith.constant 32 : index
          %get3A_797 = tpu.vector_load %arg10[%get3A_795, %get3A_796] {strides = array<i32>} : memref<128x128xf32, #tpu.memory_space<vmem>>, vector<1x16xf32>,
          %get3A_798 = vector.shape_cast %get3A_797 : vector<1x16xf32> to vector<16xf32>
          %mul3A_799 = arith.mulf %get3A_798, %get3A_74 : vector<16xf32>
          %get3A_800 = arith.index_cast %add3A_784 : i32 to index
          %get3A_801 = arith.constant 48 : index
          %get3A_802 = tpu.vector_load %arg10[%get3A_800, %get3A_801] {strides = array<i32>} : memref<128x128xf32, #tpu.memory_space<vmem>>, vector<1x16xf32>,
          %get3A_803 = vector.shape_cast %get3A_802 : vector<1x16xf32> to vector<16xf32>
          %mul3A_804 = arith.mulf %get3A_803, %get3A_79 : vector<16xf32>
          %get3A_805 = arith.index_cast %add3A_784 : i32 to index
          %get3A_806 = arith.constant 64 : index
          %get3A_807 = tpu.vector_load %arg10[%get3A_805, %get3A_806] {strides = array<i32>} : memref<128x128xf32, #tpu.memory_space<vmem>>, vector<1x16xf32>,
          %get3A_808 = vector.shape_cast %get3A_807 : vector<1x16xf32> to vector<16xf32>
          %mul3A_809 = arith.mulf %get3A_808, %get3A_84 : vector<16xf32>
          %get3A_810 = arith.index_cast %add3A_784 : i32 to index
          %get3A_811 = arith.constant 80 : index
          %get3A_812 = tpu.vector_load %arg10[%get3A_810, %get3A_811] {strides = array<i32>} : memref<128x128xf32, #tpu.memory_space<vmem>>, vector<1x16xf32>,
          %get3A_813 = vector.shape_cast %get3A_812 : vector<1x16xf32> to vector<16xf32>
          %mul3A_814 = arith.mulf %get3A_813, %get3A_89 : vector<16xf32>
          %add3A_815 = arith.addf %mul3A_789, %mul3A_794 : vector<16xf32>
          %add3A_816 = arith.addf %mul3A_799, %mul3A_804 : vector<16xf32>
          %add3A_817 = arith.addf %add3A_815, %add3A_816 : vector<16xf32>
          %add3A_818 = arith.addf %mul3A_809, %mul3A_814 : vector<16xf32>
          %add3A_819 = arith.addf %add3A_817, %add3A_818 : vector<16xf32>
          %mul3A_820 = arith.constant 16 : i32
          %mul3A_821 = arith.muli %add3A_784, %mul3A_820 : i32
          %swap3A_822 = arith.index_cast %mul3A_821 : i32 to index
          %swap3A_823 = tpu.vector_load %arg14[%swap3A_822] {strides = array<i32>} : memref<2048xf32, #tpu.memory_space<vmem>>, vector<16xf32>,
          %swap3A_824 = vector.shape_cast %swap3A_823 : vector<16xf32> to vector<16xf32>
          %swap3A_825 = vector.shape_cast %add3A_819 : vector<16xf32> to vector<16xf32>
          tpu.vector_store %arg14[%swap3A_822], %swap3A_825 {strides = array<i32>} : memref<2048xf32, #tpu.memory_space<vmem>>, vector<16xf32>,
          %get3A_826 = arith.index_cast %add3A_784 : i32 to index
          %get3A_827 = arith.constant 96 : index
          %get3A_828 = tpu.vector_load %arg10[%get3A_826, %get3A_827] {strides = array<i32>} : memref<128x128xf32, #tpu.memory_space<vmem>>, vector<1x16xf32>,
          %get3A_829 = vector.shape_cast %get3A_828 : vector<1x16xf32> to vector<16xf32>
          %add3A_830 = arith.addf %get3A_829, %add3A_170 : vector<16xf32>
          %eq3A_831 = arith.constant 4 : i32
          %eq3A_832 = vector.broadcast %eq3A_831 : i32 to vector<16xi32>
          %eq3A_833 = arith.cmpi eq, %iota3A, %eq3A_832 : vector<16xi32>
          %slice3A_834 = vector.extract_strided_slice %get3A_255 {offsets = [8], sizes = [1], strides = [1]} : vector<16xf32> to vector<1xf32>
          %squeeze3A_835 = vector.extract %slice3A_834[0] : f32 from vector<1xf32>
          %jit3A_836 = arith.constant 0.000000e+00 : f32
          %broadcast_in_dim3A_837 = vector.broadcast %squeeze3A_835 : f32 to vector<16xf32>
          %broadcast_in_dim3A_838 = vector.broadcast %jit3A_836 : f32 to vector<16xf32>
          %select_n3A_839 = arith.select %eq3A_833, %broadcast_in_dim3A_837, %broadcast_in_dim3A_838 : vector<16xi1>, vector<16xf32>
          %add3A_840 = arith.addf %add3A_830, %select_n3A_839 : vector<16xf32>
          %mul3A_841 = arith.constant 16 : i32
          %mul3A_842 = arith.muli %add3A_784, %mul3A_841 : i32
          %swap3A_843 = arith.index_cast %mul3A_842 : i32 to index
          %swap3A_844 = tpu.vector_load %arg16[%swap3A_843] {strides = array<i32>} : memref<2048xf32, #tpu.memory_space<vmem>>, vector<16xf32>,
          %swap3A_845 = vector.shape_cast %swap3A_844 : vector<16xf32> to vector<16xf32>
          %swap3A_846 = vector.shape_cast %add3A_840 : vector<16xf32> to vector<16xf32>
          tpu.vector_store %arg16[%swap3A_843], %swap3A_846 {strides = array<i32>} : memref<2048xf32, #tpu.memory_space<vmem>>, vector<16xf32>,
          %mul3A_847 = arith.constant 16 : i32
          %mul3A_848 = arith.muli %scan3A_249, %mul3A_847 : i32
          %add3A_849 = arith.constant 9 : i32
          %add3A_850 = arith.addi %mul3A_848, %add3A_849 : i32
          %get3A_851 = arith.index_cast %add3A_850 : i32 to index
          %get3A_852 = arith.constant 0 : index
          %get3A_853 = tpu.vector_load %arg10[%get3A_851, %get3A_852] {strides = array<i32>} : memref<128x128xf32, #tpu.memory_space<vmem>>, vector<1x16xf32>,
          %get3A_854 = vector.shape_cast %get3A_853 : vector<1x16xf32> to vector<16xf32>
          %mul3A_855 = arith.mulf %get3A_854, %get3A_64 : vector<16xf32>
          %get3A_856 = arith.index_cast %add3A_850 : i32 to index
          %get3A_857 = arith.constant 16 : index
          %get3A_858 = tpu.vector_load %arg10[%get3A_856, %get3A_857] {strides = array<i32>} : memref<128x128xf32, #tpu.memory_space<vmem>>, vector<1x16xf32>,
          %get3A_859 = vector.shape_cast %get3A_858 : vector<1x16xf32> to vector<16xf32>
          %mul3A_860 = arith.mulf %get3A_859, %get3A_69 : vector<16xf32>
          %get3A_861 = arith.index_cast %add3A_850 : i32 to index
          %get3A_862 = arith.constant 32 : index
          %get3A_863 = tpu.vector_load %arg10[%get3A_861, %get3A_862] {strides = array<i32>} : memref<128x128xf32, #tpu.memory_space<vmem>>, vector<1x16xf32>,
          %get3A_864 = vector.shape_cast %get3A_863 : vector<1x16xf32> to vector<16xf32>
          %mul3A_865 = arith.mulf %get3A_864, %get3A_74 : vector<16xf32>
          %get3A_866 = arith.index_cast %add3A_850 : i32 to index
          %get3A_867 = arith.constant 48 : index
          %get3A_868 = tpu.vector_load %arg10[%get3A_866, %get3A_867] {strides = array<i32>} : memref<128x128xf32, #tpu.memory_space<vmem>>, vector<1x16xf32>,
          %get3A_869 = vector.shape_cast %get3A_868 : vector<1x16xf32> to vector<16xf32>
          %mul3A_870 = arith.mulf %get3A_869, %get3A_79 : vector<16xf32>
          %get3A_871 = arith.index_cast %add3A_850 : i32 to index
          %get3A_872 = arith.constant 64 : index
          %get3A_873 = tpu.vector_load %arg10[%get3A_871, %get3A_872] {strides = array<i32>} : memref<128x128xf32, #tpu.memory_space<vmem>>, vector<1x16xf32>,
          %get3A_874 = vector.shape_cast %get3A_873 : vector<1x16xf32> to vector<16xf32>
          %mul3A_875 = arith.mulf %get3A_874, %get3A_84 : vector<16xf32>
          %get3A_876 = arith.index_cast %add3A_850 : i32 to index
          %get3A_877 = arith.constant 80 : index
          %get3A_878 = tpu.vector_load %arg10[%get3A_876, %get3A_877] {strides = array<i32>} : memref<128x128xf32, #tpu.memory_space<vmem>>, vector<1x16xf32>,
          %get3A_879 = vector.shape_cast %get3A_878 : vector<1x16xf32> to vector<16xf32>
          %mul3A_880 = arith.mulf %get3A_879, %get3A_89 : vector<16xf32>
          %add3A_881 = arith.addf %mul3A_855, %mul3A_860 : vector<16xf32>
          %add3A_882 = arith.addf %mul3A_865, %mul3A_870 : vector<16xf32>
          %add3A_883 = arith.addf %add3A_881, %add3A_882 : vector<16xf32>
          %add3A_884 = arith.addf %mul3A_875, %mul3A_880 : vector<16xf32>
          %add3A_885 = arith.addf %add3A_883, %add3A_884 : vector<16xf32>
          %mul3A_886 = arith.constant 16 : i32
          %mul3A_887 = arith.muli %add3A_850, %mul3A_886 : i32
          %swap3A_888 = arith.index_cast %mul3A_887 : i32 to index
          %swap3A_889 = tpu.vector_load %arg14[%swap3A_888] {strides = array<i32>} : memref<2048xf32, #tpu.memory_space<vmem>>, vector<16xf32>,
          %swap3A_890 = vector.shape_cast %swap3A_889 : vector<16xf32> to vector<16xf32>
          %swap3A_891 = vector.shape_cast %add3A_885 : vector<16xf32> to vector<16xf32>
          tpu.vector_store %arg14[%swap3A_888], %swap3A_891 {strides = array<i32>} : memref<2048xf32, #tpu.memory_space<vmem>>, vector<16xf32>,
          %get3A_892 = arith.index_cast %add3A_850 : i32 to index
          %get3A_893 = arith.constant 96 : index
          %get3A_894 = tpu.vector_load %arg10[%get3A_892, %get3A_893] {strides = array<i32>} : memref<128x128xf32, #tpu.memory_space<vmem>>, vector<1x16xf32>,
          %get3A_895 = vector.shape_cast %get3A_894 : vector<1x16xf32> to vector<16xf32>
          %add3A_896 = arith.addf %get3A_895, %add3A_170 : vector<16xf32>
          %eq3A_897 = arith.constant 4 : i32
          %eq3A_898 = vector.broadcast %eq3A_897 : i32 to vector<16xi32>
          %eq3A_899 = arith.cmpi eq, %iota3A, %eq3A_898 : vector<16xi32>
          %slice3A_900 = vector.extract_strided_slice %get3A_255 {offsets = [9], sizes = [1], strides = [1]} : vector<16xf32> to vector<1xf32>
          %squeeze3A_901 = vector.extract %slice3A_900[0] : f32 from vector<1xf32>
          %jit3A_902 = arith.constant 0.000000e+00 : f32
          %broadcast_in_dim3A_903 = vector.broadcast %squeeze3A_901 : f32 to vector<16xf32>
          %broadcast_in_dim3A_904 = vector.broadcast %jit3A_902 : f32 to vector<16xf32>
          %select_n3A_905 = arith.select %eq3A_899, %broadcast_in_dim3A_903, %broadcast_in_dim3A_904 : vector<16xi1>, vector<16xf32>
          %add3A_906 = arith.addf %add3A_896, %select_n3A_905 : vector<16xf32>
          %mul3A_907 = arith.constant 16 : i32
          %mul3A_908 = arith.muli %add3A_850, %mul3A_907 : i32
          %swap3A_909 = arith.index_cast %mul3A_908 : i32 to index
          %swap3A_910 = tpu.vector_load %arg16[%swap3A_909] {strides = array<i32>} : memref<2048xf32, #tpu.memory_space<vmem>>, vector<16xf32>,
          %swap3A_911 = vector.shape_cast %swap3A_910 : vector<16xf32> to vector<16xf32>
          %swap3A_912 = vector.shape_cast %add3A_906 : vector<16xf32> to vector<16xf32>
          tpu.vector_store %arg16[%swap3A_909], %swap3A_912 {strides = array<i32>} : memref<2048xf32, #tpu.memory_space<vmem>>, vector<16xf32>,
          %mul3A_913 = arith.constant 16 : i32
          %mul3A_914 = arith.muli %scan3A_249, %mul3A_913 : i32
          %add3A_915 = arith.constant 10 : i32
          %add3A_916 = arith.addi %mul3A_914, %add3A_915 : i32
          %get3A_917 = arith.index_cast %add3A_916 : i32 to index
          %get3A_918 = arith.constant 0 : index
          %get3A_919 = tpu.vector_load %arg10[%get3A_917, %get3A_918] {strides = array<i32>} : memref<128x128xf32, #tpu.memory_space<vmem>>, vector<1x16xf32>,
          %get3A_920 = vector.shape_cast %get3A_919 : vector<1x16xf32> to vector<16xf32>
          %mul3A_921 = arith.mulf %get3A_920, %get3A_64 : vector<16xf32>
          %get3A_922 = arith.index_cast %add3A_916 : i32 to index
          %get3A_923 = arith.constant 16 : index
          %get3A_924 = tpu.vector_load %arg10[%get3A_922, %get3A_923] {strides = array<i32>} : memref<128x128xf32, #tpu.memory_space<vmem>>, vector<1x16xf32>,
          %get3A_925 = vector.shape_cast %get3A_924 : vector<1x16xf32> to vector<16xf32>
          %mul3A_926 = arith.mulf %get3A_925, %get3A_69 : vector<16xf32>
          %get3A_927 = arith.index_cast %add3A_916 : i32 to index
          %get3A_928 = arith.constant 32 : index
          %get3A_929 = tpu.vector_load %arg10[%get3A_927, %get3A_928] {strides = array<i32>} : memref<128x128xf32, #tpu.memory_space<vmem>>, vector<1x16xf32>,
          %get3A_930 = vector.shape_cast %get3A_929 : vector<1x16xf32> to vector<16xf32>
          %mul3A_931 = arith.mulf %get3A_930, %get3A_74 : vector<16xf32>
          %get3A_932 = arith.index_cast %add3A_916 : i32 to index
          %get3A_933 = arith.constant 48 : index
          %get3A_934 = tpu.vector_load %arg10[%get3A_932, %get3A_933] {strides = array<i32>} : memref<128x128xf32, #tpu.memory_space<vmem>>, vector<1x16xf32>,
          %get3A_935 = vector.shape_cast %get3A_934 : vector<1x16xf32> to vector<16xf32>
          %mul3A_936 = arith.mulf %get3A_935, %get3A_79 : vector<16xf32>
          %get3A_937 = arith.index_cast %add3A_916 : i32 to index
          %get3A_938 = arith.constant 64 : index
          %get3A_939 = tpu.vector_load %arg10[%get3A_937, %get3A_938] {strides = array<i32>} : memref<128x128xf32, #tpu.memory_space<vmem>>, vector<1x16xf32>,
          %get3A_940 = vector.shape_cast %get3A_939 : vector<1x16xf32> to vector<16xf32>
          %mul3A_941 = arith.mulf %get3A_940, %get3A_84 : vector<16xf32>
          %get3A_942 = arith.index_cast %add3A_916 : i32 to index
          %get3A_943 = arith.constant 80 : index
          %get3A_944 = tpu.vector_load %arg10[%get3A_942, %get3A_943] {strides = array<i32>} : memref<128x128xf32, #tpu.memory_space<vmem>>, vector<1x16xf32>,
          %get3A_945 = vector.shape_cast %get3A_944 : vector<1x16xf32> to vector<16xf32>
          %mul3A_946 = arith.mulf %get3A_945, %get3A_89 : vector<16xf32>
          %add3A_947 = arith.addf %mul3A_921, %mul3A_926 : vector<16xf32>
          %add3A_948 = arith.addf %mul3A_931, %mul3A_936 : vector<16xf32>
          %add3A_949 = arith.addf %add3A_947, %add3A_948 : vector<16xf32>
          %add3A_950 = arith.addf %mul3A_941, %mul3A_946 : vector<16xf32>
          %add3A_951 = arith.addf %add3A_949, %add3A_950 : vector<16xf32>
          %mul3A_952 = arith.constant 16 : i32
          %mul3A_953 = arith.muli %add3A_916, %mul3A_952 : i32
          %swap3A_954 = arith.index_cast %mul3A_953 : i32 to index
          %swap3A_955 = tpu.vector_load %arg14[%swap3A_954] {strides = array<i32>} : memref<2048xf32, #tpu.memory_space<vmem>>, vector<16xf32>,
          %swap3A_956 = vector.shape_cast %swap3A_955 : vector<16xf32> to vector<16xf32>
          %swap3A_957 = vector.shape_cast %add3A_951 : vector<16xf32> to vector<16xf32>
          tpu.vector_store %arg14[%swap3A_954], %swap3A_957 {strides = array<i32>} : memref<2048xf32, #tpu.memory_space<vmem>>, vector<16xf32>,
          %get3A_958 = arith.index_cast %add3A_916 : i32 to index
          %get3A_959 = arith.constant 96 : index
          %get3A_960 = tpu.vector_load %arg10[%get3A_958, %get3A_959] {strides = array<i32>} : memref<128x128xf32, #tpu.memory_space<vmem>>, vector<1x16xf32>,
          %get3A_961 = vector.shape_cast %get3A_960 : vector<1x16xf32> to vector<16xf32>
          %add3A_962 = arith.addf %get3A_961, %add3A_170 : vector<16xf32>
          %eq3A_963 = arith.constant 4 : i32
          %eq3A_964 = vector.broadcast %eq3A_963 : i32 to vector<16xi32>
          %eq3A_965 = arith.cmpi eq, %iota3A, %eq3A_964 : vector<16xi32>
          %slice3A_966 = vector.extract_strided_slice %get3A_255 {offsets = [10], sizes = [1], strides = [1]} : vector<16xf32> to vector<1xf32>
          %squeeze3A_967 = vector.extract %slice3A_966[0] : f32 from vector<1xf32>
          %jit3A_968 = arith.constant 0.000000e+00 : f32
          %broadcast_in_dim3A_969 = vector.broadcast %squeeze3A_967 : f32 to vector<16xf32>
          %broadcast_in_dim3A_970 = vector.broadcast %jit3A_968 : f32 to vector<16xf32>
          %select_n3A_971 = arith.select %eq3A_965, %broadcast_in_dim3A_969, %broadcast_in_dim3A_970 : vector<16xi1>, vector<16xf32>
          %add3A_972 = arith.addf %add3A_962, %select_n3A_971 : vector<16xf32>
          %mul3A_973 = arith.constant 16 : i32
          %mul3A_974 = arith.muli %add3A_916, %mul3A_973 : i32
          %swap3A_975 = arith.index_cast %mul3A_974 : i32 to index
          %swap3A_976 = tpu.vector_load %arg16[%swap3A_975] {strides = array<i32>} : memref<2048xf32, #tpu.memory_space<vmem>>, vector<16xf32>,
          %swap3A_977 = vector.shape_cast %swap3A_976 : vector<16xf32> to vector<16xf32>
          %swap3A_978 = vector.shape_cast %add3A_972 : vector<16xf32> to vector<16xf32>
          tpu.vector_store %arg16[%swap3A_975], %swap3A_978 {strides = array<i32>} : memref<2048xf32, #tpu.memory_space<vmem>>, vector<16xf32>,
          %mul3A_979 = arith.constant 16 : i32
          %mul3A_980 = arith.muli %scan3A_249, %mul3A_979 : i32
          %add3A_981 = arith.constant 11 : i32
          %add3A_982 = arith.addi %mul3A_980, %add3A_981 : i32
          %get3A_983 = arith.index_cast %add3A_982 : i32 to index
          %get3A_984 = arith.constant 0 : index
          %get3A_985 = tpu.vector_load %arg10[%get3A_983, %get3A_984] {strides = array<i32>} : memref<128x128xf32, #tpu.memory_space<vmem>>, vector<1x16xf32>,
          %get3A_986 = vector.shape_cast %get3A_985 : vector<1x16xf32> to vector<16xf32>
          %mul3A_987 = arith.mulf %get3A_986, %get3A_64 : vector<16xf32>
          %get3A_988 = arith.index_cast %add3A_982 : i32 to index
          %get3A_989 = arith.constant 16 : index
          %get3A_990 = tpu.vector_load %arg10[%get3A_988, %get3A_989] {strides = array<i32>} : memref<128x128xf32, #tpu.memory_space<vmem>>, vector<1x16xf32>,
          %get3A_991 = vector.shape_cast %get3A_990 : vector<1x16xf32> to vector<16xf32>
          %mul3A_992 = arith.mulf %get3A_991, %get3A_69 : vector<16xf32>
          %get3A_993 = arith.index_cast %add3A_982 : i32 to index
          %get3A_994 = arith.constant 32 : index
          %get3A_995 = tpu.vector_load %arg10[%get3A_993, %get3A_994] {strides = array<i32>} : memref<128x128xf32, #tpu.memory_space<vmem>>, vector<1x16xf32>,
          %get3A_996 = vector.shape_cast %get3A_995 : vector<1x16xf32> to vector<16xf32>
          %mul3A_997 = arith.mulf %get3A_996, %get3A_74 : vector<16xf32>
          %get3A_998 = arith.index_cast %add3A_982 : i32 to index
          %get3A_999 = arith.constant 48 : index
          %get3A_1000 = tpu.vector_load %arg10[%get3A_998, %get3A_999] {strides = array<i32>} : memref<128x128xf32, #tpu.memory_space<vmem>>, vector<1x16xf32>,
          %get3A_1001 = vector.shape_cast %get3A_1000 : vector<1x16xf32> to vector<16xf32>
          %mul3A_1002 = arith.mulf %get3A_1001, %get3A_79 : vector<16xf32>
          %get3A_1003 = arith.index_cast %add3A_982 : i32 to index
          %get3A_1004 = arith.constant 64 : index
          %get3A_1005 = tpu.vector_load %arg10[%get3A_1003, %get3A_1004] {strides = array<i32>} : memref<128x128xf32, #tpu.memory_space<vmem>>, vector<1x16xf32>,
          %get3A_1006 = vector.shape_cast %get3A_1005 : vector<1x16xf32> to vector<16xf32>
          %mul3A_1007 = arith.mulf %get3A_1006, %get3A_84 : vector<16xf32>
          %get3A_1008 = arith.index_cast %add3A_982 : i32 to index
          %get3A_1009 = arith.constant 80 : index
          %get3A_1010 = tpu.vector_load %arg10[%get3A_1008, %get3A_1009] {strides = array<i32>} : memref<128x128xf32, #tpu.memory_space<vmem>>, vector<1x16xf32>,
          %get3A_1011 = vector.shape_cast %get3A_1010 : vector<1x16xf32> to vector<16xf32>
          %mul3A_1012 = arith.mulf %get3A_1011, %get3A_89 : vector<16xf32>
          %add3A_1013 = arith.addf %mul3A_987, %mul3A_992 : vector<16xf32>
          %add3A_1014 = arith.addf %mul3A_997, %mul3A_1002 : vector<16xf32>
          %add3A_1015 = arith.addf %add3A_1013, %add3A_1014 : vector<16xf32>
          %add3A_1016 = arith.addf %mul3A_1007, %mul3A_1012 : vector<16xf32>
          %add3A_1017 = arith.addf %add3A_1015, %add3A_1016 : vector<16xf32>
          %mul3A_1018 = arith.constant 16 : i32
          %mul3A_1019 = arith.muli %add3A_982, %mul3A_1018 : i32
          %swap3A_1020 = arith.index_cast %mul3A_1019 : i32 to index
          %swap3A_1021 = tpu.vector_load %arg14[%swap3A_1020] {strides = array<i32>} : memref<2048xf32, #tpu.memory_space<vmem>>, vector<16xf32>,
          %swap3A_1022 = vector.shape_cast %swap3A_1021 : vector<16xf32> to vector<16xf32>
          %swap3A_1023 = vector.shape_cast %add3A_1017 : vector<16xf32> to vector<16xf32>
          tpu.vector_store %arg14[%swap3A_1020], %swap3A_1023 {strides = array<i32>} : memref<2048xf32, #tpu.memory_space<vmem>>, vector<16xf32>,
          %get3A_1024 = arith.index_cast %add3A_982 : i32 to index
          %get3A_1025 = arith.constant 96 : index
          %get3A_1026 = tpu.vector_load %arg10[%get3A_1024, %get3A_1025] {strides = array<i32>} : memref<128x128xf32, #tpu.memory_space<vmem>>, vector<1x16xf32>,
          %get3A_1027 = vector.shape_cast %get3A_1026 : vector<1x16xf32> to vector<16xf32>
          %add3A_1028 = arith.addf %get3A_1027, %add3A_170 : vector<16xf32>
          %eq3A_1029 = arith.constant 4 : i32
          %eq3A_1030 = vector.broadcast %eq3A_1029 : i32 to vector<16xi32>
          %eq3A_1031 = arith.cmpi eq, %iota3A, %eq3A_1030 : vector<16xi32>
          %slice3A_1032 = vector.extract_strided_slice %get3A_255 {offsets = [11], sizes = [1], strides = [1]} : vector<16xf32> to vector<1xf32>
          %squeeze3A_1033 = vector.extract %slice3A_1032[0] : f32 from vector<1xf32>
          %jit3A_1034 = arith.constant 0.000000e+00 : f32
          %broadcast_in_dim3A_1035 = vector.broadcast %squeeze3A_1033 : f32 to vector<16xf32>
          %broadcast_in_dim3A_1036 = vector.broadcast %jit3A_1034 : f32 to vector<16xf32>
          %select_n3A_1037 = arith.select %eq3A_1031, %broadcast_in_dim3A_1035, %broadcast_in_dim3A_1036 : vector<16xi1>, vector<16xf32>
          %add3A_1038 = arith.addf %add3A_1028, %select_n3A_1037 : vector<16xf32>
          %mul3A_1039 = arith.constant 16 : i32
          %mul3A_1040 = arith.muli %add3A_982, %mul3A_1039 : i32
          %swap3A_1041 = arith.index_cast %mul3A_1040 : i32 to index
          %swap3A_1042 = tpu.vector_load %arg16[%swap3A_1041] {strides = array<i32>} : memref<2048xf32, #tpu.memory_space<vmem>>, vector<16xf32>,
          %swap3A_1043 = vector.shape_cast %swap3A_1042 : vector<16xf32> to vector<16xf32>
          %swap3A_1044 = vector.shape_cast %add3A_1038 : vector<16xf32> to vector<16xf32>
          tpu.vector_store %arg16[%swap3A_1041], %swap3A_1044 {strides = array<i32>} : memref<2048xf32, #tpu.memory_space<vmem>>, vector<16xf32>,
          %mul3A_1045 = arith.constant 16 : i32
          %mul3A_1046 = arith.muli %scan3A_249, %mul3A_1045 : i32
          %add3A_1047 = arith.constant 12 : i32
          %add3A_1048 = arith.addi %mul3A_1046, %add3A_1047 : i32
          %get3A_1049 = arith.index_cast %add3A_1048 : i32 to index
          %get3A_1050 = arith.constant 0 : index
          %get3A_1051 = tpu.vector_load %arg10[%get3A_1049, %get3A_1050] {strides = array<i32>} : memref<128x128xf32, #tpu.memory_space<vmem>>, vector<1x16xf32>,
          %get3A_1052 = vector.shape_cast %get3A_1051 : vector<1x16xf32> to vector<16xf32>
          %mul3A_1053 = arith.mulf %get3A_1052, %get3A_64 : vector<16xf32>
          %get3A_1054 = arith.index_cast %add3A_1048 : i32 to index
          %get3A_1055 = arith.constant 16 : index
          %get3A_1056 = tpu.vector_load %arg10[%get3A_1054, %get3A_1055] {strides = array<i32>} : memref<128x128xf32, #tpu.memory_space<vmem>>, vector<1x16xf32>,
          %get3A_1057 = vector.shape_cast %get3A_1056 : vector<1x16xf32> to vector<16xf32>
          %mul3A_1058 = arith.mulf %get3A_1057, %get3A_69 : vector<16xf32>
          %get3A_1059 = arith.index_cast %add3A_1048 : i32 to index
          %get3A_1060 = arith.constant 32 : index
          %get3A_1061 = tpu.vector_load %arg10[%get3A_1059, %get3A_1060] {strides = array<i32>} : memref<128x128xf32, #tpu.memory_space<vmem>>, vector<1x16xf32>,
          %get3A_1062 = vector.shape_cast %get3A_1061 : vector<1x16xf32> to vector<16xf32>
          %mul3A_1063 = arith.mulf %get3A_1062, %get3A_74 : vector<16xf32>
          %get3A_1064 = arith.index_cast %add3A_1048 : i32 to index
          %get3A_1065 = arith.constant 48 : index
          %get3A_1066 = tpu.vector_load %arg10[%get3A_1064, %get3A_1065] {strides = array<i32>} : memref<128x128xf32, #tpu.memory_space<vmem>>, vector<1x16xf32>,
          %get3A_1067 = vector.shape_cast %get3A_1066 : vector<1x16xf32> to vector<16xf32>
          %mul3A_1068 = arith.mulf %get3A_1067, %get3A_79 : vector<16xf32>
          %get3A_1069 = arith.index_cast %add3A_1048 : i32 to index
          %get3A_1070 = arith.constant 64 : index
          %get3A_1071 = tpu.vector_load %arg10[%get3A_1069, %get3A_1070] {strides = array<i32>} : memref<128x128xf32, #tpu.memory_space<vmem>>, vector<1x16xf32>,
          %get3A_1072 = vector.shape_cast %get3A_1071 : vector<1x16xf32> to vector<16xf32>
          %mul3A_1073 = arith.mulf %get3A_1072, %get3A_84 : vector<16xf32>
          %get3A_1074 = arith.index_cast %add3A_1048 : i32 to index
          %get3A_1075 = arith.constant 80 : index
          %get3A_1076 = tpu.vector_load %arg10[%get3A_1074, %get3A_1075] {strides = array<i32>} : memref<128x128xf32, #tpu.memory_space<vmem>>, vector<1x16xf32>,
          %get3A_1077 = vector.shape_cast %get3A_1076 : vector<1x16xf32> to vector<16xf32>
          %mul3A_1078 = arith.mulf %get3A_1077, %get3A_89 : vector<16xf32>
          %add3A_1079 = arith.addf %mul3A_1053, %mul3A_1058 : vector<16xf32>
          %add3A_1080 = arith.addf %mul3A_1063, %mul3A_1068 : vector<16xf32>
          %add3A_1081 = arith.addf %add3A_1079, %add3A_1080 : vector<16xf32>
          %add3A_1082 = arith.addf %mul3A_1073, %mul3A_1078 : vector<16xf32>
          %add3A_1083 = arith.addf %add3A_1081, %add3A_1082 : vector<16xf32>
          %mul3A_1084 = arith.constant 16 : i32
          %mul3A_1085 = arith.muli %add3A_1048, %mul3A_1084 : i32
          %swap3A_1086 = arith.index_cast %mul3A_1085 : i32 to index
          %swap3A_1087 = tpu.vector_load %arg14[%swap3A_1086] {strides = array<i32>} : memref<2048xf32, #tpu.memory_space<vmem>>, vector<16xf32>,
          %swap3A_1088 = vector.shape_cast %swap3A_1087 : vector<16xf32> to vector<16xf32>
          %swap3A_1089 = vector.shape_cast %add3A_1083 : vector<16xf32> to vector<16xf32>
          tpu.vector_store %arg14[%swap3A_1086], %swap3A_1089 {strides = array<i32>} : memref<2048xf32, #tpu.memory_space<vmem>>, vector<16xf32>,
          %get3A_1090 = arith.index_cast %add3A_1048 : i32 to index
          %get3A_1091 = arith.constant 96 : index
          %get3A_1092 = tpu.vector_load %arg10[%get3A_1090, %get3A_1091] {strides = array<i32>} : memref<128x128xf32, #tpu.memory_space<vmem>>, vector<1x16xf32>,
          %get3A_1093 = vector.shape_cast %get3A_1092 : vector<1x16xf32> to vector<16xf32>
          %add3A_1094 = arith.addf %get3A_1093, %add3A_170 : vector<16xf32>
          %eq3A_1095 = arith.constant 4 : i32
          %eq3A_1096 = vector.broadcast %eq3A_1095 : i32 to vector<16xi32>
          %eq3A_1097 = arith.cmpi eq, %iota3A, %eq3A_1096 : vector<16xi32>
          %slice3A_1098 = vector.extract_strided_slice %get3A_255 {offsets = [12], sizes = [1], strides = [1]} : vector<16xf32> to vector<1xf32>
          %squeeze3A_1099 = vector.extract %slice3A_1098[0] : f32 from vector<1xf32>
          %jit3A_1100 = arith.constant 0.000000e+00 : f32
          %broadcast_in_dim3A_1101 = vector.broadcast %squeeze3A_1099 : f32 to vector<16xf32>
          %broadcast_in_dim3A_1102 = vector.broadcast %jit3A_1100 : f32 to vector<16xf32>
          %select_n3A_1103 = arith.select %eq3A_1097, %broadcast_in_dim3A_1101, %broadcast_in_dim3A_1102 : vector<16xi1>, vector<16xf32>
          %add3A_1104 = arith.addf %add3A_1094, %select_n3A_1103 : vector<16xf32>
          %mul3A_1105 = arith.constant 16 : i32
          %mul3A_1106 = arith.muli %add3A_1048, %mul3A_1105 : i32
          %swap3A_1107 = arith.index_cast %mul3A_1106 : i32 to index
          %swap3A_1108 = tpu.vector_load %arg16[%swap3A_1107] {strides = array<i32>} : memref<2048xf32, #tpu.memory_space<vmem>>, vector<16xf32>,
          %swap3A_1109 = vector.shape_cast %swap3A_1108 : vector<16xf32> to vector<16xf32>
          %swap3A_1110 = vector.shape_cast %add3A_1104 : vector<16xf32> to vector<16xf32>
          tpu.vector_store %arg16[%swap3A_1107], %swap3A_1110 {strides = array<i32>} : memref<2048xf32, #tpu.memory_space<vmem>>, vector<16xf32>,
          %mul3A_1111 = arith.constant 16 : i32
          %mul3A_1112 = arith.muli %scan3A_249, %mul3A_1111 : i32
          %add3A_1113 = arith.constant 13 : i32
          %add3A_1114 = arith.addi %mul3A_1112, %add3A_1113 : i32
          %get3A_1115 = arith.index_cast %add3A_1114 : i32 to index
          %get3A_1116 = arith.constant 0 : index
          %get3A_1117 = tpu.vector_load %arg10[%get3A_1115, %get3A_1116] {strides = array<i32>} : memref<128x128xf32, #tpu.memory_space<vmem>>, vector<1x16xf32>,
          %get3A_1118 = vector.shape_cast %get3A_1117 : vector<1x16xf32> to vector<16xf32>
          %mul3A_1119 = arith.mulf %get3A_1118, %get3A_64 : vector<16xf32>
          %get3A_1120 = arith.index_cast %add3A_1114 : i32 to index
          %get3A_1121 = arith.constant 16 : index
          %get3A_1122 = tpu.vector_load %arg10[%get3A_1120, %get3A_1121] {strides = array<i32>} : memref<128x128xf32, #tpu.memory_space<vmem>>, vector<1x16xf32>,
          %get3A_1123 = vector.shape_cast %get3A_1122 : vector<1x16xf32> to vector<16xf32>
          %mul3A_1124 = arith.mulf %get3A_1123, %get3A_69 : vector<16xf32>
          %get3A_1125 = arith.index_cast %add3A_1114 : i32 to index
          %get3A_1126 = arith.constant 32 : index
          %get3A_1127 = tpu.vector_load %arg10[%get3A_1125, %get3A_1126] {strides = array<i32>} : memref<128x128xf32, #tpu.memory_space<vmem>>, vector<1x16xf32>,
          %get3A_1128 = vector.shape_cast %get3A_1127 : vector<1x16xf32> to vector<16xf32>
          %mul3A_1129 = arith.mulf %get3A_1128, %get3A_74 : vector<16xf32>
          %get3A_1130 = arith.index_cast %add3A_1114 : i32 to index
          %get3A_1131 = arith.constant 48 : index
          %get3A_1132 = tpu.vector_load %arg10[%get3A_1130, %get3A_1131] {strides = array<i32>} : memref<128x128xf32, #tpu.memory_space<vmem>>, vector<1x16xf32>,
          %get3A_1133 = vector.shape_cast %get3A_1132 : vector<1x16xf32> to vector<16xf32>
          %mul3A_1134 = arith.mulf %get3A_1133, %get3A_79 : vector<16xf32>
          %get3A_1135 = arith.index_cast %add3A_1114 : i32 to index
          %get3A_1136 = arith.constant 64 : index
          %get3A_1137 = tpu.vector_load %arg10[%get3A_1135, %get3A_1136] {strides = array<i32>} : memref<128x128xf32, #tpu.memory_space<vmem>>, vector<1x16xf32>,
          %get3A_1138 = vector.shape_cast %get3A_1137 : vector<1x16xf32> to vector<16xf32>
          %mul3A_1139 = arith.mulf %get3A_1138, %get3A_84 : vector<16xf32>
          %get3A_1140 = arith.index_cast %add3A_1114 : i32 to index
          %get3A_1141 = arith.constant 80 : index
          %get3A_1142 = tpu.vector_load %arg10[%get3A_1140, %get3A_1141] {strides = array<i32>} : memref<128x128xf32, #tpu.memory_space<vmem>>, vector<1x16xf32>,
          %get3A_1143 = vector.shape_cast %get3A_1142 : vector<1x16xf32> to vector<16xf32>
          %mul3A_1144 = arith.mulf %get3A_1143, %get3A_89 : vector<16xf32>
          %add3A_1145 = arith.addf %mul3A_1119, %mul3A_1124 : vector<16xf32>
          %add3A_1146 = arith.addf %mul3A_1129, %mul3A_1134 : vector<16xf32>
          %add3A_1147 = arith.addf %add3A_1145, %add3A_1146 : vector<16xf32>
          %add3A_1148 = arith.addf %mul3A_1139, %mul3A_1144 : vector<16xf32>
          %add3A_1149 = arith.addf %add3A_1147, %add3A_1148 : vector<16xf32>
          %mul3A_1150 = arith.constant 16 : i32
          %mul3A_1151 = arith.muli %add3A_1114, %mul3A_1150 : i32
          %swap3A_1152 = arith.index_cast %mul3A_1151 : i32 to index
          %swap3A_1153 = tpu.vector_load %arg14[%swap3A_1152] {strides = array<i32>} : memref<2048xf32, #tpu.memory_space<vmem>>, vector<16xf32>,
          %swap3A_1154 = vector.shape_cast %swap3A_1153 : vector<16xf32> to vector<16xf32>
          %swap3A_1155 = vector.shape_cast %add3A_1149 : vector<16xf32> to vector<16xf32>
          tpu.vector_store %arg14[%swap3A_1152], %swap3A_1155 {strides = array<i32>} : memref<2048xf32, #tpu.memory_space<vmem>>, vector<16xf32>,
          %get3A_1156 = arith.index_cast %add3A_1114 : i32 to index
          %get3A_1157 = arith.constant 96 : index
          %get3A_1158 = tpu.vector_load %arg10[%get3A_1156, %get3A_1157] {strides = array<i32>} : memref<128x128xf32, #tpu.memory_space<vmem>>, vector<1x16xf32>,
          %get3A_1159 = vector.shape_cast %get3A_1158 : vector<1x16xf32> to vector<16xf32>
          %add3A_1160 = arith.addf %get3A_1159, %add3A_170 : vector<16xf32>
          %eq3A_1161 = arith.constant 4 : i32
          %eq3A_1162 = vector.broadcast %eq3A_1161 : i32 to vector<16xi32>
          %eq3A_1163 = arith.cmpi eq, %iota3A, %eq3A_1162 : vector<16xi32>
          %slice3A_1164 = vector.extract_strided_slice %get3A_255 {offsets = [13], sizes = [1], strides = [1]} : vector<16xf32> to vector<1xf32>
          %squeeze3A_1165 = vector.extract %slice3A_1164[0] : f32 from vector<1xf32>
          %jit3A_1166 = arith.constant 0.000000e+00 : f32
          %broadcast_in_dim3A_1167 = vector.broadcast %squeeze3A_1165 : f32 to vector<16xf32>
          %broadcast_in_dim3A_1168 = vector.broadcast %jit3A_1166 : f32 to vector<16xf32>
          %select_n3A_1169 = arith.select %eq3A_1163, %broadcast_in_dim3A_1167, %broadcast_in_dim3A_1168 : vector<16xi1>, vector<16xf32>
          %add3A_1170 = arith.addf %add3A_1160, %select_n3A_1169 : vector<16xf32>
          %mul3A_1171 = arith.constant 16 : i32
          %mul3A_1172 = arith.muli %add3A_1114, %mul3A_1171 : i32
          %swap3A_1173 = arith.index_cast %mul3A_1172 : i32 to index
          %swap3A_1174 = tpu.vector_load %arg16[%swap3A_1173] {strides = array<i32>} : memref<2048xf32, #tpu.memory_space<vmem>>, vector<16xf32>,
          %swap3A_1175 = vector.shape_cast %swap3A_1174 : vector<16xf32> to vector<16xf32>
          %swap3A_1176 = vector.shape_cast %add3A_1170 : vector<16xf32> to vector<16xf32>
          tpu.vector_store %arg16[%swap3A_1173], %swap3A_1176 {strides = array<i32>} : memref<2048xf32, #tpu.memory_space<vmem>>, vector<16xf32>,
          %mul3A_1177 = arith.constant 16 : i32
          %mul3A_1178 = arith.muli %scan3A_249, %mul3A_1177 : i32
          %add3A_1179 = arith.constant 14 : i32
          %add3A_1180 = arith.addi %mul3A_1178, %add3A_1179 : i32
          %get3A_1181 = arith.index_cast %add3A_1180 : i32 to index
          %get3A_1182 = arith.constant 0 : index
          %get3A_1183 = tpu.vector_load %arg10[%get3A_1181, %get3A_1182] {strides = array<i32>} : memref<128x128xf32, #tpu.memory_space<vmem>>, vector<1x16xf32>,
          %get3A_1184 = vector.shape_cast %get3A_1183 : vector<1x16xf32> to vector<16xf32>
          %mul3A_1185 = arith.mulf %get3A_1184, %get3A_64 : vector<16xf32>
          %get3A_1186 = arith.index_cast %add3A_1180 : i32 to index
          %get3A_1187 = arith.constant 16 : index
          %get3A_1188 = tpu.vector_load %arg10[%get3A_1186, %get3A_1187] {strides = array<i32>} : memref<128x128xf32, #tpu.memory_space<vmem>>, vector<1x16xf32>,
          %get3A_1189 = vector.shape_cast %get3A_1188 : vector<1x16xf32> to vector<16xf32>
          %mul3A_1190 = arith.mulf %get3A_1189, %get3A_69 : vector<16xf32>
          %get3A_1191 = arith.index_cast %add3A_1180 : i32 to index
          %get3A_1192 = arith.constant 32 : index
          %get3A_1193 = tpu.vector_load %arg10[%get3A_1191, %get3A_1192] {strides = array<i32>} : memref<128x128xf32, #tpu.memory_space<vmem>>, vector<1x16xf32>,
          %get3A_1194 = vector.shape_cast %get3A_1193 : vector<1x16xf32> to vector<16xf32>
          %mul3A_1195 = arith.mulf %get3A_1194, %get3A_74 : vector<16xf32>
          %get3A_1196 = arith.index_cast %add3A_1180 : i32 to index
          %get3A_1197 = arith.constant 48 : index
          %get3A_1198 = tpu.vector_load %arg10[%get3A_1196, %get3A_1197] {strides = array<i32>} : memref<128x128xf32, #tpu.memory_space<vmem>>, vector<1x16xf32>,
          %get3A_1199 = vector.shape_cast %get3A_1198 : vector<1x16xf32> to vector<16xf32>
          %mul3A_1200 = arith.mulf %get3A_1199, %get3A_79 : vector<16xf32>
          %get3A_1201 = arith.index_cast %add3A_1180 : i32 to index
          %get3A_1202 = arith.constant 64 : index
          %get3A_1203 = tpu.vector_load %arg10[%get3A_1201, %get3A_1202] {strides = array<i32>} : memref<128x128xf32, #tpu.memory_space<vmem>>, vector<1x16xf32>,
          %get3A_1204 = vector.shape_cast %get3A_1203 : vector<1x16xf32> to vector<16xf32>
          %mul3A_1205 = arith.mulf %get3A_1204, %get3A_84 : vector<16xf32>
          %get3A_1206 = arith.index_cast %add3A_1180 : i32 to index
          %get3A_1207 = arith.constant 80 : index
          %get3A_1208 = tpu.vector_load %arg10[%get3A_1206, %get3A_1207] {strides = array<i32>} : memref<128x128xf32, #tpu.memory_space<vmem>>, vector<1x16xf32>,
          %get3A_1209 = vector.shape_cast %get3A_1208 : vector<1x16xf32> to vector<16xf32>
          %mul3A_1210 = arith.mulf %get3A_1209, %get3A_89 : vector<16xf32>
          %add3A_1211 = arith.addf %mul3A_1185, %mul3A_1190 : vector<16xf32>
          %add3A_1212 = arith.addf %mul3A_1195, %mul3A_1200 : vector<16xf32>
          %add3A_1213 = arith.addf %add3A_1211, %add3A_1212 : vector<16xf32>
          %add3A_1214 = arith.addf %mul3A_1205, %mul3A_1210 : vector<16xf32>
          %add3A_1215 = arith.addf %add3A_1213, %add3A_1214 : vector<16xf32>
          %mul3A_1216 = arith.constant 16 : i32
          %mul3A_1217 = arith.muli %add3A_1180, %mul3A_1216 : i32
          %swap3A_1218 = arith.index_cast %mul3A_1217 : i32 to index
          %swap3A_1219 = tpu.vector_load %arg14[%swap3A_1218] {strides = array<i32>} : memref<2048xf32, #tpu.memory_space<vmem>>, vector<16xf32>,
          %swap3A_1220 = vector.shape_cast %swap3A_1219 : vector<16xf32> to vector<16xf32>
          %swap3A_1221 = vector.shape_cast %add3A_1215 : vector<16xf32> to vector<16xf32>
          tpu.vector_store %arg14[%swap3A_1218], %swap3A_1221 {strides = array<i32>} : memref<2048xf32, #tpu.memory_space<vmem>>, vector<16xf32>,
          %get3A_1222 = arith.index_cast %add3A_1180 : i32 to index
          %get3A_1223 = arith.constant 96 : index
          %get3A_1224 = tpu.vector_load %arg10[%get3A_1222, %get3A_1223] {strides = array<i32>} : memref<128x128xf32, #tpu.memory_space<vmem>>, vector<1x16xf32>,
          %get3A_1225 = vector.shape_cast %get3A_1224 : vector<1x16xf32> to vector<16xf32>
          %add3A_1226 = arith.addf %get3A_1225, %add3A_170 : vector<16xf32>
          %eq3A_1227 = arith.constant 4 : i32
          %eq3A_1228 = vector.broadcast %eq3A_1227 : i32 to vector<16xi32>
          %eq3A_1229 = arith.cmpi eq, %iota3A, %eq3A_1228 : vector<16xi32>
          %slice3A_1230 = vector.extract_strided_slice %get3A_255 {offsets = [14], sizes = [1], strides = [1]} : vector<16xf32> to vector<1xf32>
          %squeeze3A_1231 = vector.extract %slice3A_1230[0] : f32 from vector<1xf32>
          %jit3A_1232 = arith.constant 0.000000e+00 : f32
          %broadcast_in_dim3A_1233 = vector.broadcast %squeeze3A_1231 : f32 to vector<16xf32>
          %broadcast_in_dim3A_1234 = vector.broadcast %jit3A_1232 : f32 to vector<16xf32>
          %select_n3A_1235 = arith.select %eq3A_1229, %broadcast_in_dim3A_1233, %broadcast_in_dim3A_1234 : vector<16xi1>, vector<16xf32>
          %add3A_1236 = arith.addf %add3A_1226, %select_n3A_1235 : vector<16xf32>
          %mul3A_1237 = arith.constant 16 : i32
          %mul3A_1238 = arith.muli %add3A_1180, %mul3A_1237 : i32
          %swap3A_1239 = arith.index_cast %mul3A_1238 : i32 to index
          %swap3A_1240 = tpu.vector_load %arg16[%swap3A_1239] {strides = array<i32>} : memref<2048xf32, #tpu.memory_space<vmem>>, vector<16xf32>,
          %swap3A_1241 = vector.shape_cast %swap3A_1240 : vector<16xf32> to vector<16xf32>
          %swap3A_1242 = vector.shape_cast %add3A_1236 : vector<16xf32> to vector<16xf32>
          tpu.vector_store %arg16[%swap3A_1239], %swap3A_1242 {strides = array<i32>} : memref<2048xf32, #tpu.memory_space<vmem>>, vector<16xf32>,
          %mul3A_1243 = arith.constant 16 : i32
          %mul3A_1244 = arith.muli %scan3A_249, %mul3A_1243 : i32
          %add3A_1245 = arith.constant 15 : i32
          %add3A_1246 = arith.addi %mul3A_1244, %add3A_1245 : i32
          %get3A_1247 = arith.index_cast %add3A_1246 : i32 to index
          %get3A_1248 = arith.constant 0 : index
          %get3A_1249 = tpu.vector_load %arg10[%get3A_1247, %get3A_1248] {strides = array<i32>} : memref<128x128xf32, #tpu.memory_space<vmem>>, vector<1x16xf32>,
          %get3A_1250 = vector.shape_cast %get3A_1249 : vector<1x16xf32> to vector<16xf32>
          %mul3A_1251 = arith.mulf %get3A_1250, %get3A_64 : vector<16xf32>
          %get3A_1252 = arith.index_cast %add3A_1246 : i32 to index
          %get3A_1253 = arith.constant 16 : index
          %get3A_1254 = tpu.vector_load %arg10[%get3A_1252, %get3A_1253] {strides = array<i32>} : memref<128x128xf32, #tpu.memory_space<vmem>>, vector<1x16xf32>,
          %get3A_1255 = vector.shape_cast %get3A_1254 : vector<1x16xf32> to vector<16xf32>
          %mul3A_1256 = arith.mulf %get3A_1255, %get3A_69 : vector<16xf32>
          %get3A_1257 = arith.index_cast %add3A_1246 : i32 to index
          %get3A_1258 = arith.constant 32 : index
          %get3A_1259 = tpu.vector_load %arg10[%get3A_1257, %get3A_1258] {strides = array<i32>} : memref<128x128xf32, #tpu.memory_space<vmem>>, vector<1x16xf32>,
          %get3A_1260 = vector.shape_cast %get3A_1259 : vector<1x16xf32> to vector<16xf32>
          %mul3A_1261 = arith.mulf %get3A_1260, %get3A_74 : vector<16xf32>
          %get3A_1262 = arith.index_cast %add3A_1246 : i32 to index
          %get3A_1263 = arith.constant 48 : index
          %get3A_1264 = tpu.vector_load %arg10[%get3A_1262, %get3A_1263] {strides = array<i32>} : memref<128x128xf32, #tpu.memory_space<vmem>>, vector<1x16xf32>,
          %get3A_1265 = vector.shape_cast %get3A_1264 : vector<1x16xf32> to vector<16xf32>
          %mul3A_1266 = arith.mulf %get3A_1265, %get3A_79 : vector<16xf32>
          %get3A_1267 = arith.index_cast %add3A_1246 : i32 to index
          %get3A_1268 = arith.constant 64 : index
          %get3A_1269 = tpu.vector_load %arg10[%get3A_1267, %get3A_1268] {strides = array<i32>} : memref<128x128xf32, #tpu.memory_space<vmem>>, vector<1x16xf32>,
          %get3A_1270 = vector.shape_cast %get3A_1269 : vector<1x16xf32> to vector<16xf32>
          %mul3A_1271 = arith.mulf %get3A_1270, %get3A_84 : vector<16xf32>
          %get3A_1272 = arith.index_cast %add3A_1246 : i32 to index
          %get3A_1273 = arith.constant 80 : index
          %get3A_1274 = tpu.vector_load %arg10[%get3A_1272, %get3A_1273] {strides = array<i32>} : memref<128x128xf32, #tpu.memory_space<vmem>>, vector<1x16xf32>,
          %get3A_1275 = vector.shape_cast %get3A_1274 : vector<1x16xf32> to vector<16xf32>
          %mul3A_1276 = arith.mulf %get3A_1275, %get3A_89 : vector<16xf32>
          %add3A_1277 = arith.addf %mul3A_1251, %mul3A_1256 : vector<16xf32>
          %add3A_1278 = arith.addf %mul3A_1261, %mul3A_1266 : vector<16xf32>
          %add3A_1279 = arith.addf %add3A_1277, %add3A_1278 : vector<16xf32>
          %add3A_1280 = arith.addf %mul3A_1271, %mul3A_1276 : vector<16xf32>
          %add3A_1281 = arith.addf %add3A_1279, %add3A_1280 : vector<16xf32>
          %mul3A_1282 = arith.constant 16 : i32
          %mul3A_1283 = arith.muli %add3A_1246, %mul3A_1282 : i32
          %swap3A_1284 = arith.index_cast %mul3A_1283 : i32 to index
          %swap3A_1285 = tpu.vector_load %arg14[%swap3A_1284] {strides = array<i32>} : memref<2048xf32, #tpu.memory_space<vmem>>, vector<16xf32>,
          %swap3A_1286 = vector.shape_cast %swap3A_1285 : vector<16xf32> to vector<16xf32>
          %swap3A_1287 = vector.shape_cast %add3A_1281 : vector<16xf32> to vector<16xf32>
          tpu.vector_store %arg14[%swap3A_1284], %swap3A_1287 {strides = array<i32>} : memref<2048xf32, #tpu.memory_space<vmem>>, vector<16xf32>,
          %get3A_1288 = arith.index_cast %add3A_1246 : i32 to index
          %get3A_1289 = arith.constant 96 : index
          %get3A_1290 = tpu.vector_load %arg10[%get3A_1288, %get3A_1289] {strides = array<i32>} : memref<128x128xf32, #tpu.memory_space<vmem>>, vector<1x16xf32>,
          %get3A_1291 = vector.shape_cast %get3A_1290 : vector<1x16xf32> to vector<16xf32>
          %add3A_1292 = arith.addf %get3A_1291, %add3A_170 : vector<16xf32>
          %eq3A_1293 = arith.constant 4 : i32
          %eq3A_1294 = vector.broadcast %eq3A_1293 : i32 to vector<16xi32>
          %eq3A_1295 = arith.cmpi eq, %iota3A, %eq3A_1294 : vector<16xi32>
          %slice3A_1296 = vector.extract_strided_slice %get3A_255 {offsets = [15], sizes = [1], strides = [1]} : vector<16xf32> to vector<1xf32>
          %squeeze3A_1297 = vector.extract %slice3A_1296[0] : f32 from vector<1xf32>
          %jit3A_1298 = arith.constant 0.000000e+00 : f32
          %broadcast_in_dim3A_1299 = vector.broadcast %squeeze3A_1297 : f32 to vector<16xf32>
          %broadcast_in_dim3A_1300 = vector.broadcast %jit3A_1298 : f32 to vector<16xf32>
          %select_n3A_1301 = arith.select %eq3A_1295, %broadcast_in_dim3A_1299, %broadcast_in_dim3A_1300 : vector<16xi1>, vector<16xf32>
          %add3A_1302 = arith.addf %add3A_1292, %select_n3A_1301 : vector<16xf32>
          %mul3A_1303 = arith.constant 16 : i32
          %mul3A_1304 = arith.muli %add3A_1246, %mul3A_1303 : i32
          %swap3A_1305 = arith.index_cast %mul3A_1304 : i32 to index
          %swap3A_1306 = tpu.vector_load %arg16[%swap3A_1305] {strides = array<i32>} : memref<2048xf32, #tpu.memory_space<vmem>>, vector<16xf32>,
          %swap3A_1307 = vector.shape_cast %swap3A_1306 : vector<16xf32> to vector<16xf32>
          %swap3A_1308 = vector.shape_cast %add3A_1302 : vector<16xf32> to vector<16xf32>
          tpu.vector_store %arg16[%swap3A_1305], %swap3A_1308 {strides = array<i32>} : memref<2048xf32, #tpu.memory_space<vmem>>, vector<16xf32>,
        }
        %scan3A_244 = arith.constant 8 : i32
        %dma_start3A_245 = tpu.memref_slice %arg6[%mul3A_231] : memref<23887872xf32, #tpu.memory_space<hbm>> -> memref<2048xf32, #tpu.memory_space<hbm>>
        %dma_start3A_246 = tpu.memref_slice %arg6[%mul3A_231] : memref<23887872xf32, #tpu.memory_space<hbm>> -> memref<2048xf32, #tpu.memory_space<hbm>>
        tpu.enqueue_dma source(%arg14 : memref<2048xf32, #tpu.memory_space<vmem>>) target(%dma_start3A_246 : memref<2048xf32, #tpu.memory_space<hbm>>) target_semaphore(%arg20 : memref<!tpu.dma_semaphore, #tpu.memory_space<semaphore_mem>>)
        %dma_start3A_247 = tpu.memref_slice %arg7[%mul3A_233] : memref<23887872xf32, #tpu.memory_space<hbm>> -> memref<2048xf32, #tpu.memory_space<hbm>>
        %dma_start3A_248 = tpu.memref_slice %arg7[%mul3A_233] : memref<23887872xf32, #tpu.memory_space<hbm>> -> memref<2048xf32, #tpu.memory_space<hbm>>
        tpu.enqueue_dma source(%arg16 : memref<2048xf32, #tpu.memory_space<vmem>>) target(%dma_start3A_248 : memref<2048xf32, #tpu.memory_space<hbm>>) target_semaphore(%arg20 : memref<!tpu.dma_semaphore, #tpu.memory_space<semaphore_mem>>)
      }
      %scan3A_53 = arith.constant 8 : i32
    }
    %dma_wait3A = arith.constant 0 : i32
    %dma_wait3A_18 = tpu.memref_slice %arg6[%dma_wait3A] : memref<23887872xf32, #tpu.memory_space<hbm>> -> memref<2048xf32, #tpu.memory_space<hbm>>
    %dma_wait3A_19 = arith.constant 0 : i32
    %dma_wait3A_20 = tpu.memref_slice %arg6[%dma_wait3A_19] : memref<23887872xf32, #tpu.memory_space<hbm>> -> memref<2048xf32, #tpu.memory_space<hbm>>
    tpu.wait_dma2 semaphore(%arg19 : memref<!tpu.dma_semaphore, #tpu.memory_space<semaphore_mem>>) src(%arg13 : memref<2048xf32, #tpu.memory_space<vmem>>) dst(%dma_wait3A_20 : memref<2048xf32, #tpu.memory_space<hbm>>)
    %dma_wait3A_21 = arith.constant 0 : i32
    %dma_wait3A_22 = tpu.memref_slice %arg7[%dma_wait3A_21] : memref<23887872xf32, #tpu.memory_space<hbm>> -> memref<2048xf32, #tpu.memory_space<hbm>>
    %dma_wait3A_23 = arith.constant 0 : i32
    %dma_wait3A_24 = tpu.memref_slice %arg7[%dma_wait3A_23] : memref<23887872xf32, #tpu.memory_space<hbm>> -> memref<2048xf32, #tpu.memory_space<hbm>>
    tpu.wait_dma2 semaphore(%arg19 : memref<!tpu.dma_semaphore, #tpu.memory_space<semaphore_mem>>) src(%arg15 : memref<2048xf32, #tpu.memory_space<vmem>>) dst(%dma_wait3A_24 : memref<2048xf32, #tpu.memory_space<hbm>>)
    %dma_wait3A_25 = arith.constant 0 : i32
    %dma_wait3A_26 = tpu.memref_slice %arg6[%dma_wait3A_25] : memref<23887872xf32, #tpu.memory_space<hbm>> -> memref<2048xf32, #tpu.memory_space<hbm>>
    %dma_wait3A_27 = arith.constant 0 : i32
    %dma_wait3A_28 = tpu.memref_slice %arg6[%dma_wait3A_27] : memref<23887872xf32, #tpu.memory_space<hbm>> -> memref<2048xf32, #tpu.memory_space<hbm>>
    tpu.wait_dma2 semaphore(%arg20 : memref<!tpu.dma_semaphore, #tpu.memory_space<semaphore_mem>>) src(%arg14 : memref<2048xf32, #tpu.memory_space<vmem>>) dst(%dma_wait3A_28 : memref<2048xf32, #tpu.memory_space<hbm>>)
    %dma_wait3A_29 = arith.constant 0 : i32
    %dma_wait3A_30 = tpu.memref_slice %arg7[%dma_wait3A_29] : memref<23887872xf32, #tpu.memory_space<hbm>> -> memref<2048xf32, #tpu.memory_space<hbm>>
    %dma_wait3A_31 = arith.constant 0 : i32
    %dma_wait3A_32 = tpu.memref_slice %arg7[%dma_wait3A_31] : memref<23887872xf32, #tpu.memory_space<hbm>> -> memref<2048xf32, #tpu.memory_space<hbm>>
    tpu.wait_dma2 semaphore(%arg20 : memref<!tpu.dma_semaphore, #tpu.memory_space<semaphore_mem>>) src(%arg16 : memref<2048xf32, #tpu.memory_space<vmem>>) dst(%dma_wait3A_32 : memref<2048xf32, #tpu.memory_space<hbm>>)
    return
  }
}

module attributes {stable_mosaic.version = 14 : i64} {
  func.func @_prep_z1_body(%arg0: memref<8x96x768xf32, #tpu.memory_space<vmem>>, %arg1: memref<8x3x768xf32, #tpu.memory_space<vmem>>, %arg2: memref<8x768x128xf32, #tpu.memory_space<vmem>>, %arg3: memref<8x768xf32, #tpu.memory_space<vmem>>) attributes {dimension_semantics = [], scalar_prefetch = 0 : i64, scratch_operands = 0 : i64, tpu.core_type = #tpu.core_type<tc>} {
    %get3A = arith.constant 0 : index
    %get3A_0 = arith.constant 0 : index
    %get3A_1 = arith.constant 0 : index
    %get3A_2 = vector.load %arg0[%get3A, %get3A_0, %get3A_1] : memref<8x96x768xf32, #tpu.memory_space<vmem>>, vector<1x96x768xf32>
    %get3A_3 = vector.shape_cast %get3A_2 : vector<1x96x768xf32> to vector<96x768xf32>
    %transpose3A = tpu.transpose %get3A_3, [1, 0] : vector<96x768xf32> -> vector<768x96xf32>
    %swap3A = arith.constant 0 : index
    %swap3A_4 = arith.constant 0 : index
    %swap3A_5 = arith.constant 0 : index
    %swap3A_6 = vector.load %arg2[%swap3A, %swap3A_4, %swap3A_5] : memref<8x768x128xf32, #tpu.memory_space<vmem>>, vector<1x768x96xf32>
    %swap3A_7 = vector.shape_cast %swap3A_6 : vector<1x768x96xf32> to vector<768x96xf32>
    %swap3A_8 = vector.shape_cast %transpose3A : vector<768x96xf32> to vector<1x768x96xf32>
    tpu.vector_store %arg2[%swap3A, %swap3A_4, %swap3A_5], %swap3A_8 {strides = array<i32>} : memref<8x768x128xf32, #tpu.memory_space<vmem>>, vector<1x768x96xf32>,
    %mul3A = arith.mulf %get3A_3, %get3A_3 : vector<96x768xf32>
    %reduce_sum3A = arith.constant dense<0.000000e+00> : vector<768xf32>
    %reduce_sum3A_9 = vector.multi_reduction <add>, %mul3A, %reduce_sum3A [0] : vector<96x768xf32> to vector<768xf32>
    %sqrt3A = math.sqrt %reduce_sum3A_9 : vector<768xf32>
    %broadcast_in_dim3A = vector.shape_cast %sqrt3A : vector<768xf32> to vector<768x1xf32>
    %swap3A_10 = arith.constant 0 : index
    %swap3A_11 = arith.constant 0 : index
    %swap3A_12 = arith.constant 96 : index
    %swap3A_13 = vector.load %arg2[%swap3A_10, %swap3A_11, %swap3A_12] : memref<8x768x128xf32, #tpu.memory_space<vmem>>, vector<1x768x1xf32>
    %swap3A_14 = vector.shape_cast %swap3A_13 : vector<1x768x1xf32> to vector<768x1xf32>
    %swap3A_15 = vector.shape_cast %broadcast_in_dim3A : vector<768x1xf32> to vector<1x768x1xf32>
    tpu.vector_store %arg2[%swap3A_10, %swap3A_11, %swap3A_12], %swap3A_15 {strides = array<i32>} : memref<8x768x128xf32, #tpu.memory_space<vmem>>, vector<1x768x1xf32>,
    %get3A_16 = arith.constant 0 : index
    %get3A_17 = arith.constant 0 : index
    %get3A_18 = arith.constant 0 : index
    %get3A_19 = vector.load %arg1[%get3A_16, %get3A_17, %get3A_18] : memref<8x3x768xf32, #tpu.memory_space<vmem>>, vector<1x3x768xf32>
    %get3A_20 = vector.shape_cast %get3A_19 : vector<1x3x768xf32> to vector<3x768xf32>
    %transpose3A_21 = tpu.transpose %get3A_20, [1, 0] : vector<3x768xf32> -> vector<768x3xf32>
    %swap3A_22 = arith.constant 0 : index
    %swap3A_23 = arith.constant 0 : index
    %swap3A_24 = arith.constant 97 : index
    %swap3A_25 = vector.load %arg2[%swap3A_22, %swap3A_23, %swap3A_24] : memref<8x768x128xf32, #tpu.memory_space<vmem>>, vector<1x768x3xf32>
    %swap3A_26 = vector.shape_cast %swap3A_25 : vector<1x768x3xf32> to vector<768x3xf32>
    %swap3A_27 = vector.shape_cast %transpose3A_21 : vector<768x3xf32> to vector<1x768x3xf32>
    tpu.vector_store %arg2[%swap3A_22, %swap3A_23, %swap3A_24], %swap3A_27 {strides = array<i32>} : memref<8x768x128xf32, #tpu.memory_space<vmem>>, vector<1x768x3xf32>,
    %broadcast_in_dim3A_28 = arith.constant 0.000000e+00 : f32
    %broadcast_in_dim3A_29 = vector.broadcast %broadcast_in_dim3A_28 : f32 to vector<768x28xf32>
    %swap3A_30 = arith.constant 0 : index
    %swap3A_31 = arith.constant 0 : index
    %swap3A_32 = arith.constant 100 : index
    %swap3A_33 = vector.load %arg2[%swap3A_30, %swap3A_31, %swap3A_32] : memref<8x768x128xf32, #tpu.memory_space<vmem>>, vector<1x768x28xf32>
    %swap3A_34 = vector.shape_cast %swap3A_33 : vector<1x768x28xf32> to vector<768x28xf32>
    %swap3A_35 = vector.shape_cast %broadcast_in_dim3A_29 : vector<768x28xf32> to vector<1x768x28xf32>
    tpu.vector_store %arg2[%swap3A_30, %swap3A_31, %swap3A_32], %swap3A_35 {strides = array<i32>} : memref<8x768x128xf32, #tpu.memory_space<vmem>>, vector<1x768x28xf32>,
    %broadcast_in_dim3A_36 = vector.shape_cast %reduce_sum3A_9 : vector<768xf32> to vector<1x768xf32>
    %swap3A_37 = arith.constant 0 : index
    %swap3A_38 = arith.constant 0 : index
    %swap3A_39 = vector.load %arg3[%swap3A_37, %swap3A_38] : memref<8x768xf32, #tpu.memory_space<vmem>>, vector<1x768xf32>
    tpu.vector_store %arg3[%swap3A_37, %swap3A_38], %broadcast_in_dim3A_36 {strides = array<i32>} : memref<8x768xf32, #tpu.memory_space<vmem>>, vector<1x768xf32>,
    %get3A_40 = arith.constant 1 : index
    %get3A_41 = arith.constant 0 : index
    %get3A_42 = arith.constant 0 : index
    %get3A_43 = vector.load %arg0[%get3A_40, %get3A_41, %get3A_42] : memref<8x96x768xf32, #tpu.memory_space<vmem>>, vector<1x96x768xf32>
    %get3A_44 = vector.shape_cast %get3A_43 : vector<1x96x768xf32> to vector<96x768xf32>
    %transpose3A_45 = tpu.transpose %get3A_44, [1, 0] : vector<96x768xf32> -> vector<768x96xf32>
    %swap3A_46 = arith.constant 1 : index
    %swap3A_47 = arith.constant 0 : index
    %swap3A_48 = arith.constant 0 : index
    %swap3A_49 = vector.load %arg2[%swap3A_46, %swap3A_47, %swap3A_48] : memref<8x768x128xf32, #tpu.memory_space<vmem>>, vector<1x768x96xf32>
    %swap3A_50 = vector.shape_cast %swap3A_49 : vector<1x768x96xf32> to vector<768x96xf32>
    %swap3A_51 = vector.shape_cast %transpose3A_45 : vector<768x96xf32> to vector<1x768x96xf32>
    tpu.vector_store %arg2[%swap3A_46, %swap3A_47, %swap3A_48], %swap3A_51 {strides = array<i32>} : memref<8x768x128xf32, #tpu.memory_space<vmem>>, vector<1x768x96xf32>,
    %mul3A_52 = arith.mulf %get3A_44, %get3A_44 : vector<96x768xf32>
    %reduce_sum3A_53 = arith.constant dense<0.000000e+00> : vector<768xf32>
    %reduce_sum3A_54 = vector.multi_reduction <add>, %mul3A_52, %reduce_sum3A_53 [0] : vector<96x768xf32> to vector<768xf32>
    %sqrt3A_55 = math.sqrt %reduce_sum3A_54 : vector<768xf32>
    %broadcast_in_dim3A_56 = vector.shape_cast %sqrt3A_55 : vector<768xf32> to vector<768x1xf32>
    %swap3A_57 = arith.constant 1 : index
    %swap3A_58 = arith.constant 0 : index
    %swap3A_59 = arith.constant 96 : index
    %swap3A_60 = vector.load %arg2[%swap3A_57, %swap3A_58, %swap3A_59] : memref<8x768x128xf32, #tpu.memory_space<vmem>>, vector<1x768x1xf32>
    %swap3A_61 = vector.shape_cast %swap3A_60 : vector<1x768x1xf32> to vector<768x1xf32>
    %swap3A_62 = vector.shape_cast %broadcast_in_dim3A_56 : vector<768x1xf32> to vector<1x768x1xf32>
    tpu.vector_store %arg2[%swap3A_57, %swap3A_58, %swap3A_59], %swap3A_62 {strides = array<i32>} : memref<8x768x128xf32, #tpu.memory_space<vmem>>, vector<1x768x1xf32>,
    %get3A_63 = arith.constant 1 : index
    %get3A_64 = arith.constant 0 : index
    %get3A_65 = arith.constant 0 : index
    %get3A_66 = vector.load %arg1[%get3A_63, %get3A_64, %get3A_65] : memref<8x3x768xf32, #tpu.memory_space<vmem>>, vector<1x3x768xf32>
    %get3A_67 = vector.shape_cast %get3A_66 : vector<1x3x768xf32> to vector<3x768xf32>
    %transpose3A_68 = tpu.transpose %get3A_67, [1, 0] : vector<3x768xf32> -> vector<768x3xf32>
    %swap3A_69 = arith.constant 1 : index
    %swap3A_70 = arith.constant 0 : index
    %swap3A_71 = arith.constant 97 : index
    %swap3A_72 = vector.load %arg2[%swap3A_69, %swap3A_70, %swap3A_71] : memref<8x768x128xf32, #tpu.memory_space<vmem>>, vector<1x768x3xf32>
    %swap3A_73 = vector.shape_cast %swap3A_72 : vector<1x768x3xf32> to vector<768x3xf32>
    %swap3A_74 = vector.shape_cast %transpose3A_68 : vector<768x3xf32> to vector<1x768x3xf32>
    tpu.vector_store %arg2[%swap3A_69, %swap3A_70, %swap3A_71], %swap3A_74 {strides = array<i32>} : memref<8x768x128xf32, #tpu.memory_space<vmem>>, vector<1x768x3xf32>,
    %broadcast_in_dim3A_75 = arith.constant 0.000000e+00 : f32
    %broadcast_in_dim3A_76 = vector.broadcast %broadcast_in_dim3A_75 : f32 to vector<768x28xf32>
    %swap3A_77 = arith.constant 1 : index
    %swap3A_78 = arith.constant 0 : index
    %swap3A_79 = arith.constant 100 : index
    %swap3A_80 = vector.load %arg2[%swap3A_77, %swap3A_78, %swap3A_79] : memref<8x768x128xf32, #tpu.memory_space<vmem>>, vector<1x768x28xf32>
    %swap3A_81 = vector.shape_cast %swap3A_80 : vector<1x768x28xf32> to vector<768x28xf32>
    %swap3A_82 = vector.shape_cast %broadcast_in_dim3A_76 : vector<768x28xf32> to vector<1x768x28xf32>
    tpu.vector_store %arg2[%swap3A_77, %swap3A_78, %swap3A_79], %swap3A_82 {strides = array<i32>} : memref<8x768x128xf32, #tpu.memory_space<vmem>>, vector<1x768x28xf32>,
    %broadcast_in_dim3A_83 = vector.shape_cast %reduce_sum3A_54 : vector<768xf32> to vector<1x768xf32>
    %swap3A_84 = arith.constant 1 : index
    %swap3A_85 = arith.constant 0 : index
    %swap3A_86 = vector.load %arg3[%swap3A_84, %swap3A_85] : memref<8x768xf32, #tpu.memory_space<vmem>>, vector<1x768xf32>
    tpu.vector_store %arg3[%swap3A_84, %swap3A_85], %broadcast_in_dim3A_83 {strides = array<i32>} : memref<8x768xf32, #tpu.memory_space<vmem>>, vector<1x768xf32>,
    %get3A_87 = arith.constant 2 : index
    %get3A_88 = arith.constant 0 : index
    %get3A_89 = arith.constant 0 : index
    %get3A_90 = vector.load %arg0[%get3A_87, %get3A_88, %get3A_89] : memref<8x96x768xf32, #tpu.memory_space<vmem>>, vector<1x96x768xf32>
    %get3A_91 = vector.shape_cast %get3A_90 : vector<1x96x768xf32> to vector<96x768xf32>
    %transpose3A_92 = tpu.transpose %get3A_91, [1, 0] : vector<96x768xf32> -> vector<768x96xf32>
    %swap3A_93 = arith.constant 2 : index
    %swap3A_94 = arith.constant 0 : index
    %swap3A_95 = arith.constant 0 : index
    %swap3A_96 = vector.load %arg2[%swap3A_93, %swap3A_94, %swap3A_95] : memref<8x768x128xf32, #tpu.memory_space<vmem>>, vector<1x768x96xf32>
    %swap3A_97 = vector.shape_cast %swap3A_96 : vector<1x768x96xf32> to vector<768x96xf32>
    %swap3A_98 = vector.shape_cast %transpose3A_92 : vector<768x96xf32> to vector<1x768x96xf32>
    tpu.vector_store %arg2[%swap3A_93, %swap3A_94, %swap3A_95], %swap3A_98 {strides = array<i32>} : memref<8x768x128xf32, #tpu.memory_space<vmem>>, vector<1x768x96xf32>,
    %mul3A_99 = arith.mulf %get3A_91, %get3A_91 : vector<96x768xf32>
    %reduce_sum3A_100 = arith.constant dense<0.000000e+00> : vector<768xf32>
    %reduce_sum3A_101 = vector.multi_reduction <add>, %mul3A_99, %reduce_sum3A_100 [0] : vector<96x768xf32> to vector<768xf32>
    %sqrt3A_102 = math.sqrt %reduce_sum3A_101 : vector<768xf32>
    %broadcast_in_dim3A_103 = vector.shape_cast %sqrt3A_102 : vector<768xf32> to vector<768x1xf32>
    %swap3A_104 = arith.constant 2 : index
    %swap3A_105 = arith.constant 0 : index
    %swap3A_106 = arith.constant 96 : index
    %swap3A_107 = vector.load %arg2[%swap3A_104, %swap3A_105, %swap3A_106] : memref<8x768x128xf32, #tpu.memory_space<vmem>>, vector<1x768x1xf32>
    %swap3A_108 = vector.shape_cast %swap3A_107 : vector<1x768x1xf32> to vector<768x1xf32>
    %swap3A_109 = vector.shape_cast %broadcast_in_dim3A_103 : vector<768x1xf32> to vector<1x768x1xf32>
    tpu.vector_store %arg2[%swap3A_104, %swap3A_105, %swap3A_106], %swap3A_109 {strides = array<i32>} : memref<8x768x128xf32, #tpu.memory_space<vmem>>, vector<1x768x1xf32>,
    %get3A_110 = arith.constant 2 : index
    %get3A_111 = arith.constant 0 : index
    %get3A_112 = arith.constant 0 : index
    %get3A_113 = vector.load %arg1[%get3A_110, %get3A_111, %get3A_112] : memref<8x3x768xf32, #tpu.memory_space<vmem>>, vector<1x3x768xf32>
    %get3A_114 = vector.shape_cast %get3A_113 : vector<1x3x768xf32> to vector<3x768xf32>
    %transpose3A_115 = tpu.transpose %get3A_114, [1, 0] : vector<3x768xf32> -> vector<768x3xf32>
    %swap3A_116 = arith.constant 2 : index
    %swap3A_117 = arith.constant 0 : index
    %swap3A_118 = arith.constant 97 : index
    %swap3A_119 = vector.load %arg2[%swap3A_116, %swap3A_117, %swap3A_118] : memref<8x768x128xf32, #tpu.memory_space<vmem>>, vector<1x768x3xf32>
    %swap3A_120 = vector.shape_cast %swap3A_119 : vector<1x768x3xf32> to vector<768x3xf32>
    %swap3A_121 = vector.shape_cast %transpose3A_115 : vector<768x3xf32> to vector<1x768x3xf32>
    tpu.vector_store %arg2[%swap3A_116, %swap3A_117, %swap3A_118], %swap3A_121 {strides = array<i32>} : memref<8x768x128xf32, #tpu.memory_space<vmem>>, vector<1x768x3xf32>,
    %broadcast_in_dim3A_122 = arith.constant 0.000000e+00 : f32
    %broadcast_in_dim3A_123 = vector.broadcast %broadcast_in_dim3A_122 : f32 to vector<768x28xf32>
    %swap3A_124 = arith.constant 2 : index
    %swap3A_125 = arith.constant 0 : index
    %swap3A_126 = arith.constant 100 : index
    %swap3A_127 = vector.load %arg2[%swap3A_124, %swap3A_125, %swap3A_126] : memref<8x768x128xf32, #tpu.memory_space<vmem>>, vector<1x768x28xf32>
    %swap3A_128 = vector.shape_cast %swap3A_127 : vector<1x768x28xf32> to vector<768x28xf32>
    %swap3A_129 = vector.shape_cast %broadcast_in_dim3A_123 : vector<768x28xf32> to vector<1x768x28xf32>
    tpu.vector_store %arg2[%swap3A_124, %swap3A_125, %swap3A_126], %swap3A_129 {strides = array<i32>} : memref<8x768x128xf32, #tpu.memory_space<vmem>>, vector<1x768x28xf32>,
    %broadcast_in_dim3A_130 = vector.shape_cast %reduce_sum3A_101 : vector<768xf32> to vector<1x768xf32>
    %swap3A_131 = arith.constant 2 : index
    %swap3A_132 = arith.constant 0 : index
    %swap3A_133 = vector.load %arg3[%swap3A_131, %swap3A_132] : memref<8x768xf32, #tpu.memory_space<vmem>>, vector<1x768xf32>
    tpu.vector_store %arg3[%swap3A_131, %swap3A_132], %broadcast_in_dim3A_130 {strides = array<i32>} : memref<8x768xf32, #tpu.memory_space<vmem>>, vector<1x768xf32>,
    %get3A_134 = arith.constant 3 : index
    %get3A_135 = arith.constant 0 : index
    %get3A_136 = arith.constant 0 : index
    %get3A_137 = vector.load %arg0[%get3A_134, %get3A_135, %get3A_136] : memref<8x96x768xf32, #tpu.memory_space<vmem>>, vector<1x96x768xf32>
    %get3A_138 = vector.shape_cast %get3A_137 : vector<1x96x768xf32> to vector<96x768xf32>
    %transpose3A_139 = tpu.transpose %get3A_138, [1, 0] : vector<96x768xf32> -> vector<768x96xf32>
    %swap3A_140 = arith.constant 3 : index
    %swap3A_141 = arith.constant 0 : index
    %swap3A_142 = arith.constant 0 : index
    %swap3A_143 = vector.load %arg2[%swap3A_140, %swap3A_141, %swap3A_142] : memref<8x768x128xf32, #tpu.memory_space<vmem>>, vector<1x768x96xf32>
    %swap3A_144 = vector.shape_cast %swap3A_143 : vector<1x768x96xf32> to vector<768x96xf32>
    %swap3A_145 = vector.shape_cast %transpose3A_139 : vector<768x96xf32> to vector<1x768x96xf32>
    tpu.vector_store %arg2[%swap3A_140, %swap3A_141, %swap3A_142], %swap3A_145 {strides = array<i32>} : memref<8x768x128xf32, #tpu.memory_space<vmem>>, vector<1x768x96xf32>,
    %mul3A_146 = arith.mulf %get3A_138, %get3A_138 : vector<96x768xf32>
    %reduce_sum3A_147 = arith.constant dense<0.000000e+00> : vector<768xf32>
    %reduce_sum3A_148 = vector.multi_reduction <add>, %mul3A_146, %reduce_sum3A_147 [0] : vector<96x768xf32> to vector<768xf32>
    %sqrt3A_149 = math.sqrt %reduce_sum3A_148 : vector<768xf32>
    %broadcast_in_dim3A_150 = vector.shape_cast %sqrt3A_149 : vector<768xf32> to vector<768x1xf32>
    %swap3A_151 = arith.constant 3 : index
    %swap3A_152 = arith.constant 0 : index
    %swap3A_153 = arith.constant 96 : index
    %swap3A_154 = vector.load %arg2[%swap3A_151, %swap3A_152, %swap3A_153] : memref<8x768x128xf32, #tpu.memory_space<vmem>>, vector<1x768x1xf32>
    %swap3A_155 = vector.shape_cast %swap3A_154 : vector<1x768x1xf32> to vector<768x1xf32>
    %swap3A_156 = vector.shape_cast %broadcast_in_dim3A_150 : vector<768x1xf32> to vector<1x768x1xf32>
    tpu.vector_store %arg2[%swap3A_151, %swap3A_152, %swap3A_153], %swap3A_156 {strides = array<i32>} : memref<8x768x128xf32, #tpu.memory_space<vmem>>, vector<1x768x1xf32>,
    %get3A_157 = arith.constant 3 : index
    %get3A_158 = arith.constant 0 : index
    %get3A_159 = arith.constant 0 : index
    %get3A_160 = vector.load %arg1[%get3A_157, %get3A_158, %get3A_159] : memref<8x3x768xf32, #tpu.memory_space<vmem>>, vector<1x3x768xf32>
    %get3A_161 = vector.shape_cast %get3A_160 : vector<1x3x768xf32> to vector<3x768xf32>
    %transpose3A_162 = tpu.transpose %get3A_161, [1, 0] : vector<3x768xf32> -> vector<768x3xf32>
    %swap3A_163 = arith.constant 3 : index
    %swap3A_164 = arith.constant 0 : index
    %swap3A_165 = arith.constant 97 : index
    %swap3A_166 = vector.load %arg2[%swap3A_163, %swap3A_164, %swap3A_165] : memref<8x768x128xf32, #tpu.memory_space<vmem>>, vector<1x768x3xf32>
    %swap3A_167 = vector.shape_cast %swap3A_166 : vector<1x768x3xf32> to vector<768x3xf32>
    %swap3A_168 = vector.shape_cast %transpose3A_162 : vector<768x3xf32> to vector<1x768x3xf32>
    tpu.vector_store %arg2[%swap3A_163, %swap3A_164, %swap3A_165], %swap3A_168 {strides = array<i32>} : memref<8x768x128xf32, #tpu.memory_space<vmem>>, vector<1x768x3xf32>,
    %broadcast_in_dim3A_169 = arith.constant 0.000000e+00 : f32
    %broadcast_in_dim3A_170 = vector.broadcast %broadcast_in_dim3A_169 : f32 to vector<768x28xf32>
    %swap3A_171 = arith.constant 3 : index
    %swap3A_172 = arith.constant 0 : index
    %swap3A_173 = arith.constant 100 : index
    %swap3A_174 = vector.load %arg2[%swap3A_171, %swap3A_172, %swap3A_173] : memref<8x768x128xf32, #tpu.memory_space<vmem>>, vector<1x768x28xf32>
    %swap3A_175 = vector.shape_cast %swap3A_174 : vector<1x768x28xf32> to vector<768x28xf32>
    %swap3A_176 = vector.shape_cast %broadcast_in_dim3A_170 : vector<768x28xf32> to vector<1x768x28xf32>
    tpu.vector_store %arg2[%swap3A_171, %swap3A_172, %swap3A_173], %swap3A_176 {strides = array<i32>} : memref<8x768x128xf32, #tpu.memory_space<vmem>>, vector<1x768x28xf32>,
    %broadcast_in_dim3A_177 = vector.shape_cast %reduce_sum3A_148 : vector<768xf32> to vector<1x768xf32>
    %swap3A_178 = arith.constant 3 : index
    %swap3A_179 = arith.constant 0 : index
    %swap3A_180 = vector.load %arg3[%swap3A_178, %swap3A_179] : memref<8x768xf32, #tpu.memory_space<vmem>>, vector<1x768xf32>
    tpu.vector_store %arg3[%swap3A_178, %swap3A_179], %broadcast_in_dim3A_177 {strides = array<i32>} : memref<8x768xf32, #tpu.memory_space<vmem>>, vector<1x768xf32>,
    %get3A_181 = arith.constant 4 : index
    %get3A_182 = arith.constant 0 : index
    %get3A_183 = arith.constant 0 : index
    %get3A_184 = vector.load %arg0[%get3A_181, %get3A_182, %get3A_183] : memref<8x96x768xf32, #tpu.memory_space<vmem>>, vector<1x96x768xf32>
    %get3A_185 = vector.shape_cast %get3A_184 : vector<1x96x768xf32> to vector<96x768xf32>
    %transpose3A_186 = tpu.transpose %get3A_185, [1, 0] : vector<96x768xf32> -> vector<768x96xf32>
    %swap3A_187 = arith.constant 4 : index
    %swap3A_188 = arith.constant 0 : index
    %swap3A_189 = arith.constant 0 : index
    %swap3A_190 = vector.load %arg2[%swap3A_187, %swap3A_188, %swap3A_189] : memref<8x768x128xf32, #tpu.memory_space<vmem>>, vector<1x768x96xf32>
    %swap3A_191 = vector.shape_cast %swap3A_190 : vector<1x768x96xf32> to vector<768x96xf32>
    %swap3A_192 = vector.shape_cast %transpose3A_186 : vector<768x96xf32> to vector<1x768x96xf32>
    tpu.vector_store %arg2[%swap3A_187, %swap3A_188, %swap3A_189], %swap3A_192 {strides = array<i32>} : memref<8x768x128xf32, #tpu.memory_space<vmem>>, vector<1x768x96xf32>,
    %mul3A_193 = arith.mulf %get3A_185, %get3A_185 : vector<96x768xf32>
    %reduce_sum3A_194 = arith.constant dense<0.000000e+00> : vector<768xf32>
    %reduce_sum3A_195 = vector.multi_reduction <add>, %mul3A_193, %reduce_sum3A_194 [0] : vector<96x768xf32> to vector<768xf32>
    %sqrt3A_196 = math.sqrt %reduce_sum3A_195 : vector<768xf32>
    %broadcast_in_dim3A_197 = vector.shape_cast %sqrt3A_196 : vector<768xf32> to vector<768x1xf32>
    %swap3A_198 = arith.constant 4 : index
    %swap3A_199 = arith.constant 0 : index
    %swap3A_200 = arith.constant 96 : index
    %swap3A_201 = vector.load %arg2[%swap3A_198, %swap3A_199, %swap3A_200] : memref<8x768x128xf32, #tpu.memory_space<vmem>>, vector<1x768x1xf32>
    %swap3A_202 = vector.shape_cast %swap3A_201 : vector<1x768x1xf32> to vector<768x1xf32>
    %swap3A_203 = vector.shape_cast %broadcast_in_dim3A_197 : vector<768x1xf32> to vector<1x768x1xf32>
    tpu.vector_store %arg2[%swap3A_198, %swap3A_199, %swap3A_200], %swap3A_203 {strides = array<i32>} : memref<8x768x128xf32, #tpu.memory_space<vmem>>, vector<1x768x1xf32>,
    %get3A_204 = arith.constant 4 : index
    %get3A_205 = arith.constant 0 : index
    %get3A_206 = arith.constant 0 : index
    %get3A_207 = vector.load %arg1[%get3A_204, %get3A_205, %get3A_206] : memref<8x3x768xf32, #tpu.memory_space<vmem>>, vector<1x3x768xf32>
    %get3A_208 = vector.shape_cast %get3A_207 : vector<1x3x768xf32> to vector<3x768xf32>
    %transpose3A_209 = tpu.transpose %get3A_208, [1, 0] : vector<3x768xf32> -> vector<768x3xf32>
    %swap3A_210 = arith.constant 4 : index
    %swap3A_211 = arith.constant 0 : index
    %swap3A_212 = arith.constant 97 : index
    %swap3A_213 = vector.load %arg2[%swap3A_210, %swap3A_211, %swap3A_212] : memref<8x768x128xf32, #tpu.memory_space<vmem>>, vector<1x768x3xf32>
    %swap3A_214 = vector.shape_cast %swap3A_213 : vector<1x768x3xf32> to vector<768x3xf32>
    %swap3A_215 = vector.shape_cast %transpose3A_209 : vector<768x3xf32> to vector<1x768x3xf32>
    tpu.vector_store %arg2[%swap3A_210, %swap3A_211, %swap3A_212], %swap3A_215 {strides = array<i32>} : memref<8x768x128xf32, #tpu.memory_space<vmem>>, vector<1x768x3xf32>,
    %broadcast_in_dim3A_216 = arith.constant 0.000000e+00 : f32
    %broadcast_in_dim3A_217 = vector.broadcast %broadcast_in_dim3A_216 : f32 to vector<768x28xf32>
    %swap3A_218 = arith.constant 4 : index
    %swap3A_219 = arith.constant 0 : index
    %swap3A_220 = arith.constant 100 : index
    %swap3A_221 = vector.load %arg2[%swap3A_218, %swap3A_219, %swap3A_220] : memref<8x768x128xf32, #tpu.memory_space<vmem>>, vector<1x768x28xf32>
    %swap3A_222 = vector.shape_cast %swap3A_221 : vector<1x768x28xf32> to vector<768x28xf32>
    %swap3A_223 = vector.shape_cast %broadcast_in_dim3A_217 : vector<768x28xf32> to vector<1x768x28xf32>
    tpu.vector_store %arg2[%swap3A_218, %swap3A_219, %swap3A_220], %swap3A_223 {strides = array<i32>} : memref<8x768x128xf32, #tpu.memory_space<vmem>>, vector<1x768x28xf32>,
    %broadcast_in_dim3A_224 = vector.shape_cast %reduce_sum3A_195 : vector<768xf32> to vector<1x768xf32>
    %swap3A_225 = arith.constant 4 : index
    %swap3A_226 = arith.constant 0 : index
    %swap3A_227 = vector.load %arg3[%swap3A_225, %swap3A_226] : memref<8x768xf32, #tpu.memory_space<vmem>>, vector<1x768xf32>
    tpu.vector_store %arg3[%swap3A_225, %swap3A_226], %broadcast_in_dim3A_224 {strides = array<i32>} : memref<8x768xf32, #tpu.memory_space<vmem>>, vector<1x768xf32>,
    %get3A_228 = arith.constant 5 : index
    %get3A_229 = arith.constant 0 : index
    %get3A_230 = arith.constant 0 : index
    %get3A_231 = vector.load %arg0[%get3A_228, %get3A_229, %get3A_230] : memref<8x96x768xf32, #tpu.memory_space<vmem>>, vector<1x96x768xf32>
    %get3A_232 = vector.shape_cast %get3A_231 : vector<1x96x768xf32> to vector<96x768xf32>
    %transpose3A_233 = tpu.transpose %get3A_232, [1, 0] : vector<96x768xf32> -> vector<768x96xf32>
    %swap3A_234 = arith.constant 5 : index
    %swap3A_235 = arith.constant 0 : index
    %swap3A_236 = arith.constant 0 : index
    %swap3A_237 = vector.load %arg2[%swap3A_234, %swap3A_235, %swap3A_236] : memref<8x768x128xf32, #tpu.memory_space<vmem>>, vector<1x768x96xf32>
    %swap3A_238 = vector.shape_cast %swap3A_237 : vector<1x768x96xf32> to vector<768x96xf32>
    %swap3A_239 = vector.shape_cast %transpose3A_233 : vector<768x96xf32> to vector<1x768x96xf32>
    tpu.vector_store %arg2[%swap3A_234, %swap3A_235, %swap3A_236], %swap3A_239 {strides = array<i32>} : memref<8x768x128xf32, #tpu.memory_space<vmem>>, vector<1x768x96xf32>,
    %mul3A_240 = arith.mulf %get3A_232, %get3A_232 : vector<96x768xf32>
    %reduce_sum3A_241 = arith.constant dense<0.000000e+00> : vector<768xf32>
    %reduce_sum3A_242 = vector.multi_reduction <add>, %mul3A_240, %reduce_sum3A_241 [0] : vector<96x768xf32> to vector<768xf32>
    %sqrt3A_243 = math.sqrt %reduce_sum3A_242 : vector<768xf32>
    %broadcast_in_dim3A_244 = vector.shape_cast %sqrt3A_243 : vector<768xf32> to vector<768x1xf32>
    %swap3A_245 = arith.constant 5 : index
    %swap3A_246 = arith.constant 0 : index
    %swap3A_247 = arith.constant 96 : index
    %swap3A_248 = vector.load %arg2[%swap3A_245, %swap3A_246, %swap3A_247] : memref<8x768x128xf32, #tpu.memory_space<vmem>>, vector<1x768x1xf32>
    %swap3A_249 = vector.shape_cast %swap3A_248 : vector<1x768x1xf32> to vector<768x1xf32>
    %swap3A_250 = vector.shape_cast %broadcast_in_dim3A_244 : vector<768x1xf32> to vector<1x768x1xf32>
    tpu.vector_store %arg2[%swap3A_245, %swap3A_246, %swap3A_247], %swap3A_250 {strides = array<i32>} : memref<8x768x128xf32, #tpu.memory_space<vmem>>, vector<1x768x1xf32>,
    %get3A_251 = arith.constant 5 : index
    %get3A_252 = arith.constant 0 : index
    %get3A_253 = arith.constant 0 : index
    %get3A_254 = vector.load %arg1[%get3A_251, %get3A_252, %get3A_253] : memref<8x3x768xf32, #tpu.memory_space<vmem>>, vector<1x3x768xf32>
    %get3A_255 = vector.shape_cast %get3A_254 : vector<1x3x768xf32> to vector<3x768xf32>
    %transpose3A_256 = tpu.transpose %get3A_255, [1, 0] : vector<3x768xf32> -> vector<768x3xf32>
    %swap3A_257 = arith.constant 5 : index
    %swap3A_258 = arith.constant 0 : index
    %swap3A_259 = arith.constant 97 : index
    %swap3A_260 = vector.load %arg2[%swap3A_257, %swap3A_258, %swap3A_259] : memref<8x768x128xf32, #tpu.memory_space<vmem>>, vector<1x768x3xf32>
    %swap3A_261 = vector.shape_cast %swap3A_260 : vector<1x768x3xf32> to vector<768x3xf32>
    %swap3A_262 = vector.shape_cast %transpose3A_256 : vector<768x3xf32> to vector<1x768x3xf32>
    tpu.vector_store %arg2[%swap3A_257, %swap3A_258, %swap3A_259], %swap3A_262 {strides = array<i32>} : memref<8x768x128xf32, #tpu.memory_space<vmem>>, vector<1x768x3xf32>,
    %broadcast_in_dim3A_263 = arith.constant 0.000000e+00 : f32
    %broadcast_in_dim3A_264 = vector.broadcast %broadcast_in_dim3A_263 : f32 to vector<768x28xf32>
    %swap3A_265 = arith.constant 5 : index
    %swap3A_266 = arith.constant 0 : index
    %swap3A_267 = arith.constant 100 : index
    %swap3A_268 = vector.load %arg2[%swap3A_265, %swap3A_266, %swap3A_267] : memref<8x768x128xf32, #tpu.memory_space<vmem>>, vector<1x768x28xf32>
    %swap3A_269 = vector.shape_cast %swap3A_268 : vector<1x768x28xf32> to vector<768x28xf32>
    %swap3A_270 = vector.shape_cast %broadcast_in_dim3A_264 : vector<768x28xf32> to vector<1x768x28xf32>
    tpu.vector_store %arg2[%swap3A_265, %swap3A_266, %swap3A_267], %swap3A_270 {strides = array<i32>} : memref<8x768x128xf32, #tpu.memory_space<vmem>>, vector<1x768x28xf32>,
    %broadcast_in_dim3A_271 = vector.shape_cast %reduce_sum3A_242 : vector<768xf32> to vector<1x768xf32>
    %swap3A_272 = arith.constant 5 : index
    %swap3A_273 = arith.constant 0 : index
    %swap3A_274 = vector.load %arg3[%swap3A_272, %swap3A_273] : memref<8x768xf32, #tpu.memory_space<vmem>>, vector<1x768xf32>
    tpu.vector_store %arg3[%swap3A_272, %swap3A_273], %broadcast_in_dim3A_271 {strides = array<i32>} : memref<8x768xf32, #tpu.memory_space<vmem>>, vector<1x768xf32>,
    %get3A_275 = arith.constant 6 : index
    %get3A_276 = arith.constant 0 : index
    %get3A_277 = arith.constant 0 : index
    %get3A_278 = vector.load %arg0[%get3A_275, %get3A_276, %get3A_277] : memref<8x96x768xf32, #tpu.memory_space<vmem>>, vector<1x96x768xf32>
    %get3A_279 = vector.shape_cast %get3A_278 : vector<1x96x768xf32> to vector<96x768xf32>
    %transpose3A_280 = tpu.transpose %get3A_279, [1, 0] : vector<96x768xf32> -> vector<768x96xf32>
    %swap3A_281 = arith.constant 6 : index
    %swap3A_282 = arith.constant 0 : index
    %swap3A_283 = arith.constant 0 : index
    %swap3A_284 = vector.load %arg2[%swap3A_281, %swap3A_282, %swap3A_283] : memref<8x768x128xf32, #tpu.memory_space<vmem>>, vector<1x768x96xf32>
    %swap3A_285 = vector.shape_cast %swap3A_284 : vector<1x768x96xf32> to vector<768x96xf32>
    %swap3A_286 = vector.shape_cast %transpose3A_280 : vector<768x96xf32> to vector<1x768x96xf32>
    tpu.vector_store %arg2[%swap3A_281, %swap3A_282, %swap3A_283], %swap3A_286 {strides = array<i32>} : memref<8x768x128xf32, #tpu.memory_space<vmem>>, vector<1x768x96xf32>,
    %mul3A_287 = arith.mulf %get3A_279, %get3A_279 : vector<96x768xf32>
    %reduce_sum3A_288 = arith.constant dense<0.000000e+00> : vector<768xf32>
    %reduce_sum3A_289 = vector.multi_reduction <add>, %mul3A_287, %reduce_sum3A_288 [0] : vector<96x768xf32> to vector<768xf32>
    %sqrt3A_290 = math.sqrt %reduce_sum3A_289 : vector<768xf32>
    %broadcast_in_dim3A_291 = vector.shape_cast %sqrt3A_290 : vector<768xf32> to vector<768x1xf32>
    %swap3A_292 = arith.constant 6 : index
    %swap3A_293 = arith.constant 0 : index
    %swap3A_294 = arith.constant 96 : index
    %swap3A_295 = vector.load %arg2[%swap3A_292, %swap3A_293, %swap3A_294] : memref<8x768x128xf32, #tpu.memory_space<vmem>>, vector<1x768x1xf32>
    %swap3A_296 = vector.shape_cast %swap3A_295 : vector<1x768x1xf32> to vector<768x1xf32>
    %swap3A_297 = vector.shape_cast %broadcast_in_dim3A_291 : vector<768x1xf32> to vector<1x768x1xf32>
    tpu.vector_store %arg2[%swap3A_292, %swap3A_293, %swap3A_294], %swap3A_297 {strides = array<i32>} : memref<8x768x128xf32, #tpu.memory_space<vmem>>, vector<1x768x1xf32>,
    %get3A_298 = arith.constant 6 : index
    %get3A_299 = arith.constant 0 : index
    %get3A_300 = arith.constant 0 : index
    %get3A_301 = vector.load %arg1[%get3A_298, %get3A_299, %get3A_300] : memref<8x3x768xf32, #tpu.memory_space<vmem>>, vector<1x3x768xf32>
    %get3A_302 = vector.shape_cast %get3A_301 : vector<1x3x768xf32> to vector<3x768xf32>
    %transpose3A_303 = tpu.transpose %get3A_302, [1, 0] : vector<3x768xf32> -> vector<768x3xf32>
    %swap3A_304 = arith.constant 6 : index
    %swap3A_305 = arith.constant 0 : index
    %swap3A_306 = arith.constant 97 : index
    %swap3A_307 = vector.load %arg2[%swap3A_304, %swap3A_305, %swap3A_306] : memref<8x768x128xf32, #tpu.memory_space<vmem>>, vector<1x768x3xf32>
    %swap3A_308 = vector.shape_cast %swap3A_307 : vector<1x768x3xf32> to vector<768x3xf32>
    %swap3A_309 = vector.shape_cast %transpose3A_303 : vector<768x3xf32> to vector<1x768x3xf32>
    tpu.vector_store %arg2[%swap3A_304, %swap3A_305, %swap3A_306], %swap3A_309 {strides = array<i32>} : memref<8x768x128xf32, #tpu.memory_space<vmem>>, vector<1x768x3xf32>,
    %broadcast_in_dim3A_310 = arith.constant 0.000000e+00 : f32
    %broadcast_in_dim3A_311 = vector.broadcast %broadcast_in_dim3A_310 : f32 to vector<768x28xf32>
    %swap3A_312 = arith.constant 6 : index
    %swap3A_313 = arith.constant 0 : index
    %swap3A_314 = arith.constant 100 : index
    %swap3A_315 = vector.load %arg2[%swap3A_312, %swap3A_313, %swap3A_314] : memref<8x768x128xf32, #tpu.memory_space<vmem>>, vector<1x768x28xf32>
    %swap3A_316 = vector.shape_cast %swap3A_315 : vector<1x768x28xf32> to vector<768x28xf32>
    %swap3A_317 = vector.shape_cast %broadcast_in_dim3A_311 : vector<768x28xf32> to vector<1x768x28xf32>
    tpu.vector_store %arg2[%swap3A_312, %swap3A_313, %swap3A_314], %swap3A_317 {strides = array<i32>} : memref<8x768x128xf32, #tpu.memory_space<vmem>>, vector<1x768x28xf32>,
    %broadcast_in_dim3A_318 = vector.shape_cast %reduce_sum3A_289 : vector<768xf32> to vector<1x768xf32>
    %swap3A_319 = arith.constant 6 : index
    %swap3A_320 = arith.constant 0 : index
    %swap3A_321 = vector.load %arg3[%swap3A_319, %swap3A_320] : memref<8x768xf32, #tpu.memory_space<vmem>>, vector<1x768xf32>
    tpu.vector_store %arg3[%swap3A_319, %swap3A_320], %broadcast_in_dim3A_318 {strides = array<i32>} : memref<8x768xf32, #tpu.memory_space<vmem>>, vector<1x768xf32>,
    %get3A_322 = arith.constant 7 : index
    %get3A_323 = arith.constant 0 : index
    %get3A_324 = arith.constant 0 : index
    %get3A_325 = vector.load %arg0[%get3A_322, %get3A_323, %get3A_324] : memref<8x96x768xf32, #tpu.memory_space<vmem>>, vector<1x96x768xf32>
    %get3A_326 = vector.shape_cast %get3A_325 : vector<1x96x768xf32> to vector<96x768xf32>
    %transpose3A_327 = tpu.transpose %get3A_326, [1, 0] : vector<96x768xf32> -> vector<768x96xf32>
    %swap3A_328 = arith.constant 7 : index
    %swap3A_329 = arith.constant 0 : index
    %swap3A_330 = arith.constant 0 : index
    %swap3A_331 = vector.load %arg2[%swap3A_328, %swap3A_329, %swap3A_330] : memref<8x768x128xf32, #tpu.memory_space<vmem>>, vector<1x768x96xf32>
    %swap3A_332 = vector.shape_cast %swap3A_331 : vector<1x768x96xf32> to vector<768x96xf32>
    %swap3A_333 = vector.shape_cast %transpose3A_327 : vector<768x96xf32> to vector<1x768x96xf32>
    tpu.vector_store %arg2[%swap3A_328, %swap3A_329, %swap3A_330], %swap3A_333 {strides = array<i32>} : memref<8x768x128xf32, #tpu.memory_space<vmem>>, vector<1x768x96xf32>,
    %mul3A_334 = arith.mulf %get3A_326, %get3A_326 : vector<96x768xf32>
    %reduce_sum3A_335 = arith.constant dense<0.000000e+00> : vector<768xf32>
    %reduce_sum3A_336 = vector.multi_reduction <add>, %mul3A_334, %reduce_sum3A_335 [0] : vector<96x768xf32> to vector<768xf32>
    %sqrt3A_337 = math.sqrt %reduce_sum3A_336 : vector<768xf32>
    %broadcast_in_dim3A_338 = vector.shape_cast %sqrt3A_337 : vector<768xf32> to vector<768x1xf32>
    %swap3A_339 = arith.constant 7 : index
    %swap3A_340 = arith.constant 0 : index
    %swap3A_341 = arith.constant 96 : index
    %swap3A_342 = vector.load %arg2[%swap3A_339, %swap3A_340, %swap3A_341] : memref<8x768x128xf32, #tpu.memory_space<vmem>>, vector<1x768x1xf32>
    %swap3A_343 = vector.shape_cast %swap3A_342 : vector<1x768x1xf32> to vector<768x1xf32>
    %swap3A_344 = vector.shape_cast %broadcast_in_dim3A_338 : vector<768x1xf32> to vector<1x768x1xf32>
    tpu.vector_store %arg2[%swap3A_339, %swap3A_340, %swap3A_341], %swap3A_344 {strides = array<i32>} : memref<8x768x128xf32, #tpu.memory_space<vmem>>, vector<1x768x1xf32>,
    %get3A_345 = arith.constant 7 : index
    %get3A_346 = arith.constant 0 : index
    %get3A_347 = arith.constant 0 : index
    %get3A_348 = vector.load %arg1[%get3A_345, %get3A_346, %get3A_347] : memref<8x3x768xf32, #tpu.memory_space<vmem>>, vector<1x3x768xf32>
    %get3A_349 = vector.shape_cast %get3A_348 : vector<1x3x768xf32> to vector<3x768xf32>
    %transpose3A_350 = tpu.transpose %get3A_349, [1, 0] : vector<3x768xf32> -> vector<768x3xf32>
    %swap3A_351 = arith.constant 7 : index
    %swap3A_352 = arith.constant 0 : index
    %swap3A_353 = arith.constant 97 : index
    %swap3A_354 = vector.load %arg2[%swap3A_351, %swap3A_352, %swap3A_353] : memref<8x768x128xf32, #tpu.memory_space<vmem>>, vector<1x768x3xf32>
    %swap3A_355 = vector.shape_cast %swap3A_354 : vector<1x768x3xf32> to vector<768x3xf32>
    %swap3A_356 = vector.shape_cast %transpose3A_350 : vector<768x3xf32> to vector<1x768x3xf32>
    tpu.vector_store %arg2[%swap3A_351, %swap3A_352, %swap3A_353], %swap3A_356 {strides = array<i32>} : memref<8x768x128xf32, #tpu.memory_space<vmem>>, vector<1x768x3xf32>,
    %broadcast_in_dim3A_357 = arith.constant 0.000000e+00 : f32
    %broadcast_in_dim3A_358 = vector.broadcast %broadcast_in_dim3A_357 : f32 to vector<768x28xf32>
    %swap3A_359 = arith.constant 7 : index
    %swap3A_360 = arith.constant 0 : index
    %swap3A_361 = arith.constant 100 : index
    %swap3A_362 = vector.load %arg2[%swap3A_359, %swap3A_360, %swap3A_361] : memref<8x768x128xf32, #tpu.memory_space<vmem>>, vector<1x768x28xf32>
    %swap3A_363 = vector.shape_cast %swap3A_362 : vector<1x768x28xf32> to vector<768x28xf32>
    %swap3A_364 = vector.shape_cast %broadcast_in_dim3A_358 : vector<768x28xf32> to vector<1x768x28xf32>
    tpu.vector_store %arg2[%swap3A_359, %swap3A_360, %swap3A_361], %swap3A_364 {strides = array<i32>} : memref<8x768x128xf32, #tpu.memory_space<vmem>>, vector<1x768x28xf32>,
    %broadcast_in_dim3A_365 = vector.shape_cast %reduce_sum3A_336 : vector<768xf32> to vector<1x768xf32>
    %swap3A_366 = arith.constant 7 : index
    %swap3A_367 = arith.constant 0 : index
    %swap3A_368 = vector.load %arg3[%swap3A_366, %swap3A_367] : memref<8x768xf32, #tpu.memory_space<vmem>>, vector<1x768xf32>
    tpu.vector_store %arg3[%swap3A_366, %swap3A_367], %broadcast_in_dim3A_365 {strides = array<i32>} : memref<8x768xf32, #tpu.memory_space<vmem>>, vector<1x768xf32>,
    return
  }
}

module attributes {stable_mosaic.version = 14 : i64} {
  func.func @_prep_table_body(%arg0: i32, %arg1: i32, %arg2: memref<1x96x3584xf32, #tpu.memory_space<vmem>>, %arg3: memref<3x3584xf32, #tpu.memory_space<vmem>>, %arg4: memref<1x3584x128xf32, #tpu.memory_space<vmem>>) attributes {dimension_semantics = [#tpu.dimension_semantics<arbitrary>, #tpu.dimension_semantics<arbitrary>], iteration_bounds = array<i64: 8, 14>, scalar_prefetch = 0 : i64, scratch_operands = 0 : i64, tpu.core_type = #tpu.core_type<tc>, window_params = [{transform_indices = @transform_0, window_bounds = array<i64: 1, 96, 3584>}, {transform_indices = @transform_1, window_bounds = array<i64: 3, 3584>}, {transform_indices = @transform_2, window_bounds = array<i64: 1, 3584, 128>}]} {
    %get3A = arith.constant 0 : index
    %get3A_0 = arith.constant 0 : index
    %get3A_1 = arith.constant 0 : index
    %get3A_2 = vector.load %arg2[%get3A, %get3A_0, %get3A_1] : memref<1x96x3584xf32, #tpu.memory_space<vmem>>, vector<1x96x3584xf32>
    %get3A_3 = vector.shape_cast %get3A_2 : vector<1x96x3584xf32> to vector<96x3584xf32>
    %transpose3A = tpu.transpose %get3A_3, [1, 0] : vector<96x3584xf32> -> vector<3584x96xf32>
    %swap3A = arith.constant 0 : index
    %swap3A_4 = arith.constant 0 : index
    %swap3A_5 = arith.constant 0 : index
    %swap3A_6 = vector.load %arg4[%swap3A, %swap3A_4, %swap3A_5] : memref<1x3584x128xf32, #tpu.memory_space<vmem>>, vector<1x3584x96xf32>
    %swap3A_7 = vector.shape_cast %swap3A_6 : vector<1x3584x96xf32> to vector<3584x96xf32>
    %swap3A_8 = vector.shape_cast %transpose3A : vector<3584x96xf32> to vector<1x3584x96xf32>
    tpu.vector_store %arg4[%swap3A, %swap3A_4, %swap3A_5], %swap3A_8 {strides = array<i32>} : memref<1x3584x128xf32, #tpu.memory_space<vmem>>, vector<1x3584x96xf32>,
    %mul3A = arith.mulf %get3A_3, %get3A_3 : vector<96x3584xf32>
    %reduce_sum3A = arith.constant dense<0.000000e+00> : vector<3584xf32>
    %reduce_sum3A_9 = vector.multi_reduction <add>, %mul3A, %reduce_sum3A [0] : vector<96x3584xf32> to vector<3584xf32>
    %sqrt3A = math.sqrt %reduce_sum3A_9 : vector<3584xf32>
    %broadcast_in_dim3A = vector.shape_cast %sqrt3A : vector<3584xf32> to vector<3584x1xf32>
    %swap3A_10 = arith.constant 0 : index
    %swap3A_11 = arith.constant 0 : index
    %swap3A_12 = arith.constant 96 : index
    %swap3A_13 = vector.load %arg4[%swap3A_10, %swap3A_11, %swap3A_12] : memref<1x3584x128xf32, #tpu.memory_space<vmem>>, vector<1x3584x1xf32>
    %swap3A_14 = vector.shape_cast %swap3A_13 : vector<1x3584x1xf32> to vector<3584x1xf32>
    %swap3A_15 = vector.shape_cast %broadcast_in_dim3A : vector<3584x1xf32> to vector<1x3584x1xf32>
    tpu.vector_store %arg4[%swap3A_10, %swap3A_11, %swap3A_12], %swap3A_15 {strides = array<i32>} : memref<1x3584x128xf32, #tpu.memory_space<vmem>>, vector<1x3584x1xf32>,
    %get3A_16 = arith.constant 0 : index
    %get3A_17 = arith.constant 0 : index
    %get3A_18 = vector.load %arg3[%get3A_16, %get3A_17] : memref<3x3584xf32, #tpu.memory_space<vmem>>, vector<3x3584xf32>
    %transpose3A_19 = tpu.transpose %get3A_18, [1, 0] : vector<3x3584xf32> -> vector<3584x3xf32>
    %swap3A_20 = arith.constant 0 : index
    %swap3A_21 = arith.constant 0 : index
    %swap3A_22 = arith.constant 97 : index
    %swap3A_23 = vector.load %arg4[%swap3A_20, %swap3A_21, %swap3A_22] : memref<1x3584x128xf32, #tpu.memory_space<vmem>>, vector<1x3584x3xf32>
    %swap3A_24 = vector.shape_cast %swap3A_23 : vector<1x3584x3xf32> to vector<3584x3xf32>
    %swap3A_25 = vector.shape_cast %transpose3A_19 : vector<3584x3xf32> to vector<1x3584x3xf32>
    tpu.vector_store %arg4[%swap3A_20, %swap3A_21, %swap3A_22], %swap3A_25 {strides = array<i32>} : memref<1x3584x128xf32, #tpu.memory_space<vmem>>, vector<1x3584x3xf32>,
    %broadcast_in_dim3A_26 = arith.constant 0.000000e+00 : f32
    %broadcast_in_dim3A_27 = vector.broadcast %broadcast_in_dim3A_26 : f32 to vector<3584x28xf32>
    %swap3A_28 = arith.constant 0 : index
    %swap3A_29 = arith.constant 0 : index
    %swap3A_30 = arith.constant 100 : index
    %swap3A_31 = vector.load %arg4[%swap3A_28, %swap3A_29, %swap3A_30] : memref<1x3584x128xf32, #tpu.memory_space<vmem>>, vector<1x3584x28xf32>
    %swap3A_32 = vector.shape_cast %swap3A_31 : vector<1x3584x28xf32> to vector<3584x28xf32>
    %swap3A_33 = vector.shape_cast %broadcast_in_dim3A_27 : vector<3584x28xf32> to vector<1x3584x28xf32>
    tpu.vector_store %arg4[%swap3A_28, %swap3A_29, %swap3A_30], %swap3A_33 {strides = array<i32>} : memref<1x3584x128xf32, #tpu.memory_space<vmem>>, vector<1x3584x28xf32>,
    return
  }
  func.func @transform_0(%arg0: i32, %arg1: i32) -> (i32, i32, i32) {
    %c0_i32 = arith.constant 0 : i32
    %c0_i32_0 = arith.constant 0 : i32
    return %arg0, %c0_i32, %arg1 : i32, i32, i32
  }
  func.func @transform_1(%arg0: i32, %arg1: i32) -> (i32, i32) {
    %c0_i32 = arith.constant 0 : i32
    %c0_i32_0 = arith.constant 0 : i32
    return %c0_i32, %arg1 : i32, i32
  }
  func.func @transform_2(%arg0: i32, %arg1: i32) -> (i32, i32, i32) {
    %c0_i32 = arith.constant 0 : i32
    %c0_i32_0 = arith.constant 0 : i32
    return %arg0, %arg1, %c0_i32 : i32, i32, i32
  }
}

module attributes {stable_mosaic.version = 14 : i64} {
  func.func @_stage2_body(%arg0: i32, %arg1: i32, %arg2: memref<1x864x128xf32, #tpu.memory_space<vmem>>, %arg3: memref<1x864x128xf32, #tpu.memory_space<vmem>>, %arg4: memref<7x128x128xf32, #tpu.memory_space<vmem>>, %arg5: memref<8x32x128xf32, #tpu.memory_space<vmem>>) attributes {dimension_semantics = [#tpu.dimension_semantics<arbitrary>, #tpu.dimension_semantics<arbitrary>], iteration_bounds = array<i64: 8, 27>, scalar_prefetch = 0 : i64, scratch_operands = 0 : i64, tpu.core_type = #tpu.core_type<tc>, window_params = [{transform_indices = @transform_0, window_bounds = array<i64: 1, 864, 128>}, {transform_indices = @transform_1, window_bounds = array<i64: 1, 864, 128>}, {pipeline_mode = #tpu.pipeline_mode<synchronous>, transform_indices = @transform_2, window_bounds = array<i64: 7, 128, 128>}, {pipeline_mode = #tpu.pipeline_mode<synchronous>, transform_indices = @transform_3, window_bounds = array<i64: 8, 32, 128>}]} {
    %get3A = arith.constant 0 : index
    %get3A_0 = arith.constant 0 : index
    %get3A_1 = arith.constant 0 : index
    %get3A_2 = vector.load %arg2[%get3A, %get3A_0, %get3A_1] : memref<1x864x128xf32, #tpu.memory_space<vmem>>, vector<1x864x128xf32>
    %get3A_3 = vector.shape_cast %get3A_2 : vector<1x864x128xf32> to vector<864x128xf32>
    %get3A_4 = arith.constant 0 : index
    %get3A_5 = arith.constant 0 : index
    %get3A_6 = arith.constant 0 : index
    %get3A_7 = vector.load %arg3[%get3A_4, %get3A_5, %get3A_6] : memref<1x864x128xf32, #tpu.memory_space<vmem>>, vector<1x864x128xf32>
    %get3A_8 = vector.shape_cast %get3A_7 : vector<1x864x128xf32> to vector<864x128xf32>
    %get3A_9 = arith.constant 0 : index
    %get3A_10 = arith.constant 0 : index
    %get3A_11 = arith.constant 0 : index
    %get3A_12 = vector.load %arg4[%get3A_9, %get3A_10, %get3A_11] : memref<7x128x128xf32, #tpu.memory_space<vmem>>, vector<1x128x128xf32>
    %get3A_13 = vector.shape_cast %get3A_12 : vector<1x128x128xf32> to vector<128x128xf32>
    %dot_general3A = arith.constant dense<0.000000e+00> : vector<864x128xf32>
    %dot_general3A_14 = tpu.matmul %get3A_3, %get3A_13, %dot_general3A {dimension_numbers = #tpu.dot_dimension_numbers<[1], [0], [0], [1], [0, 0, 1, 1], [], []>, transpose_lhs_hint = false} : vector<864x128xf32>, vector<128x128xf32>, vector<864x128xf32> -> vector<864x128xf32>
    %get3A_15 = arith.constant 1 : index
    %get3A_16 = arith.constant 0 : index
    %get3A_17 = arith.constant 0 : index
    %get3A_18 = vector.load %arg4[%get3A_15, %get3A_16, %get3A_17] : memref<7x128x128xf32, #tpu.memory_space<vmem>>, vector<1x128x128xf32>
    %get3A_19 = vector.shape_cast %get3A_18 : vector<1x128x128xf32> to vector<128x128xf32>
    %dot_general3A_20 = arith.constant dense<0.000000e+00> : vector<864x128xf32>
    %dot_general3A_21 = tpu.matmul %get3A_8, %get3A_19, %dot_general3A_20 {dimension_numbers = #tpu.dot_dimension_numbers<[1], [0], [0], [1], [0, 0, 1, 1], [], []>, transpose_lhs_hint = false} : vector<864x128xf32>, vector<128x128xf32>, vector<864x128xf32> -> vector<864x128xf32>
    %get3A_22 = arith.constant 2 : index
    %get3A_23 = arith.constant 0 : index
    %get3A_24 = arith.constant 0 : index
    %get3A_25 = vector.load %arg4[%get3A_22, %get3A_23, %get3A_24] : memref<7x128x128xf32, #tpu.memory_space<vmem>>, vector<1x128x128xf32>
    %get3A_26 = vector.shape_cast %get3A_25 : vector<1x128x128xf32> to vector<128x128xf32>
    %dot_general3A_27 = arith.constant dense<0.000000e+00> : vector<864x128xf32>
    %dot_general3A_28 = tpu.matmul %get3A_8, %get3A_26, %dot_general3A_27 {dimension_numbers = #tpu.dot_dimension_numbers<[1], [0], [0], [1], [0, 0, 1, 1], [], []>, transpose_lhs_hint = false} : vector<864x128xf32>, vector<128x128xf32>, vector<864x128xf32> -> vector<864x128xf32>
    %get3A_29 = arith.constant 3 : index
    %get3A_30 = arith.constant 0 : index
    %get3A_31 = arith.constant 0 : index
    %get3A_32 = vector.load %arg4[%get3A_29, %get3A_30, %get3A_31] : memref<7x128x128xf32, #tpu.memory_space<vmem>>, vector<1x128x128xf32>
    %get3A_33 = vector.shape_cast %get3A_32 : vector<1x128x128xf32> to vector<128x128xf32>
    %dot_general3A_34 = arith.constant dense<0.000000e+00> : vector<864x128xf32>
    %dot_general3A_35 = tpu.matmul %get3A_8, %get3A_33, %dot_general3A_34 {dimension_numbers = #tpu.dot_dimension_numbers<[1], [0], [0], [1], [0, 0, 1, 1], [], []>, transpose_lhs_hint = false} : vector<864x128xf32>, vector<128x128xf32>, vector<864x128xf32> -> vector<864x128xf32>
    %get3A_36 = arith.constant 4 : index
    %get3A_37 = arith.constant 0 : index
    %get3A_38 = arith.constant 0 : index
    %get3A_39 = vector.load %arg4[%get3A_36, %get3A_37, %get3A_38] : memref<7x128x128xf32, #tpu.memory_space<vmem>>, vector<1x128x128xf32>
    %get3A_40 = vector.shape_cast %get3A_39 : vector<1x128x128xf32> to vector<128x128xf32>
    %dot_general3A_41 = arith.constant dense<0.000000e+00> : vector<864x128xf32>
    %dot_general3A_42 = tpu.matmul %get3A_8, %get3A_40, %dot_general3A_41 {dimension_numbers = #tpu.dot_dimension_numbers<[1], [0], [0], [1], [0, 0, 1, 1], [], []>, transpose_lhs_hint = false} : vector<864x128xf32>, vector<128x128xf32>, vector<864x128xf32> -> vector<864x128xf32>
    %get3A_43 = arith.constant 5 : index
    %get3A_44 = arith.constant 0 : index
    %get3A_45 = arith.constant 0 : index
    %get3A_46 = vector.load %arg4[%get3A_43, %get3A_44, %get3A_45] : memref<7x128x128xf32, #tpu.memory_space<vmem>>, vector<1x128x128xf32>
    %get3A_47 = vector.shape_cast %get3A_46 : vector<1x128x128xf32> to vector<128x128xf32>
    %dot_general3A_48 = arith.constant dense<0.000000e+00> : vector<864x128xf32>
    %dot_general3A_49 = tpu.matmul %get3A_8, %get3A_47, %dot_general3A_48 {dimension_numbers = #tpu.dot_dimension_numbers<[1], [0], [0], [1], [0, 0, 1, 1], [], []>, transpose_lhs_hint = false} : vector<864x128xf32>, vector<128x128xf32>, vector<864x128xf32> -> vector<864x128xf32>
    %get3A_50 = arith.constant 6 : index
    %get3A_51 = arith.constant 0 : index
    %get3A_52 = arith.constant 0 : index
    %get3A_53 = vector.load %arg4[%get3A_50, %get3A_51, %get3A_52] : memref<7x128x128xf32, #tpu.memory_space<vmem>>, vector<1x128x128xf32>
    %get3A_54 = vector.shape_cast %get3A_53 : vector<1x128x128xf32> to vector<128x128xf32>
    %dot_general3A_55 = arith.constant dense<0.000000e+00> : vector<864x128xf32>
    %dot_general3A_56 = tpu.matmul %get3A_8, %get3A_54, %dot_general3A_55 {dimension_numbers = #tpu.dot_dimension_numbers<[1], [0], [0], [1], [0, 0, 1, 1], [], []>, transpose_lhs_hint = false} : vector<864x128xf32>, vector<128x128xf32>, vector<864x128xf32> -> vector<864x128xf32>
    %mul3A = arith.mulf %dot_general3A_42, %dot_general3A_42 : vector<864x128xf32>
    %mul3A_57 = arith.mulf %dot_general3A_49, %dot_general3A_49 : vector<864x128xf32>
    %add3A = arith.addf %mul3A, %mul3A_57 : vector<864x128xf32>
    %mul3A_58 = arith.mulf %dot_general3A_56, %dot_general3A_56 : vector<864x128xf32>
    %add3A_59 = arith.addf %add3A, %mul3A_58 : vector<864x128xf32>
    %sqrt3A = math.sqrt %add3A_59 : vector<864x128xf32>
    %mul3A_60 = arith.constant 0.115470052 : f32
    %mul3A_61 = vector.broadcast %mul3A_60 : f32 to vector<864x128xf32>
    %mul3A_62 = arith.mulf %mul3A_61, %sqrt3A : vector<864x128xf32>
    %add3A_63 = arith.addf %dot_general3A_28, %mul3A_62 : vector<864x128xf32>
    %mul3A_64 = arith.mulf %dot_general3A_35, %dot_general3A_21 : vector<864x128xf32>
    %max3A = arith.constant 9.99999993E-9 : f32
    %max3A_65 = vector.broadcast %max3A : f32 to vector<864x128xf32>
    %max3A_66 = arith.maximumf %mul3A_64, %max3A_65 : vector<864x128xf32>
    %mul3A_67 = arith.mulf %dot_general3A_14, %add3A_63 : vector<864x128xf32>
    %div3A = arith.divf %mul3A_67, %max3A_66 : vector<864x128xf32>
    %abs3A = math.absf %div3A : vector<864x128xf32>
    %min3A = arith.constant 1.000000e+00 : f32
    %min3A_68 = vector.broadcast %min3A : f32 to vector<864x128xf32>
    %min3A_69 = arith.minimumf %abs3A, %min3A_68 : vector<864x128xf32>
    %reshape3A = vector.shape_cast %min3A_69 : vector<864x128xf32> to vector<27x32x128xf32>
    %reduce_sum3A = arith.constant dense<0.000000e+00> : vector<32x128xf32>
    %reduce_sum3A_70 = vector.multi_reduction <add>, %reshape3A, %reduce_sum3A [0] : vector<27x32x128xf32> to vector<32x128xf32>
    %eq3A = arith.constant 0 : i32
    %eq3A_71 = arith.cmpi eq, %arg0, %eq3A : i32
    %eq3A_72 = arith.constant 0 : i32
    %eq3A_73 = arith.cmpi eq, %arg1, %eq3A_72 : i32
    %and3A = arith.andi %eq3A_71, %eq3A_73 : i1
    %convert_element_type3A = arith.extui %and3A : i1 to i32
    %cond3A = arith.constant 0 : i32
    %cond3A_74 = arith.cmpi ne, %convert_element_type3A, %cond3A : i32
    scf.if %cond3A_74 {
      %broadcast_in_dim3A_83 = arith.constant 0.000000e+00 : f32
      %broadcast_in_dim3A_84 = vector.broadcast %broadcast_in_dim3A_83 : f32 to vector<8x32x128xf32>
      %swap3A_85 = arith.constant 0 : index
      %swap3A_86 = arith.constant 0 : index
      %swap3A_87 = arith.constant 0 : index
      %swap3A_88 = vector.load %arg5[%swap3A_85, %swap3A_86, %swap3A_87] : memref<8x32x128xf32, #tpu.memory_space<vmem>>, vector<8x32x128xf32>
      tpu.vector_store %arg5[%swap3A_85, %swap3A_86, %swap3A_87], %broadcast_in_dim3A_84 {strides = array<i32>} : memref<8x32x128xf32, #tpu.memory_space<vmem>>, vector<8x32x128xf32>,
    } else {
    }
    %get3A_75 = arith.index_cast %arg0 : i32 to index
    %get3A_76 = arith.constant 0 : index
    %get3A_77 = arith.constant 0 : index
    %get3A_78 = vector.load %arg5[%get3A_75, %get3A_76, %get3A_77] : memref<8x32x128xf32, #tpu.memory_space<vmem>>, vector<1x32x128xf32>
    %broadcast_in_dim3A = vector.shape_cast %reduce_sum3A_70 : vector<32x128xf32> to vector<1x32x128xf32>
    %add3A_79 = arith.addf %get3A_78, %broadcast_in_dim3A : vector<1x32x128xf32>
    %swap3A = arith.index_cast %arg0 : i32 to index
    %swap3A_80 = arith.constant 0 : index
    %swap3A_81 = arith.constant 0 : index
    %swap3A_82 = vector.load %arg5[%swap3A, %swap3A_80, %swap3A_81] : memref<8x32x128xf32, #tpu.memory_space<vmem>>, vector<1x32x128xf32>
    tpu.vector_store %arg5[%swap3A, %swap3A_80, %swap3A_81], %add3A_79 {strides = array<i32>} : memref<8x32x128xf32, #tpu.memory_space<vmem>>, vector<1x32x128xf32>,
    return
  }
  func.func @transform_0(%arg0: i32, %arg1: i32) -> (i32, i32, i32) {
    %mul3A = arith.constant 27 : i32
    %mul3A_0 = arith.muli %arg0, %mul3A : i32
    %add3A = arith.addi %mul3A_0, %arg1 : i32
    %c0_i32 = arith.constant 0 : i32
    %c0_i32_1 = arith.constant 0 : i32
    %c0_i32_2 = arith.constant 0 : i32
    return %add3A, %c0_i32, %c0_i32_1 : i32, i32, i32
  }
  func.func @transform_1(%arg0: i32, %arg1: i32) -> (i32, i32, i32) {
    %mul3A = arith.constant 27 : i32
    %mul3A_0 = arith.muli %arg0, %mul3A : i32
    %add3A = arith.addi %mul3A_0, %arg1 : i32
    %c0_i32 = arith.constant 0 : i32
    %c0_i32_1 = arith.constant 0 : i32
    %c0_i32_2 = arith.constant 0 : i32
    return %add3A, %c0_i32, %c0_i32_1 : i32, i32, i32
  }
  func.func @transform_2(%arg0: i32, %arg1: i32) -> (i32, i32, i32) {
    %c0_i32 = arith.constant 0 : i32
    %c0_i32_0 = arith.constant 0 : i32
    %c0_i32_1 = arith.constant 0 : i32
    %c0_i32_2 = arith.constant 0 : i32
    return %c0_i32, %c0_i32_0, %c0_i32_1 : i32, i32, i32
  }
  func.func @transform_3(%arg0: i32, %arg1: i32) -> (i32, i32, i32) {
    %c0_i32 = arith.constant 0 : i32
    %c0_i32_0 = arith.constant 0 : i32
    %c0_i32_1 = arith.constant 0 : i32
    %c0_i32_2 = arith.constant 0 : i32
    return %c0_i32, %c0_i32_0, %c0_i32_1 : i32, i32, i32
  }
}

module attributes {stable_mosaic.version = 14 : i64} {
  func.func @_final_body(%arg0: memref<8x32x128xf32, #tpu.memory_space<vmem>>, %arg1: memref<8x768xf32, #tpu.memory_space<vmem>>, %arg2: memref<1x128xf32, #tpu.memory_space<vmem>>) attributes {dimension_semantics = [], scalar_prefetch = 0 : i64, scratch_operands = 0 : i64, tpu.core_type = #tpu.core_type<tc>} {
    %get3A = arith.constant 0 : index
    %get3A_0 = arith.constant 0 : index
    %get3A_1 = arith.constant 0 : index
    %get3A_2 = vector.load %arg0[%get3A, %get3A_0, %get3A_1] : memref<8x32x128xf32, #tpu.memory_space<vmem>>, vector<8x32x128xf32>
    %reshape3A = vector.shape_cast %get3A_2 : vector<8x32x128xf32> to vector<8x32x8x16xf32>
    %iota3A = tpu.iota {dimensions = array<i32: 1>} : vector<1x16xi32>
    %iota3A_3 = vector.shape_cast %iota3A : vector<1x16xi32> to vector<16xi32>
    %eq3A = arith.constant 0 : i32
    %eq3A_4 = vector.broadcast %eq3A : i32 to vector<16xi32>
    %eq3A_5 = arith.cmpi eq, %iota3A_3, %eq3A_4 : vector<16xi32>
    %convert_element_type3A = arith.extui %eq3A_5 : vector<16xi1> to vector<16xi32>
    %convert_element_type3A_6 = arith.sitofp %convert_element_type3A : vector<16xi32> to vector<16xf32>
    %dot_general3A = arith.constant dense<0.000000e+00> : vector<8x32x8xf32>
    %dot_general3A_7 = tpu.matmul %reshape3A, %convert_element_type3A_6, %dot_general3A {dimension_numbers = #tpu.dot_dimension_numbers<[3], [0], [0, 1, 2], [], [0, 0, 0, 1, 0, 2], [], []>, transpose_lhs_hint = false} : vector<8x32x8x16xf32>, vector<16xf32>, vector<8x32x8xf32> -> vector<8x32x8xf32>
    %reshape3A_8 = vector.shape_cast %dot_general3A_7 : vector<8x32x8xf32> to vector<8x256xf32>
    %mul3A = arith.constant 6.85871055E-4 : f32
    %mul3A_9 = vector.broadcast %mul3A : f32 to vector<8x256xf32>
    %mul3A_10 = arith.mulf %reshape3A_8, %mul3A_9 : vector<8x256xf32>
    %get3A_11 = arith.constant 0 : index
    %get3A_12 = arith.constant 0 : index
    %get3A_13 = vector.load %arg1[%get3A_11, %get3A_12] : memref<8x768xf32, #tpu.memory_space<vmem>>, vector<8x768xf32>
    %max3A = arith.constant 9.99999993E-9 : f32
    %max3A_14 = vector.broadcast %max3A : f32 to vector<8x768xf32>
    %max3A_15 = arith.maximumf %get3A_13, %max3A_14 : vector<8x768xf32>
    %div3A = arith.divf %get3A_13, %max3A_15 : vector<8x768xf32>
    %abs3A = math.absf %div3A : vector<8x768xf32>
    %min3A = arith.constant 1.000000e+00 : f32
    %min3A_16 = vector.broadcast %min3A : f32 to vector<8x768xf32>
    %min3A_17 = arith.minimumf %abs3A, %min3A_16 : vector<8x768xf32>
    %reduce_sum3A = arith.constant dense<0.000000e+00> : vector<8xf32>
    %reduce_sum3A_18 = vector.multi_reduction <add>, %min3A_17, %reduce_sum3A [1] : vector<8x768xf32> to vector<8xf32>
    %mul3A_19 = arith.constant 0.00137174211 : f32
    %mul3A_20 = vector.broadcast %mul3A_19 : f32 to vector<8xf32>
    %mul3A_21 = arith.mulf %reduce_sum3A_18, %mul3A_20 : vector<8xf32>
    %log3A = math.log %mul3A_21 : vector<8xf32>
    %jit3A = arith.constant -1.000000e+02 : f32
    %max3A_22 = vector.broadcast %jit3A : f32 to vector<8xf32>
    %max3A_23 = arith.maximumf %max3A_22, %log3A : vector<8xf32>
    %sub3A = arith.constant 1.000000e+00 : f32
    %sub3A_24 = vector.broadcast %sub3A : f32 to vector<8x256xf32>
    %sub3A_25 = arith.subf %sub3A_24, %mul3A_10 : vector<8x256xf32>
    %log3A_26 = math.log %sub3A_25 : vector<8x256xf32>
    %jit3A_27 = arith.constant -1.000000e+02 : f32
    %max3A_28 = vector.broadcast %jit3A_27 : f32 to vector<8x256xf32>
    %max3A_29 = arith.maximumf %max3A_28, %log3A_26 : vector<8x256xf32>
    %reduce_sum3A_30 = arith.constant dense<0.000000e+00> : vector<8xf32>
    %reduce_sum3A_31 = vector.multi_reduction <add>, %max3A_29, %reduce_sum3A_30 [1] : vector<8x256xf32> to vector<8xf32>
    %add3A = arith.addf %max3A_23, %reduce_sum3A_31 : vector<8xf32>
    %neg3A = arith.constant 0.000000e+00 : f32
    %neg3A_32 = vector.broadcast %neg3A : f32 to vector<8xf32>
    %neg3A_33 = arith.subf %neg3A_32, %add3A : vector<8xf32>
    %mul3A_34 = arith.constant 0.00389105058 : f32
    %mul3A_35 = vector.broadcast %mul3A_34 : f32 to vector<8xf32>
    %mul3A_36 = arith.mulf %neg3A_33, %mul3A_35 : vector<8xf32>
    %reduce_sum3A_37 = vector.shape_cast %mul3A_36 : vector<8xf32> to vector<1x8xf32>
    %reduce_sum3A_38 = arith.constant dense<0.000000e+00> : vector<1xf32>
    %reduce_sum3A_39 = vector.multi_reduction <add>, %reduce_sum3A_37, %reduce_sum3A_38 [1] : vector<1x8xf32> to vector<1xf32>
    %reduce_sum3A_40 = vector.shape_cast %reduce_sum3A_39 : vector<1xf32> to vector<1x1xf32>
    %reduce_sum3A_41 = vector.extract %reduce_sum3A_40[0, 0] : f32 from vector<1x1xf32>
    %div3A_42 = arith.constant 8.000000e+00 : f32
    %div3A_43 = arith.divf %reduce_sum3A_41, %div3A_42 : f32
    %reduce_sum3A_44 = vector.shape_cast %mul3A_21 : vector<8xf32> to vector<1x8xf32>
    %reduce_sum3A_45 = arith.constant dense<0.000000e+00> : vector<1xf32>
    %reduce_sum3A_46 = vector.multi_reduction <add>, %reduce_sum3A_44, %reduce_sum3A_45 [1] : vector<1x8xf32> to vector<1xf32>
    %reduce_sum3A_47 = vector.shape_cast %reduce_sum3A_46 : vector<1xf32> to vector<1x1xf32>
    %reduce_sum3A_48 = vector.extract %reduce_sum3A_47[0, 0] : f32 from vector<1x1xf32>
    %div3A_49 = arith.constant 8.000000e+00 : f32
    %div3A_50 = arith.divf %reduce_sum3A_48, %div3A_49 : f32
    %reduce_sum3A_51 = vector.shape_cast %mul3A_10 : vector<8x256xf32> to vector<1x8x256xf32>
    %reduce_sum3A_52 = arith.constant dense<0.000000e+00> : vector<1xf32>
    %reduce_sum3A_53 = vector.multi_reduction <add>, %reduce_sum3A_51, %reduce_sum3A_52 [1, 2] : vector<1x8x256xf32> to vector<1xf32>
    %reduce_sum3A_54 = vector.shape_cast %reduce_sum3A_53 : vector<1xf32> to vector<1x1x1xf32>
    %reduce_sum3A_55 = vector.extract %reduce_sum3A_54[0, 0, 0] : f32 from vector<1x1x1xf32>
    %mul3A_56 = arith.constant 9.765625E-4 : f32
    %mul3A_57 = arith.mulf %reduce_sum3A_55, %mul3A_56 : f32
    %iota3A_58 = tpu.iota {dimensions = array<i32: 1>} : vector<1x128xi32>
    %eq3A_59 = arith.constant 0 : i32
    %eq3A_60 = vector.broadcast %eq3A_59 : i32 to vector<1x128xi32>
    %eq3A_61 = arith.cmpi eq, %iota3A_58, %eq3A_60 : vector<1x128xi32>
    %jit3A_62 = arith.constant 0.000000e+00 : f32
    %broadcast_in_dim3A = vector.broadcast %div3A_43 : f32 to vector<1x128xf32>
    %broadcast_in_dim3A_63 = vector.broadcast %jit3A_62 : f32 to vector<1x128xf32>
    %select_n3A = arith.select %eq3A_61, %broadcast_in_dim3A, %broadcast_in_dim3A_63 : vector<1x128xi1>, vector<1x128xf32>
    %eq3A_64 = arith.constant 1 : i32
    %eq3A_65 = vector.broadcast %eq3A_64 : i32 to vector<1x128xi32>
    %eq3A_66 = arith.cmpi eq, %iota3A_58, %eq3A_65 : vector<1x128xi32>
    %jit3A_67 = arith.constant 0.000000e+00 : f32
    %broadcast_in_dim3A_68 = vector.broadcast %div3A_50 : f32 to vector<1x128xf32>
    %broadcast_in_dim3A_69 = vector.broadcast %jit3A_67 : f32 to vector<1x128xf32>
    %select_n3A_70 = arith.select %eq3A_66, %broadcast_in_dim3A_68, %broadcast_in_dim3A_69 : vector<1x128xi1>, vector<1x128xf32>
    %add3A_71 = arith.addf %select_n3A, %select_n3A_70 : vector<1x128xf32>
    %eq3A_72 = arith.constant 2 : i32
    %eq3A_73 = vector.broadcast %eq3A_72 : i32 to vector<1x128xi32>
    %eq3A_74 = arith.cmpi eq, %iota3A_58, %eq3A_73 : vector<1x128xi32>
    %jit3A_75 = arith.constant 0.000000e+00 : f32
    %broadcast_in_dim3A_76 = vector.broadcast %mul3A_57 : f32 to vector<1x128xf32>
    %broadcast_in_dim3A_77 = vector.broadcast %jit3A_75 : f32 to vector<1x128xf32>
    %select_n3A_78 = arith.select %eq3A_74, %broadcast_in_dim3A_76, %broadcast_in_dim3A_77 : vector<1x128xi1>, vector<1x128xf32>
    %add3A_79 = arith.addf %add3A_71, %select_n3A_78 : vector<1x128xf32>
    %swap3A = arith.constant 0 : index
    %swap3A_80 = arith.constant 0 : index
    %swap3A_81 = vector.load %arg2[%swap3A, %swap3A_80] : memref<1x128xf32, #tpu.memory_space<vmem>>, vector<1x128xf32>
    tpu.vector_store %arg2[%swap3A, %swap3A_80], %add3A_79 {strides = array<i32>} : memref<1x128xf32, #tpu.memory_space<vmem>>, vector<1x128xf32>,
    return
  }
}

</mosaic_0001>

<sc_bundles>
// kernel: kernel.7.cloned.1.call-start
scs
__scs_entry_jumppad:
0x0: {  	(pc) =	sbr.rel $0x88, $3  }
0x1: {  	(tag) =	ssettag $0x0;
	lr =	simm.s32 $0x1  }
0x2: {  	[smem:$0x3F9E] =	sst lr;
	_ =	strace $0xD0000000  }
0x3: {  	_ = 	snop  }
0x4: {  	_ = 	snop  }
0x5: {  	_ = 	snop  }
0x6: {  	_ = 	snop  }
0x7: {  	_ = 	snop  }
__scs_overlays_trampoline_lowered:
0x8: {  	[smem:$0x3FAD] =	sst s0  }
0x9: {  	[smem:$0x3FAE] =	sst s1  }
0xa: {  	[smem:$0x3FAF] =	sst s2  }
0xb: {  	[smem:$0x3FB0] =	sst s3  }
0xc: {  	[smem:$0x3FB1] =	sst s4  }
0xd: {  	[smem:$0x3FB2] =	sst s5  }
0xe: {  	[smem:$0x3FB3] =	sst s6  }
0xf: {  	[smem:$0x3FB4] =	sst s7  }
0x10: {  	[smem:$0x3FB5] =	sst s8  }
0x11: {  	[smem:$0x3FB6] =	sst s9;
	s0 =	simm.s32 @!p0 $0x0  }
0x12: {  	s1 =	sld [smem:$0x3F9C];
	s0 =	simm.s32 @p0 $0x1  }
0x13: {  	[smem:$0x3FB7] =	sst s0;
	s0 =	simm.s32 @!p1 $0x0  }
0x14: {  	s2 =	sld [smem:$0x3F9B];
	s0 =	simm.s32 @p1 $0x1  }
0x15: {  	[smem:$0x3FB8] =	sst s0;
	s0 =	simm.s32 @!p2 $0x0  }
0x16: {  	s3 =	sld [smem:$0x3FDB];
	s0 =	simm.s32 @p2 $0x1  }
0x17: {  	s4 =	simm.s32 $0x1BF5;
	[smem:$0x3FBA] =	sst s0  }
0x18: {  	s0 =	sld [smem:$0x3F9D];
	_ =	swait.ge [sflag:s4], $0x0  }
0x19: {  	s7 =	sld [smem:$0x3F9E]  }
0x1a: {  	s8 =	sadd.s32 $0xFFFFE003, lr  }
0x1b: {  	s9 =	sadd.s32 $0xFFFFFEF7, lr;
	s5 =	simm.s32 $0xFFFFFFFF;
	p2 =	slt.u32 s8, $0xFFFFF086  }
0x1c: {  	p1 =	slt.u32 s9, $0xF7A;
	s5 =	simm.s32 @!p2 $0x0  }
0x1d: {  	s5 =	simm.s32 @p1 $0x1;
	p0 =	seq.s32 s7, s2  }
0x1e: {  	s7 =	smul.u32 @!p0 $0xF7A, s2;
	p2 =	seq.s32 @!p0 s5, $0x0  }
0x1f: {  	s9 =	smul.u32 $0xF7A, s1;
	s8 =	simm.s32 @!p0 $0x1BF5;
	p2 =	por !p2, p0  }
0x20: {  	[sflag:s8] =	ssyncset.s32 @!p0 $0xFFFFF086;
	s6 =	sadd.s32 @!p0 s3, s7;
	s7 =	simm.s32 @!p0 $0x108  }
0x21: {  	s3 =	sadd.s32 s3, s9;
	s6 =	sadd.s32 @!p0 $0x88, s6;
	s7 =	simm.s32 @p2 $0x1082  }
0x22: {  	[simem:s7], [sflag:s8] =	dma.local @!p0 [hbm:s6], $0xF7A  }
0x23: {  	s9 =	sor.u32 $0xD0000000, s2;
	s6 =	simm.s32 $0x108;
	_ =	swait.ge @!p0 [sflag:s8], $0x0  }
0x24: {  	s3 =	sadd.s32 $0x88, s3;
	s6 =	simm.s32 @!p1 $0x1082;
	[sflag:s4] =	ssyncset.s32 $0xFFFFF086  }
0x25: {  	[simem:s6], [sflag:s4] =	dma.local [hbm:s3], $0xF7A  }
0x26: {  	[smem:$0x3F9E] =	sst s1;
	(tag) =	ssettag s2;
	_ =	strace s9  }
0x27: {  	s1 =	sld [smem:$0x3FAE]  }
0x28: {  	s2 =	sld [smem:$0x3FAF]  }
0x29: {  	s4 =	sld [smem:$0x3FB1]  }
0x2a: {  	p0 =	seq.s32 s5, $0x0;
	s5 =	sld [smem:$0x3FB2]  }
0x2b: {  	s6 =	sld [smem:$0x3FB3]  }
0x2c: {  	s7 =	sld [smem:$0x3FB4]  }
0x2d: {  	s3 =	simm.s32 $0x108;
	s8 =	sld [smem:$0x3FB5]  }
0x2e: {  	s3 =	simm.s32 @!p0 $0x1082;
	s9 =	sld [smem:$0x3FB6]  }
0x2f: {  	lr =	sadd.s32 s0, s3;
	s0 =	sld [smem:$0x3FAD]  }
0x30: {  	s3 =	sld [smem:$0x3FB0]  }
0x31: {  	[smem:$0x3FB9] =	sst s10  }
0x32: {  	s10 =	sld [smem:$0x3FB7];
	_ =	sdelay $0x3  }
0x33: {  	p0 =	seq.s32 s10, $0x1;
	s10 =	sld [smem:$0x3FB9];
	_ =	sdelay $0x3  }
0x34: {  	[smem:$0x3FB9] =	sst s10  }
0x35: {  	s10 =	sld [smem:$0x3FB8];
	_ =	sdelay $0x3  }
0x36: {  	p1 =	seq.s32 s10, $0x1;
	s10 =	sld [smem:$0x3FB9];
	_ =	sdelay $0x3  }
0x37: {  	[smem:$0x3FB9] =	sst s10  }
0x38: {  	s10 =	sld [smem:$0x3FBA]  }
0x39: {  	_ = 	snop;
	(pc) =	sbr.ind lr, $3  }
0x3a: {  	_ = 	snop  }
0x3b: {  	_ = 	snop  }
0x3c: {  	p2 =	seq.s32 s10, $0x1;
	s10 =	sld [smem:$0x3FB9]  }
0x3d: {  	_ =	shalt  }
0x3e: {  	_ =	shalt  }
0x3f: {  	_ =	shalt  }
0x40: {  	_ =	shalt  }
0x41: {  	_ =	shalt  }
0x42: {  	_ =	shalt  }
0x43: {  	_ =	shalt  }
0x44: {  	_ =	shalt  }
0x45: {  	_ =	shalt  }
0x46: {  	_ =	shalt  }
0x47: {  	_ =	shalt  }
0x48: {  	_ =	shalt  }
0x49: {  	_ =	shalt  }
0x4a: {  	_ =	shalt  }
0x4b: {  	_ =	shalt  }
0x4c: {  	_ =	shalt  }
0x4d: {  	_ =	shalt  }
0x4e: {  	_ =	shalt  }
0x4f: {  	_ =	shalt  }
0x50: {  	_ =	shalt  }
0x51: {  	_ =	shalt  }
0x52: {  	_ =	shalt  }
0x53: {  	_ =	shalt  }
0x54: {  	_ =	shalt  }
0x55: {  	_ =	shalt  }
0x56: {  	_ =	shalt  }
0x57: {  	_ =	shalt  }
0x58: {  	_ =	shalt  }
0x59: {  	_ =	shalt  }
0x5a: {  	_ =	shalt  }
0x5b: {  	_ =	shalt  }
0x5c: {  	_ =	shalt  }
0x5d: {  	_ =	shalt  }
0x5e: {  	_ =	shalt  }
0x5f: {  	_ =	shalt  }
0x60: {  	_ =	shalt  }
0x61: {  	_ =	shalt  }
0x62: {  	_ =	shalt  }
0x63: {  	_ =	shalt  }
0x64: {  	_ =	shalt  }
0x65: {  	_ =	shalt  }
0x66: {  	_ =	shalt  }
0x67: {  	_ =	shalt  }
0x68: {  	_ =	shalt  }
0x69: {  	_ =	shalt  }
0x6a: {  	_ =	shalt  }
0x6b: {  	_ =	shalt  }
0x6c: {  	_ =	shalt  }
0x6d: {  	_ =	shalt  }
0x6e: {  	_ =	shalt  }
0x6f: {  	_ =	shalt  }
0x70: {  	_ =	shalt  }
0x71: {  	_ =	shalt  }
0x72: {  	_ =	shalt  }
0x73: {  	_ =	shalt  }
0x74: {  	_ =	shalt  }
0x75: {  	_ =	shalt  }
0x76: {  	_ =	shalt  }
0x77: {  	_ =	shalt  }
0x78: {  	_ =	shalt  }
0x79: {  	_ =	shalt  }
0x7a: {  	_ =	shalt  }
0x7b: {  	_ =	shalt  }
0x7c: {  	_ =	shalt  }
0x7d: {  	_ =	shalt  }
0x7e: {  	_ =	shalt  }
0x7f: {  	_ =	shalt  }
0x80: {  	_ =	shalt  }
0x81: {  	_ =	shalt  }
0x82: {  	_ =	shalt  }
0x83: {  	_ =	shalt  }
0x84: {  	_ =	shalt  }
0x85: {  	_ =	shalt  }
0x86: {  	_ =	shalt  }
0x87: {  	_ =	shalt  }
.Lfunc_end0:
.L_simem_size_0:
called_computation_lowered:
.L_overlay_start_0:
0x88: {  	s2 =	sld [smem:$0x3FD9]  }
0x89: {  	s3 =	sld [smem:$0x3FFE];
	_ =	sdelay $0x1  }
0x8a: {  	s1 =	srdreg.scid  }
0x8b: {  	s0 =	sand.u32 $0x1, s1  }
0x8c: {  	s16 =	sshll.u32 s0, $0xA;
	s2 =	sadd.s32 s3, s2  }
0x8d: {  	s2 =	sadd.s32 s2, s16  }
0x8e: {  	[smem:$0x3FC5] =	sst s2  }
0x8f: {  	_ = 	snop  }
0x90: {  	(tm) =	ssettm $0x1  }
0x91: {  	s17 =	sld [smem:$0x3FFB];
	_ =	sdelay $0x3  }
0x92: {  	_ =	strace s17  }
0x93: {  	s2 =	sld [smem:$0x3FFC];
	_ =	sdelay $0x3  }
0x94: {  	_ =	strace s2  }
0x95: {  	s2 =	sld [smem:$0x3FFD];
	_ =	sdelay $0x3  }
0x96: {  	_ =	strace s2  }
0x97: {  	_ =	strace $0x8FFFFFFF  }
0x98: {  	s18 =	sld [smem:$0x3FDB];
	_ =	sdelay $0x1  }
0x99: {  	s19 =	simm.s32 $_scs_section_size  }
0x9a: {  	s4 =	simm.s32 $_size__tile_overlayer_lowered;
	s5 =	simm.s32 $_tile_overlayer_lowered  }
0x9b: {  	s22 =	simm.s32 $0x1BFF;
	s21 =	sshll.u32 s5, $0x1;
	s2 =	sadd.s32 s19, s18  }
0x9c: {  	s6 =	simm.s32 $0x0;
	s20 =	sshll.u32 s4, $0x1;
	s4 =	sadd.s32 s21, s2  }
0x9d: {  	[timem:s6], [sflag:s22] =	dma.local [hbm:s4], s20  }
0x9e: {  	_ =	swait.ge [sflag:s22], s20  }
0x9f: {  	s3 =	ssub.s32 $0x0, s20;
	[sflag:s22] =	ssyncset.done $0x0  }
0xa0: {  	[sflag:s22] =	ssyncadd.s32 s3;
	_ =	sdelay $0x1  }
0xa1: {  	s23 =	simm.s32 $0x1B8B  }
0xa2: {  	_ =	swait.ge [sflag:s23], $0x1  }
0xa3: {  	[sflag:s23] =	ssyncset.done $0x0  }
0xa4: {  	s25 =	simm.s32 $0x1B8E;
	s24 =	sld [smem:$0x3FFE];
	[sflag:s23] =	ssyncadd.s32 $0xFFFFFFFF  }
0xa5: {  	s26 =	simm.s32 $execute0_lowered;
	[smem:$0x3FD2] =	sst s25  }
0xa6: {  	s4 =	sshll.u32 s26, $0x1;
	_ =	strace $0x80000046;
	[dreg:$0x1] =	wrdreg $0xFFFFFFFF  }
0xa7: {  	s28 =	simm.s32 $_size_execute0_lowered;
	s2 =	sadd.s32 s2, s4;
	[dreg:$0x0] =	wrdreg $0x0  }
0xa8: {  	s4 =	sshll.u32 s28, $0x1;
	[dreg:$0x2] =	wrdreg s2  }
0xa9: {  	[dreg:$0x3] =	wrdreg s4  }
0xaa: {  	[dreg:$0x4] =	wrdreg $0xC0  }
0xab: {  	_ =	task [dreg:s6], $0x5FFFF  }
0xac: {  	[dreg:$0x1] =	wrdreg $0xFFFFFFFF  }
0xad: {  	[dreg:$0x0] =	wrdreg $0x60  }
0xae: {  	[dreg:$0x2] =	wrdreg s24  }
0xaf: {  	[dreg:$0x3] =	wrdreg $0x9  }
0xb0: {  	_ =	task.clear_ibuf [dreg:s6], $0x4FFFF;
	_ =	strace $0x90000046  }
0xb1: {  	s29 =	simm.s32 $0x9;
	_ =	strace $0x80000048  }
0xb2: {  	_ =	swait.ge [sflag:s29], $0x1  }
0xb3: {  	[sflag:s29] =	ssyncadd.s32 $0xFFFFFFFF  }
0xb4: {  	_ =	strace $0x90000048  }
0xb5: {  	_ =	sfence  }
0xb6: {  	s30 =	sld [smem:$0x0];
	_ =	sdelay $0x2  }
0xb7: {  	s31 =	sshll.u32 s1, $0xD;
	s1 =	sshrl.u32 s1, $0x2  }
0xb8: {  	s3 =	sand.u32 $0x4000, s31;
	s1 =	sadd.s32 s1, s30  }
0xb9: {  	s0 =	sor.u32 s3, s0;
	s1 =	sshll.u32 s1, $0x11  }
0xba: {  	s0 =	sor.u32 s1, s0  }
0xbb: {  	s0 =	sadd.s32 $0x8F2B, s0  }
0xbc: {  	[sflag:s0] =	ssyncadd.remote.s32 $0x1  }
0xbd: {  	_ =	sfence.sel $0xFFFF  }
0xbe: {  	[dreg:$0x0] =	wrdreg $0xFFFFFFFF;
	(pc) =	sbr.abs _section_cstart, $3  }
0xbf: {  	[dreg:$0x1] =	wrdreg $0xFFFFFFFF  }
0xc0: {  	_ =	task.clear_ibuf [dreg:s6], $0x2FFFF;
	_ =	strace $0x9FFFFFFF  }
0xc1: {  	(tm) =	ssettm $0x7FFFFFFF  }
tec
execute0_lowered:
.L_overlay_start_1:
0x0: {  	(tag) =	ssettag $0x1  }
0x1: {  	s0 =	rddreg [dreg:$0x0];
	s1 =	simm.s32 $0x0  }
0x2: {  	s2 =	srdreg.scid;
	s7 =	stileid.u32;
	s9 =	simm.s32 $0x17  }
0x3: {  	s13 =	simm.s32 $0x8800;
	s14 =	simm.s32 $0x80;
	s15 =	simm.s32 $0x800  }
0x4: {  	s16 =	simm.s32 $0x4800;
	s17 =	simm.s32 $0x1;
	s18 =	simm.s32 $0x9400  }
0x5: {  	s19 =	simm.s32 $0xA400;
	s20 =	simm.s32 $0x2;
	s21 =	simm.s32 $0x9C00  }
0x6: {  	s22 =	simm.s32 $0xAC00;
	[smem:$0x7FF] =	sst s1;
	s3 =	sadd.s32 $0x4B0C00, s0  }
0x7: {  	s4 =	sadd.s32 $0x1E00, s0;
	s5 =	sadd.s32 $0x46600, s0;
	s6 =	sadd.s32 $0x18C00, s0  }
0x8: {  	s2 =	sand.u32 $0x1, s2;
	s8 =	sshll.u32 s7, $0x1;
	s7 =	sadd.s32 $0x74000, s0  }
0x9: {  	_ =	strace $0x80000047;
	s10 =	ssub.s32 $0x2, s2;
	s2 =	sor.u32 s2, s8  }
0xa: {  	v0 =	vimm.s32 $0x0;
	s8 =	sadd.s32 $0xAD0C00, s0;
	s31 =	sshrl.u32 s10, $0x1;
	s11 =	smul.u32 $0x16, s2  }
0xb: {  	vm0 =	vcmask $0x1318;
	v1 =	vimm.s32 $0x1;
	vm1 =	vcmask $0x171C;
	s12 =	smin.u32 s2, $0x19;
	p0 =	slt.u32 s2, $0x19;
	s0 =	ssub.s32 s10, s31  }
0xc: {  	v2 =	vimm.s32 $0x2;
	vm2 =	vcmask $0x1B20;
	v3 =	vimm.s32 $0x3;
	s9 =	simm.s32 @!p0 $0x16;
	s10 =	sadd.s32 s12, s11;
	s0 =	smax.u32 s0, $0x1  }
0xd: {  	vm3 =	vcmask $0x1F24;
	vm4 =	vcmask $0x1310;
	vm5 =	vcmask $0xF14;
	s12 =	simm.s32 $0x5;
	s11 =	simm.s32 $0x0;
	[dreg:$0x2] =	wrdreg s0  }
.LBB2_1:
0xe: {  	[dreg:$0x3] =	wrdreg s11;
	s26 =	simm.s32 $0x0  }
.LBB2_2:
0xf: {  	s0 =	sadd.s32 s26, s10  }
0x10: {  	s2 =	sshll.u32 s0, $0x8  }
0x11: {  	s2 =	sand.u32 $0x1FFFFF00, s2  }
0x12: {  	s31 =	simm.s32 $0x0;
	s11 =	sadd.s32 s5, s2  }
0x13: {  	[tilespmem:s31], [sflag:$0x5] =	stream.linear.gather [hbm4b:s11+s31], $0x800, $0x38;
	[tilespmem:$0xB400] =	vst v63  }
0x14: {  	s28 =	sshll.u32 s0, $0x7;
	_ =	swait.ge [sflag:s12], $0x800  }
0x15: {  	s11 =	sand.u32 $0x1FFFFF80, s28;
	[sflag:s12] =	ssyncset.done $0x0  }
0x16: {  	s11 =	sadd.s32 s4, s11;
	[sflag:s12] =	ssyncadd.s32 $0xFFFFF800  }
0x17: {  	[tilespmem:s13], [sflag:$0x5] =	stream.linear.gather [hbm4b:s11+s31], $0x400, $0x38;
	[tilespmem:$0xB400] =	vst v63  }
0x18: {  	_ =	swait.ge [sflag:s12], $0x400  }
0x19: {  	[sflag:s12] =	ssyncset.done $0x0  }
0x1a: {  	s24 =	simm.s32 $0x8C00;
	s2 =	sadd.s32 s6, s2;
	[sflag:s12] =	ssyncadd.s32 $0xFFFFFC00  }
0x1b: {  	[tilespmem:s24], [sflag:$0x5] =	stream.linear.gather [hbm4b:s2+s31], $0x800, $0x38;
	[tilespmem:$0xB400] =	vst v63  }
0x1c: {  	_ =	swait.ge [sflag:s12], $0x800  }
0x1d: {  	s0 =	sshll.u32 s0, $0xC;
	[sflag:s12] =	ssyncset.done $0x0  }
0x1e: {  	s30 =	simm.s32 $0x8C80;
	s29 =	sand.u32 $0x1FFFF000, s0;
	[sflag:s12] =	ssyncadd.s32 $0xFFFFF800  }
0x1f: {  	[tilespmem:s15], [sflag:$0x1] =	stream.indirect.gather [hbm4b:s3+s14], $0x80, s31, s14, $0xb8;
	[tilespmem:$0xB400] =	vst v63  }
.LBB2_3:
0x20: {  	s0 =	sshll.u32 s31, $0x9  }
0x21: {  	s11 =	sshrl.u32 s0, $0x2  }
0x22: {  	v4 =	vld [tilespmem:s11+$0x8800]  }
0x23: {  	v10 =	vld [tilespmem:s11+$0x8860]  }
0x24: {  	v5 =	vld [tilespmem:s11+$0x8810]  }
0x25: {  	s2 =	sshll.u32 s31, $0xA;
	v6 =	vld [tilespmem:s11+$0x8820]  }
0x26: {  	s2 =	sshra.s32 s2, $0x2;
	v7 =	vld [tilespmem:s11+$0x8830]  }
0x27: {  	v8 =	vld [tilespmem:s11+$0x8840];
	s23 =	sor.u32 $0x80, s2  }
0x28: {  	v9 =	vld [tilespmem:s11+$0x8850];
	[tilespmem:s16], [sflag:$0x2] =	stream.indirect.gather [hbm4b:s3+s14], $0x80, s23, s14, $0xb8;
	v11 =	vperm.xlane v10, v0  }
0x29: {  	s25 =	sor.u32 s26, s31;
	_ =	swait.ge [sflag:s17], $0x4000  }
0x2a: {  	p0 =	seq.s32 s25, $0x0;
	[sflag:s17] =	ssyncset.done $0x0;
	v12 =	vperm.xlane v10, v1;
	v11 =	vsel vm0, $0x0, v11  }
0x2b: {  	s11 =	simm.s32 @!p0 $0x3;
	[sflag:s17] =	ssyncadd.s32 $0xFFFFC000;
	v11 =	vadd.f32 $0.0e+00, v11  }
0x2c: {  	v13 =	vperm.xlane v10, v2;
	_ =	swait.ge @!p0 [sflag:s11], $0x800;
	v12 =	vsel vm1, $0x0, v12  }
0x2d: {  	[sflag:s11] =	ssyncset.done @!p0 $0x0;
	v11 =	vadd.f32 v12, v11  }
0x2e: {  	v10 =	vperm.xlane v10, v3;
	v63 =	vsel vm2, $0x0, v13;
	[sflag:s11] =	ssyncadd.s32 @!p0 $0xFFFFF800  }
0x2f: {  	_ =	swait.ge @!p0 [sflag:s11], $0x800;
	v11 =	vadd.f32 v63, v11  }
0x30: {  	s28 =	smov.u32 s24;
	v10 =	vsel vm3, $0x0, v10;
	[sflag:s11] =	ssyncset.done @!p0 $0x0  }
0x31: {  	s23 =	simm.s32 $0x0;
	[sflag:s11] =	ssyncadd.s32 @!p0 $0xFFFFF800;
	s11 =	simm.s32 $0xC00;
	v10 =	vadd.f32 v10, v11  }
.LBB2_4:
0x32: {  	v11 =	vld [tilespmem:s11+$0xFFFFFC00]  }
0x33: {  	v12 =	vld [tilespmem:s11+$0xFFFFFC10]  }
0x34: {  	v13 =	vld [tilespmem:s11+$0xFFFFFC20]  }
0x35: {  	v14 =	vld [tilespmem:s11+$0xFFFFFC30]  }
0x36: {  	v15 =	vld [tilespmem:s11+$0xFFFFFC40]  }
0x37: {  	v16 =	vld [tilespmem:s11+$0xFFFFFC50];
	_ =	sdelay $0x1  }
0x38: {  	v11 =	vmul.f32 v11, v4;
	v12 =	vmul.f32 v12, v5  }
0x39: {  	v13 =	vmul.f32 v13, v6;
	v14 =	vmul.f32 v14, v7  }
0x3a: {  	v15 =	vmul.f32 v15, v8  }
0x3b: {  	v16 =	vmul.f32 v16, v9;
	v11 =	vadd.f32 v12, v11;
	v33 =	vadd.f32 v14, v13;
	_ =	sdelay $0x1  }
0x3c: {  	v34 =	vadd.f32 v16, v15;
	v11 =	vadd.f32 v33, v11;
	_ =	sdelay $0x1  }
0x3d: {  	v12 =	vadd.f32 v34, v11  }
0x3e: {  	s25 =	sshra.s32 s23, $0x2  }
0x3f: {  	v11 =	vld [tilespmem:s28+$0x0];
	[tilespmem:s25+$0x9400] =	vst v12  }
0x40: {  	v12 =	vld [tilespmem:s11+$0xFFFFFC60];
	_ =	sdelay $0x3  }
0x41: {  	v35 =	vbroadcast v11, $0x0  }
0x42: {  	v12 =	vadd.f32 v12, v10  }
0x43: {  	v13 =	vnsel vm4, $0x0, v35  }
0x44: {  	v12 =	vadd.f32 v12, v13;
	_ =	sdelay $0x1  }
0x45: {  	[tilespmem:s25+$0xA400] =	vst v12  }
0x46: {  	v12 =	vld [tilespmem:s11+$0xFFFFFC80]  }
0x47: {  	v36 =	vld [tilespmem:s11+$0xFFFFFC90]  }
0x48: {  	v37 =	vld [tilespmem:s11+$0xFFFFFCA0]  }
0x49: {  	v38 =	vld [tilespmem:s11+$0xFFFFFCB0]  }
0x4a: {  	v39 =	vld [tilespmem:s11+$0xFFFFFCC0]  }
0x4b: {  	v17 =	vld [tilespmem:s11+$0xFFFFFCD0];
	_ =	sdelay $0x1  }
0x4c: {  	v12 =	vmul.f32 v12, v4;
	v13 =	vmul.f32 v36, v5  }
0x4d: {  	v14 =	vmul.f32 v37, v6;
	v15 =	vmul.f32 v38, v7  }
0x4e: {  	v16 =	vmul.f32 v39, v8  }
0x4f: {  	v17 =	vmul.f32 v17, v9;
	v12 =	vadd.f32 v13, v12;
	v40 =	vadd.f32 v15, v14;
	_ =	sdelay $0x1  }
0x50: {  	v41 =	vadd.f32 v17, v16;
	v12 =	vadd.f32 v40, v12;
	_ =	sdelay $0x1  }
0x51: {  	v12 =	vadd.f32 v41, v12;
	_ =	sdelay $0x1  }
0x52: {  	[tilespmem:s25+$0x9410] =	vst v12  }
0x53: {  	v12 =	vld [tilespmem:s11+$0xFFFFFCE0];
	_ =	sdelay $0x3  }
0x54: {  	v42 =	vbroadcast v11, $0x1  }
0x55: {  	v12 =	vadd.f32 v12, v10  }
0x56: {  	v13 =	vnsel vm4, $0x0, v42  }
0x57: {  	v12 =	vadd.f32 v12, v13;
	_ =	sdelay $0x1  }
0x58: {  	[tilespmem:s25+$0xA410] =	vst v12  }
0x59: {  	v12 =	vld [tilespmem:s11+$0xFFFFFD00]  }
0x5a: {  	v43 =	vld [tilespmem:s11+$0xFFFFFD10]  }
0x5b: {  	v44 =	vld [tilespmem:s11+$0xFFFFFD20]  }
0x5c: {  	v45 =	vld [tilespmem:s11+$0xFFFFFD30]  }
0x5d: {  	v46 =	vld [tilespmem:s11+$0xFFFFFD40]  }
0x5e: {  	v47 =	vld [tilespmem:s11+$0xFFFFFD50];
	_ =	sdelay $0x1  }
0x5f: {  	v12 =	vmul.f32 v12, v4;
	v13 =	vmul.f32 v43, v5  }
0x60: {  	v14 =	vmul.f32 v44, v6;
	v15 =	vmul.f32 v45, v7  }
0x61: {  	v16 =	vmul.f32 v46, v8  }
0x62: {  	v17 =	vmul.f32 v47, v9;
	v12 =	vadd.f32 v13, v12;
	v48 =	vadd.f32 v15, v14;
	_ =	sdelay $0x1  }
0x63: {  	v49 =	vadd.f32 v17, v16;
	v12 =	vadd.f32 v48, v12;
	_ =	sdelay $0x1  }
0x64: {  	v12 =	vadd.f32 v49, v12;
	_ =	sdelay $0x1  }
0x65: {  	[tilespmem:s25+$0x9420] =	vst v12  }
0x66: {  	v12 =	vld [tilespmem:s11+$0xFFFFFD60];
	_ =	sdelay $0x3  }
0x67: {  	v50 =	vbroadcast v11, $0x2  }
0x68: {  	v12 =	vadd.f32 v12, v10  }
0x69: {  	v13 =	vnsel vm4, $0x0, v50  }
0x6a: {  	v12 =	vadd.f32 v12, v13;
	_ =	sdelay $0x1  }
0x6b: {  	[tilespmem:s25+$0xA420] =	vst v12  }
0x6c: {  	v12 =	vld [tilespmem:s11+$0xFFFFFD80]  }
0x6d: {  	v51 =	vld [tilespmem:s11+$0xFFFFFD90]  }
0x6e: {  	v52 =	vld [tilespmem:s11+$0xFFFFFDA0]  }
0x6f: {  	v53 =	vld [tilespmem:s11+$0xFFFFFDB0]  }
0x70: {  	v54 =	vld [tilespmem:s11+$0xFFFFFDC0]  }
0x71: {  	v55 =	vld [tilespmem:s11+$0xFFFFFDD0];
	_ =	sdelay $0x1  }
0x72: {  	v12 =	vmul.f32 v12, v4;
	v13 =	vmul.f32 v51, v5  }
0x73: {  	v14 =	vmul.f32 v52, v6;
	v15 =	vmul.f32 v53, v7  }
0x74: {  	v16 =	vmul.f32 v54, v8  }
0x75: {  	v17 =	vmul.f32 v55, v9;
	v12 =	vadd.f32 v13, v12;
	v56 =	vadd.f32 v15, v14;
	_ =	sdelay $0x1  }
0x76: {  	v57 =	vadd.f32 v17, v16;
	v12 =	vadd.f32 v56, v12;
	_ =	sdelay $0x1  }
0x77: {  	v12 =	vadd.f32 v57, v12;
	_ =	sdelay $0x1  }
0x78: {  	[tilespmem:s25+$0x9430] =	vst v12  }
0x79: {  	v12 =	vld [tilespmem:s11+$0xFFFFFDE0];
	_ =	sdelay $0x3  }
0x7a: {  	v58 =	vbroadcast v11, $0x3  }
0x7b: {  	v12 =	vadd.f32 v12, v10  }
0x7c: {  	v13 =	vnsel vm4, $0x0, v58  }
0x7d: {  	v12 =	vadd.f32 v12, v13;
	_ =	sdelay $0x1  }
0x7e: {  	[tilespmem:s25+$0xA430] =	vst v12  }
0x7f: {  	v12 =	vld [tilespmem:s11+$0xFFFFFE00]  }
0x80: {  	v59 =	vld [tilespmem:s11+$0xFFFFFE10]  }
0x81: {  	v60 =	vld [tilespmem:s11+$0xFFFFFE20]  }
0x82: {  	v61 =	vld [tilespmem:s11+$0xFFFFFE30]  }
0x83: {  	v62 =	vld [tilespmem:s11+$0xFFFFFE40]  }
0x84: {  	v63 =	vld [tilespmem:s11+$0xFFFFFE50];
	_ =	sdelay $0x1  }
0x85: {  	v12 =	vmul.f32 v12, v4;
	v13 =	vmul.f32 v59, v5  }
0x86: {  	v14 =	vmul.f32 v60, v6;
	v15 =	vmul.f32 v61, v7  }
0x87: {  	v16 =	vmul.f32 v62, v8  }
0x88: {  	v17 =	vmul.f32 v63, v9;
	v12 =	vadd.f32 v13, v12;
	v18 =	vadd.f32 v15, v14;
	_ =	sdelay $0x1  }
0x89: {  	v19 =	vadd.f32 v17, v16;
	v12 =	vadd.f32 v18, v12;
	_ =	sdelay $0x1  }
0x8a: {  	v12 =	vadd.f32 v19, v12;
	_ =	sdelay $0x1  }
0x8b: {  	[tilespmem:s25+$0x9440] =	vst v12  }
0x8c: {  	v12 =	vld [tilespmem:s11+$0xFFFFFE60];
	_ =	sdelay $0x4  }
0x8d: {  	v12 =	vadd.f32 v12, v10  }
0x8e: {  	v20 =	vsel vm5, $0x0, v11  }
0x8f: {  	v12 =	vadd.f32 v12, v20;
	_ =	sdelay $0x1  }
0x90: {  	[tilespmem:s25+$0xA440] =	vst v12  }
0x91: {  	v12 =	vld [tilespmem:s11+$0xFFFFFE80]  }
0x92: {  	v21 =	vld [tilespmem:s11+$0xFFFFFE90]  }
0x93: {  	v22 =	vld [tilespmem:s11+$0xFFFFFEA0]  }
0x94: {  	v23 =	vld [tilespmem:s11+$0xFFFFFEB0]  }
0x95: {  	v24 =	vld [tilespmem:s11+$0xFFFFFEC0]  }
0x96: {  	v25 =	vld [tilespmem:s11+$0xFFFFFED0];
	_ =	sdelay $0x1  }
0x97: {  	v12 =	vmul.f32 v12, v4;
	v13 =	vmul.f32 v21, v5  }
0x98: {  	v14 =	vmul.f32 v22, v6;
	v15 =	vmul.f32 v23, v7  }
0x99: {  	v16 =	vmul.f32 v24, v8  }
0x9a: {  	v17 =	vmul.f32 v25, v9;
	v12 =	vadd.f32 v13, v12;
	v26 =	vadd.f32 v15, v14;
	_ =	sdelay $0x1  }
0x9b: {  	v27 =	vadd.f32 v17, v16;
	v12 =	vadd.f32 v26, v12;
	_ =	sdelay $0x1  }
0x9c: {  	v12 =	vadd.f32 v27, v12;
	_ =	sdelay $0x1  }
0x9d: {  	[tilespmem:s25+$0x9450] =	vst v12  }
0x9e: {  	v12 =	vld [tilespmem:s11+$0xFFFFFEE0];
	_ =	sdelay $0x3  }
0x9f: {  	v28 =	vbroadcast v11, $0x5  }
0xa0: {  	v12 =	vadd.f32 v12, v10  }
0xa1: {  	v13 =	vnsel vm4, $0x0, v28  }
0xa2: {  	v12 =	vadd.f32 v12, v13;
	_ =	sdelay $0x1  }
0xa3: {  	[tilespmem:s25+$0xA450] =	vst v12  }
0xa4: {  	v12 =	vld [tilespmem:s11+$0xFFFFFF00]  }
0xa5: {  	v29 =	vld [tilespmem:s11+$0xFFFFFF10]  }
0xa6: {  	v30 =	vld [tilespmem:s11+$0xFFFFFF20]  }
0xa7: {  	v31 =	vld [tilespmem:s11+$0xFFFFFF30]  }
0xa8: {  	v32 =	vld [tilespmem:s11+$0xFFFFFF40]  }
0xa9: {  	v33 =	vld [tilespmem:s11+$0xFFFFFF50];
	_ =	sdelay $0x1  }
0xaa: {  	v12 =	vmul.f32 v12, v4;
	v13 =	vmul.f32 v29, v5  }
0xab: {  	v14 =	vmul.f32 v30, v6;
	v15 =	vmul.f32 v31, v7  }
0xac: {  	v16 =	vmul.f32 v32, v8  }
0xad: {  	v17 =	vmul.f32 v33, v9;
	v12 =	vadd.f32 v13, v12;
	v34 =	vadd.f32 v15, v14;
	_ =	sdelay $0x1  }
0xae: {  	v35 =	vadd.f32 v17, v16;
	v12 =	vadd.f32 v34, v12;
	_ =	sdelay $0x1  }
0xaf: {  	v12 =	vadd.f32 v35, v12;
	_ =	sdelay $0x1  }
0xb0: {  	[tilespmem:s25+$0x9460] =	vst v12  }
0xb1: {  	v12 =	vld [tilespmem:s11+$0xFFFFFF60];
	_ =	sdelay $0x3  }
0xb2: {  	v36 =	vbroadcast v11, $0x6  }
0xb3: {  	v12 =	vadd.f32 v12, v10  }
0xb4: {  	v13 =	vnsel vm4, $0x0, v36  }
0xb5: {  	v12 =	vadd.f32 v12, v13;
	_ =	sdelay $0x1  }
0xb6: {  	[tilespmem:s25+$0xA460] =	vst v12  }
0xb7: {  	v12 =	vld [tilespmem:s11+$0xFFFFFF80]  }
0xb8: {  	v37 =	vld [tilespmem:s11+$0xFFFFFF90]  }
0xb9: {  	v38 =	vld [tilespmem:s11+$0xFFFFFFA0]  }
0xba: {  	v39 =	vld [tilespmem:s11+$0xFFFFFFB0]  }
0xbb: {  	v40 =	vld [tilespmem:s11+$0xFFFFFFC0]  }
0xbc: {  	v41 =	vld [tilespmem:s11+$0xFFFFFFD0];
	_ =	sdelay $0x1  }
0xbd: {  	v12 =	vmul.f32 v12, v4;
	v13 =	vmul.f32 v37, v5  }
0xbe: {  	v14 =	vmul.f32 v38, v6;
	v15 =	vmul.f32 v39, v7  }
0xbf: {  	v16 =	vmul.f32 v40, v8  }
0xc0: {  	v17 =	vmul.f32 v41, v9;
	v12 =	vadd.f32 v13, v12;
	v42 =	vadd.f32 v15, v14;
	_ =	sdelay $0x1  }
0xc1: {  	v43 =	vadd.f32 v17, v16;
	v12 =	vadd.f32 v42, v12;
	_ =	sdelay $0x1  }
0xc2: {  	v12 =	vadd.f32 v43, v12;
	_ =	sdelay $0x1  }
0xc3: {  	[tilespmem:s25+$0x9470] =	vst v12  }
0xc4: {  	v12 =	vld [tilespmem:s11+$0xFFFFFFE0];
	_ =	sdelay $0x3  }
0xc5: {  	v44 =	vbroadcast v11, $0x7  }
0xc6: {  	v12 =	vadd.f32 v12, v10  }
0xc7: {  	v13 =	vnsel vm4, $0x0, v44  }
0xc8: {  	v12 =	vadd.f32 v12, v13;
	_ =	sdelay $0x1  }
0xc9: {  	[tilespmem:s25+$0xA470] =	vst v12  }
0xca: {  	v12 =	vld [tilespmem:s11+$0x0]  }
0xcb: {  	v45 =	vld [tilespmem:s11+$0x10]  }
0xcc: {  	v46 =	vld [tilespmem:s11+$0x20]  }
0xcd: {  	v47 =	vld [tilespmem:s11+$0x30]  }
0xce: {  	v48 =	vld [tilespmem:s11+$0x40]  }
0xcf: {  	v49 =	vld [tilespmem:s11+$0x50];
	_ =	sdelay $0x1  }
0xd0: {  	v12 =	vmul.f32 v12, v4;
	v13 =	vmul.f32 v45, v5  }
0xd1: {  	v14 =	vmul.f32 v46, v6;
	v15 =	vmul.f32 v47, v7  }
0xd2: {  	v16 =	vmul.f32 v48, v8  }
0xd3: {  	v17 =	vmul.f32 v49, v9;
	v12 =	vadd.f32 v13, v12;
	v50 =	vadd.f32 v15, v14;
	_ =	sdelay $0x1  }
0xd4: {  	v51 =	vadd.f32 v17, v16;
	v12 =	vadd.f32 v50, v12;
	_ =	sdelay $0x1  }
0xd5: {  	v12 =	vadd.f32 v51, v12;
	_ =	sdelay $0x1  }
0xd6: {  	[tilespmem:s25+$0x9480] =	vst v12  }
0xd7: {  	v12 =	vld [tilespmem:s11+$0x60];
	_ =	sdelay $0x3  }
0xd8: {  	v52 =	vbroadcast v11, $0x8  }
0xd9: {  	v12 =	vadd.f32 v12, v10  }
0xda: {  	v13 =	vnsel vm4, $0x0, v52  }
0xdb: {  	v12 =	vadd.f32 v12, v13;
	_ =	sdelay $0x1  }
0xdc: {  	[tilespmem:s25+$0xA480] =	vst v12  }
0xdd: {  	v12 =	vld [tilespmem:s11+$0x80]  }
0xde: {  	v53 =	vld [tilespmem:s11+$0x90]  }
0xdf: {  	v54 =	vld [tilespmem:s11+$0xA0]  }
0xe0: {  	v55 =	vld [tilespmem:s11+$0xB0]  }
0xe1: {  	v56 =	vld [tilespmem:s11+$0xC0]  }
0xe2: {  	v57 =	vld [tilespmem:s11+$0xD0];
	_ =	sdelay $0x1  }
0xe3: {  	v12 =	vmul.f32 v12, v4;
	v13 =	vmul.f32 v53, v5  }
0xe4: {  	v14 =	vmul.f32 v54, v6;
	v15 =	vmul.f32 v55, v7  }
0xe5: {  	v16 =	vmul.f32 v56, v8  }
0xe6: {  	v17 =	vmul.f32 v57, v9;
	v12 =	vadd.f32 v13, v12;
	v58 =	vadd.f32 v15, v14;
	_ =	sdelay $0x1  }
0xe7: {  	v59 =	vadd.f32 v17, v16;
	v12 =	vadd.f32 v58, v12;
	_ =	sdelay $0x1  }
0xe8: {  	v12 =	vadd.f32 v59, v12;
	_ =	sdelay $0x1  }
0xe9: {  	[tilespmem:s25+$0x9490] =	vst v12  }
0xea: {  	v12 =	vld [tilespmem:s11+$0xE0];
	_ =	sdelay $0x3  }
0xeb: {  	v60 =	vbroadcast v11, $0x9  }
0xec: {  	v12 =	vadd.f32 v12, v10  }
0xed: {  	v13 =	vnsel vm4, $0x0, v60  }
0xee: {  	v12 =	vadd.f32 v12, v13;
	_ =	sdelay $0x1  }
0xef: {  	[tilespmem:s25+$0xA490] =	vst v12  }
0xf0: {  	v12 =	vld [tilespmem:s11+$0x100]  }
0xf1: {  	v61 =	vld [tilespmem:s11+$0x110]  }
0xf2: {  	v62 =	vld [tilespmem:s11+$0x120]  }
0xf3: {  	v63 =	vld [tilespmem:s11+$0x130]  }
0xf4: {  	v20 =	vld [tilespmem:s11+$0x140]  }
0xf5: {  	v21 =	vld [tilespmem:s11+$0x150];
	_ =	sdelay $0x1  }
0xf6: {  	v12 =	vmul.f32 v12, v4;
	v13 =	vmul.f32 v61, v5  }
0xf7: {  	v14 =	vmul.f32 v62, v6;
	v15 =	vmul.f32 v63, v7  }
0xf8: {  	v16 =	vmul.f32 v20, v8  }
0xf9: {  	v17 =	vmul.f32 v21, v9;
	v12 =	vadd.f32 v13, v12;
	v22 =	vadd.f32 v15, v14;
	_ =	sdelay $0x1  }
0xfa: {  	v23 =	vadd.f32 v17, v16;
	v12 =	vadd.f32 v22, v12;
	_ =	sdelay $0x1  }
0xfb: {  	v12 =	vadd.f32 v23, v12;
	_ =	sdelay $0x1  }
0xfc: {  	[tilespmem:s25+$0x94A0] =	vst v12  }
0xfd: {  	v12 =	vld [tilespmem:s11+$0x160];
	_ =	sdelay $0x3  }
0xfe: {  	v24 =	vbroadcast v11, $0xA  }
0xff: {  	v12 =	vadd.f32 v12, v10  }
0x100: {  	v13 =	vnsel vm4, $0x0, v24  }
0x101: {  	v12 =	vadd.f32 v12, v13;
	_ =	sdelay $0x1  }
0x102: {  	[tilespmem:s25+$0xA4A0] =	vst v12  }
0x103: {  	v12 =	vld [tilespmem:s11+$0x180]  }
0x104: {  	v25 =	vld [tilespmem:s11+$0x190]  }
0x105: {  	v26 =	vld [tilespmem:s11+$0x1A0]  }
0x106: {  	v27 =	vld [tilespmem:s11+$0x1B0]  }
0x107: {  	v28 =	vld [tilespmem:s11+$0x1C0]  }
0x108: {  	v29 =	vld [tilespmem:s11+$0x1D0];
	_ =	sdelay $0x1  }
0x109: {  	v12 =	vmul.f32 v12, v4;
	v13 =	vmul.f32 v25, v5  }
0x10a: {  	v14 =	vmul.f32 v26, v6;
	v15 =	vmul.f32 v27, v7  }
0x10b: {  	v16 =	vmul.f32 v28, v8  }
0x10c: {  	v17 =	vmul.f32 v29, v9;
	v12 =	vadd.f32 v13, v12;
	v30 =	vadd.f32 v15, v14;
	_ =	sdelay $0x1  }
0x10d: {  	v31 =	vadd.f32 v17, v16;
	v12 =	vadd.f32 v30, v12;
	_ =	sdelay $0x1  }
0x10e: {  	v12 =	vadd.f32 v31, v12;
	_ =	sdelay $0x1  }
0x10f: {  	[tilespmem:s25+$0x94B0] =	vst v12  }
0x110: {  	v12 =	vld [tilespmem:s11+$0x1E0];
	_ =	sdelay $0x3  }
0x111: {  	v32 =	vbroadcast v11, $0xB  }
0x112: {  	v12 =	vadd.f32 v12, v10  }
0x113: {  	v13 =	vnsel vm4, $0x0, v32  }
0x114: {  	v12 =	vadd.f32 v12, v13;
	_ =	sdelay $0x1  }
0x115: {  	[tilespmem:s25+$0xA4B0] =	vst v12  }
0x116: {  	v12 =	vld [tilespmem:s11+$0x200]  }
0x117: {  	v33 =	vld [tilespmem:s11+$0x210]  }
0x118: {  	v34 =	vld [tilespmem:s11+$0x220]  }
0x119: {  	v35 =	vld [tilespmem:s11+$0x230]  }
0x11a: {  	v36 =	vld [tilespmem:s11+$0x240]  }
0x11b: {  	v37 =	vld [tilespmem:s11+$0x250];
	_ =	sdelay $0x1  }
0x11c: {  	v12 =	vmul.f32 v12, v4;
	v13 =	vmul.f32 v33, v5  }
0x11d: {  	v14 =	vmul.f32 v34, v6;
	v15 =	vmul.f32 v35, v7  }
0x11e: {  	v16 =	vmul.f32 v36, v8  }
0x11f: {  	v17 =	vmul.f32 v37, v9;
	v12 =	vadd.f32 v13, v12;
	v38 =	vadd.f32 v15, v14;
	_ =	sdelay $0x1  }
0x120: {  	v39 =	vadd.f32 v17, v16;
	v12 =	vadd.f32 v38, v12;
	_ =	sdelay $0x1  }
0x121: {  	v12 =	vadd.f32 v39, v12;
	_ =	sdelay $0x1  }
0x122: {  	[tilespmem:s25+$0x94C0] =	vst v12  }
0x123: {  	v12 =	vld [tilespmem:s11+$0x260];
	_ =	sdelay $0x3  }
0x124: {  	v40 =	vbroadcast v11, $0xC  }
0x125: {  	v12 =	vadd.f32 v12, v10  }
0x126: {  	v13 =	vnsel vm4, $0x0, v40  }
0x127: {  	v12 =	vadd.f32 v12, v13;
	_ =	sdelay $0x1  }
0x128: {  	[tilespmem:s25+$0xA4C0] =	vst v12  }
0x129: {  	v12 =	vld [tilespmem:s11+$0x280]  }
0x12a: {  	v41 =	vld [tilespmem:s11+$0x290]  }
0x12b: {  	v42 =	vld [tilespmem:s11+$0x2A0]  }
0x12c: {  	v43 =	vld [tilespmem:s11+$0x2B0]  }
0x12d: {  	v44 =	vld [tilespmem:s11+$0x2C0]  }
0x12e: {  	v45 =	vld [tilespmem:s11+$0x2D0];
	_ =	sdelay $0x1  }
0x12f: {  	v12 =	vmul.f32 v12, v4;
	v13 =	vmul.f32 v41, v5  }
0x130: {  	v14 =	vmul.f32 v42, v6;
	v15 =	vmul.f32 v43, v7  }
0x131: {  	v16 =	vmul.f32 v44, v8  }
0x132: {  	v17 =	vmul.f32 v45, v9;
	v12 =	vadd.f32 v13, v12;
	v46 =	vadd.f32 v15, v14;
	_ =	sdelay $0x1  }
0x133: {  	v47 =	vadd.f32 v17, v16;
	v12 =	vadd.f32 v46, v12;
	_ =	sdelay $0x1  }
0x134: {  	v12 =	vadd.f32 v47, v12;
	_ =	sdelay $0x1  }
0x135: {  	[tilespmem:s25+$0x94D0] =	vst v12  }
0x136: {  	v12 =	vld [tilespmem:s11+$0x2E0];
	_ =	sdelay $0x3  }
0x137: {  	v48 =	vbroadcast v11, $0xD  }
0x138: {  	v12 =	vadd.f32 v12, v10  }
0x139: {  	v13 =	vnsel vm4, $0x0, v48  }
0x13a: {  	v12 =	vadd.f32 v12, v13;
	_ =	sdelay $0x1  }
0x13b: {  	[tilespmem:s25+$0xA4D0] =	vst v12  }
0x13c: {  	v12 =	vld [tilespmem:s11+$0x300]  }
0x13d: {  	v49 =	vld [tilespmem:s11+$0x310]  }
0x13e: {  	v50 =	vld [tilespmem:s11+$0x320]  }
0x13f: {  	v51 =	vld [tilespmem:s11+$0x330]  }
0x140: {  	v52 =	vld [tilespmem:s11+$0x340]  }
0x141: {  	v53 =	vld [tilespmem:s11+$0x350];
	_ =	sdelay $0x1  }
0x142: {  	v12 =	vmul.f32 v12, v4;
	v13 =	vmul.f32 v49, v5  }
0x143: {  	v14 =	vmul.f32 v50, v6;
	v15 =	vmul.f32 v51, v7  }
0x144: {  	v16 =	vmul.f32 v52, v8  }
0x145: {  	v17 =	vmul.f32 v53, v9;
	v12 =	vadd.f32 v13, v12;
	v54 =	vadd.f32 v15, v14;
	_ =	sdelay $0x1  }
0x146: {  	v55 =	vadd.f32 v17, v16;
	v12 =	vadd.f32 v54, v12;
	_ =	sdelay $0x1  }
0x147: {  	v12 =	vadd.f32 v55, v12;
	_ =	sdelay $0x1  }
0x148: {  	[tilespmem:s25+$0x94E0] =	vst v12  }
0x149: {  	v12 =	vld [tilespmem:s11+$0x360];
	_ =	sdelay $0x3  }
0x14a: {  	v56 =	vbroadcast v11, $0xE  }
0x14b: {  	v12 =	vadd.f32 v12, v10  }
0x14c: {  	v13 =	vnsel vm4, $0x0, v56  }
0x14d: {  	v12 =	vadd.f32 v12, v13;
	_ =	sdelay $0x1  }
0x14e: {  	[tilespmem:s25+$0xA4E0] =	vst v12  }
0x14f: {  	v12 =	vld [tilespmem:s11+$0x380]  }
0x150: {  	v57 =	vld [tilespmem:s11+$0x390]  }
0x151: {  	v58 =	vld [tilespmem:s11+$0x3A0]  }
0x152: {  	v59 =	vld [tilespmem:s11+$0x3B0]  }
0x153: {  	v60 =	vld [tilespmem:s11+$0x3C0]  }
0x154: {  	v61 =	vld [tilespmem:s11+$0x3D0];
	_ =	sdelay $0x1  }
0x155: {  	v12 =	vmul.f32 v12, v4;
	v13 =	vmul.f32 v57, v5  }
0x156: {  	v14 =	vmul.f32 v58, v6;
	v15 =	vmul.f32 v59, v7  }
0x157: {  	v16 =	vmul.f32 v60, v8  }
0x158: {  	v17 =	vmul.f32 v61, v9;
	v12 =	vadd.f32 v13, v12;
	v62 =	vadd.f32 v15, v14;
	_ =	sdelay $0x1  }
0x159: {  	v63 =	vadd.f32 v17, v16;
	v12 =	vadd.f32 v62, v12;
	_ =	sdelay $0x1  }
0x15a: {  	v12 =	vadd.f32 v63, v12;
	_ =	sdelay $0x1  }
0x15b: {  	[tilespmem:s25+$0x94F0] =	vst v12  }
0x15c: {  	v12 =	vld [tilespmem:s11+$0x3E0];
	_ =	sdelay $0x3  }
0x15d: {  	p1 =	sne.s32 s23, $0x1C00;
	v11 =	vbroadcast v11, $0xF  }
.Ltmp0:
0x15e: {  	v12 =	vadd.f32 v12, v10;
	(pc) =	sbr.rel @p1 .LBB2_4-.Ltmp0, $3  }
0x15f: {  	v11 =	vnsel vm4, $0x0, v11  }
0x160: {  	v11 =	vadd.f32 v12, v11;
	_ =	sdelay $0x1  }
0x161: {  	s23 =	sadd.s32 $0x400, s23;
	s28 =	sadd.s32 $0x10, s28;
	s11 =	sadd.s32 $0x800, s11;
	[tilespmem:s25+$0xA4F0] =	vst v11  }
0x162: {  	s0 =	sadd.s32 s29, s0  }
0x163: {  	s11 =	sadd.s32 s7, s0  }
0x164: {  	[hbm4b:s11+s1] =	stream.linear.scatter [tilespmem:s18], [sflag:$0x3], $0x800, $0x38;
	[tilespmem:$0xB400] =	vst v63  }
0x165: {  	p1 =	seq.s32 s31, $0x7;
	s28 =	sadd.s32 s8, s0  }
0x166: {  	[hbm4b:s28+s1] =	stream.linear.scatter [tilespmem:s19], [sflag:$0x3], $0x800, $0x38;
	[tilespmem:$0xB400] =	vst v63  }
0x167: {  	s2 =	sadd.s32 @!p1 $0x100, s2;
	s23 =	simm.s32 @!p1 $0x800;
	s11 =	simm.s32 @!p1 $0x80  }
0x168: {  	[tilespmem:s23], [sflag:$0x1] =	stream.indirect.gather @!p1 [hbm4b:s3+s11], $0x80, s2, s11, $0xb8;
	[tilespmem:$0xB400] =	vst v63  }
0x169: {  	_ =	swait.ge [sflag:s20], $0x4000  }
0x16a: {  	[sflag:s20] =	ssyncset.done $0x0  }
0x16b: {  	s2 =	simm.s32 @!p0 $0x4;
	[sflag:s20] =	ssyncadd.s32 $0xFFFFC000  }
0x16c: {  	_ =	swait.ge @!p0 [sflag:s2], $0x800  }
0x16d: {  	[sflag:s2] =	ssyncset.done @!p0 $0x0  }
0x16e: {  	[sflag:s2] =	ssyncadd.s32 @!p0 $0xFFFFF800  }
0x16f: {  	_ =	swait.ge @!p0 [sflag:s2], $0x800  }
0x170: {  	s31 =	sadd.s32 $0x1, s31;
	s11 =	simm.s32 $0x0;
	[sflag:s2] =	ssyncset.done @!p0 $0x0  }
0x171: {  	s23 =	smov.u32 s30;
	[sflag:s2] =	ssyncadd.s32 @!p0 $0xFFFFF800;
	s2 =	simm.s32 $0x4C00  }
.LBB2_6:
0x172: {  	v11 =	vld [tilespmem:s2+$0xFFFFFC00]  }
0x173: {  	v12 =	vld [tilespmem:s2+$0xFFFFFC10]  }
0x174: {  	v13 =	vld [tilespmem:s2+$0xFFFFFC20]  }
0x175: {  	v14 =	vld [tilespmem:s2+$0xFFFFFC30]  }
0x176: {  	v15 =	vld [tilespmem:s2+$0xFFFFFC40]  }
0x177: {  	v16 =	vld [tilespmem:s2+$0xFFFFFC50];
	_ =	sdelay $0x1  }
0x178: {  	v11 =	vmul.f32 v11, v4;
	v12 =	vmul.f32 v12, v5  }
0x179: {  	v13 =	vmul.f32 v13, v6;
	v14 =	vmul.f32 v14, v7  }
0x17a: {  	v15 =	vmul.f32 v15, v8  }
0x17b: {  	v16 =	vmul.f32 v16, v9;
	v11 =	vadd.f32 v12, v11;
	v33 =	vadd.f32 v14, v13;
	_ =	sdelay $0x1  }
0x17c: {  	v34 =	vadd.f32 v16, v15;
	v11 =	vadd.f32 v33, v11;
	_ =	sdelay $0x1  }
0x17d: {  	v12 =	vadd.f32 v34, v11  }
0x17e: {  	s25 =	sshra.s32 s11, $0x2  }
0x17f: {  	v11 =	vld [tilespmem:s23+$0x0];
	[tilespmem:s25+$0x9C00] =	vst v12  }
0x180: {  	v12 =	vld [tilespmem:s2+$0xFFFFFC60];
	_ =	sdelay $0x3  }
0x181: {  	v35 =	vbroadcast v11, $0x0  }
0x182: {  	v12 =	vadd.f32 v12, v10  }
0x183: {  	v13 =	vnsel vm4, $0x0, v35  }
0x184: {  	v12 =	vadd.f32 v12, v13;
	_ =	sdelay $0x1  }
0x185: {  	[tilespmem:s25+$0xAC00] =	vst v12  }
0x186: {  	v12 =	vld [tilespmem:s2+$0xFFFFFC80]  }
0x187: {  	v36 =	vld [tilespmem:s2+$0xFFFFFC90]  }
0x188: {  	v37 =	vld [tilespmem:s2+$0xFFFFFCA0]  }
0x189: {  	v38 =	vld [tilespmem:s2+$0xFFFFFCB0]  }
0x18a: {  	v39 =	vld [tilespmem:s2+$0xFFFFFCC0]  }
0x18b: {  	v17 =	vld [tilespmem:s2+$0xFFFFFCD0];
	_ =	sdelay $0x1  }
0x18c: {  	v12 =	vmul.f32 v12, v4;
	v13 =	vmul.f32 v36, v5  }
0x18d: {  	v14 =	vmul.f32 v37, v6;
	v15 =	vmul.f32 v38, v7  }
0x18e: {  	v16 =	vmul.f32 v39, v8  }
0x18f: {  	v17 =	vmul.f32 v17, v9;
	v12 =	vadd.f32 v13, v12;
	v40 =	vadd.f32 v15, v14;
	_ =	sdelay $0x1  }
0x190: {  	v41 =	vadd.f32 v17, v16;
	v12 =	vadd.f32 v40, v12;
	_ =	sdelay $0x1  }
0x191: {  	v12 =	vadd.f32 v41, v12;
	_ =	sdelay $0x1  }
0x192: {  	[tilespmem:s25+$0x9C10] =	vst v12  }
0x193: {  	v12 =	vld [tilespmem:s2+$0xFFFFFCE0];
	_ =	sdelay $0x3  }
0x194: {  	v42 =	vbroadcast v11, $0x1  }
0x195: {  	v12 =	vadd.f32 v12, v10  }
0x196: {  	v13 =	vnsel vm4, $0x0, v42  }
0x197: {  	v12 =	vadd.f32 v12, v13;
	_ =	sdelay $0x1  }
0x198: {  	[tilespmem:s25+$0xAC10] =	vst v12  }
0x199: {  	v12 =	vld [tilespmem:s2+$0xFFFFFD00]  }
0x19a: {  	v43 =	vld [tilespmem:s2+$0xFFFFFD10]  }
0x19b: {  	v44 =	vld [tilespmem:s2+$0xFFFFFD20]  }
0x19c: {  	v45 =	vld [tilespmem:s2+$0xFFFFFD30]  }
0x19d: {  	v46 =	vld [tilespmem:s2+$0xFFFFFD40]  }
0x19e: {  	v47 =	vld [tilespmem:s2+$0xFFFFFD50];
	_ =	sdelay $0x1  }
0x19f: {  	v12 =	vmul.f32 v12, v4;
	v13 =	vmul.f32 v43, v5  }
0x1a0: {  	v14 =	vmul.f32 v44, v6;
	v15 =	vmul.f32 v45, v7  }
0x1a1: {  	v16 =	vmul.f32 v46, v8  }
0x1a2: {  	v17 =	vmul.f32 v47, v9;
	v12 =	vadd.f32 v13, v12;
	v48 =	vadd.f32 v15, v14;
	_ =	sdelay $0x1  }
0x1a3: {  	v49 =	vadd.f32 v17, v16;
	v12 =	vadd.f32 v48, v12;
	_ =	sdelay $0x1  }
0x1a4: {  	v12 =	vadd.f32 v49, v12;
	_ =	sdelay $0x1  }
0x1a5: {  	[tilespmem:s25+$0x9C20] =	vst v12  }
0x1a6: {  	v12 =	vld [tilespmem:s2+$0xFFFFFD60];
	_ =	sdelay $0x3  }
0x1a7: {  	v50 =	vbroadcast v11, $0x2  }
0x1a8: {  	v12 =	vadd.f32 v12, v10  }
0x1a9: {  	v13 =	vnsel vm4, $0x0, v50  }
0x1aa: {  	v12 =	vadd.f32 v12, v13;
	_ =	sdelay $0x1  }
0x1ab: {  	[tilespmem:s25+$0xAC20] =	vst v12  }
0x1ac: {  	v12 =	vld [tilespmem:s2+$0xFFFFFD80]  }
0x1ad: {  	v51 =	vld [tilespmem:s2+$0xFFFFFD90]  }
0x1ae: {  	v52 =	vld [tilespmem:s2+$0xFFFFFDA0]  }
0x1af: {  	v53 =	vld [tilespmem:s2+$0xFFFFFDB0]  }
0x1b0: {  	v54 =	vld [tilespmem:s2+$0xFFFFFDC0]  }
0x1b1: {  	v55 =	vld [tilespmem:s2+$0xFFFFFDD0];
	_ =	sdelay $0x1  }
0x1b2: {  	v12 =	vmul.f32 v12, v4;
	v13 =	vmul.f32 v51, v5  }
0x1b3: {  	v14 =	vmul.f32 v52, v6;
	v15 =	vmul.f32 v53, v7  }
0x1b4: {  	v16 =	vmul.f32 v54, v8  }
0x1b5: {  	v17 =	vmul.f32 v55, v9;
	v12 =	vadd.f32 v13, v12;
	v56 =	vadd.f32 v15, v14;
	_ =	sdelay $0x1  }
0x1b6: {  	v57 =	vadd.f32 v17, v16;
	v12 =	vadd.f32 v56, v12;
	_ =	sdelay $0x1  }
0x1b7: {  	v12 =	vadd.f32 v57, v12;
	_ =	sdelay $0x1  }
0x1b8: {  	[tilespmem:s25+$0x9C30] =	vst v12  }
0x1b9: {  	v12 =	vld [tilespmem:s2+$0xFFFFFDE0];
	_ =	sdelay $0x3  }
0x1ba: {  	v58 =	vbroadcast v11, $0x3  }
0x1bb: {  	v12 =	vadd.f32 v12, v10  }
0x1bc: {  	v13 =	vnsel vm4, $0x0, v58  }
0x1bd: {  	v12 =	vadd.f32 v12, v13;
	_ =	sdelay $0x1  }
0x1be: {  	[tilespmem:s25+$0xAC30] =	vst v12  }
0x1bf: {  	v12 =	vld [tilespmem:s2+$0xFFFFFE00]  }
0x1c0: {  	v59 =	vld [tilespmem:s2+$0xFFFFFE10]  }
0x1c1: {  	v60 =	vld [tilespmem:s2+$0xFFFFFE20]  }
0x1c2: {  	v61 =	vld [tilespmem:s2+$0xFFFFFE30]  }
0x1c3: {  	v62 =	vld [tilespmem:s2+$0xFFFFFE40]  }
0x1c4: {  	v63 =	vld [tilespmem:s2+$0xFFFFFE50];
	_ =	sdelay $0x1  }
0x1c5: {  	v12 =	vmul.f32 v12, v4;
	v13 =	vmul.f32 v59, v5  }
0x1c6: {  	v14 =	vmul.f32 v60, v6;
	v15 =	vmul.f32 v61, v7  }
0x1c7: {  	v16 =	vmul.f32 v62, v8  }
0x1c8: {  	v17 =	vmul.f32 v63, v9;
	v12 =	vadd.f32 v13, v12;
	v18 =	vadd.f32 v15, v14;
	_ =	sdelay $0x1  }
0x1c9: {  	v19 =	vadd.f32 v17, v16;
	v12 =	vadd.f32 v18, v12;
	_ =	sdelay $0x1  }
0x1ca: {  	v12 =	vadd.f32 v19, v12;
	_ =	sdelay $0x1  }
0x1cb: {  	[tilespmem:s25+$0x9C40] =	vst v12  }
0x1cc: {  	v12 =	vld [tilespmem:s2+$0xFFFFFE60];
	_ =	sdelay $0x4  }
0x1cd: {  	v12 =	vadd.f32 v12, v10  }
0x1ce: {  	v20 =	vsel vm5, $0x0, v11  }
0x1cf: {  	v12 =	vadd.f32 v12, v20;
	_ =	sdelay $0x1  }
0x1d0: {  	[tilespmem:s25+$0xAC40] =	vst v12  }
0x1d1: {  	v12 =	vld [tilespmem:s2+$0xFFFFFE80]  }
0x1d2: {  	v21 =	vld [tilespmem:s2+$0xFFFFFE90]  }
0x1d3: {  	v22 =	vld [tilespmem:s2+$0xFFFFFEA0]  }
0x1d4: {  	v23 =	vld [tilespmem:s2+$0xFFFFFEB0]  }
0x1d5: {  	v24 =	vld [tilespmem:s2+$0xFFFFFEC0]  }
0x1d6: {  	v25 =	vld [tilespmem:s2+$0xFFFFFED0];
	_ =	sdelay $0x1  }
0x1d7: {  	v12 =	vmul.f32 v12, v4;
	v13 =	vmul.f32 v21, v5  }
0x1d8: {  	v14 =	vmul.f32 v22, v6;
	v15 =	vmul.f32 v23, v7  }
0x1d9: {  	v16 =	vmul.f32 v24, v8  }
0x1da: {  	v17 =	vmul.f32 v25, v9;
	v12 =	vadd.f32 v13, v12;
	v26 =	vadd.f32 v15, v14;
	_ =	sdelay $0x1  }
0x1db: {  	v27 =	vadd.f32 v17, v16;
	v12 =	vadd.f32 v26, v12;
	_ =	sdelay $0x1  }
0x1dc: {  	v12 =	vadd.f32 v27, v12;
	_ =	sdelay $0x1  }
0x1dd: {  	[tilespmem:s25+$0x9C50] =	vst v12  }
0x1de: {  	v12 =	vld [tilespmem:s2+$0xFFFFFEE0];
	_ =	sdelay $0x3  }
0x1df: {  	v28 =	vbroadcast v11, $0x5  }
0x1e0: {  	v12 =	vadd.f32 v12, v10  }
0x1e1: {  	v13 =	vnsel vm4, $0x0, v28  }
0x1e2: {  	v12 =	vadd.f32 v12, v13;
	_ =	sdelay $0x1  }
0x1e3: {  	[tilespmem:s25+$0xAC50] =	vst v12  }
0x1e4: {  	v12 =	vld [tilespmem:s2+$0xFFFFFF00]  }
0x1e5: {  	v29 =	vld [tilespmem:s2+$0xFFFFFF10]  }
0x1e6: {  	v30 =	vld [tilespmem:s2+$0xFFFFFF20]  }
0x1e7: {  	v31 =	vld [tilespmem:s2+$0xFFFFFF30]  }
0x1e8: {  	v32 =	vld [tilespmem:s2+$0xFFFFFF40]  }
0x1e9: {  	v33 =	vld [tilespmem:s2+$0xFFFFFF50];
	_ =	sdelay $0x1  }
0x1ea: {  	v12 =	vmul.f32 v12, v4;
	v13 =	vmul.f32 v29, v5  }
0x1eb: {  	v14 =	vmul.f32 v30, v6;
	v15 =	vmul.f32 v31, v7  }
0x1ec: {  	v16 =	vmul.f32 v32, v8  }
0x1ed: {  	v17 =	vmul.f32 v33, v9;
	v12 =	vadd.f32 v13, v12;
	v34 =	vadd.f32 v15, v14;
	_ =	sdelay $0x1  }
0x1ee: {  	v35 =	vadd.f32 v17, v16;
	v12 =	vadd.f32 v34, v12;
	_ =	sdelay $0x1  }
0x1ef: {  	v12 =	vadd.f32 v35, v12;
	_ =	sdelay $0x1  }
0x1f0: {  	[tilespmem:s25+$0x9C60] =	vst v12  }
0x1f1: {  	v12 =	vld [tilespmem:s2+$0xFFFFFF60];
	_ =	sdelay $0x3  }
0x1f2: {  	v36 =	vbroadcast v11, $0x6  }
0x1f3: {  	v12 =	vadd.f32 v12, v10  }
0x1f4: {  	v13 =	vnsel vm4, $0x0, v36  }
0x1f5: {  	v12 =	vadd.f32 v12, v13;
	_ =	sdelay $0x1  }
0x1f6: {  	[tilespmem:s25+$0xAC60] =	vst v12  }
0x1f7: {  	v12 =	vld [tilespmem:s2+$0xFFFFFF80]  }
0x1f8: {  	v37 =	vld [tilespmem:s2+$0xFFFFFF90]  }
0x1f9: {  	v38 =	vld [tilespmem:s2+$0xFFFFFFA0]  }
0x1fa: {  	v39 =	vld [tilespmem:s2+$0xFFFFFFB0]  }
0x1fb: {  	v40 =	vld [tilespmem:s2+$0xFFFFFFC0]  }
0x1fc: {  	v41 =	vld [tilespmem:s2+$0xFFFFFFD0];
	_ =	sdelay $0x1  }
0x1fd: {  	v12 =	vmul.f32 v12, v4;
	v13 =	vmul.f32 v37, v5  }
0x1fe: {  	v14 =	vmul.f32 v38, v6;
	v15 =	vmul.f32 v39, v7  }
0x1ff: {  	v16 =	vmul.f32 v40, v8  }
0x200: {  	v17 =	vmul.f32 v41, v9;
	v12 =	vadd.f32 v13, v12;
	v42 =	vadd.f32 v15, v14;
	_ =	sdelay $0x1  }
0x201: {  	v43 =	vadd.f32 v17, v16;
	v12 =	vadd.f32 v42, v12;
	_ =	sdelay $0x1  }
0x202: {  	v12 =	vadd.f32 v43, v12;
	_ =	sdelay $0x1  }
0x203: {  	[tilespmem:s25+$0x9C70] =	vst v12  }
0x204: {  	v12 =	vld [tilespmem:s2+$0xFFFFFFE0];
	_ =	sdelay $0x3  }
0x205: {  	v44 =	vbroadcast v11, $0x7  }
0x206: {  	v12 =	vadd.f32 v12, v10  }
0x207: {  	v13 =	vnsel vm4, $0x0, v44  }
0x208: {  	v12 =	vadd.f32 v12, v13;
	_ =	sdelay $0x1  }
0x209: {  	[tilespmem:s25+$0xAC70] =	vst v12  }
0x20a: {  	v12 =	vld [tilespmem:s2+$0x0]  }
0x20b: {  	v45 =	vld [tilespmem:s2+$0x10]  }
0x20c: {  	v46 =	vld [tilespmem:s2+$0x20]  }
0x20d: {  	v47 =	vld [tilespmem:s2+$0x30]  }
0x20e: {  	v48 =	vld [tilespmem:s2+$0x40]  }
0x20f: {  	v49 =	vld [tilespmem:s2+$0x50];
	_ =	sdelay $0x1  }
0x210: {  	v12 =	vmul.f32 v12, v4;
	v13 =	vmul.f32 v45, v5  }
0x211: {  	v14 =	vmul.f32 v46, v6;
	v15 =	vmul.f32 v47, v7  }
0x212: {  	v16 =	vmul.f32 v48, v8  }
0x213: {  	v17 =	vmul.f32 v49, v9;
	v12 =	vadd.f32 v13, v12;
	v50 =	vadd.f32 v15, v14;
	_ =	sdelay $0x1  }
0x214: {  	v51 =	vadd.f32 v17, v16;
	v12 =	vadd.f32 v50, v12;
	_ =	sdelay $0x1  }
0x215: {  	v12 =	vadd.f32 v51, v12;
	_ =	sdelay $0x1  }
0x216: {  	[tilespmem:s25+$0x9C80] =	vst v12  }
0x217: {  	v12 =	vld [tilespmem:s2+$0x60];
	_ =	sdelay $0x3  }
0x218: {  	v52 =	vbroadcast v11, $0x8  }
0x219: {  	v12 =	vadd.f32 v12, v10  }
0x21a: {  	v13 =	vnsel vm4, $0x0, v52  }
0x21b: {  	v12 =	vadd.f32 v12, v13;
	_ =	sdelay $0x1  }
0x21c: {  	[tilespmem:s25+$0xAC80] =	vst v12  }
0x21d: {  	v12 =	vld [tilespmem:s2+$0x80]  }
0x21e: {  	v53 =	vld [tilespmem:s2+$0x90]  }
0x21f: {  	v54 =	vld [tilespmem:s2+$0xA0]  }
0x220: {  	v55 =	vld [tilespmem:s2+$0xB0]  }
0x221: {  	v56 =	vld [tilespmem:s2+$0xC0]  }
0x222: {  	v57 =	vld [tilespmem:s2+$0xD0];
	_ =	sdelay $0x1  }
0x223: {  	v12 =	vmul.f32 v12, v4;
	v13 =	vmul.f32 v53, v5  }
0x224: {  	v14 =	vmul.f32 v54, v6;
	v15 =	vmul.f32 v55, v7  }
0x225: {  	v16 =	vmul.f32 v56, v8  }
0x226: {  	v17 =	vmul.f32 v57, v9;
	v12 =	vadd.f32 v13, v12;
	v58 =	vadd.f32 v15, v14;
	_ =	sdelay $0x1  }
0x227: {  	v59 =	vadd.f32 v17, v16;
	v12 =	vadd.f32 v58, v12;
	_ =	sdelay $0x1  }
0x228: {  	v12 =	vadd.f32 v59, v12;
	_ =	sdelay $0x1  }
0x229: {  	[tilespmem:s25+$0x9C90] =	vst v12  }
0x22a: {  	v12 =	vld [tilespmem:s2+$0xE0];
	_ =	sdelay $0x3  }
0x22b: {  	v60 =	vbroadcast v11, $0x9  }
0x22c: {  	v12 =	vadd.f32 v12, v10  }
0x22d: {  	v13 =	vnsel vm4, $0x0, v60  }
0x22e: {  	v12 =	vadd.f32 v12, v13;
	_ =	sdelay $0x1  }
0x22f: {  	[tilespmem:s25+$0xAC90] =	vst v12  }
0x230: {  	v12 =	vld [tilespmem:s2+$0x100]  }
0x231: {  	v61 =	vld [tilespmem:s2+$0x110]  }
0x232: {  	v62 =	vld [tilespmem:s2+$0x120]  }
0x233: {  	v63 =	vld [tilespmem:s2+$0x130]  }
0x234: {  	v20 =	vld [tilespmem:s2+$0x140]  }
0x235: {  	v21 =	vld [tilespmem:s2+$0x150];
	_ =	sdelay $0x1  }
0x236: {  	v12 =	vmul.f32 v12, v4;
	v13 =	vmul.f32 v61, v5  }
0x237: {  	v14 =	vmul.f32 v62, v6;
	v15 =	vmul.f32 v63, v7  }
0x238: {  	v16 =	vmul.f32 v20, v8  }
0x239: {  	v17 =	vmul.f32 v21, v9;
	v12 =	vadd.f32 v13, v12;
	v22 =	vadd.f32 v15, v14;
	_ =	sdelay $0x1  }
0x23a: {  	v23 =	vadd.f32 v17, v16;
	v12 =	vadd.f32 v22, v12;
	_ =	sdelay $0x1  }
0x23b: {  	v12 =	vadd.f32 v23, v12;
	_ =	sdelay $0x1  }
0x23c: {  	[tilespmem:s25+$0x9CA0] =	vst v12  }
0x23d: {  	v12 =	vld [tilespmem:s2+$0x160];
	_ =	sdelay $0x3  }
0x23e: {  	v24 =	vbroadcast v11, $0xA  }
0x23f: {  	v12 =	vadd.f32 v12, v10  }
0x240: {  	v13 =	vnsel vm4, $0x0, v24  }
0x241: {  	v12 =	vadd.f32 v12, v13;
	_ =	sdelay $0x1  }
0x242: {  	[tilespmem:s25+$0xACA0] =	vst v12  }
0x243: {  	v12 =	vld [tilespmem:s2+$0x180]  }
0x244: {  	v25 =	vld [tilespmem:s2+$0x190]  }
0x245: {  	v26 =	vld [tilespmem:s2+$0x1A0]  }
0x246: {  	v27 =	vld [tilespmem:s2+$0x1B0]  }
0x247: {  	v28 =	vld [tilespmem:s2+$0x1C0]  }
0x248: {  	v29 =	vld [tilespmem:s2+$0x1D0];
	_ =	sdelay $0x1  }
0x249: {  	v12 =	vmul.f32 v12, v4;
	v13 =	vmul.f32 v25, v5  }
0x24a: {  	v14 =	vmul.f32 v26, v6;
	v15 =	vmul.f32 v27, v7  }
0x24b: {  	v16 =	vmul.f32 v28, v8  }
0x24c: {  	v17 =	vmul.f32 v29, v9;
	v12 =	vadd.f32 v13, v12;
	v30 =	vadd.f32 v15, v14;
	_ =	sdelay $0x1  }
0x24d: {  	v31 =	vadd.f32 v17, v16;
	v12 =	vadd.f32 v30, v12;
	_ =	sdelay $0x1  }
0x24e: {  	v12 =	vadd.f32 v31, v12;
	_ =	sdelay $0x1  }
0x24f: {  	[tilespmem:s25+$0x9CB0] =	vst v12  }
0x250: {  	v12 =	vld [tilespmem:s2+$0x1E0];
	_ =	sdelay $0x3  }
0x251: {  	v32 =	vbroadcast v11, $0xB  }
0x252: {  	v12 =	vadd.f32 v12, v10  }
0x253: {  	v13 =	vnsel vm4, $0x0, v32  }
0x254: {  	v12 =	vadd.f32 v12, v13;
	_ =	sdelay $0x1  }
0x255: {  	[tilespmem:s25+$0xACB0] =	vst v12  }
0x256: {  	v12 =	vld [tilespmem:s2+$0x200]  }
0x257: {  	v33 =	vld [tilespmem:s2+$0x210]  }
0x258: {  	v34 =	vld [tilespmem:s2+$0x220]  }
0x259: {  	v35 =	vld [tilespmem:s2+$0x230]  }
0x25a: {  	v36 =	vld [tilespmem:s2+$0x240]  }
0x25b: {  	v37 =	vld [tilespmem:s2+$0x250];
	_ =	sdelay $0x1  }
0x25c: {  	v12 =	vmul.f32 v12, v4;
	v13 =	vmul.f32 v33, v5  }
0x25d: {  	v14 =	vmul.f32 v34, v6;
	v15 =	vmul.f32 v35, v7  }
0x25e: {  	v16 =	vmul.f32 v36, v8  }
0x25f: {  	v17 =	vmul.f32 v37, v9;
	v12 =	vadd.f32 v13, v12;
	v38 =	vadd.f32 v15, v14;
	_ =	sdelay $0x1  }
0x260: {  	v39 =	vadd.f32 v17, v16;
	v12 =	vadd.f32 v38, v12;
	_ =	sdelay $0x1  }
0x261: {  	v12 =	vadd.f32 v39, v12;
	_ =	sdelay $0x1  }
0x262: {  	[tilespmem:s25+$0x9CC0] =	vst v12  }
0x263: {  	v12 =	vld [tilespmem:s2+$0x260];
	_ =	sdelay $0x3  }
0x264: {  	v40 =	vbroadcast v11, $0xC  }
0x265: {  	v12 =	vadd.f32 v12, v10  }
0x266: {  	v13 =	vnsel vm4, $0x0, v40  }
0x267: {  	v12 =	vadd.f32 v12, v13;
	_ =	sdelay $0x1  }
0x268: {  	[tilespmem:s25+$0xACC0] =	vst v12  }
0x269: {  	v12 =	vld [tilespmem:s2+$0x280]  }
0x26a: {  	v41 =	vld [tilespmem:s2+$0x290]  }
0x26b: {  	v42 =	vld [tilespmem:s2+$0x2A0]  }
0x26c: {  	v43 =	vld [tilespmem:s2+$0x2B0]  }
0x26d: {  	v44 =	vld [tilespmem:s2+$0x2C0]  }
0x26e: {  	v45 =	vld [tilespmem:s2+$0x2D0];
	_ =	sdelay $0x1  }
0x26f: {  	v12 =	vmul.f32 v12, v4;
	v13 =	vmul.f32 v41, v5  }
0x270: {  	v14 =	vmul.f32 v42, v6;
	v15 =	vmul.f32 v43, v7  }
0x271: {  	v16 =	vmul.f32 v44, v8  }
0x272: {  	v17 =	vmul.f32 v45, v9;
	v12 =	vadd.f32 v13, v12;
	v46 =	vadd.f32 v15, v14;
	_ =	sdelay $0x1  }
0x273: {  	v47 =	vadd.f32 v17, v16;
	v12 =	vadd.f32 v46, v12;
	_ =	sdelay $0x1  }
0x274: {  	v12 =	vadd.f32 v47, v12;
	_ =	sdelay $0x1  }
0x275: {  	[tilespmem:s25+$0x9CD0] =	vst v12  }
0x276: {  	v12 =	vld [tilespmem:s2+$0x2E0];
	_ =	sdelay $0x3  }
0x277: {  	v48 =	vbroadcast v11, $0xD  }
0x278: {  	v12 =	vadd.f32 v12, v10  }
0x279: {  	v13 =	vnsel vm4, $0x0, v48  }
0x27a: {  	v12 =	vadd.f32 v12, v13;
	_ =	sdelay $0x1  }
0x27b: {  	[tilespmem:s25+$0xACD0] =	vst v12  }
0x27c: {  	v12 =	vld [tilespmem:s2+$0x300]  }
0x27d: {  	v49 =	vld [tilespmem:s2+$0x310]  }
0x27e: {  	v50 =	vld [tilespmem:s2+$0x320]  }
0x27f: {  	v51 =	vld [tilespmem:s2+$0x330]  }
0x280: {  	v52 =	vld [tilespmem:s2+$0x340]  }
0x281: {  	v53 =	vld [tilespmem:s2+$0x350];
	_ =	sdelay $0x1  }
0x282: {  	v12 =	vmul.f32 v12, v4;
	v13 =	vmul.f32 v49, v5  }
0x283: {  	v14 =	vmul.f32 v50, v6;
	v15 =	vmul.f32 v51, v7  }
0x284: {  	v16 =	vmul.f32 v52, v8  }
0x285: {  	v17 =	vmul.f32 v53, v9;
	v12 =	vadd.f32 v13, v12;
	v54 =	vadd.f32 v15, v14;
	_ =	sdelay $0x1  }
0x286: {  	v55 =	vadd.f32 v17, v16;
	v12 =	vadd.f32 v54, v12;
	_ =	sdelay $0x1  }
0x287: {  	v12 =	vadd.f32 v55, v12;
	_ =	sdelay $0x1  }
0x288: {  	[tilespmem:s25+$0x9CE0] =	vst v12  }
0x289: {  	v12 =	vld [tilespmem:s2+$0x360];
	_ =	sdelay $0x3  }
0x28a: {  	v56 =	vbroadcast v11, $0xE  }
0x28b: {  	v12 =	vadd.f32 v12, v10  }
0x28c: {  	v13 =	vnsel vm4, $0x0, v56  }
0x28d: {  	v12 =	vadd.f32 v12, v13;
	_ =	sdelay $0x1  }
0x28e: {  	[tilespmem:s25+$0xACE0] =	vst v12  }
0x28f: {  	v12 =	vld [tilespmem:s2+$0x380]  }
0x290: {  	v57 =	vld [tilespmem:s2+$0x390]  }
0x291: {  	v58 =	vld [tilespmem:s2+$0x3A0]  }
0x292: {  	v59 =	vld [tilespmem:s2+$0x3B0]  }
0x293: {  	v60 =	vld [tilespmem:s2+$0x3C0]  }
0x294: {  	v61 =	vld [tilespmem:s2+$0x3D0];
	_ =	sdelay $0x1  }
0x295: {  	v12 =	vmul.f32 v12, v4;
	v13 =	vmul.f32 v57, v5  }
0x296: {  	v14 =	vmul.f32 v58, v6;
	v15 =	vmul.f32 v59, v7  }
0x297: {  	v16 =	vmul.f32 v60, v8  }
0x298: {  	v17 =	vmul.f32 v61, v9;
	v12 =	vadd.f32 v13, v12;
	v62 =	vadd.f32 v15, v14;
	_ =	sdelay $0x1  }
0x299: {  	v63 =	vadd.f32 v17, v16;
	v12 =	vadd.f32 v62, v12;
	_ =	sdelay $0x1  }
0x29a: {  	v12 =	vadd.f32 v63, v12;
	_ =	sdelay $0x1  }
0x29b: {  	[tilespmem:s25+$0x9CF0] =	vst v12  }
0x29c: {  	v12 =	vld [tilespmem:s2+$0x3E0];
	_ =	sdelay $0x3  }
0x29d: {  	p0 =	sne.s32 s11, $0x1C00;
	v11 =	vbroadcast v11, $0xF  }
.Ltmp1:
0x29e: {  	v12 =	vadd.f32 v12, v10;
	(pc) =	sbr.rel @p0 .LBB2_6-.Ltmp1, $3  }
0x29f: {  	v11 =	vnsel vm4, $0x0, v11  }
0x2a0: {  	v11 =	vadd.f32 v12, v11;
	_ =	sdelay $0x1  }
0x2a1: {  	s11 =	sadd.s32 $0x400, s11;
	s23 =	sadd.s32 $0x10, s23;
	s2 =	sadd.s32 $0x800, s2;
	[tilespmem:s25+$0xACF0] =	vst v11  }
0x2a2: {  	p0 =	sne.s32 s31, $0x8  }
.Ltmp2:
0x2a3: {  	s0 =	sor.u32 $0x100, s0;
	(pc) =	sbr.rel @p0 .LBB2_3-.Ltmp2, $4  }
0x2a4: {  	s2 =	sadd.s32 s7, s0  }
0x2a5: {  	[hbm4b:s2+s1] =	stream.linear.scatter [tilespmem:s21], [sflag:$0x4], $0x800, $0x38;
	[tilespmem:$0xB400] =	vst v63  }
0x2a6: {  	s24 =	sadd.s32 $0x100, s24;
	s30 =	sadd.s32 $0x100, s30;
	s0 =	sadd.s32 s8, s0  }
0x2a7: {  	[hbm4b:s0+s1] =	stream.linear.scatter [tilespmem:s22], [sflag:$0x4], $0x800, $0x38;
	[tilespmem:$0xB400] =	vst v63  }
0x2a8: {  	s26 =	sadd.s32 $0x1, s26  }
0x2a9: {  	p0 =	sne.s32 s26, s9  }
.Ltmp3:
0x2aa: {  	_ = 	snop;
	(pc) =	sbr.rel @p0 .LBB2_2-.Ltmp3, $1  }
0x2ab: {  	_ =	sdelay $0x3  }
0x2ac: {  	s0 =	simm.s32 $0x3  }
0x2ad: {  	_ =	swait.ge [sflag:s0], $0x800  }
0x2ae: {  	[sflag:s0] =	ssyncset.done $0x0  }
0x2af: {  	[sflag:s0] =	ssyncadd.s32 $0xFFFFF800  }
0x2b0: {  	_ =	swait.ge [sflag:s0], $0x800  }
0x2b1: {  	[sflag:s0] =	ssyncset.done $0x0  }
0x2b2: {  	s2 =	simm.s32 $0x4;
	[sflag:s0] =	ssyncadd.s32 $0xFFFFF800  }
0x2b3: {  	_ =	swait.ge [sflag:s2], $0x800  }
0x2b4: {  	[sflag:s2] =	ssyncset.done $0x0  }
0x2b5: {  	[sflag:s2] =	ssyncadd.s32 $0xFFFFF800  }
0x2b6: {  	_ =	swait.ge [sflag:s2], $0x800  }
0x2b7: {  	s11 =	rddreg [dreg:$0x3]  }
0x2b8: {  	s31 =	rddreg [dreg:$0x2];
	s11 =	sadd.s32 $0x1, s11  }
0x2b9: {  	p0 =	sne.s32 s11, s31  }
.Ltmp4:
0x2ba: {  	_ = 	snop;
	(pc) =	sbr.rel @p0 .LBB2_1-.Ltmp4, $3  }
0x2bb: {  	_ =	sdelay $0x1  }
0x2bc: {  	[sflag:s2] =	ssyncset.done $0x0  }
0x2bd: {  	[sflag:s2] =	ssyncadd.s32 $0xFFFFF800  }
0x2be: {  	_ =	sfence.sel $0x180000  }
0x2bf: {  	[bflag:$0x0] =	sbarrier.arrive $0xFFFF  }
0x2c0: {  	_ =	strace $0x90000047  }
0x2c1: {  	s0 =	stileid.u32;
	[bflag:$0x2] =	sbarrier.arrive $0xFFFF  }
0x2c2: {  	p0 =	sne.s32 s0, $0x0;
	s0 =	rddreg [dreg:$0x1]  }
0x2c3: {  	s0 =	sadd.s32 @!p0 $0x100000, s0  }
0x2c4: {  	[sflag:s0] =	ssyncadd.tile.s32 @!p0 $0x1;
	_ =	shalt  }
.Lfunc_end2:
_tile_overlayer_lowered:
.L_overlay_start_2:
0x2c5: {  	(tag) =	ssettag $0x2  }
0x2c6: {  	s0 =	rddreg [dreg:$0x0];
	s2 =	stileid.u32  }
0x2c7: {  	s1 =	rddreg [dreg:$0x1];
	p0 =	sne.s32 s2, $0x0  }
0x2c8: {  	s3 =	rddreg [dreg:$0x2];
	[bflag:$0x3] =	sbarrier.arrive $0xFFFF;
	s2 =	simm.s32 @!p0 $0x1C05  }
0x2c9: {  	[timem:s3], [sflag:s2] =	dma.local @!p0 [hbm:s0], s1  }
0x2ca: {  	s0 =	simm.s32 @!p0 $0x5  }
0x2cb: {  	_ =	swait.ge @!p0 [sflag:s0], s1  }
0x2cc: {  	s1 =	ssub.s32 @!p0 $0x0, s1;
	[sflag:s0] =	ssyncset.done @!p0 $0x0  }
0x2cd: {  	[sflag:s0] =	ssyncadd.s32 @!p0 s1  }
0x2ce: {  	[bflag:$0x3] =	sbarrier.arrive $0xFFFF  }
0x2cf: {  	_ =	shalt  }

</sc_bundles>
